<compile_context>
chip_gen: v7x
topology: tpu7x:2x2x1
jax: 0.10.2.dev20260603
libtpu: 0.0.44.dev20260713+nightly
codegen_flags: <defaults>
</compile_context>

<pallas_src>
import functools

import jax
import jax.numpy as jnp
from jax import lax
from jax.experimental import pallas as pl
from jax.experimental.pallas import tpu as pltpu
from jax.experimental.pallas import tpu_sc as plsc

_NC = 2
_NS = 16
_NW = _NC * _NS
_CHUNK = 128
_BR = 2048


def _sc_mesh():
    return plsc.VectorSubcoreMesh(core_axis_name="c", subcore_axis_name="s")


def _deg_kernel(n_pad, n_chunks):
    @functools.partial(
        pl.kernel,
        mesh=_sc_mesh(),
        out_type=jax.ShapeDtypeStruct((_NW, 2, n_pad), jnp.float32),
        compiler_params=pltpu.CompilerParams(needs_layout_passes=False),
        scratch_types=[
            pltpu.VMEM((n_chunks, _CHUNK), jnp.int32),
            pltpu.VMEM((n_chunks, _CHUNK), jnp.int32),
            pltpu.VMEM((n_pad,), jnp.float32),
            pltpu.VMEM((n_pad,), jnp.float32),
            pltpu.SemaphoreType.DMA,
        ],
    )
    def deg(src_hbm, dst_hbm, out_hbm, sidx, didx, hist_o, hist_i, isem):
        c = lax.axis_index("c")
        s = lax.axis_index("s")
        w = s * _NC + c
        ones16 = jnp.ones((16,), jnp.float32)

        pltpu.async_copy(src_hbm.at[w], sidx, isem)
        pltpu.async_copy(dst_hbm.at[w], didx, isem)

        def fill_zeros(i, carry):
            hist_o[pl.ds(i * 16, 16)] = jnp.zeros((16,), jnp.float32)
            hist_i[pl.ds(i * 16, 16)] = jnp.zeros((16,), jnp.float32)
            return carry

        lax.fori_loop(0, n_pad // 16, fill_zeros, 0)
        pltpu.make_async_copy(src_hbm.at[w], sidx, isem).wait()
        pltpu.make_async_copy(dst_hbm.at[w], didx, isem).wait()

        def step(j, carry):
            for i in range(_CHUNK // 16):
                iv_s = sidx[j, pl.ds(i * 16, 16)]
                iv_d = didx[j, pl.ds(i * 16, 16)]
                plsc.addupdate_scatter(hist_o, [iv_s], ones16)
                plsc.addupdate_scatter(hist_i, [iv_d], ones16)
            return carry

        lax.fori_loop(0, n_chunks, step, 0)
        pltpu.sync_copy(hist_o, out_hbm.at[w, 0])
        pltpu.sync_copy(hist_i, out_hbm.at[w, 1])

    return deg


def _agg_kernel(n_pad, n_chunks, d):
    rpt = n_pad // _NS
    nz = rpt // _CHUNK

    @functools.partial(
        pl.kernel,
        mesh=_sc_mesh(),
        out_type=jax.ShapeDtypeStruct((_NC, n_pad, d), jnp.float32),
        scratch_types=[
            pltpu.VMEM((3, _CHUNK), jnp.int32),
            pltpu.VMEM((3, _CHUNK), jnp.int32),
            pltpu.VMEM((nz, _CHUNK), jnp.int32),
            pltpu.VMEM((2, _CHUNK, d), jnp.float32),
            pltpu.VMEM_SHARED((n_pad, d), jnp.float32),
            pltpu.SemaphoreType.DMA,
            pltpu.SemaphoreType.DMA,
            pltpu.SemaphoreType.DMA,
        ],
    )
    def agg(src_hbm, dst_hbm, hs_hbm, out_hbm, sidx, didx, ridx, rows, acc,
            gsem, ssem, isem):
        c = lax.axis_index("c")
        s = lax.axis_index("s")
        w = s * _NC + c
        base = s * rpt

        pltpu.async_copy(src_hbm.at[w, 0], sidx.at[0], isem)
        pltpu.async_copy(dst_hbm.at[w, 0], didx.at[0], isem)

        def zrow(i, carry):
            for k in range(d // 16):
                rows[0, i, pl.ds(k * 16, 16)] = jnp.zeros((16,), jnp.float32)
            return carry

        lax.fori_loop(0, _CHUNK, zrow, 0)
        for k in range(nz):
            for i in range(_CHUNK // 16):
                ridx[k, pl.ds(i * 16, 16)] = (
                    base + k * _CHUNK + i * 16 + lax.iota(jnp.int32, 16))
        for k in range(nz):
            pltpu.async_copy(rows.at[0], acc.at[ridx.at[k]], ssem)
        for k in range(nz):
            pltpu.make_async_copy(rows.at[0], acc.at[ridx.at[k]], ssem).wait()
        plsc.subcore_barrier()

        pltpu.make_async_copy(src_hbm.at[w, 0], sidx.at[0], isem).wait()
        pltpu.make_async_copy(dst_hbm.at[w, 0], didx.at[0], isem).wait()
        if n_chunks > 1:
            pltpu.async_copy(src_hbm.at[w, 1], sidx.at[1], isem)
            pltpu.async_copy(dst_hbm.at[w, 1], didx.at[1], isem)
        pltpu.async_copy(hs_hbm.at[sidx.at[0]], rows.at[0], gsem)

        def step(j, carry):
            b = lax.rem(j, 2)
            q = lax.rem(j, 3)
            qn = lax.rem(j + 1, 3)
            qp = lax.rem(j + 2, 3)
            pltpu.make_async_copy(hs_hbm.at[sidx.at[q]], rows.at[b],
                                  gsem).wait()

            @pl.when(j + 1 < n_chunks)
            def _next_gather():
                pltpu.make_async_copy(src_hbm.at[w, j], sidx.at[qn],
                                      isem).wait()
                pltpu.make_async_copy(dst_hbm.at[w, j], didx.at[qn],
                                      isem).wait()

                @pl.when(j >= 1)
                def _wait_prev_scatter():
                    pltpu.make_async_copy(rows.at[1 - b], acc.at[ridx.at[0]],
                                          ssem).wait()

                pltpu.async_copy(hs_hbm.at[sidx.at[qn]], rows.at[1 - b],
                                 gsem)

            @pl.when(j + 2 < n_chunks)
            def _prefetch_idx():
                pltpu.async_copy(src_hbm.at[w, j + 2], sidx.at[qp], isem)
                pltpu.async_copy(dst_hbm.at[w, j + 2], didx.at[qp], isem)

            pltpu.async_copy(rows.at[b], acc.at[didx.at[q]], ssem, add=True)
            return carry

        lax.fori_loop(0, n_chunks, step, 0)
        b_last = lax.rem(n_chunks - 1, 2)
        if n_chunks > 1:
            pltpu.make_async_copy(rows.at[1 - b_last], acc.at[ridx.at[0]],
                                  ssem).wait()
        pltpu.make_async_copy(rows.at[b_last], acc.at[ridx.at[0]],
                              ssem).wait()
        plsc.subcore_barrier()
        pltpu.async_copy(acc.at[ridx.at[0]], rows.at[0], gsem)
        for k in range(nz):
            bb = k % 2
            pltpu.make_async_copy(acc.at[ridx.at[k]], rows.at[bb],
                                  gsem).wait()
            if k + 1 < nz:
                if k >= 1:
                    pltpu.make_async_copy(
                        rows.at[1 - bb],
                        out_hbm.at[c, pl.ds(base + (k - 1) * _CHUNK, _CHUNK)],
                        ssem).wait()
                pltpu.async_copy(acc.at[ridx.at[k + 1]], rows.at[1 - bb],
                                 gsem)
            pltpu.async_copy(rows.at[bb],
                             out_hbm.at[c, pl.ds(base + k * _CHUNK, _CHUNK)],
                             ssem)
        for k in range(max(nz - 2, 0), nz):
            bb = k % 2
            pltpu.make_async_copy(rows.at[bb],
                                  out_hbm.at[c, pl.ds(base + k * _CHUNK,
                                                      _CHUNK)], ssem).wait()

    return agg


def _dinv(deg_ref):
    deg = jnp.sum(deg_ref[...], axis=1, keepdims=True)
    return lax.rsqrt(jnp.maximum(deg, 1.0))


def _dot(a, w):
    return jnp.dot(a, w, preferred_element_type=jnp.float32,
                   precision=lax.Precision.HIGHEST)


def _embed_scale_body(x_ref, dgo_ref, w_ref, b_ref, o_ref):
    o_ref[...] = (_dot(x_ref[...], w_ref[...]) + b_ref[...]) * _dinv(dgo_ref)


def _mid_body(a0_ref, a1_ref, dgi_ref, dgo_ref, w_ref, b_ref, o_ref):
    agg = (a0_ref[...] + a1_ref[...]) * _dinv(dgi_ref)
    o_ref[...] = (_dot(agg, w_ref[...]) + b_ref[...]) * _dinv(dgo_ref)


def _head_body(a0_ref, a1_ref, dgi_ref, w1_ref, b1_ref, w2_ref, b2_ref, o_ref):
    agg = (a0_ref[...] + a1_ref[...]) * _dinv(dgi_ref)
    h = _dot(agg, w1_ref[...]) + b1_ref[...]
    o_ref[...] = _dot(h, w2_ref[...]) + b2_ref[...]


def _row_call(body, n_pad, d, in_specs):
    return pl.pallas_call(
        body,
        grid=(n_pad // _BR,),
        in_specs=in_specs,
        out_specs=pl.BlockSpec((_BR, d), lambda i: (i, 0)),
        out_shape=jax.ShapeDtypeStruct((n_pad, d), jnp.float32),
    )


def _rows_spec(d):
    return pl.BlockSpec((_BR, d), lambda i: (i, 0))


def _deg_spec():
    return pl.BlockSpec((_BR, _NW), lambda i: (i, 0))


def _w_spec(d):
    return pl.BlockSpec((d, d), lambda i: (0, 0))


def _b_spec(d):
    return pl.BlockSpec((1, d), lambda i: (0, 0))


def kernel(x, edge_index, W_embed, b_embed, W_g0, b_g0, W_g1, b_g1, W_dec, b_dec):
    n, d = x.shape
    e = edge_index.shape[1]
    n_pad = -(-(n + 1) // 2048) * 2048
    n_chunks = -(-e // (_NW * _CHUNK))
    e_pad = n_chunks * _NW * _CHUNK

    src = edge_index[0].astype(jnp.int32)
    dst = edge_index[1].astype(jnp.int32)
    pad_idx = n + (jnp.arange(e_pad - e, dtype=jnp.int32) % (n_pad - n))
    src_p = jnp.concatenate([src, pad_idx]).reshape(_NW, n_chunks, _CHUNK)
    dst_p = jnp.concatenate([dst, pad_idx]).reshape(_NW, n_chunks, _CHUNK)
    x_pad = jnp.pad(x, ((0, n_pad - n), (0, 0)))
    b_embed2 = b_embed.reshape(1, d)
    b_g02 = b_g0.reshape(1, d)
    b_g12 = b_g1.reshape(1, d)
    b_dec2 = b_dec.reshape(1, d)

    degp = _deg_kernel(n_pad, n_chunks)(src_p, dst_p)
    dgo = degp[:, 0].T
    dgi = degp[:, 1].T

    agg = _agg_kernel(n_pad, n_chunks, d)

    hs1 = _row_call(_embed_scale_body, n_pad, d,
                    [_rows_spec(d), _deg_spec(), _w_spec(d), _b_spec(d)])(
                        x_pad, dgo, W_embed, b_embed2)
    p1 = agg(src_p, dst_p, hs1)
    hs2 = _row_call(_mid_body, n_pad, d,
                    [_rows_spec(d), _rows_spec(d), _deg_spec(), _deg_spec(),
                     _w_spec(d), _b_spec(d)])(
                        p1[0], p1[1], dgi, dgo, W_g0, b_g02)
    p2 = agg(src_p, dst_p, hs2)
    out = _row_call(_head_body, n_pad, d,
                    [_rows_spec(d), _rows_spec(d), _deg_spec(),
                     _w_spec(d), _b_spec(d), _w_spec(d), _b_spec(d)])(
                        p2[0], p2[1], dgi, W_g1, b_g12, W_dec, b_dec2)
    return out[:n]

# --- scband reference (transcript-rebuilt; emitter-appended) ---
"""Pipeline reference for scband-edge-property-prediction-model-13967233647441 (READ-ONLY COPY).

The authoritative reference and input builder live on the scoring server;
editing this copy changes nothing except your own understanding.
"""

import jax, jax.numpy as jnp
import numpy as np

N = 10000
E = 320000
D = 128

def setup_inputs(seed: int = 0) -> dict:
    key = jax.random.key(seed)
    ks = jax.random.split(key, 12)
    s = 1.0 / np.sqrt(D)
    x = jax.random.normal(ks[0], (N, D), dtype=jnp.float32)
    edge_index = jax.random.randint(ks[1], (2, E), 0, N).astype(jnp.int64)
    W_embed = jax.random.normal(ks[2], (D, D), dtype=jnp.float32) * s
    b_embed = jnp.zeros((D,), dtype=jnp.float32)
    W_g0 = jax.random.normal(ks[3], (D, D), dtype=jnp.float32) * s
    b_g0 = jnp.zeros((D,), dtype=jnp.float32)
    W_g1 = jax.random.normal(ks[4], (D, D), dtype=jnp.float32) * s
    b_g1 = jnp.zeros((D,), dtype=jnp.float32)
    W_dec = jax.random.normal(ks[5], (D, D), dtype=jnp.float32) * s
    b_dec = jnp.zeros((D,), dtype=jnp.float32)
    return {"x": x, "edge_index": edge_index, "W_embed": W_embed, "b_embed": b_embed,
            "W_g0": W_g0, "b_g0": b_g0, "W_g1": W_g1, "b_g1": b_g1,
            "W_dec": W_dec, "b_dec": b_dec}

def _gcn_layer(h, src, dst, dinv_out, dinv_in, W, b):
    # DGL GraphConv with norm='both': D_dst^{-1/2} * A^T * (D_src^{-1/2} * h) @ W + b
    hs = h * dinv_out[:, None]
    agg = jnp.zeros_like(hs).at[dst].add(hs[src])
    agg = agg * dinv_in[:, None]
    return agg @ W + b

def reference(x, edge_index, W_embed, b_embed, W_g0, b_g0, W_g1, b_g1, W_dec, b_dec):
    src = edge_index[0]
    dst = edge_index[1]
    ones = jnp.ones((E,), dtype=jnp.float32)
    deg_out = jnp.zeros((N,), dtype=jnp.float32).at[src].add(ones)
    deg_in = jnp.zeros((N,), dtype=jnp.float32).at[dst].add(ones)
    dinv_out = jnp.clip(deg_out, 1.0) ** -0.5
    dinv_in = jnp.clip(deg_in, 1.0) ** -0.5
    # embed layer
    h = x @ W_embed + b_embed
    # two GraphConv message-passing layers (no activation applied in the torch forward)
    h = _gcn_layer(h, src, dst, dinv_out, dinv_in, W_g0, b_g0)
    h = _gcn_layer(h, src, dst, dinv_out, dinv_in, W_g1, b_g1)
    # decision layer
    out = h @ W_dec + b_dec
    return out

if __name__ == "__main__":
    import jax
    _d = setup_inputs()
    print(jax.jit(kernel)(*tuple(_d.values())))

</pallas_src>

<mosaic_0001>
#map = affine_map<(d0, d1) -> (0, 0, 0)>
#map1 = affine_map<(d0, d1) -> (0, 0)>
module attributes {stable_mosaic.version = 14 : i64} {
  func.func @agg(%arg0: i32, %arg1: i32, %arg2: memref<32x79x128xi32, #tpu.memory_space<hbm>>, %arg3: memref<32x79x128xi32, #tpu.memory_space<hbm>>, %arg4: memref<10240x128xf32, #tpu.memory_space<hbm>>, %arg5: memref<2x10240x128xf32, #tpu.memory_space<hbm>>, %arg6: memref<3x128xi32, #tpu.memory_space<vmem>>, %arg7: memref<3x128xi32, #tpu.memory_space<vmem>>, %arg8: memref<5x128xi32, #tpu.memory_space<vmem>>, %arg9: memref<2x128x128xf32, #tpu.memory_space<vmem>>, %arg10: memref<10240x128xf32, #tpu.memory_space<vmem_shared>>, %arg11: memref<!tpu.dma_semaphore, #tpu.memory_space<semaphore_mem>>, %arg12: memref<!tpu.dma_semaphore, #tpu.memory_space<semaphore_mem>>, %arg13: memref<!tpu.dma_semaphore, #tpu.memory_space<semaphore_mem>>) attributes {dimension_semantics = [#tpu.dimension_semantics<core_parallel>, #tpu.dimension_semantics<subcore_parallel>], iteration_bounds = array<i64: 2, 16>, scalar_prefetch = 0 : i64, scratch_operands = 8 : i64, tpu.core_type = #tpu.core_type<sc_vector_subcore>, window_params = [{transform_indices = #map}, {transform_indices = #map}, {transform_indices = #map1}, {transform_indices = #map}]} {
    %mul3A = arith.constant 2 : i32
    %mul3A_0 = arith.muli %arg1, %mul3A : i32
    %add3A = arith.addi %mul3A_0, %arg0 : i32
    %mul3A_1 = arith.constant 640 : i32
    %mul3A_2 = arith.muli %arg1, %mul3A_1 : i32
    %dma_start3A = arith.constant 0 : i32
    %dma_start3A_3 = arith.constant 0 : i32
    %dma_start3A_4 = arith.constant 0 : i32
    %dma_start3A_5 = tpu.memref_slice %arg6[%dma_start3A_3, %dma_start3A_4] : memref<3x128xi32, #tpu.memory_space<vmem>> -> memref<1x128xi32, #tpu.memory_space<vmem>>
    %dma_start3A_6 = tpu.memref_squeeze %dma_start3A_5 : memref<1x128xi32, #tpu.memory_space<vmem>> -> memref<128xi32, #tpu.memory_space<vmem>>
    %dma_start3A_7 = arith.constant 0 : i32
    %dma_start3A_8 = tpu.memref_slice %arg2[%add3A, %dma_start3A, %dma_start3A_7] : memref<32x79x128xi32, #tpu.memory_space<hbm>> -> memref<1x1x128xi32, #tpu.memory_space<hbm>>
    %dma_start3A_9 = tpu.memref_squeeze %dma_start3A_8 : memref<1x1x128xi32, #tpu.memory_space<hbm>> -> memref<128xi32, #tpu.memory_space<hbm>>
    %dma_start3A_10 = arith.constant 0 : i32
    %dma_start3A_11 = tpu.memref_slice %arg6[%dma_start3A_3, %dma_start3A_10] : memref<3x128xi32, #tpu.memory_space<vmem>> -> memref<1x128xi32, #tpu.memory_space<vmem>>
    %dma_start3A_12 = tpu.memref_squeeze %dma_start3A_11 : memref<1x128xi32, #tpu.memory_space<vmem>> -> memref<128xi32, #tpu.memory_space<vmem>>
    %dma_start3A_13 = arith.constant 0 : i32
    %dma_start3A_14 = tpu.memref_slice %arg2[%add3A, %dma_start3A, %dma_start3A_13] : memref<32x79x128xi32, #tpu.memory_space<hbm>> -> memref<1x1x128xi32, #tpu.memory_space<hbm>>
    %dma_start3A_15 = tpu.memref_squeeze %dma_start3A_14 : memref<1x1x128xi32, #tpu.memory_space<hbm>> -> memref<128xi32, #tpu.memory_space<hbm>>
    tpu.enqueue_dma source(%dma_start3A_15 : memref<128xi32, #tpu.memory_space<hbm>>) target(%dma_start3A_12 : memref<128xi32, #tpu.memory_space<vmem>>) target_semaphore(%arg13 : memref<!tpu.dma_semaphore, #tpu.memory_space<semaphore_mem>>)
    %dma_start3A_16 = arith.constant 0 : i32
    %dma_start3A_17 = arith.constant 0 : i32
    %dma_start3A_18 = arith.constant 0 : i32
    %dma_start3A_19 = tpu.memref_slice %arg7[%dma_start3A_17, %dma_start3A_18] : memref<3x128xi32, #tpu.memory_space<vmem>> -> memref<1x128xi32, #tpu.memory_space<vmem>>
    %dma_start3A_20 = tpu.memref_squeeze %dma_start3A_19 : memref<1x128xi32, #tpu.memory_space<vmem>> -> memref<128xi32, #tpu.memory_space<vmem>>
    %dma_start3A_21 = arith.constant 0 : i32
    %dma_start3A_22 = tpu.memref_slice %arg3[%add3A, %dma_start3A_16, %dma_start3A_21] : memref<32x79x128xi32, #tpu.memory_space<hbm>> -> memref<1x1x128xi32, #tpu.memory_space<hbm>>
    %dma_start3A_23 = tpu.memref_squeeze %dma_start3A_22 : memref<1x1x128xi32, #tpu.memory_space<hbm>> -> memref<128xi32, #tpu.memory_space<hbm>>
    %dma_start3A_24 = arith.constant 0 : i32
    %dma_start3A_25 = tpu.memref_slice %arg7[%dma_start3A_17, %dma_start3A_24] : memref<3x128xi32, #tpu.memory_space<vmem>> -> memref<1x128xi32, #tpu.memory_space<vmem>>
    %dma_start3A_26 = tpu.memref_squeeze %dma_start3A_25 : memref<1x128xi32, #tpu.memory_space<vmem>> -> memref<128xi32, #tpu.memory_space<vmem>>
    %dma_start3A_27 = arith.constant 0 : i32
    %dma_start3A_28 = tpu.memref_slice %arg3[%add3A, %dma_start3A_16, %dma_start3A_27] : memref<32x79x128xi32, #tpu.memory_space<hbm>> -> memref<1x1x128xi32, #tpu.memory_space<hbm>>
    %dma_start3A_29 = tpu.memref_squeeze %dma_start3A_28 : memref<1x1x128xi32, #tpu.memory_space<hbm>> -> memref<128xi32, #tpu.memory_space<hbm>>
    tpu.enqueue_dma source(%dma_start3A_29 : memref<128xi32, #tpu.memory_space<hbm>>) target(%dma_start3A_26 : memref<128xi32, #tpu.memory_space<vmem>>) target_semaphore(%arg13 : memref<!tpu.dma_semaphore, #tpu.memory_space<semaphore_mem>>)
    %scan3A = arith.constant 0 : i32
    %scan3A_30 = arith.constant 0 : i32
    %scan3A_31 = arith.constant 128 : i32
    %scan3A_32 = arith.addi %scan3A_30, %scan3A_31 : i32
    %scan3A_33 = arith.constant 1 : i32
    scf.for %scan3A_1062 = %scan3A_30 to %scan3A_32 step %scan3A_33  : i32 {
      %broadcast_in_dim3A = arith.constant 0.000000e+00 : f32
      %broadcast_in_dim3A_1063 = vector.broadcast %broadcast_in_dim3A : f32 to vector<16xf32>
      %swap3A_1064 = arith.constant 0 : i32
      %swap3A_1065 = arith.index_cast %swap3A_1064 : i32 to index
      %swap3A_1066 = arith.index_cast %scan3A_1062 : i32 to index
      %swap3A_1067 = arith.constant 0 : index
      %swap3A_1068 = tpu.vector_load %arg9[%swap3A_1065, %swap3A_1066, %swap3A_1067] {strides = array<i32>} : memref<2x128x128xf32, #tpu.memory_space<vmem>>, vector<1x1x16xf32>,
      %swap3A_1069 = vector.shape_cast %swap3A_1068 : vector<1x1x16xf32> to vector<16xf32>
      %swap3A_1070 = vector.shape_cast %broadcast_in_dim3A_1063 : vector<16xf32> to vector<1x1x16xf32>
      tpu.vector_store %arg9[%swap3A_1065, %swap3A_1066, %swap3A_1067], %swap3A_1070 {strides = array<i32>} : memref<2x128x128xf32, #tpu.memory_space<vmem>>, vector<1x1x16xf32>,
      %broadcast_in_dim3A_1071 = arith.constant 0.000000e+00 : f32
      %broadcast_in_dim3A_1072 = vector.broadcast %broadcast_in_dim3A_1071 : f32 to vector<16xf32>
      %swap3A_1073 = arith.constant 0 : i32
      %swap3A_1074 = arith.index_cast %swap3A_1073 : i32 to index
      %swap3A_1075 = arith.index_cast %scan3A_1062 : i32 to index
      %swap3A_1076 = arith.constant 16 : index
      %swap3A_1077 = tpu.vector_load %arg9[%swap3A_1074, %swap3A_1075, %swap3A_1076] {strides = array<i32>} : memref<2x128x128xf32, #tpu.memory_space<vmem>>, vector<1x1x16xf32>,
      %swap3A_1078 = vector.shape_cast %swap3A_1077 : vector<1x1x16xf32> to vector<16xf32>
      %swap3A_1079 = vector.shape_cast %broadcast_in_dim3A_1072 : vector<16xf32> to vector<1x1x16xf32>
      tpu.vector_store %arg9[%swap3A_1074, %swap3A_1075, %swap3A_1076], %swap3A_1079 {strides = array<i32>} : memref<2x128x128xf32, #tpu.memory_space<vmem>>, vector<1x1x16xf32>,
      %broadcast_in_dim3A_1080 = arith.constant 0.000000e+00 : f32
      %broadcast_in_dim3A_1081 = vector.broadcast %broadcast_in_dim3A_1080 : f32 to vector<16xf32>
      %swap3A_1082 = arith.constant 0 : i32
      %swap3A_1083 = arith.index_cast %swap3A_1082 : i32 to index
      %swap3A_1084 = arith.index_cast %scan3A_1062 : i32 to index
      %swap3A_1085 = arith.constant 32 : index
      %swap3A_1086 = tpu.vector_load %arg9[%swap3A_1083, %swap3A_1084, %swap3A_1085] {strides = array<i32>} : memref<2x128x128xf32, #tpu.memory_space<vmem>>, vector<1x1x16xf32>,
      %swap3A_1087 = vector.shape_cast %swap3A_1086 : vector<1x1x16xf32> to vector<16xf32>
      %swap3A_1088 = vector.shape_cast %broadcast_in_dim3A_1081 : vector<16xf32> to vector<1x1x16xf32>
      tpu.vector_store %arg9[%swap3A_1083, %swap3A_1084, %swap3A_1085], %swap3A_1088 {strides = array<i32>} : memref<2x128x128xf32, #tpu.memory_space<vmem>>, vector<1x1x16xf32>,
      %broadcast_in_dim3A_1089 = arith.constant 0.000000e+00 : f32
      %broadcast_in_dim3A_1090 = vector.broadcast %broadcast_in_dim3A_1089 : f32 to vector<16xf32>
      %swap3A_1091 = arith.constant 0 : i32
      %swap3A_1092 = arith.index_cast %swap3A_1091 : i32 to index
      %swap3A_1093 = arith.index_cast %scan3A_1062 : i32 to index
      %swap3A_1094 = arith.constant 48 : index
      %swap3A_1095 = tpu.vector_load %arg9[%swap3A_1092, %swap3A_1093, %swap3A_1094] {strides = array<i32>} : memref<2x128x128xf32, #tpu.memory_space<vmem>>, vector<1x1x16xf32>,
      %swap3A_1096 = vector.shape_cast %swap3A_1095 : vector<1x1x16xf32> to vector<16xf32>
      %swap3A_1097 = vector.shape_cast %broadcast_in_dim3A_1090 : vector<16xf32> to vector<1x1x16xf32>
      tpu.vector_store %arg9[%swap3A_1092, %swap3A_1093, %swap3A_1094], %swap3A_1097 {strides = array<i32>} : memref<2x128x128xf32, #tpu.memory_space<vmem>>, vector<1x1x16xf32>,
      %broadcast_in_dim3A_1098 = arith.constant 0.000000e+00 : f32
      %broadcast_in_dim3A_1099 = vector.broadcast %broadcast_in_dim3A_1098 : f32 to vector<16xf32>
      %swap3A_1100 = arith.constant 0 : i32
      %swap3A_1101 = arith.index_cast %swap3A_1100 : i32 to index
      %swap3A_1102 = arith.index_cast %scan3A_1062 : i32 to index
      %swap3A_1103 = arith.constant 64 : index
      %swap3A_1104 = tpu.vector_load %arg9[%swap3A_1101, %swap3A_1102, %swap3A_1103] {strides = array<i32>} : memref<2x128x128xf32, #tpu.memory_space<vmem>>, vector<1x1x16xf32>,
      %swap3A_1105 = vector.shape_cast %swap3A_1104 : vector<1x1x16xf32> to vector<16xf32>
      %swap3A_1106 = vector.shape_cast %broadcast_in_dim3A_1099 : vector<16xf32> to vector<1x1x16xf32>
      tpu.vector_store %arg9[%swap3A_1101, %swap3A_1102, %swap3A_1103], %swap3A_1106 {strides = array<i32>} : memref<2x128x128xf32, #tpu.memory_space<vmem>>, vector<1x1x16xf32>,
      %broadcast_in_dim3A_1107 = arith.constant 0.000000e+00 : f32
      %broadcast_in_dim3A_1108 = vector.broadcast %broadcast_in_dim3A_1107 : f32 to vector<16xf32>
      %swap3A_1109 = arith.constant 0 : i32
      %swap3A_1110 = arith.index_cast %swap3A_1109 : i32 to index
      %swap3A_1111 = arith.index_cast %scan3A_1062 : i32 to index
      %swap3A_1112 = arith.constant 80 : index
      %swap3A_1113 = tpu.vector_load %arg9[%swap3A_1110, %swap3A_1111, %swap3A_1112] {strides = array<i32>} : memref<2x128x128xf32, #tpu.memory_space<vmem>>, vector<1x1x16xf32>,
      %swap3A_1114 = vector.shape_cast %swap3A_1113 : vector<1x1x16xf32> to vector<16xf32>
      %swap3A_1115 = vector.shape_cast %broadcast_in_dim3A_1108 : vector<16xf32> to vector<1x1x16xf32>
      tpu.vector_store %arg9[%swap3A_1110, %swap3A_1111, %swap3A_1112], %swap3A_1115 {strides = array<i32>} : memref<2x128x128xf32, #tpu.memory_space<vmem>>, vector<1x1x16xf32>,
      %broadcast_in_dim3A_1116 = arith.constant 0.000000e+00 : f32
      %broadcast_in_dim3A_1117 = vector.broadcast %broadcast_in_dim3A_1116 : f32 to vector<16xf32>
      %swap3A_1118 = arith.constant 0 : i32
      %swap3A_1119 = arith.index_cast %swap3A_1118 : i32 to index
      %swap3A_1120 = arith.index_cast %scan3A_1062 : i32 to index
      %swap3A_1121 = arith.constant 96 : index
      %swap3A_1122 = tpu.vector_load %arg9[%swap3A_1119, %swap3A_1120, %swap3A_1121] {strides = array<i32>} : memref<2x128x128xf32, #tpu.memory_space<vmem>>, vector<1x1x16xf32>,
      %swap3A_1123 = vector.shape_cast %swap3A_1122 : vector<1x1x16xf32> to vector<16xf32>
      %swap3A_1124 = vector.shape_cast %broadcast_in_dim3A_1117 : vector<16xf32> to vector<1x1x16xf32>
      tpu.vector_store %arg9[%swap3A_1119, %swap3A_1120, %swap3A_1121], %swap3A_1124 {strides = array<i32>} : memref<2x128x128xf32, #tpu.memory_space<vmem>>, vector<1x1x16xf32>,
      %broadcast_in_dim3A_1125 = arith.constant 0.000000e+00 : f32
      %broadcast_in_dim3A_1126 = vector.broadcast %broadcast_in_dim3A_1125 : f32 to vector<16xf32>
      %swap3A_1127 = arith.constant 0 : i32
      %swap3A_1128 = arith.index_cast %swap3A_1127 : i32 to index
      %swap3A_1129 = arith.index_cast %scan3A_1062 : i32 to index
      %swap3A_1130 = arith.constant 112 : index
      %swap3A_1131 = tpu.vector_load %arg9[%swap3A_1128, %swap3A_1129, %swap3A_1130] {strides = array<i32>} : memref<2x128x128xf32, #tpu.memory_space<vmem>>, vector<1x1x16xf32>,
      %swap3A_1132 = vector.shape_cast %swap3A_1131 : vector<1x1x16xf32> to vector<16xf32>
      %swap3A_1133 = vector.shape_cast %broadcast_in_dim3A_1126 : vector<16xf32> to vector<1x1x16xf32>
      tpu.vector_store %arg9[%swap3A_1128, %swap3A_1129, %swap3A_1130], %swap3A_1133 {strides = array<i32>} : memref<2x128x128xf32, #tpu.memory_space<vmem>>, vector<1x1x16xf32>,
    }
    %scan3A_34 = arith.constant 128 : i32
    %add3A_35 = arith.constant 0 : i32
    %add3A_36 = arith.addi %mul3A_2, %add3A_35 : i32
    %add3A_37 = arith.constant 0 : i32
    %add3A_38 = arith.addi %add3A_36, %add3A_37 : i32
    %iota3A = tpu.iota {dimensions = array<i32: 0>} : vector<16xi32>
    %add3A_39 = vector.broadcast %add3A_38 : i32 to vector<16xi32>
    %add3A_40 = arith.addi %add3A_39, %iota3A : vector<16xi32>
    %swap3A = arith.constant 0 : i32
    %swap3A_41 = arith.index_cast %swap3A : i32 to index
    %swap3A_42 = arith.constant 0 : index
    %swap3A_43 = tpu.vector_load %arg8[%swap3A_41, %swap3A_42] {strides = array<i32>} : memref<5x128xi32, #tpu.memory_space<vmem>>, vector<1x16xi32>,
    %swap3A_44 = vector.shape_cast %swap3A_43 : vector<1x16xi32> to vector<16xi32>
    %swap3A_45 = vector.shape_cast %add3A_40 : vector<16xi32> to vector<1x16xi32>
    tpu.vector_store %arg8[%swap3A_41, %swap3A_42], %swap3A_45 {strides = array<i32>} : memref<5x128xi32, #tpu.memory_space<vmem>>, vector<1x16xi32>,
    %add3A_46 = arith.constant 0 : i32
    %add3A_47 = arith.addi %mul3A_2, %add3A_46 : i32
    %add3A_48 = arith.constant 16 : i32
    %add3A_49 = arith.addi %add3A_47, %add3A_48 : i32
    %iota3A_50 = tpu.iota {dimensions = array<i32: 0>} : vector<16xi32>
    %add3A_51 = vector.broadcast %add3A_49 : i32 to vector<16xi32>
    %add3A_52 = arith.addi %add3A_51, %iota3A_50 : vector<16xi32>
    %swap3A_53 = arith.constant 0 : i32
    %swap3A_54 = arith.index_cast %swap3A_53 : i32 to index
    %swap3A_55 = arith.constant 16 : index
    %swap3A_56 = tpu.vector_load %arg8[%swap3A_54, %swap3A_55] {strides = array<i32>} : memref<5x128xi32, #tpu.memory_space<vmem>>, vector<1x16xi32>,
    %swap3A_57 = vector.shape_cast %swap3A_56 : vector<1x16xi32> to vector<16xi32>
    %swap3A_58 = vector.shape_cast %add3A_52 : vector<16xi32> to vector<1x16xi32>
    tpu.vector_store %arg8[%swap3A_54, %swap3A_55], %swap3A_58 {strides = array<i32>} : memref<5x128xi32, #tpu.memory_space<vmem>>, vector<1x16xi32>,
    %add3A_59 = arith.constant 0 : i32
    %add3A_60 = arith.addi %mul3A_2, %add3A_59 : i32
    %add3A_61 = arith.constant 32 : i32
    %add3A_62 = arith.addi %add3A_60, %add3A_61 : i32
    %iota3A_63 = tpu.iota {dimensions = array<i32: 0>} : vector<16xi32>
    %add3A_64 = vector.broadcast %add3A_62 : i32 to vector<16xi32>
    %add3A_65 = arith.addi %add3A_64, %iota3A_63 : vector<16xi32>
    %swap3A_66 = arith.constant 0 : i32
    %swap3A_67 = arith.index_cast %swap3A_66 : i32 to index
    %swap3A_68 = arith.constant 32 : index
    %swap3A_69 = tpu.vector_load %arg8[%swap3A_67, %swap3A_68] {strides = array<i32>} : memref<5x128xi32, #tpu.memory_space<vmem>>, vector<1x16xi32>,
    %swap3A_70 = vector.shape_cast %swap3A_69 : vector<1x16xi32> to vector<16xi32>
    %swap3A_71 = vector.shape_cast %add3A_65 : vector<16xi32> to vector<1x16xi32>
    tpu.vector_store %arg8[%swap3A_67, %swap3A_68], %swap3A_71 {strides = array<i32>} : memref<5x128xi32, #tpu.memory_space<vmem>>, vector<1x16xi32>,
    %add3A_72 = arith.constant 0 : i32
    %add3A_73 = arith.addi %mul3A_2, %add3A_72 : i32
    %add3A_74 = arith.constant 48 : i32
    %add3A_75 = arith.addi %add3A_73, %add3A_74 : i32
    %iota3A_76 = tpu.iota {dimensions = array<i32: 0>} : vector<16xi32>
    %add3A_77 = vector.broadcast %add3A_75 : i32 to vector<16xi32>
    %add3A_78 = arith.addi %add3A_77, %iota3A_76 : vector<16xi32>
    %swap3A_79 = arith.constant 0 : i32
    %swap3A_80 = arith.index_cast %swap3A_79 : i32 to index
    %swap3A_81 = arith.constant 48 : index
    %swap3A_82 = tpu.vector_load %arg8[%swap3A_80, %swap3A_81] {strides = array<i32>} : memref<5x128xi32, #tpu.memory_space<vmem>>, vector<1x16xi32>,
    %swap3A_83 = vector.shape_cast %swap3A_82 : vector<1x16xi32> to vector<16xi32>
    %swap3A_84 = vector.shape_cast %add3A_78 : vector<16xi32> to vector<1x16xi32>
    tpu.vector_store %arg8[%swap3A_80, %swap3A_81], %swap3A_84 {strides = array<i32>} : memref<5x128xi32, #tpu.memory_space<vmem>>, vector<1x16xi32>,
    %add3A_85 = arith.constant 0 : i32
    %add3A_86 = arith.addi %mul3A_2, %add3A_85 : i32
    %add3A_87 = arith.constant 64 : i32
    %add3A_88 = arith.addi %add3A_86, %add3A_87 : i32
    %iota3A_89 = tpu.iota {dimensions = array<i32: 0>} : vector<16xi32>
    %add3A_90 = vector.broadcast %add3A_88 : i32 to vector<16xi32>
    %add3A_91 = arith.addi %add3A_90, %iota3A_89 : vector<16xi32>
    %swap3A_92 = arith.constant 0 : i32
    %swap3A_93 = arith.index_cast %swap3A_92 : i32 to index
    %swap3A_94 = arith.constant 64 : index
    %swap3A_95 = tpu.vector_load %arg8[%swap3A_93, %swap3A_94] {strides = array<i32>} : memref<5x128xi32, #tpu.memory_space<vmem>>, vector<1x16xi32>,
    %swap3A_96 = vector.shape_cast %swap3A_95 : vector<1x16xi32> to vector<16xi32>
    %swap3A_97 = vector.shape_cast %add3A_91 : vector<16xi32> to vector<1x16xi32>
    tpu.vector_store %arg8[%swap3A_93, %swap3A_94], %swap3A_97 {strides = array<i32>} : memref<5x128xi32, #tpu.memory_space<vmem>>, vector<1x16xi32>,
    %add3A_98 = arith.constant 0 : i32
    %add3A_99 = arith.addi %mul3A_2, %add3A_98 : i32
    %add3A_100 = arith.constant 80 : i32
    %add3A_101 = arith.addi %add3A_99, %add3A_100 : i32
    %iota3A_102 = tpu.iota {dimensions = array<i32: 0>} : vector<16xi32>
    %add3A_103 = vector.broadcast %add3A_101 : i32 to vector<16xi32>
    %add3A_104 = arith.addi %add3A_103, %iota3A_102 : vector<16xi32>
    %swap3A_105 = arith.constant 0 : i32
    %swap3A_106 = arith.index_cast %swap3A_105 : i32 to index
    %swap3A_107 = arith.constant 80 : index
    %swap3A_108 = tpu.vector_load %arg8[%swap3A_106, %swap3A_107] {strides = array<i32>} : memref<5x128xi32, #tpu.memory_space<vmem>>, vector<1x16xi32>,
    %swap3A_109 = vector.shape_cast %swap3A_108 : vector<1x16xi32> to vector<16xi32>
    %swap3A_110 = vector.shape_cast %add3A_104 : vector<16xi32> to vector<1x16xi32>
    tpu.vector_store %arg8[%swap3A_106, %swap3A_107], %swap3A_110 {strides = array<i32>} : memref<5x128xi32, #tpu.memory_space<vmem>>, vector<1x16xi32>,
    %add3A_111 = arith.constant 0 : i32
    %add3A_112 = arith.addi %mul3A_2, %add3A_111 : i32
    %add3A_113 = arith.constant 96 : i32
    %add3A_114 = arith.addi %add3A_112, %add3A_113 : i32
    %iota3A_115 = tpu.iota {dimensions = array<i32: 0>} : vector<16xi32>
    %add3A_116 = vector.broadcast %add3A_114 : i32 to vector<16xi32>
    %add3A_117 = arith.addi %add3A_116, %iota3A_115 : vector<16xi32>
    %swap3A_118 = arith.constant 0 : i32
    %swap3A_119 = arith.index_cast %swap3A_118 : i32 to index
    %swap3A_120 = arith.constant 96 : index
    %swap3A_121 = tpu.vector_load %arg8[%swap3A_119, %swap3A_120] {strides = array<i32>} : memref<5x128xi32, #tpu.memory_space<vmem>>, vector<1x16xi32>,
    %swap3A_122 = vector.shape_cast %swap3A_121 : vector<1x16xi32> to vector<16xi32>
    %swap3A_123 = vector.shape_cast %add3A_117 : vector<16xi32> to vector<1x16xi32>
    tpu.vector_store %arg8[%swap3A_119, %swap3A_120], %swap3A_123 {strides = array<i32>} : memref<5x128xi32, #tpu.memory_space<vmem>>, vector<1x16xi32>,
    %add3A_124 = arith.constant 0 : i32
    %add3A_125 = arith.addi %mul3A_2, %add3A_124 : i32
    %add3A_126 = arith.constant 112 : i32
    %add3A_127 = arith.addi %add3A_125, %add3A_126 : i32
    %iota3A_128 = tpu.iota {dimensions = array<i32: 0>} : vector<16xi32>
    %add3A_129 = vector.broadcast %add3A_127 : i32 to vector<16xi32>
    %add3A_130 = arith.addi %add3A_129, %iota3A_128 : vector<16xi32>
    %swap3A_131 = arith.constant 0 : i32
    %swap3A_132 = arith.index_cast %swap3A_131 : i32 to index
    %swap3A_133 = arith.constant 112 : index
    %swap3A_134 = tpu.vector_load %arg8[%swap3A_132, %swap3A_133] {strides = array<i32>} : memref<5x128xi32, #tpu.memory_space<vmem>>, vector<1x16xi32>,
    %swap3A_135 = vector.shape_cast %swap3A_134 : vector<1x16xi32> to vector<16xi32>
    %swap3A_136 = vector.shape_cast %add3A_130 : vector<16xi32> to vector<1x16xi32>
    tpu.vector_store %arg8[%swap3A_132, %swap3A_133], %swap3A_136 {strides = array<i32>} : memref<5x128xi32, #tpu.memory_space<vmem>>, vector<1x16xi32>,
    %add3A_137 = arith.constant 128 : i32
    %add3A_138 = arith.addi %mul3A_2, %add3A_137 : i32
    %add3A_139 = arith.constant 0 : i32
    %add3A_140 = arith.addi %add3A_138, %add3A_139 : i32
    %iota3A_141 = tpu.iota {dimensions = array<i32: 0>} : vector<16xi32>
    %add3A_142 = vector.broadcast %add3A_140 : i32 to vector<16xi32>
    %add3A_143 = arith.addi %add3A_142, %iota3A_141 : vector<16xi32>
    %swap3A_144 = arith.constant 1 : i32
    %swap3A_145 = arith.index_cast %swap3A_144 : i32 to index
    %swap3A_146 = arith.constant 0 : index
    %swap3A_147 = tpu.vector_load %arg8[%swap3A_145, %swap3A_146] {strides = array<i32>} : memref<5x128xi32, #tpu.memory_space<vmem>>, vector<1x16xi32>,
    %swap3A_148 = vector.shape_cast %swap3A_147 : vector<1x16xi32> to vector<16xi32>
    %swap3A_149 = vector.shape_cast %add3A_143 : vector<16xi32> to vector<1x16xi32>
    tpu.vector_store %arg8[%swap3A_145, %swap3A_146], %swap3A_149 {strides = array<i32>} : memref<5x128xi32, #tpu.memory_space<vmem>>, vector<1x16xi32>,
    %add3A_150 = arith.constant 128 : i32
    %add3A_151 = arith.addi %mul3A_2, %add3A_150 : i32
    %add3A_152 = arith.constant 16 : i32
    %add3A_153 = arith.addi %add3A_151, %add3A_152 : i32
    %iota3A_154 = tpu.iota {dimensions = array<i32: 0>} : vector<16xi32>
    %add3A_155 = vector.broadcast %add3A_153 : i32 to vector<16xi32>
    %add3A_156 = arith.addi %add3A_155, %iota3A_154 : vector<16xi32>
    %swap3A_157 = arith.constant 1 : i32
    %swap3A_158 = arith.index_cast %swap3A_157 : i32 to index
    %swap3A_159 = arith.constant 16 : index
    %swap3A_160 = tpu.vector_load %arg8[%swap3A_158, %swap3A_159] {strides = array<i32>} : memref<5x128xi32, #tpu.memory_space<vmem>>, vector<1x16xi32>,
    %swap3A_161 = vector.shape_cast %swap3A_160 : vector<1x16xi32> to vector<16xi32>
    %swap3A_162 = vector.shape_cast %add3A_156 : vector<16xi32> to vector<1x16xi32>
    tpu.vector_store %arg8[%swap3A_158, %swap3A_159], %swap3A_162 {strides = array<i32>} : memref<5x128xi32, #tpu.memory_space<vmem>>, vector<1x16xi32>,
    %add3A_163 = arith.constant 128 : i32
    %add3A_164 = arith.addi %mul3A_2, %add3A_163 : i32
    %add3A_165 = arith.constant 32 : i32
    %add3A_166 = arith.addi %add3A_164, %add3A_165 : i32
    %iota3A_167 = tpu.iota {dimensions = array<i32: 0>} : vector<16xi32>
    %add3A_168 = vector.broadcast %add3A_166 : i32 to vector<16xi32>
    %add3A_169 = arith.addi %add3A_168, %iota3A_167 : vector<16xi32>
    %swap3A_170 = arith.constant 1 : i32
    %swap3A_171 = arith.index_cast %swap3A_170 : i32 to index
    %swap3A_172 = arith.constant 32 : index
    %swap3A_173 = tpu.vector_load %arg8[%swap3A_171, %swap3A_172] {strides = array<i32>} : memref<5x128xi32, #tpu.memory_space<vmem>>, vector<1x16xi32>,
    %swap3A_174 = vector.shape_cast %swap3A_173 : vector<1x16xi32> to vector<16xi32>
    %swap3A_175 = vector.shape_cast %add3A_169 : vector<16xi32> to vector<1x16xi32>
    tpu.vector_store %arg8[%swap3A_171, %swap3A_172], %swap3A_175 {strides = array<i32>} : memref<5x128xi32, #tpu.memory_space<vmem>>, vector<1x16xi32>,
    %add3A_176 = arith.constant 128 : i32
    %add3A_177 = arith.addi %mul3A_2, %add3A_176 : i32
    %add3A_178 = arith.constant 48 : i32
    %add3A_179 = arith.addi %add3A_177, %add3A_178 : i32
    %iota3A_180 = tpu.iota {dimensions = array<i32: 0>} : vector<16xi32>
    %add3A_181 = vector.broadcast %add3A_179 : i32 to vector<16xi32>
    %add3A_182 = arith.addi %add3A_181, %iota3A_180 : vector<16xi32>
    %swap3A_183 = arith.constant 1 : i32
    %swap3A_184 = arith.index_cast %swap3A_183 : i32 to index
    %swap3A_185 = arith.constant 48 : index
    %swap3A_186 = tpu.vector_load %arg8[%swap3A_184, %swap3A_185] {strides = array<i32>} : memref<5x128xi32, #tpu.memory_space<vmem>>, vector<1x16xi32>,
    %swap3A_187 = vector.shape_cast %swap3A_186 : vector<1x16xi32> to vector<16xi32>
    %swap3A_188 = vector.shape_cast %add3A_182 : vector<16xi32> to vector<1x16xi32>
    tpu.vector_store %arg8[%swap3A_184, %swap3A_185], %swap3A_188 {strides = array<i32>} : memref<5x128xi32, #tpu.memory_space<vmem>>, vector<1x16xi32>,
    %add3A_189 = arith.constant 128 : i32
    %add3A_190 = arith.addi %mul3A_2, %add3A_189 : i32
    %add3A_191 = arith.constant 64 : i32
    %add3A_192 = arith.addi %add3A_190, %add3A_191 : i32
    %iota3A_193 = tpu.iota {dimensions = array<i32: 0>} : vector<16xi32>
    %add3A_194 = vector.broadcast %add3A_192 : i32 to vector<16xi32>
    %add3A_195 = arith.addi %add3A_194, %iota3A_193 : vector<16xi32>
    %swap3A_196 = arith.constant 1 : i32
    %swap3A_197 = arith.index_cast %swap3A_196 : i32 to index
    %swap3A_198 = arith.constant 64 : index
    %swap3A_199 = tpu.vector_load %arg8[%swap3A_197, %swap3A_198] {strides = array<i32>} : memref<5x128xi32, #tpu.memory_space<vmem>>, vector<1x16xi32>,
    %swap3A_200 = vector.shape_cast %swap3A_199 : vector<1x16xi32> to vector<16xi32>
    %swap3A_201 = vector.shape_cast %add3A_195 : vector<16xi32> to vector<1x16xi32>
    tpu.vector_store %arg8[%swap3A_197, %swap3A_198], %swap3A_201 {strides = array<i32>} : memref<5x128xi32, #tpu.memory_space<vmem>>, vector<1x16xi32>,
    %add3A_202 = arith.constant 128 : i32
    %add3A_203 = arith.addi %mul3A_2, %add3A_202 : i32
    %add3A_204 = arith.constant 80 : i32
    %add3A_205 = arith.addi %add3A_203, %add3A_204 : i32
    %iota3A_206 = tpu.iota {dimensions = array<i32: 0>} : vector<16xi32>
    %add3A_207 = vector.broadcast %add3A_205 : i32 to vector<16xi32>
    %add3A_208 = arith.addi %add3A_207, %iota3A_206 : vector<16xi32>
    %swap3A_209 = arith.constant 1 : i32
    %swap3A_210 = arith.index_cast %swap3A_209 : i32 to index
    %swap3A_211 = arith.constant 80 : index
    %swap3A_212 = tpu.vector_load %arg8[%swap3A_210, %swap3A_211] {strides = array<i32>} : memref<5x128xi32, #tpu.memory_space<vmem>>, vector<1x16xi32>,
    %swap3A_213 = vector.shape_cast %swap3A_212 : vector<1x16xi32> to vector<16xi32>
    %swap3A_214 = vector.shape_cast %add3A_208 : vector<16xi32> to vector<1x16xi32>
    tpu.vector_store %arg8[%swap3A_210, %swap3A_211], %swap3A_214 {strides = array<i32>} : memref<5x128xi32, #tpu.memory_space<vmem>>, vector<1x16xi32>,
    %add3A_215 = arith.constant 128 : i32
    %add3A_216 = arith.addi %mul3A_2, %add3A_215 : i32
    %add3A_217 = arith.constant 96 : i32
    %add3A_218 = arith.addi %add3A_216, %add3A_217 : i32
    %iota3A_219 = tpu.iota {dimensions = array<i32: 0>} : vector<16xi32>
    %add3A_220 = vector.broadcast %add3A_218 : i32 to vector<16xi32>
    %add3A_221 = arith.addi %add3A_220, %iota3A_219 : vector<16xi32>
    %swap3A_222 = arith.constant 1 : i32
    %swap3A_223 = arith.index_cast %swap3A_222 : i32 to index
    %swap3A_224 = arith.constant 96 : index
    %swap3A_225 = tpu.vector_load %arg8[%swap3A_223, %swap3A_224] {strides = array<i32>} : memref<5x128xi32, #tpu.memory_space<vmem>>, vector<1x16xi32>,
    %swap3A_226 = vector.shape_cast %swap3A_225 : vector<1x16xi32> to vector<16xi32>
    %swap3A_227 = vector.shape_cast %add3A_221 : vector<16xi32> to vector<1x16xi32>
    tpu.vector_store %arg8[%swap3A_223, %swap3A_224], %swap3A_227 {strides = array<i32>} : memref<5x128xi32, #tpu.memory_space<vmem>>, vector<1x16xi32>,
    %add3A_228 = arith.constant 128 : i32
    %add3A_229 = arith.addi %mul3A_2, %add3A_228 : i32
    %add3A_230 = arith.constant 112 : i32
    %add3A_231 = arith.addi %add3A_229, %add3A_230 : i32
    %iota3A_232 = tpu.iota {dimensions = array<i32: 0>} : vector<16xi32>
    %add3A_233 = vector.broadcast %add3A_231 : i32 to vector<16xi32>
    %add3A_234 = arith.addi %add3A_233, %iota3A_232 : vector<16xi32>
    %swap3A_235 = arith.constant 1 : i32
    %swap3A_236 = arith.index_cast %swap3A_235 : i32 to index
    %swap3A_237 = arith.constant 112 : index
    %swap3A_238 = tpu.vector_load %arg8[%swap3A_236, %swap3A_237] {strides = array<i32>} : memref<5x128xi32, #tpu.memory_space<vmem>>, vector<1x16xi32>,
    %swap3A_239 = vector.shape_cast %swap3A_238 : vector<1x16xi32> to vector<16xi32>
    %swap3A_240 = vector.shape_cast %add3A_234 : vector<16xi32> to vector<1x16xi32>
    tpu.vector_store %arg8[%swap3A_236, %swap3A_237], %swap3A_240 {strides = array<i32>} : memref<5x128xi32, #tpu.memory_space<vmem>>, vector<1x16xi32>,
    %add3A_241 = arith.constant 256 : i32
    %add3A_242 = arith.addi %mul3A_2, %add3A_241 : i32
    %add3A_243 = arith.constant 0 : i32
    %add3A_244 = arith.addi %add3A_242, %add3A_243 : i32
    %iota3A_245 = tpu.iota {dimensions = array<i32: 0>} : vector<16xi32>
    %add3A_246 = vector.broadcast %add3A_244 : i32 to vector<16xi32>
    %add3A_247 = arith.addi %add3A_246, %iota3A_245 : vector<16xi32>
    %swap3A_248 = arith.constant 2 : i32
    %swap3A_249 = arith.index_cast %swap3A_248 : i32 to index
    %swap3A_250 = arith.constant 0 : index
    %swap3A_251 = tpu.vector_load %arg8[%swap3A_249, %swap3A_250] {strides = array<i32>} : memref<5x128xi32, #tpu.memory_space<vmem>>, vector<1x16xi32>,
    %swap3A_252 = vector.shape_cast %swap3A_251 : vector<1x16xi32> to vector<16xi32>
    %swap3A_253 = vector.shape_cast %add3A_247 : vector<16xi32> to vector<1x16xi32>
    tpu.vector_store %arg8[%swap3A_249, %swap3A_250], %swap3A_253 {strides = array<i32>} : memref<5x128xi32, #tpu.memory_space<vmem>>, vector<1x16xi32>,
    %add3A_254 = arith.constant 256 : i32
    %add3A_255 = arith.addi %mul3A_2, %add3A_254 : i32
    %add3A_256 = arith.constant 16 : i32
    %add3A_257 = arith.addi %add3A_255, %add3A_256 : i32
    %iota3A_258 = tpu.iota {dimensions = array<i32: 0>} : vector<16xi32>
    %add3A_259 = vector.broadcast %add3A_257 : i32 to vector<16xi32>
    %add3A_260 = arith.addi %add3A_259, %iota3A_258 : vector<16xi32>
    %swap3A_261 = arith.constant 2 : i32
    %swap3A_262 = arith.index_cast %swap3A_261 : i32 to index
    %swap3A_263 = arith.constant 16 : index
    %swap3A_264 = tpu.vector_load %arg8[%swap3A_262, %swap3A_263] {strides = array<i32>} : memref<5x128xi32, #tpu.memory_space<vmem>>, vector<1x16xi32>,
    %swap3A_265 = vector.shape_cast %swap3A_264 : vector<1x16xi32> to vector<16xi32>
    %swap3A_266 = vector.shape_cast %add3A_260 : vector<16xi32> to vector<1x16xi32>
    tpu.vector_store %arg8[%swap3A_262, %swap3A_263], %swap3A_266 {strides = array<i32>} : memref<5x128xi32, #tpu.memory_space<vmem>>, vector<1x16xi32>,
    %add3A_267 = arith.constant 256 : i32
    %add3A_268 = arith.addi %mul3A_2, %add3A_267 : i32
    %add3A_269 = arith.constant 32 : i32
    %add3A_270 = arith.addi %add3A_268, %add3A_269 : i32
    %iota3A_271 = tpu.iota {dimensions = array<i32: 0>} : vector<16xi32>
    %add3A_272 = vector.broadcast %add3A_270 : i32 to vector<16xi32>
    %add3A_273 = arith.addi %add3A_272, %iota3A_271 : vector<16xi32>
    %swap3A_274 = arith.constant 2 : i32
    %swap3A_275 = arith.index_cast %swap3A_274 : i32 to index
    %swap3A_276 = arith.constant 32 : index
    %swap3A_277 = tpu.vector_load %arg8[%swap3A_275, %swap3A_276] {strides = array<i32>} : memref<5x128xi32, #tpu.memory_space<vmem>>, vector<1x16xi32>,
    %swap3A_278 = vector.shape_cast %swap3A_277 : vector<1x16xi32> to vector<16xi32>
    %swap3A_279 = vector.shape_cast %add3A_273 : vector<16xi32> to vector<1x16xi32>
    tpu.vector_store %arg8[%swap3A_275, %swap3A_276], %swap3A_279 {strides = array<i32>} : memref<5x128xi32, #tpu.memory_space<vmem>>, vector<1x16xi32>,
    %add3A_280 = arith.constant 256 : i32
    %add3A_281 = arith.addi %mul3A_2, %add3A_280 : i32
    %add3A_282 = arith.constant 48 : i32
    %add3A_283 = arith.addi %add3A_281, %add3A_282 : i32
    %iota3A_284 = tpu.iota {dimensions = array<i32: 0>} : vector<16xi32>
    %add3A_285 = vector.broadcast %add3A_283 : i32 to vector<16xi32>
    %add3A_286 = arith.addi %add3A_285, %iota3A_284 : vector<16xi32>
    %swap3A_287 = arith.constant 2 : i32
    %swap3A_288 = arith.index_cast %swap3A_287 : i32 to index
    %swap3A_289 = arith.constant 48 : index
    %swap3A_290 = tpu.vector_load %arg8[%swap3A_288, %swap3A_289] {strides = array<i32>} : memref<5x128xi32, #tpu.memory_space<vmem>>, vector<1x16xi32>,
    %swap3A_291 = vector.shape_cast %swap3A_290 : vector<1x16xi32> to vector<16xi32>
    %swap3A_292 = vector.shape_cast %add3A_286 : vector<16xi32> to vector<1x16xi32>
    tpu.vector_store %arg8[%swap3A_288, %swap3A_289], %swap3A_292 {strides = array<i32>} : memref<5x128xi32, #tpu.memory_space<vmem>>, vector<1x16xi32>,
    %add3A_293 = arith.constant 256 : i32
    %add3A_294 = arith.addi %mul3A_2, %add3A_293 : i32
    %add3A_295 = arith.constant 64 : i32
    %add3A_296 = arith.addi %add3A_294, %add3A_295 : i32
    %iota3A_297 = tpu.iota {dimensions = array<i32: 0>} : vector<16xi32>
    %add3A_298 = vector.broadcast %add3A_296 : i32 to vector<16xi32>
    %add3A_299 = arith.addi %add3A_298, %iota3A_297 : vector<16xi32>
    %swap3A_300 = arith.constant 2 : i32
    %swap3A_301 = arith.index_cast %swap3A_300 : i32 to index
    %swap3A_302 = arith.constant 64 : index
    %swap3A_303 = tpu.vector_load %arg8[%swap3A_301, %swap3A_302] {strides = array<i32>} : memref<5x128xi32, #tpu.memory_space<vmem>>, vector<1x16xi32>,
    %swap3A_304 = vector.shape_cast %swap3A_303 : vector<1x16xi32> to vector<16xi32>
    %swap3A_305 = vector.shape_cast %add3A_299 : vector<16xi32> to vector<1x16xi32>
    tpu.vector_store %arg8[%swap3A_301, %swap3A_302], %swap3A_305 {strides = array<i32>} : memref<5x128xi32, #tpu.memory_space<vmem>>, vector<1x16xi32>,
    %add3A_306 = arith.constant 256 : i32
    %add3A_307 = arith.addi %mul3A_2, %add3A_306 : i32
    %add3A_308 = arith.constant 80 : i32
    %add3A_309 = arith.addi %add3A_307, %add3A_308 : i32
    %iota3A_310 = tpu.iota {dimensions = array<i32: 0>} : vector<16xi32>
    %add3A_311 = vector.broadcast %add3A_309 : i32 to vector<16xi32>
    %add3A_312 = arith.addi %add3A_311, %iota3A_310 : vector<16xi32>
    %swap3A_313 = arith.constant 2 : i32
    %swap3A_314 = arith.index_cast %swap3A_313 : i32 to index
    %swap3A_315 = arith.constant 80 : index
    %swap3A_316 = tpu.vector_load %arg8[%swap3A_314, %swap3A_315] {strides = array<i32>} : memref<5x128xi32, #tpu.memory_space<vmem>>, vector<1x16xi32>,
    %swap3A_317 = vector.shape_cast %swap3A_316 : vector<1x16xi32> to vector<16xi32>
    %swap3A_318 = vector.shape_cast %add3A_312 : vector<16xi32> to vector<1x16xi32>
    tpu.vector_store %arg8[%swap3A_314, %swap3A_315], %swap3A_318 {strides = array<i32>} : memref<5x128xi32, #tpu.memory_space<vmem>>, vector<1x16xi32>,
    %add3A_319 = arith.constant 256 : i32
    %add3A_320 = arith.addi %mul3A_2, %add3A_319 : i32
    %add3A_321 = arith.constant 96 : i32
    %add3A_322 = arith.addi %add3A_320, %add3A_321 : i32
    %iota3A_323 = tpu.iota {dimensions = array<i32: 0>} : vector<16xi32>
    %add3A_324 = vector.broadcast %add3A_322 : i32 to vector<16xi32>
    %add3A_325 = arith.addi %add3A_324, %iota3A_323 : vector<16xi32>
    %swap3A_326 = arith.constant 2 : i32
    %swap3A_327 = arith.index_cast %swap3A_326 : i32 to index
    %swap3A_328 = arith.constant 96 : index
    %swap3A_329 = tpu.vector_load %arg8[%swap3A_327, %swap3A_328] {strides = array<i32>} : memref<5x128xi32, #tpu.memory_space<vmem>>, vector<1x16xi32>,
    %swap3A_330 = vector.shape_cast %swap3A_329 : vector<1x16xi32> to vector<16xi32>
    %swap3A_331 = vector.shape_cast %add3A_325 : vector<16xi32> to vector<1x16xi32>
    tpu.vector_store %arg8[%swap3A_327, %swap3A_328], %swap3A_331 {strides = array<i32>} : memref<5x128xi32, #tpu.memory_space<vmem>>, vector<1x16xi32>,
    %add3A_332 = arith.constant 256 : i32
    %add3A_333 = arith.addi %mul3A_2, %add3A_332 : i32
    %add3A_334 = arith.constant 112 : i32
    %add3A_335 = arith.addi %add3A_333, %add3A_334 : i32
    %iota3A_336 = tpu.iota {dimensions = array<i32: 0>} : vector<16xi32>
    %add3A_337 = vector.broadcast %add3A_335 : i32 to vector<16xi32>
    %add3A_338 = arith.addi %add3A_337, %iota3A_336 : vector<16xi32>
    %swap3A_339 = arith.constant 2 : i32
    %swap3A_340 = arith.index_cast %swap3A_339 : i32 to index
    %swap3A_341 = arith.constant 112 : index
    %swap3A_342 = tpu.vector_load %arg8[%swap3A_340, %swap3A_341] {strides = array<i32>} : memref<5x128xi32, #tpu.memory_space<vmem>>, vector<1x16xi32>,
    %swap3A_343 = vector.shape_cast %swap3A_342 : vector<1x16xi32> to vector<16xi32>
    %swap3A_344 = vector.shape_cast %add3A_338 : vector<16xi32> to vector<1x16xi32>
    tpu.vector_store %arg8[%swap3A_340, %swap3A_341], %swap3A_344 {strides = array<i32>} : memref<5x128xi32, #tpu.memory_space<vmem>>, vector<1x16xi32>,
    %add3A_345 = arith.constant 384 : i32
    %add3A_346 = arith.addi %mul3A_2, %add3A_345 : i32
    %add3A_347 = arith.constant 0 : i32
    %add3A_348 = arith.addi %add3A_346, %add3A_347 : i32
    %iota3A_349 = tpu.iota {dimensions = array<i32: 0>} : vector<16xi32>
    %add3A_350 = vector.broadcast %add3A_348 : i32 to vector<16xi32>
    %add3A_351 = arith.addi %add3A_350, %iota3A_349 : vector<16xi32>
    %swap3A_352 = arith.constant 3 : i32
    %swap3A_353 = arith.index_cast %swap3A_352 : i32 to index
    %swap3A_354 = arith.constant 0 : index
    %swap3A_355 = tpu.vector_load %arg8[%swap3A_353, %swap3A_354] {strides = array<i32>} : memref<5x128xi32, #tpu.memory_space<vmem>>, vector<1x16xi32>,
    %swap3A_356 = vector.shape_cast %swap3A_355 : vector<1x16xi32> to vector<16xi32>
    %swap3A_357 = vector.shape_cast %add3A_351 : vector<16xi32> to vector<1x16xi32>
    tpu.vector_store %arg8[%swap3A_353, %swap3A_354], %swap3A_357 {strides = array<i32>} : memref<5x128xi32, #tpu.memory_space<vmem>>, vector<1x16xi32>,
    %add3A_358 = arith.constant 384 : i32
    %add3A_359 = arith.addi %mul3A_2, %add3A_358 : i32
    %add3A_360 = arith.constant 16 : i32
    %add3A_361 = arith.addi %add3A_359, %add3A_360 : i32
    %iota3A_362 = tpu.iota {dimensions = array<i32: 0>} : vector<16xi32>
    %add3A_363 = vector.broadcast %add3A_361 : i32 to vector<16xi32>
    %add3A_364 = arith.addi %add3A_363, %iota3A_362 : vector<16xi32>
    %swap3A_365 = arith.constant 3 : i32
    %swap3A_366 = arith.index_cast %swap3A_365 : i32 to index
    %swap3A_367 = arith.constant 16 : index
    %swap3A_368 = tpu.vector_load %arg8[%swap3A_366, %swap3A_367] {strides = array<i32>} : memref<5x128xi32, #tpu.memory_space<vmem>>, vector<1x16xi32>,
    %swap3A_369 = vector.shape_cast %swap3A_368 : vector<1x16xi32> to vector<16xi32>
    %swap3A_370 = vector.shape_cast %add3A_364 : vector<16xi32> to vector<1x16xi32>
    tpu.vector_store %arg8[%swap3A_366, %swap3A_367], %swap3A_370 {strides = array<i32>} : memref<5x128xi32, #tpu.memory_space<vmem>>, vector<1x16xi32>,
    %add3A_371 = arith.constant 384 : i32
    %add3A_372 = arith.addi %mul3A_2, %add3A_371 : i32
    %add3A_373 = arith.constant 32 : i32
    %add3A_374 = arith.addi %add3A_372, %add3A_373 : i32
    %iota3A_375 = tpu.iota {dimensions = array<i32: 0>} : vector<16xi32>
    %add3A_376 = vector.broadcast %add3A_374 : i32 to vector<16xi32>
    %add3A_377 = arith.addi %add3A_376, %iota3A_375 : vector<16xi32>
    %swap3A_378 = arith.constant 3 : i32
    %swap3A_379 = arith.index_cast %swap3A_378 : i32 to index
    %swap3A_380 = arith.constant 32 : index
    %swap3A_381 = tpu.vector_load %arg8[%swap3A_379, %swap3A_380] {strides = array<i32>} : memref<5x128xi32, #tpu.memory_space<vmem>>, vector<1x16xi32>,
    %swap3A_382 = vector.shape_cast %swap3A_381 : vector<1x16xi32> to vector<16xi32>
    %swap3A_383 = vector.shape_cast %add3A_377 : vector<16xi32> to vector<1x16xi32>
    tpu.vector_store %arg8[%swap3A_379, %swap3A_380], %swap3A_383 {strides = array<i32>} : memref<5x128xi32, #tpu.memory_space<vmem>>, vector<1x16xi32>,
    %add3A_384 = arith.constant 384 : i32
    %add3A_385 = arith.addi %mul3A_2, %add3A_384 : i32
    %add3A_386 = arith.constant 48 : i32
    %add3A_387 = arith.addi %add3A_385, %add3A_386 : i32
    %iota3A_388 = tpu.iota {dimensions = array<i32: 0>} : vector<16xi32>
    %add3A_389 = vector.broadcast %add3A_387 : i32 to vector<16xi32>
    %add3A_390 = arith.addi %add3A_389, %iota3A_388 : vector<16xi32>
    %swap3A_391 = arith.constant 3 : i32
    %swap3A_392 = arith.index_cast %swap3A_391 : i32 to index
    %swap3A_393 = arith.constant 48 : index
    %swap3A_394 = tpu.vector_load %arg8[%swap3A_392, %swap3A_393] {strides = array<i32>} : memref<5x128xi32, #tpu.memory_space<vmem>>, vector<1x16xi32>,
    %swap3A_395 = vector.shape_cast %swap3A_394 : vector<1x16xi32> to vector<16xi32>
    %swap3A_396 = vector.shape_cast %add3A_390 : vector<16xi32> to vector<1x16xi32>
    tpu.vector_store %arg8[%swap3A_392, %swap3A_393], %swap3A_396 {strides = array<i32>} : memref<5x128xi32, #tpu.memory_space<vmem>>, vector<1x16xi32>,
    %add3A_397 = arith.constant 384 : i32
    %add3A_398 = arith.addi %mul3A_2, %add3A_397 : i32
    %add3A_399 = arith.constant 64 : i32
    %add3A_400 = arith.addi %add3A_398, %add3A_399 : i32
    %iota3A_401 = tpu.iota {dimensions = array<i32: 0>} : vector<16xi32>
    %add3A_402 = vector.broadcast %add3A_400 : i32 to vector<16xi32>
    %add3A_403 = arith.addi %add3A_402, %iota3A_401 : vector<16xi32>
    %swap3A_404 = arith.constant 3 : i32
    %swap3A_405 = arith.index_cast %swap3A_404 : i32 to index
    %swap3A_406 = arith.constant 64 : index
    %swap3A_407 = tpu.vector_load %arg8[%swap3A_405, %swap3A_406] {strides = array<i32>} : memref<5x128xi32, #tpu.memory_space<vmem>>, vector<1x16xi32>,
    %swap3A_408 = vector.shape_cast %swap3A_407 : vector<1x16xi32> to vector<16xi32>
    %swap3A_409 = vector.shape_cast %add3A_403 : vector<16xi32> to vector<1x16xi32>
    tpu.vector_store %arg8[%swap3A_405, %swap3A_406], %swap3A_409 {strides = array<i32>} : memref<5x128xi32, #tpu.memory_space<vmem>>, vector<1x16xi32>,
    %add3A_410 = arith.constant 384 : i32
    %add3A_411 = arith.addi %mul3A_2, %add3A_410 : i32
    %add3A_412 = arith.constant 80 : i32
    %add3A_413 = arith.addi %add3A_411, %add3A_412 : i32
    %iota3A_414 = tpu.iota {dimensions = array<i32: 0>} : vector<16xi32>
    %add3A_415 = vector.broadcast %add3A_413 : i32 to vector<16xi32>
    %add3A_416 = arith.addi %add3A_415, %iota3A_414 : vector<16xi32>
    %swap3A_417 = arith.constant 3 : i32
    %swap3A_418 = arith.index_cast %swap3A_417 : i32 to index
    %swap3A_419 = arith.constant 80 : index
    %swap3A_420 = tpu.vector_load %arg8[%swap3A_418, %swap3A_419] {strides = array<i32>} : memref<5x128xi32, #tpu.memory_space<vmem>>, vector<1x16xi32>,
    %swap3A_421 = vector.shape_cast %swap3A_420 : vector<1x16xi32> to vector<16xi32>
    %swap3A_422 = vector.shape_cast %add3A_416 : vector<16xi32> to vector<1x16xi32>
    tpu.vector_store %arg8[%swap3A_418, %swap3A_419], %swap3A_422 {strides = array<i32>} : memref<5x128xi32, #tpu.memory_space<vmem>>, vector<1x16xi32>,
    %add3A_423 = arith.constant 384 : i32
    %add3A_424 = arith.addi %mul3A_2, %add3A_423 : i32
    %add3A_425 = arith.constant 96 : i32
    %add3A_426 = arith.addi %add3A_424, %add3A_425 : i32
    %iota3A_427 = tpu.iota {dimensions = array<i32: 0>} : vector<16xi32>
    %add3A_428 = vector.broadcast %add3A_426 : i32 to vector<16xi32>
    %add3A_429 = arith.addi %add3A_428, %iota3A_427 : vector<16xi32>
    %swap3A_430 = arith.constant 3 : i32
    %swap3A_431 = arith.index_cast %swap3A_430 : i32 to index
    %swap3A_432 = arith.constant 96 : index
    %swap3A_433 = tpu.vector_load %arg8[%swap3A_431, %swap3A_432] {strides = array<i32>} : memref<5x128xi32, #tpu.memory_space<vmem>>, vector<1x16xi32>,
    %swap3A_434 = vector.shape_cast %swap3A_433 : vector<1x16xi32> to vector<16xi32>
    %swap3A_435 = vector.shape_cast %add3A_429 : vector<16xi32> to vector<1x16xi32>
    tpu.vector_store %arg8[%swap3A_431, %swap3A_432], %swap3A_435 {strides = array<i32>} : memref<5x128xi32, #tpu.memory_space<vmem>>, vector<1x16xi32>,
    %add3A_436 = arith.constant 384 : i32
    %add3A_437 = arith.addi %mul3A_2, %add3A_436 : i32
    %add3A_438 = arith.constant 112 : i32
    %add3A_439 = arith.addi %add3A_437, %add3A_438 : i32
    %iota3A_440 = tpu.iota {dimensions = array<i32: 0>} : vector<16xi32>
    %add3A_441 = vector.broadcast %add3A_439 : i32 to vector<16xi32>
    %add3A_442 = arith.addi %add3A_441, %iota3A_440 : vector<16xi32>
    %swap3A_443 = arith.constant 3 : i32
    %swap3A_444 = arith.index_cast %swap3A_443 : i32 to index
    %swap3A_445 = arith.constant 112 : index
    %swap3A_446 = tpu.vector_load %arg8[%swap3A_444, %swap3A_445] {strides = array<i32>} : memref<5x128xi32, #tpu.memory_space<vmem>>, vector<1x16xi32>,
    %swap3A_447 = vector.shape_cast %swap3A_446 : vector<1x16xi32> to vector<16xi32>
    %swap3A_448 = vector.shape_cast %add3A_442 : vector<16xi32> to vector<1x16xi32>
    tpu.vector_store %arg8[%swap3A_444, %swap3A_445], %swap3A_448 {strides = array<i32>} : memref<5x128xi32, #tpu.memory_space<vmem>>, vector<1x16xi32>,
    %add3A_449 = arith.constant 512 : i32
    %add3A_450 = arith.addi %mul3A_2, %add3A_449 : i32
    %add3A_451 = arith.constant 0 : i32
    %add3A_452 = arith.addi %add3A_450, %add3A_451 : i32
    %iota3A_453 = tpu.iota {dimensions = array<i32: 0>} : vector<16xi32>
    %add3A_454 = vector.broadcast %add3A_452 : i32 to vector<16xi32>
    %add3A_455 = arith.addi %add3A_454, %iota3A_453 : vector<16xi32>
    %swap3A_456 = arith.constant 4 : i32
    %swap3A_457 = arith.index_cast %swap3A_456 : i32 to index
    %swap3A_458 = arith.constant 0 : index
    %swap3A_459 = tpu.vector_load %arg8[%swap3A_457, %swap3A_458] {strides = array<i32>} : memref<5x128xi32, #tpu.memory_space<vmem>>, vector<1x16xi32>,
    %swap3A_460 = vector.shape_cast %swap3A_459 : vector<1x16xi32> to vector<16xi32>
    %swap3A_461 = vector.shape_cast %add3A_455 : vector<16xi32> to vector<1x16xi32>
    tpu.vector_store %arg8[%swap3A_457, %swap3A_458], %swap3A_461 {strides = array<i32>} : memref<5x128xi32, #tpu.memory_space<vmem>>, vector<1x16xi32>,
    %add3A_462 = arith.constant 512 : i32
    %add3A_463 = arith.addi %mul3A_2, %add3A_462 : i32
    %add3A_464 = arith.constant 16 : i32
    %add3A_465 = arith.addi %add3A_463, %add3A_464 : i32
    %iota3A_466 = tpu.iota {dimensions = array<i32: 0>} : vector<16xi32>
    %add3A_467 = vector.broadcast %add3A_465 : i32 to vector<16xi32>
    %add3A_468 = arith.addi %add3A_467, %iota3A_466 : vector<16xi32>
    %swap3A_469 = arith.constant 4 : i32
    %swap3A_470 = arith.index_cast %swap3A_469 : i32 to index
    %swap3A_471 = arith.constant 16 : index
    %swap3A_472 = tpu.vector_load %arg8[%swap3A_470, %swap3A_471] {strides = array<i32>} : memref<5x128xi32, #tpu.memory_space<vmem>>, vector<1x16xi32>,
    %swap3A_473 = vector.shape_cast %swap3A_472 : vector<1x16xi32> to vector<16xi32>
    %swap3A_474 = vector.shape_cast %add3A_468 : vector<16xi32> to vector<1x16xi32>
    tpu.vector_store %arg8[%swap3A_470, %swap3A_471], %swap3A_474 {strides = array<i32>} : memref<5x128xi32, #tpu.memory_space<vmem>>, vector<1x16xi32>,
    %add3A_475 = arith.constant 512 : i32
    %add3A_476 = arith.addi %mul3A_2, %add3A_475 : i32
    %add3A_477 = arith.constant 32 : i32
    %add3A_478 = arith.addi %add3A_476, %add3A_477 : i32
    %iota3A_479 = tpu.iota {dimensions = array<i32: 0>} : vector<16xi32>
    %add3A_480 = vector.broadcast %add3A_478 : i32 to vector<16xi32>
    %add3A_481 = arith.addi %add3A_480, %iota3A_479 : vector<16xi32>
    %swap3A_482 = arith.constant 4 : i32
    %swap3A_483 = arith.index_cast %swap3A_482 : i32 to index
    %swap3A_484 = arith.constant 32 : index
    %swap3A_485 = tpu.vector_load %arg8[%swap3A_483, %swap3A_484] {strides = array<i32>} : memref<5x128xi32, #tpu.memory_space<vmem>>, vector<1x16xi32>,
    %swap3A_486 = vector.shape_cast %swap3A_485 : vector<1x16xi32> to vector<16xi32>
    %swap3A_487 = vector.shape_cast %add3A_481 : vector<16xi32> to vector<1x16xi32>
    tpu.vector_store %arg8[%swap3A_483, %swap3A_484], %swap3A_487 {strides = array<i32>} : memref<5x128xi32, #tpu.memory_space<vmem>>, vector<1x16xi32>,
    %add3A_488 = arith.constant 512 : i32
    %add3A_489 = arith.addi %mul3A_2, %add3A_488 : i32
    %add3A_490 = arith.constant 48 : i32
    %add3A_491 = arith.addi %add3A_489, %add3A_490 : i32
    %iota3A_492 = tpu.iota {dimensions = array<i32: 0>} : vector<16xi32>
    %add3A_493 = vector.broadcast %add3A_491 : i32 to vector<16xi32>
    %add3A_494 = arith.addi %add3A_493, %iota3A_492 : vector<16xi32>
    %swap3A_495 = arith.constant 4 : i32
    %swap3A_496 = arith.index_cast %swap3A_495 : i32 to index
    %swap3A_497 = arith.constant 48 : index
    %swap3A_498 = tpu.vector_load %arg8[%swap3A_496, %swap3A_497] {strides = array<i32>} : memref<5x128xi32, #tpu.memory_space<vmem>>, vector<1x16xi32>,
    %swap3A_499 = vector.shape_cast %swap3A_498 : vector<1x16xi32> to vector<16xi32>
    %swap3A_500 = vector.shape_cast %add3A_494 : vector<16xi32> to vector<1x16xi32>
    tpu.vector_store %arg8[%swap3A_496, %swap3A_497], %swap3A_500 {strides = array<i32>} : memref<5x128xi32, #tpu.memory_space<vmem>>, vector<1x16xi32>,
    %add3A_501 = arith.constant 512 : i32
    %add3A_502 = arith.addi %mul3A_2, %add3A_501 : i32
    %add3A_503 = arith.constant 64 : i32
    %add3A_504 = arith.addi %add3A_502, %add3A_503 : i32
    %iota3A_505 = tpu.iota {dimensions = array<i32: 0>} : vector<16xi32>
    %add3A_506 = vector.broadcast %add3A_504 : i32 to vector<16xi32>
    %add3A_507 = arith.addi %add3A_506, %iota3A_505 : vector<16xi32>
    %swap3A_508 = arith.constant 4 : i32
    %swap3A_509 = arith.index_cast %swap3A_508 : i32 to index
    %swap3A_510 = arith.constant 64 : index
    %swap3A_511 = tpu.vector_load %arg8[%swap3A_509, %swap3A_510] {strides = array<i32>} : memref<5x128xi32, #tpu.memory_space<vmem>>, vector<1x16xi32>,
    %swap3A_512 = vector.shape_cast %swap3A_511 : vector<1x16xi32> to vector<16xi32>
    %swap3A_513 = vector.shape_cast %add3A_507 : vector<16xi32> to vector<1x16xi32>
    tpu.vector_store %arg8[%swap3A_509, %swap3A_510], %swap3A_513 {strides = array<i32>} : memref<5x128xi32, #tpu.memory_space<vmem>>, vector<1x16xi32>,
    %add3A_514 = arith.constant 512 : i32
    %add3A_515 = arith.addi %mul3A_2, %add3A_514 : i32
    %add3A_516 = arith.constant 80 : i32
    %add3A_517 = arith.addi %add3A_515, %add3A_516 : i32
    %iota3A_518 = tpu.iota {dimensions = array<i32: 0>} : vector<16xi32>
    %add3A_519 = vector.broadcast %add3A_517 : i32 to vector<16xi32>
    %add3A_520 = arith.addi %add3A_519, %iota3A_518 : vector<16xi32>
    %swap3A_521 = arith.constant 4 : i32
    %swap3A_522 = arith.index_cast %swap3A_521 : i32 to index
    %swap3A_523 = arith.constant 80 : index
    %swap3A_524 = tpu.vector_load %arg8[%swap3A_522, %swap3A_523] {strides = array<i32>} : memref<5x128xi32, #tpu.memory_space<vmem>>, vector<1x16xi32>,
    %swap3A_525 = vector.shape_cast %swap3A_524 : vector<1x16xi32> to vector<16xi32>
    %swap3A_526 = vector.shape_cast %add3A_520 : vector<16xi32> to vector<1x16xi32>
    tpu.vector_store %arg8[%swap3A_522, %swap3A_523], %swap3A_526 {strides = array<i32>} : memref<5x128xi32, #tpu.memory_space<vmem>>, vector<1x16xi32>,
    %add3A_527 = arith.constant 512 : i32
    %add3A_528 = arith.addi %mul3A_2, %add3A_527 : i32
    %add3A_529 = arith.constant 96 : i32
    %add3A_530 = arith.addi %add3A_528, %add3A_529 : i32
    %iota3A_531 = tpu.iota {dimensions = array<i32: 0>} : vector<16xi32>
    %add3A_532 = vector.broadcast %add3A_530 : i32 to vector<16xi32>
    %add3A_533 = arith.addi %add3A_532, %iota3A_531 : vector<16xi32>
    %swap3A_534 = arith.constant 4 : i32
    %swap3A_535 = arith.index_cast %swap3A_534 : i32 to index
    %swap3A_536 = arith.constant 96 : index
    %swap3A_537 = tpu.vector_load %arg8[%swap3A_535, %swap3A_536] {strides = array<i32>} : memref<5x128xi32, #tpu.memory_space<vmem>>, vector<1x16xi32>,
    %swap3A_538 = vector.shape_cast %swap3A_537 : vector<1x16xi32> to vector<16xi32>
    %swap3A_539 = vector.shape_cast %add3A_533 : vector<16xi32> to vector<1x16xi32>
    tpu.vector_store %arg8[%swap3A_535, %swap3A_536], %swap3A_539 {strides = array<i32>} : memref<5x128xi32, #tpu.memory_space<vmem>>, vector<1x16xi32>,
    %add3A_540 = arith.constant 512 : i32
    %add3A_541 = arith.addi %mul3A_2, %add3A_540 : i32
    %add3A_542 = arith.constant 112 : i32
    %add3A_543 = arith.addi %add3A_541, %add3A_542 : i32
    %iota3A_544 = tpu.iota {dimensions = array<i32: 0>} : vector<16xi32>
    %add3A_545 = vector.broadcast %add3A_543 : i32 to vector<16xi32>
    %add3A_546 = arith.addi %add3A_545, %iota3A_544 : vector<16xi32>
    %swap3A_547 = arith.constant 4 : i32
    %swap3A_548 = arith.index_cast %swap3A_547 : i32 to index
    %swap3A_549 = arith.constant 112 : index
    %swap3A_550 = tpu.vector_load %arg8[%swap3A_548, %swap3A_549] {strides = array<i32>} : memref<5x128xi32, #tpu.memory_space<vmem>>, vector<1x16xi32>,
    %swap3A_551 = vector.shape_cast %swap3A_550 : vector<1x16xi32> to vector<16xi32>
    %swap3A_552 = vector.shape_cast %add3A_546 : vector<16xi32> to vector<1x16xi32>
    tpu.vector_store %arg8[%swap3A_548, %swap3A_549], %swap3A_552 {strides = array<i32>} : memref<5x128xi32, #tpu.memory_space<vmem>>, vector<1x16xi32>,
    %dma_start3A_553 = arith.constant 0 : i32
    %dma_start3A_554 = arith.constant 0 : i32
    %dma_start3A_555 = arith.constant 0 : i32
    %dma_start3A_556 = arith.constant 0 : i32
    %dma_start3A_557 = tpu.memref_slice %arg9[%dma_start3A_553, %dma_start3A_555, %dma_start3A_556] : memref<2x128x128xf32, #tpu.memory_space<vmem>> -> memref<1x128x128xf32, #tpu.memory_space<vmem>>
    %dma_start3A_558 = tpu.memref_squeeze %dma_start3A_557 : memref<1x128x128xf32, #tpu.memory_space<vmem>> -> memref<128x128xf32, #tpu.memory_space<vmem>>
    %dma_start3A_559 = arith.constant 0 : i32
    %dma_start3A_560 = tpu.memref_slice %arg8[%dma_start3A_554, %dma_start3A_559] : memref<5x128xi32, #tpu.memory_space<vmem>> -> memref<1x128xi32, #tpu.memory_space<vmem>>
    %dma_start3A_561 = tpu.memref_squeeze %dma_start3A_560 : memref<1x128xi32, #tpu.memory_space<vmem>> -> memref<128xi32, #tpu.memory_space<vmem>>
    %dma_start3A_562 = arith.constant 0 : i32
    %dma_start3A_563 = arith.constant 0 : i32
    %dma_start3A_564 = tpu.memref_slice %arg10[%dma_start3A_562, %dma_start3A_563] : memref<10240x128xf32, #tpu.memory_space<vmem_shared>> -> memref<10240x128xf32, #tpu.memory_space<vmem_shared>>
    tpu.enqueue_indirect_dma source(%dma_start3A_558 : memref<128x128xf32, #tpu.memory_space<vmem>>) target(%dma_start3A_564 : memref<10240x128xf32, #tpu.memory_space<vmem_shared>>) offsets(%dma_start3A_561 : memref<128xi32, #tpu.memory_space<vmem>>) semaphore(%arg12 : memref<!tpu.dma_semaphore, #tpu.memory_space<semaphore_mem>>)
    %dma_start3A_565 = arith.constant 0 : i32
    %dma_start3A_566 = arith.constant 1 : i32
    %dma_start3A_567 = arith.constant 0 : i32
    %dma_start3A_568 = arith.constant 0 : i32
    %dma_start3A_569 = tpu.memref_slice %arg9[%dma_start3A_565, %dma_start3A_567, %dma_start3A_568] : memref<2x128x128xf32, #tpu.memory_space<vmem>> -> memref<1x128x128xf32, #tpu.memory_space<vmem>>
    %dma_start3A_570 = tpu.memref_squeeze %dma_start3A_569 : memref<1x128x128xf32, #tpu.memory_space<vmem>> -> memref<128x128xf32, #tpu.memory_space<vmem>>
    %dma_start3A_571 = arith.constant 0 : i32
    %dma_start3A_572 = tpu.memref_slice %arg8[%dma_start3A_566, %dma_start3A_571] : memref<5x128xi32, #tpu.memory_space<vmem>> -> memref<1x128xi32, #tpu.memory_space<vmem>>
    %dma_start3A_573 = tpu.memref_squeeze %dma_start3A_572 : memref<1x128xi32, #tpu.memory_space<vmem>> -> memref<128xi32, #tpu.memory_space<vmem>>
    %dma_start3A_574 = arith.constant 0 : i32
    %dma_start3A_575 = arith.constant 0 : i32
    %dma_start3A_576 = tpu.memref_slice %arg10[%dma_start3A_574, %dma_start3A_575] : memref<10240x128xf32, #tpu.memory_space<vmem_shared>> -> memref<10240x128xf32, #tpu.memory_space<vmem_shared>>
    tpu.enqueue_indirect_dma source(%dma_start3A_570 : memref<128x128xf32, #tpu.memory_space<vmem>>) target(%dma_start3A_576 : memref<10240x128xf32, #tpu.memory_space<vmem_shared>>) offsets(%dma_start3A_573 : memref<128xi32, #tpu.memory_space<vmem>>) semaphore(%arg12 : memref<!tpu.dma_semaphore, #tpu.memory_space<semaphore_mem>>)
    %dma_start3A_577 = arith.constant 0 : i32
    %dma_start3A_578 = arith.constant 2 : i32
    %dma_start3A_579 = arith.constant 0 : i32
    %dma_start3A_580 = arith.constant 0 : i32
    %dma_start3A_581 = tpu.memref_slice %arg9[%dma_start3A_577, %dma_start3A_579, %dma_start3A_580] : memref<2x128x128xf32, #tpu.memory_space<vmem>> -> memref<1x128x128xf32, #tpu.memory_space<vmem>>
    %dma_start3A_582 = tpu.memref_squeeze %dma_start3A_581 : memref<1x128x128xf32, #tpu.memory_space<vmem>> -> memref<128x128xf32, #tpu.memory_space<vmem>>
    %dma_start3A_583 = arith.constant 0 : i32
    %dma_start3A_584 = tpu.memref_slice %arg8[%dma_start3A_578, %dma_start3A_583] : memref<5x128xi32, #tpu.memory_space<vmem>> -> memref<1x128xi32, #tpu.memory_space<vmem>>
    %dma_start3A_585 = tpu.memref_squeeze %dma_start3A_584 : memref<1x128xi32, #tpu.memory_space<vmem>> -> memref<128xi32, #tpu.memory_space<vmem>>
    %dma_start3A_586 = arith.constant 0 : i32
    %dma_start3A_587 = arith.constant 0 : i32
    %dma_start3A_588 = tpu.memref_slice %arg10[%dma_start3A_586, %dma_start3A_587] : memref<10240x128xf32, #tpu.memory_space<vmem_shared>> -> memref<10240x128xf32, #tpu.memory_space<vmem_shared>>
    tpu.enqueue_indirect_dma source(%dma_start3A_582 : memref<128x128xf32, #tpu.memory_space<vmem>>) target(%dma_start3A_588 : memref<10240x128xf32, #tpu.memory_space<vmem_shared>>) offsets(%dma_start3A_585 : memref<128xi32, #tpu.memory_space<vmem>>) semaphore(%arg12 : memref<!tpu.dma_semaphore, #tpu.memory_space<semaphore_mem>>)
    %dma_start3A_589 = arith.constant 0 : i32
    %dma_start3A_590 = arith.constant 3 : i32
    %dma_start3A_591 = arith.constant 0 : i32
    %dma_start3A_592 = arith.constant 0 : i32
    %dma_start3A_593 = tpu.memref_slice %arg9[%dma_start3A_589, %dma_start3A_591, %dma_start3A_592] : memref<2x128x128xf32, #tpu.memory_space<vmem>> -> memref<1x128x128xf32, #tpu.memory_space<vmem>>
    %dma_start3A_594 = tpu.memref_squeeze %dma_start3A_593 : memref<1x128x128xf32, #tpu.memory_space<vmem>> -> memref<128x128xf32, #tpu.memory_space<vmem>>
    %dma_start3A_595 = arith.constant 0 : i32
    %dma_start3A_596 = tpu.memref_slice %arg8[%dma_start3A_590, %dma_start3A_595] : memref<5x128xi32, #tpu.memory_space<vmem>> -> memref<1x128xi32, #tpu.memory_space<vmem>>
    %dma_start3A_597 = tpu.memref_squeeze %dma_start3A_596 : memref<1x128xi32, #tpu.memory_space<vmem>> -> memref<128xi32, #tpu.memory_space<vmem>>
    %dma_start3A_598 = arith.constant 0 : i32
    %dma_start3A_599 = arith.constant 0 : i32
    %dma_start3A_600 = tpu.memref_slice %arg10[%dma_start3A_598, %dma_start3A_599] : memref<10240x128xf32, #tpu.memory_space<vmem_shared>> -> memref<10240x128xf32, #tpu.memory_space<vmem_shared>>
    tpu.enqueue_indirect_dma source(%dma_start3A_594 : memref<128x128xf32, #tpu.memory_space<vmem>>) target(%dma_start3A_600 : memref<10240x128xf32, #tpu.memory_space<vmem_shared>>) offsets(%dma_start3A_597 : memref<128xi32, #tpu.memory_space<vmem>>) semaphore(%arg12 : memref<!tpu.dma_semaphore, #tpu.memory_space<semaphore_mem>>)
    %dma_start3A_601 = arith.constant 0 : i32
    %dma_start3A_602 = arith.constant 4 : i32
    %dma_start3A_603 = arith.constant 0 : i32
    %dma_start3A_604 = arith.constant 0 : i32
    %dma_start3A_605 = tpu.memref_slice %arg9[%dma_start3A_601, %dma_start3A_603, %dma_start3A_604] : memref<2x128x128xf32, #tpu.memory_space<vmem>> -> memref<1x128x128xf32, #tpu.memory_space<vmem>>
    %dma_start3A_606 = tpu.memref_squeeze %dma_start3A_605 : memref<1x128x128xf32, #tpu.memory_space<vmem>> -> memref<128x128xf32, #tpu.memory_space<vmem>>
    %dma_start3A_607 = arith.constant 0 : i32
    %dma_start3A_608 = tpu.memref_slice %arg8[%dma_start3A_602, %dma_start3A_607] : memref<5x128xi32, #tpu.memory_space<vmem>> -> memref<1x128xi32, #tpu.memory_space<vmem>>
    %dma_start3A_609 = tpu.memref_squeeze %dma_start3A_608 : memref<1x128xi32, #tpu.memory_space<vmem>> -> memref<128xi32, #tpu.memory_space<vmem>>
    %dma_start3A_610 = arith.constant 0 : i32
    %dma_start3A_611 = arith.constant 0 : i32
    %dma_start3A_612 = tpu.memref_slice %arg10[%dma_start3A_610, %dma_start3A_611] : memref<10240x128xf32, #tpu.memory_space<vmem_shared>> -> memref<10240x128xf32, #tpu.memory_space<vmem_shared>>
    tpu.enqueue_indirect_dma source(%dma_start3A_606 : memref<128x128xf32, #tpu.memory_space<vmem>>) target(%dma_start3A_612 : memref<10240x128xf32, #tpu.memory_space<vmem_shared>>) offsets(%dma_start3A_609 : memref<128xi32, #tpu.memory_space<vmem>>) semaphore(%arg12 : memref<!tpu.dma_semaphore, #tpu.memory_space<semaphore_mem>>)
    %dma_wait3A = arith.constant 0 : i32
    %dma_wait3A_613 = arith.constant 0 : i32
    %dma_wait3A_614 = arith.constant 0 : i32
    %dma_wait3A_615 = arith.constant 0 : i32
    %dma_wait3A_616 = tpu.memref_slice %arg9[%dma_wait3A, %dma_wait3A_614, %dma_wait3A_615] : memref<2x128x128xf32, #tpu.memory_space<vmem>> -> memref<1x128x128xf32, #tpu.memory_space<vmem>>
    %dma_wait3A_617 = tpu.memref_squeeze %dma_wait3A_616 : memref<1x128x128xf32, #tpu.memory_space<vmem>> -> memref<128x128xf32, #tpu.memory_space<vmem>>
    %dma_wait3A_618 = arith.constant 0 : i32
    %dma_wait3A_619 = tpu.memref_slice %arg8[%dma_wait3A_613, %dma_wait3A_618] : memref<5x128xi32, #tpu.memory_space<vmem>> -> memref<1x128xi32, #tpu.memory_space<vmem>>
    %dma_wait3A_620 = tpu.memref_squeeze %dma_wait3A_619 : memref<1x128xi32, #tpu.memory_space<vmem>> -> memref<128xi32, #tpu.memory_space<vmem>>
    %dma_wait3A_621 = arith.constant 0 : i32
    %dma_wait3A_622 = arith.constant 0 : i32
    %dma_wait3A_623 = tpu.memref_slice %arg10[%dma_wait3A_621, %dma_wait3A_622] : memref<10240x128xf32, #tpu.memory_space<vmem_shared>> -> memref<10240x128xf32, #tpu.memory_space<vmem_shared>>
    tpu.wait_indirect_dma semaphore(%arg12 : memref<!tpu.dma_semaphore, #tpu.memory_space<semaphore_mem>>) src(%dma_wait3A_617 : memref<128x128xf32, #tpu.memory_space<vmem>>) dst(%dma_wait3A_623 : memref<10240x128xf32, #tpu.memory_space<vmem_shared>>)
    %dma_wait3A_624 = arith.constant 0 : i32
    %dma_wait3A_625 = arith.constant 1 : i32
    %dma_wait3A_626 = arith.constant 0 : i32
    %dma_wait3A_627 = arith.constant 0 : i32
    %dma_wait3A_628 = tpu.memref_slice %arg9[%dma_wait3A_624, %dma_wait3A_626, %dma_wait3A_627] : memref<2x128x128xf32, #tpu.memory_space<vmem>> -> memref<1x128x128xf32, #tpu.memory_space<vmem>>
    %dma_wait3A_629 = tpu.memref_squeeze %dma_wait3A_628 : memref<1x128x128xf32, #tpu.memory_space<vmem>> -> memref<128x128xf32, #tpu.memory_space<vmem>>
    %dma_wait3A_630 = arith.constant 0 : i32
    %dma_wait3A_631 = tpu.memref_slice %arg8[%dma_wait3A_625, %dma_wait3A_630] : memref<5x128xi32, #tpu.memory_space<vmem>> -> memref<1x128xi32, #tpu.memory_space<vmem>>
    %dma_wait3A_632 = tpu.memref_squeeze %dma_wait3A_631 : memref<1x128xi32, #tpu.memory_space<vmem>> -> memref<128xi32, #tpu.memory_space<vmem>>
    %dma_wait3A_633 = arith.constant 0 : i32
    %dma_wait3A_634 = arith.constant 0 : i32
    %dma_wait3A_635 = tpu.memref_slice %arg10[%dma_wait3A_633, %dma_wait3A_634] : memref<10240x128xf32, #tpu.memory_space<vmem_shared>> -> memref<10240x128xf32, #tpu.memory_space<vmem_shared>>
    tpu.wait_indirect_dma semaphore(%arg12 : memref<!tpu.dma_semaphore, #tpu.memory_space<semaphore_mem>>) src(%dma_wait3A_629 : memref<128x128xf32, #tpu.memory_space<vmem>>) dst(%dma_wait3A_635 : memref<10240x128xf32, #tpu.memory_space<vmem_shared>>)
    %dma_wait3A_636 = arith.constant 0 : i32
    %dma_wait3A_637 = arith.constant 2 : i32
    %dma_wait3A_638 = arith.constant 0 : i32
    %dma_wait3A_639 = arith.constant 0 : i32
    %dma_wait3A_640 = tpu.memref_slice %arg9[%dma_wait3A_636, %dma_wait3A_638, %dma_wait3A_639] : memref<2x128x128xf32, #tpu.memory_space<vmem>> -> memref<1x128x128xf32, #tpu.memory_space<vmem>>
    %dma_wait3A_641 = tpu.memref_squeeze %dma_wait3A_640 : memref<1x128x128xf32, #tpu.memory_space<vmem>> -> memref<128x128xf32, #tpu.memory_space<vmem>>
    %dma_wait3A_642 = arith.constant 0 : i32
    %dma_wait3A_643 = tpu.memref_slice %arg8[%dma_wait3A_637, %dma_wait3A_642] : memref<5x128xi32, #tpu.memory_space<vmem>> -> memref<1x128xi32, #tpu.memory_space<vmem>>
    %dma_wait3A_644 = tpu.memref_squeeze %dma_wait3A_643 : memref<1x128xi32, #tpu.memory_space<vmem>> -> memref<128xi32, #tpu.memory_space<vmem>>
    %dma_wait3A_645 = arith.constant 0 : i32
    %dma_wait3A_646 = arith.constant 0 : i32
    %dma_wait3A_647 = tpu.memref_slice %arg10[%dma_wait3A_645, %dma_wait3A_646] : memref<10240x128xf32, #tpu.memory_space<vmem_shared>> -> memref<10240x128xf32, #tpu.memory_space<vmem_shared>>
    tpu.wait_indirect_dma semaphore(%arg12 : memref<!tpu.dma_semaphore, #tpu.memory_space<semaphore_mem>>) src(%dma_wait3A_641 : memref<128x128xf32, #tpu.memory_space<vmem>>) dst(%dma_wait3A_647 : memref<10240x128xf32, #tpu.memory_space<vmem_shared>>)
    %dma_wait3A_648 = arith.constant 0 : i32
    %dma_wait3A_649 = arith.constant 3 : i32
    %dma_wait3A_650 = arith.constant 0 : i32
    %dma_wait3A_651 = arith.constant 0 : i32
    %dma_wait3A_652 = tpu.memref_slice %arg9[%dma_wait3A_648, %dma_wait3A_650, %dma_wait3A_651] : memref<2x128x128xf32, #tpu.memory_space<vmem>> -> memref<1x128x128xf32, #tpu.memory_space<vmem>>
    %dma_wait3A_653 = tpu.memref_squeeze %dma_wait3A_652 : memref<1x128x128xf32, #tpu.memory_space<vmem>> -> memref<128x128xf32, #tpu.memory_space<vmem>>
    %dma_wait3A_654 = arith.constant 0 : i32
    %dma_wait3A_655 = tpu.memref_slice %arg8[%dma_wait3A_649, %dma_wait3A_654] : memref<5x128xi32, #tpu.memory_space<vmem>> -> memref<1x128xi32, #tpu.memory_space<vmem>>
    %dma_wait3A_656 = tpu.memref_squeeze %dma_wait3A_655 : memref<1x128xi32, #tpu.memory_space<vmem>> -> memref<128xi32, #tpu.memory_space<vmem>>
    %dma_wait3A_657 = arith.constant 0 : i32
    %dma_wait3A_658 = arith.constant 0 : i32
    %dma_wait3A_659 = tpu.memref_slice %arg10[%dma_wait3A_657, %dma_wait3A_658] : memref<10240x128xf32, #tpu.memory_space<vmem_shared>> -> memref<10240x128xf32, #tpu.memory_space<vmem_shared>>
    tpu.wait_indirect_dma semaphore(%arg12 : memref<!tpu.dma_semaphore, #tpu.memory_space<semaphore_mem>>) src(%dma_wait3A_653 : memref<128x128xf32, #tpu.memory_space<vmem>>) dst(%dma_wait3A_659 : memref<10240x128xf32, #tpu.memory_space<vmem_shared>>)
    %dma_wait3A_660 = arith.constant 0 : i32
    %dma_wait3A_661 = arith.constant 4 : i32
    %dma_wait3A_662 = arith.constant 0 : i32
    %dma_wait3A_663 = arith.constant 0 : i32
    %dma_wait3A_664 = tpu.memref_slice %arg9[%dma_wait3A_660, %dma_wait3A_662, %dma_wait3A_663] : memref<2x128x128xf32, #tpu.memory_space<vmem>> -> memref<1x128x128xf32, #tpu.memory_space<vmem>>
    %dma_wait3A_665 = tpu.memref_squeeze %dma_wait3A_664 : memref<1x128x128xf32, #tpu.memory_space<vmem>> -> memref<128x128xf32, #tpu.memory_space<vmem>>
    %dma_wait3A_666 = arith.constant 0 : i32
    %dma_wait3A_667 = tpu.memref_slice %arg8[%dma_wait3A_661, %dma_wait3A_666] : memref<5x128xi32, #tpu.memory_space<vmem>> -> memref<1x128xi32, #tpu.memory_space<vmem>>
    %dma_wait3A_668 = tpu.memref_squeeze %dma_wait3A_667 : memref<1x128xi32, #tpu.memory_space<vmem>> -> memref<128xi32, #tpu.memory_space<vmem>>
    %dma_wait3A_669 = arith.constant 0 : i32
    %dma_wait3A_670 = arith.constant 0 : i32
    %dma_wait3A_671 = tpu.memref_slice %arg10[%dma_wait3A_669, %dma_wait3A_670] : memref<10240x128xf32, #tpu.memory_space<vmem_shared>> -> memref<10240x128xf32, #tpu.memory_space<vmem_shared>>
    tpu.wait_indirect_dma semaphore(%arg12 : memref<!tpu.dma_semaphore, #tpu.memory_space<semaphore_mem>>) src(%dma_wait3A_665 : memref<128x128xf32, #tpu.memory_space<vmem>>) dst(%dma_wait3A_671 : memref<10240x128xf32, #tpu.memory_space<vmem_shared>>)
    %barrier3A = arith.constant 0 : index
    tpu.barrier barrier_id(%barrier3A)
    %dma_wait3A_672 = arith.constant 0 : i32
    %dma_wait3A_673 = arith.constant 0 : i32
    %dma_wait3A_674 = arith.constant 0 : i32
    %dma_wait3A_675 = tpu.memref_slice %arg6[%dma_wait3A_673, %dma_wait3A_674] : memref<3x128xi32, #tpu.memory_space<vmem>> -> memref<1x128xi32, #tpu.memory_space<vmem>>
    %dma_wait3A_676 = tpu.memref_squeeze %dma_wait3A_675 : memref<1x128xi32, #tpu.memory_space<vmem>> -> memref<128xi32, #tpu.memory_space<vmem>>
    %dma_wait3A_677 = arith.constant 0 : i32
    %dma_wait3A_678 = tpu.memref_slice %arg2[%add3A, %dma_wait3A_672, %dma_wait3A_677] : memref<32x79x128xi32, #tpu.memory_space<hbm>> -> memref<1x1x128xi32, #tpu.memory_space<hbm>>
    %dma_wait3A_679 = tpu.memref_squeeze %dma_wait3A_678 : memref<1x1x128xi32, #tpu.memory_space<hbm>> -> memref<128xi32, #tpu.memory_space<hbm>>
    %dma_wait3A_680 = arith.constant 0 : i32
    %dma_wait3A_681 = tpu.memref_slice %arg6[%dma_wait3A_673, %dma_wait3A_680] : memref<3x128xi32, #tpu.memory_space<vmem>> -> memref<1x128xi32, #tpu.memory_space<vmem>>
    %dma_wait3A_682 = tpu.memref_squeeze %dma_wait3A_681 : memref<1x128xi32, #tpu.memory_space<vmem>> -> memref<128xi32, #tpu.memory_space<vmem>>
    %dma_wait3A_683 = arith.constant 0 : i32
    %dma_wait3A_684 = tpu.memref_slice %arg2[%add3A, %dma_wait3A_672, %dma_wait3A_683] : memref<32x79x128xi32, #tpu.memory_space<hbm>> -> memref<1x1x128xi32, #tpu.memory_space<hbm>>
    %dma_wait3A_685 = tpu.memref_squeeze %dma_wait3A_684 : memref<1x1x128xi32, #tpu.memory_space<hbm>> -> memref<128xi32, #tpu.memory_space<hbm>>
    tpu.wait_dma2 semaphore(%arg13 : memref<!tpu.dma_semaphore, #tpu.memory_space<semaphore_mem>>) src(%dma_wait3A_685 : memref<128xi32, #tpu.memory_space<hbm>>) dst(%dma_wait3A_682 : memref<128xi32, #tpu.memory_space<vmem>>)
    %dma_wait3A_686 = arith.constant 0 : i32
    %dma_wait3A_687 = arith.constant 0 : i32
    %dma_wait3A_688 = arith.constant 0 : i32
    %dma_wait3A_689 = tpu.memref_slice %arg7[%dma_wait3A_687, %dma_wait3A_688] : memref<3x128xi32, #tpu.memory_space<vmem>> -> memref<1x128xi32, #tpu.memory_space<vmem>>
    %dma_wait3A_690 = tpu.memref_squeeze %dma_wait3A_689 : memref<1x128xi32, #tpu.memory_space<vmem>> -> memref<128xi32, #tpu.memory_space<vmem>>
    %dma_wait3A_691 = arith.constant 0 : i32
    %dma_wait3A_692 = tpu.memref_slice %arg3[%add3A, %dma_wait3A_686, %dma_wait3A_691] : memref<32x79x128xi32, #tpu.memory_space<hbm>> -> memref<1x1x128xi32, #tpu.memory_space<hbm>>
    %dma_wait3A_693 = tpu.memref_squeeze %dma_wait3A_692 : memref<1x1x128xi32, #tpu.memory_space<hbm>> -> memref<128xi32, #tpu.memory_space<hbm>>
    %dma_wait3A_694 = arith.constant 0 : i32
    %dma_wait3A_695 = tpu.memref_slice %arg7[%dma_wait3A_687, %dma_wait3A_694] : memref<3x128xi32, #tpu.memory_space<vmem>> -> memref<1x128xi32, #tpu.memory_space<vmem>>
    %dma_wait3A_696 = tpu.memref_squeeze %dma_wait3A_695 : memref<1x128xi32, #tpu.memory_space<vmem>> -> memref<128xi32, #tpu.memory_space<vmem>>
    %dma_wait3A_697 = arith.constant 0 : i32
    %dma_wait3A_698 = tpu.memref_slice %arg3[%add3A, %dma_wait3A_686, %dma_wait3A_697] : memref<32x79x128xi32, #tpu.memory_space<hbm>> -> memref<1x1x128xi32, #tpu.memory_space<hbm>>
    %dma_wait3A_699 = tpu.memref_squeeze %dma_wait3A_698 : memref<1x1x128xi32, #tpu.memory_space<hbm>> -> memref<128xi32, #tpu.memory_space<hbm>>
    tpu.wait_dma2 semaphore(%arg13 : memref<!tpu.dma_semaphore, #tpu.memory_space<semaphore_mem>>) src(%dma_wait3A_699 : memref<128xi32, #tpu.memory_space<hbm>>) dst(%dma_wait3A_696 : memref<128xi32, #tpu.memory_space<vmem>>)
    %dma_start3A_700 = arith.constant 1 : i32
    %dma_start3A_701 = arith.constant 1 : i32
    %dma_start3A_702 = arith.constant 0 : i32
    %dma_start3A_703 = tpu.memref_slice %arg6[%dma_start3A_701, %dma_start3A_702] : memref<3x128xi32, #tpu.memory_space<vmem>> -> memref<1x128xi32, #tpu.memory_space<vmem>>
    %dma_start3A_704 = tpu.memref_squeeze %dma_start3A_703 : memref<1x128xi32, #tpu.memory_space<vmem>> -> memref<128xi32, #tpu.memory_space<vmem>>
    %dma_start3A_705 = arith.constant 0 : i32
    %dma_start3A_706 = tpu.memref_slice %arg2[%add3A, %dma_start3A_700, %dma_start3A_705] : memref<32x79x128xi32, #tpu.memory_space<hbm>> -> memref<1x1x128xi32, #tpu.memory_space<hbm>>
    %dma_start3A_707 = tpu.memref_squeeze %dma_start3A_706 : memref<1x1x128xi32, #tpu.memory_space<hbm>> -> memref<128xi32, #tpu.memory_space<hbm>>
    %dma_start3A_708 = arith.constant 0 : i32
    %dma_start3A_709 = tpu.memref_slice %arg6[%dma_start3A_701, %dma_start3A_708] : memref<3x128xi32, #tpu.memory_space<vmem>> -> memref<1x128xi32, #tpu.memory_space<vmem>>
    %dma_start3A_710 = tpu.memref_squeeze %dma_start3A_709 : memref<1x128xi32, #tpu.memory_space<vmem>> -> memref<128xi32, #tpu.memory_space<vmem>>
    %dma_start3A_711 = arith.constant 0 : i32
    %dma_start3A_712 = tpu.memref_slice %arg2[%add3A, %dma_start3A_700, %dma_start3A_711] : memref<32x79x128xi32, #tpu.memory_space<hbm>> -> memref<1x1x128xi32, #tpu.memory_space<hbm>>
    %dma_start3A_713 = tpu.memref_squeeze %dma_start3A_712 : memref<1x1x128xi32, #tpu.memory_space<hbm>> -> memref<128xi32, #tpu.memory_space<hbm>>
    tpu.enqueue_dma source(%dma_start3A_713 : memref<128xi32, #tpu.memory_space<hbm>>) target(%dma_start3A_710 : memref<128xi32, #tpu.memory_space<vmem>>) target_semaphore(%arg13 : memref<!tpu.dma_semaphore, #tpu.memory_space<semaphore_mem>>)
    %dma_start3A_714 = arith.constant 1 : i32
    %dma_start3A_715 = arith.constant 1 : i32
    %dma_start3A_716 = arith.constant 0 : i32
    %dma_start3A_717 = tpu.memref_slice %arg7[%dma_start3A_715, %dma_start3A_716] : memref<3x128xi32, #tpu.memory_space<vmem>> -> memref<1x128xi32, #tpu.memory_space<vmem>>
    %dma_start3A_718 = tpu.memref_squeeze %dma_start3A_717 : memref<1x128xi32, #tpu.memory_space<vmem>> -> memref<128xi32, #tpu.memory_space<vmem>>
    %dma_start3A_719 = arith.constant 0 : i32
    %dma_start3A_720 = tpu.memref_slice %arg3[%add3A, %dma_start3A_714, %dma_start3A_719] : memref<32x79x128xi32, #tpu.memory_space<hbm>> -> memref<1x1x128xi32, #tpu.memory_space<hbm>>
    %dma_start3A_721 = tpu.memref_squeeze %dma_start3A_720 : memref<1x1x128xi32, #tpu.memory_space<hbm>> -> memref<128xi32, #tpu.memory_space<hbm>>
    %dma_start3A_722 = arith.constant 0 : i32
    %dma_start3A_723 = tpu.memref_slice %arg7[%dma_start3A_715, %dma_start3A_722] : memref<3x128xi32, #tpu.memory_space<vmem>> -> memref<1x128xi32, #tpu.memory_space<vmem>>
    %dma_start3A_724 = tpu.memref_squeeze %dma_start3A_723 : memref<1x128xi32, #tpu.memory_space<vmem>> -> memref<128xi32, #tpu.memory_space<vmem>>
    %dma_start3A_725 = arith.constant 0 : i32
    %dma_start3A_726 = tpu.memref_slice %arg3[%add3A, %dma_start3A_714, %dma_start3A_725] : memref<32x79x128xi32, #tpu.memory_space<hbm>> -> memref<1x1x128xi32, #tpu.memory_space<hbm>>
    %dma_start3A_727 = tpu.memref_squeeze %dma_start3A_726 : memref<1x1x128xi32, #tpu.memory_space<hbm>> -> memref<128xi32, #tpu.memory_space<hbm>>
    tpu.enqueue_dma source(%dma_start3A_727 : memref<128xi32, #tpu.memory_space<hbm>>) target(%dma_start3A_724 : memref<128xi32, #tpu.memory_space<vmem>>) target_semaphore(%arg13 : memref<!tpu.dma_semaphore, #tpu.memory_space<semaphore_mem>>)
    %dma_start3A_728 = arith.constant 0 : i32
    %dma_start3A_729 = arith.constant 0 : i32
    %dma_start3A_730 = arith.constant 0 : i32
    %dma_start3A_731 = arith.constant 0 : i32
    %dma_start3A_732 = tpu.memref_slice %arg9[%dma_start3A_729, %dma_start3A_730, %dma_start3A_731] : memref<2x128x128xf32, #tpu.memory_space<vmem>> -> memref<1x128x128xf32, #tpu.memory_space<vmem>>
    %dma_start3A_733 = tpu.memref_squeeze %dma_start3A_732 : memref<1x128x128xf32, #tpu.memory_space<vmem>> -> memref<128x128xf32, #tpu.memory_space<vmem>>
    %dma_start3A_734 = arith.constant 0 : i32
    %dma_start3A_735 = tpu.memref_slice %arg6[%dma_start3A_728, %dma_start3A_734] : memref<3x128xi32, #tpu.memory_space<vmem>> -> memref<1x128xi32, #tpu.memory_space<vmem>>
    %dma_start3A_736 = tpu.memref_squeeze %dma_start3A_735 : memref<1x128xi32, #tpu.memory_space<vmem>> -> memref<128xi32, #tpu.memory_space<vmem>>
    %dma_start3A_737 = arith.constant 0 : i32
    %dma_start3A_738 = arith.constant 0 : i32
    %dma_start3A_739 = tpu.memref_slice %arg4[%dma_start3A_737, %dma_start3A_738] : memref<10240x128xf32, #tpu.memory_space<hbm>> -> memref<10240x128xf32, #tpu.memory_space<hbm>>
    tpu.enqueue_indirect_dma source(%dma_start3A_739 : memref<10240x128xf32, #tpu.memory_space<hbm>>) target(%dma_start3A_733 : memref<128x128xf32, #tpu.memory_space<vmem>>) offsets(%dma_start3A_736 : memref<128xi32, #tpu.memory_space<vmem>>) semaphore(%arg11 : memref<!tpu.dma_semaphore, #tpu.memory_space<semaphore_mem>>)
    %scan3A_740 = arith.constant 0 : i32
    %scan3A_741 = arith.constant 0 : i32
    %scan3A_742 = arith.constant 79 : i32
    %scan3A_743 = arith.addi %scan3A_741, %scan3A_742 : i32
    %scan3A_744 = arith.constant 1 : i32
    scf.for %scan3A_1062 = %scan3A_741 to %scan3A_743 step %scan3A_744  : i32 {
      %rem3A_1063 = arith.constant 2 : i32
      %rem3A_1064 = arith.remsi %scan3A_1062, %rem3A_1063 : i32
      %rem3A_1065 = arith.constant 3 : i32
      %rem3A_1066 = arith.remsi %scan3A_1062, %rem3A_1065 : i32
      %add3A_1067 = arith.constant 1 : i32
      %add3A_1068 = arith.addi %scan3A_1062, %add3A_1067 : i32
      %rem3A_1069 = arith.constant 3 : i32
      %rem3A_1070 = arith.remsi %add3A_1068, %rem3A_1069 : i32
      %add3A_1071 = arith.constant 2 : i32
      %add3A_1072 = arith.addi %scan3A_1062, %add3A_1071 : i32
      %rem3A_1073 = arith.constant 3 : i32
      %rem3A_1074 = arith.remsi %add3A_1072, %rem3A_1073 : i32
      %dma_wait3A_1075 = arith.constant 0 : i32
      %dma_wait3A_1076 = arith.constant 0 : i32
      %dma_wait3A_1077 = tpu.memref_slice %arg9[%rem3A_1064, %dma_wait3A_1075, %dma_wait3A_1076] : memref<2x128x128xf32, #tpu.memory_space<vmem>> -> memref<1x128x128xf32, #tpu.memory_space<vmem>>
      %dma_wait3A_1078 = tpu.memref_squeeze %dma_wait3A_1077 : memref<1x128x128xf32, #tpu.memory_space<vmem>> -> memref<128x128xf32, #tpu.memory_space<vmem>>
      %dma_wait3A_1079 = arith.constant 0 : i32
      %dma_wait3A_1080 = tpu.memref_slice %arg6[%rem3A_1066, %dma_wait3A_1079] : memref<3x128xi32, #tpu.memory_space<vmem>> -> memref<1x128xi32, #tpu.memory_space<vmem>>
      %dma_wait3A_1081 = tpu.memref_squeeze %dma_wait3A_1080 : memref<1x128xi32, #tpu.memory_space<vmem>> -> memref<128xi32, #tpu.memory_space<vmem>>
      %dma_wait3A_1082 = arith.constant 0 : i32
      %dma_wait3A_1083 = arith.constant 0 : i32
      %dma_wait3A_1084 = tpu.memref_slice %arg4[%dma_wait3A_1082, %dma_wait3A_1083] : memref<10240x128xf32, #tpu.memory_space<hbm>> -> memref<10240x128xf32, #tpu.memory_space<hbm>>
      tpu.wait_indirect_dma semaphore(%arg11 : memref<!tpu.dma_semaphore, #tpu.memory_space<semaphore_mem>>) src(%dma_wait3A_1084 : memref<10240x128xf32, #tpu.memory_space<hbm>>) dst(%dma_wait3A_1078 : memref<128x128xf32, #tpu.memory_space<vmem>>)
      %add3A_1085 = arith.constant 1 : i32
      %add3A_1086 = arith.addi %scan3A_1062, %add3A_1085 : i32
      %lt3A = arith.constant 79 : i32
      %lt3A_1087 = arith.cmpi slt, %add3A_1086, %lt3A : i32
      %convert_element_type3A = arith.extui %lt3A_1087 : i1 to i32
      %cond3A = arith.constant 0 : i32
      %cond3A_1088 = arith.cmpi ne, %convert_element_type3A, %cond3A : i32
      scf.if %cond3A_1088 {
        %dma_wait3A_1106 = arith.constant 0 : i32
        %dma_wait3A_1107 = tpu.memref_slice %arg6[%rem3A_1070, %dma_wait3A_1106] : memref<3x128xi32, #tpu.memory_space<vmem>> -> memref<1x128xi32, #tpu.memory_space<vmem>>
        %dma_wait3A_1108 = tpu.memref_squeeze %dma_wait3A_1107 : memref<1x128xi32, #tpu.memory_space<vmem>> -> memref<128xi32, #tpu.memory_space<vmem>>
        %dma_wait3A_1109 = arith.constant 0 : i32
        %dma_wait3A_1110 = tpu.memref_slice %arg2[%add3A, %scan3A_1062, %dma_wait3A_1109] : memref<32x79x128xi32, #tpu.memory_space<hbm>> -> memref<1x1x128xi32, #tpu.memory_space<hbm>>
        %dma_wait3A_1111 = tpu.memref_squeeze %dma_wait3A_1110 : memref<1x1x128xi32, #tpu.memory_space<hbm>> -> memref<128xi32, #tpu.memory_space<hbm>>
        %dma_wait3A_1112 = arith.constant 0 : i32
        %dma_wait3A_1113 = tpu.memref_slice %arg6[%rem3A_1070, %dma_wait3A_1112] : memref<3x128xi32, #tpu.memory_space<vmem>> -> memref<1x128xi32, #tpu.memory_space<vmem>>
        %dma_wait3A_1114 = tpu.memref_squeeze %dma_wait3A_1113 : memref<1x128xi32, #tpu.memory_space<vmem>> -> memref<128xi32, #tpu.memory_space<vmem>>
        %dma_wait3A_1115 = arith.constant 0 : i32
        %dma_wait3A_1116 = tpu.memref_slice %arg2[%add3A, %scan3A_1062, %dma_wait3A_1115] : memref<32x79x128xi32, #tpu.memory_space<hbm>> -> memref<1x1x128xi32, #tpu.memory_space<hbm>>
        %dma_wait3A_1117 = tpu.memref_squeeze %dma_wait3A_1116 : memref<1x1x128xi32, #tpu.memory_space<hbm>> -> memref<128xi32, #tpu.memory_space<hbm>>
        tpu.wait_dma2 semaphore(%arg13 : memref<!tpu.dma_semaphore, #tpu.memory_space<semaphore_mem>>) src(%dma_wait3A_1117 : memref<128xi32, #tpu.memory_space<hbm>>) dst(%dma_wait3A_1114 : memref<128xi32, #tpu.memory_space<vmem>>)
        %dma_wait3A_1118 = arith.constant 0 : i32
        %dma_wait3A_1119 = tpu.memref_slice %arg7[%rem3A_1070, %dma_wait3A_1118] : memref<3x128xi32, #tpu.memory_space<vmem>> -> memref<1x128xi32, #tpu.memory_space<vmem>>
        %dma_wait3A_1120 = tpu.memref_squeeze %dma_wait3A_1119 : memref<1x128xi32, #tpu.memory_space<vmem>> -> memref<128xi32, #tpu.memory_space<vmem>>
        %dma_wait3A_1121 = arith.constant 0 : i32
        %dma_wait3A_1122 = tpu.memref_slice %arg3[%add3A, %scan3A_1062, %dma_wait3A_1121] : memref<32x79x128xi32, #tpu.memory_space<hbm>> -> memref<1x1x128xi32, #tpu.memory_space<hbm>>
        %dma_wait3A_1123 = tpu.memref_squeeze %dma_wait3A_1122 : memref<1x1x128xi32, #tpu.memory_space<hbm>> -> memref<128xi32, #tpu.memory_space<hbm>>
        %dma_wait3A_1124 = arith.constant 0 : i32
        %dma_wait3A_1125 = tpu.memref_slice %arg7[%rem3A_1070, %dma_wait3A_1124] : memref<3x128xi32, #tpu.memory_space<vmem>> -> memref<1x128xi32, #tpu.memory_space<vmem>>
        %dma_wait3A_1126 = tpu.memref_squeeze %dma_wait3A_1125 : memref<1x128xi32, #tpu.memory_space<vmem>> -> memref<128xi32, #tpu.memory_space<vmem>>
        %dma_wait3A_1127 = arith.constant 0 : i32
        %dma_wait3A_1128 = tpu.memref_slice %arg3[%add3A, %scan3A_1062, %dma_wait3A_1127] : memref<32x79x128xi32, #tpu.memory_space<hbm>> -> memref<1x1x128xi32, #tpu.memory_space<hbm>>
        %dma_wait3A_1129 = tpu.memref_squeeze %dma_wait3A_1128 : memref<1x1x128xi32, #tpu.memory_space<hbm>> -> memref<128xi32, #tpu.memory_space<hbm>>
        tpu.wait_dma2 semaphore(%arg13 : memref<!tpu.dma_semaphore, #tpu.memory_space<semaphore_mem>>) src(%dma_wait3A_1129 : memref<128xi32, #tpu.memory_space<hbm>>) dst(%dma_wait3A_1126 : memref<128xi32, #tpu.memory_space<vmem>>)
        %ge3A = arith.constant 1 : i32
        %ge3A_1130 = arith.cmpi sge, %scan3A_1062, %ge3A : i32
        %convert_element_type3A_1131 = arith.extui %ge3A_1130 : i1 to i32
        %cond3A_1132 = arith.constant 0 : i32
        %cond3A_1133 = arith.cmpi ne, %convert_element_type3A_1131, %cond3A_1132 : i32
        scf.if %cond3A_1133 {
          %sub3A_1146 = arith.constant 1 : i32
          %sub3A_1147 = arith.subi %sub3A_1146, %rem3A_1064 : i32
          %dma_wait3A_1148 = arith.constant 0 : i32
          %dma_wait3A_1149 = arith.constant 0 : i32
          %dma_wait3A_1150 = arith.constant 0 : i32
          %dma_wait3A_1151 = tpu.memref_slice %arg9[%sub3A_1147, %dma_wait3A_1149, %dma_wait3A_1150] : memref<2x128x128xf32, #tpu.memory_space<vmem>> -> memref<1x128x128xf32, #tpu.memory_space<vmem>>
          %dma_wait3A_1152 = tpu.memref_squeeze %dma_wait3A_1151 : memref<1x128x128xf32, #tpu.memory_space<vmem>> -> memref<128x128xf32, #tpu.memory_space<vmem>>
          %dma_wait3A_1153 = arith.constant 0 : i32
          %dma_wait3A_1154 = tpu.memref_slice %arg8[%dma_wait3A_1148, %dma_wait3A_1153] : memref<5x128xi32, #tpu.memory_space<vmem>> -> memref<1x128xi32, #tpu.memory_space<vmem>>
          %dma_wait3A_1155 = tpu.memref_squeeze %dma_wait3A_1154 : memref<1x128xi32, #tpu.memory_space<vmem>> -> memref<128xi32, #tpu.memory_space<vmem>>
          %dma_wait3A_1156 = arith.constant 0 : i32
          %dma_wait3A_1157 = arith.constant 0 : i32
          %dma_wait3A_1158 = tpu.memref_slice %arg10[%dma_wait3A_1156, %dma_wait3A_1157] : memref<10240x128xf32, #tpu.memory_space<vmem_shared>> -> memref<10240x128xf32, #tpu.memory_space<vmem_shared>>
          tpu.wait_indirect_dma semaphore(%arg12 : memref<!tpu.dma_semaphore, #tpu.memory_space<semaphore_mem>>) src(%dma_wait3A_1152 : memref<128x128xf32, #tpu.memory_space<vmem>>) dst(%dma_wait3A_1158 : memref<10240x128xf32, #tpu.memory_space<vmem_shared>>)
        } else {
        }
        %sub3A_1134 = arith.constant 1 : i32
        %sub3A_1135 = arith.subi %sub3A_1134, %rem3A_1064 : i32
        %dma_start3A_1136 = arith.constant 0 : i32
        %dma_start3A_1137 = arith.constant 0 : i32
        %dma_start3A_1138 = tpu.memref_slice %arg9[%sub3A_1135, %dma_start3A_1136, %dma_start3A_1137] : memref<2x128x128xf32, #tpu.memory_space<vmem>> -> memref<1x128x128xf32, #tpu.memory_space<vmem>>
        %dma_start3A_1139 = tpu.memref_squeeze %dma_start3A_1138 : memref<1x128x128xf32, #tpu.memory_space<vmem>> -> memref<128x128xf32, #tpu.memory_space<vmem>>
        %dma_start3A_1140 = arith.constant 0 : i32
        %dma_start3A_1141 = tpu.memref_slice %arg6[%rem3A_1070, %dma_start3A_1140] : memref<3x128xi32, #tpu.memory_space<vmem>> -> memref<1x128xi32, #tpu.memory_space<vmem>>
        %dma_start3A_1142 = tpu.memref_squeeze %dma_start3A_1141 : memref<1x128xi32, #tpu.memory_space<vmem>> -> memref<128xi32, #tpu.memory_space<vmem>>
        %dma_start3A_1143 = arith.constant 0 : i32
        %dma_start3A_1144 = arith.constant 0 : i32
        %dma_start3A_1145 = tpu.memref_slice %arg4[%dma_start3A_1143, %dma_start3A_1144] : memref<10240x128xf32, #tpu.memory_space<hbm>> -> memref<10240x128xf32, #tpu.memory_space<hbm>>
        tpu.enqueue_indirect_dma source(%dma_start3A_1145 : memref<10240x128xf32, #tpu.memory_space<hbm>>) target(%dma_start3A_1139 : memref<128x128xf32, #tpu.memory_space<vmem>>) offsets(%dma_start3A_1142 : memref<128xi32, #tpu.memory_space<vmem>>) semaphore(%arg11 : memref<!tpu.dma_semaphore, #tpu.memory_space<semaphore_mem>>)
      } else {
      }
      %add3A_1089 = arith.constant 2 : i32
      %add3A_1090 = arith.addi %scan3A_1062, %add3A_1089 : i32
      %lt3A_1091 = arith.constant 79 : i32
      %lt3A_1092 = arith.cmpi slt, %add3A_1090, %lt3A_1091 : i32
      %convert_element_type3A_1093 = arith.extui %lt3A_1092 : i1 to i32
      %cond3A_1094 = arith.constant 0 : i32
      %cond3A_1095 = arith.cmpi ne, %convert_element_type3A_1093, %cond3A_1094 : i32
      scf.if %cond3A_1095 {
        %add3A_1106 = arith.constant 2 : i32
        %add3A_1107 = arith.addi %scan3A_1062, %add3A_1106 : i32
        %dma_start3A_1108 = arith.constant 0 : i32
        %dma_start3A_1109 = tpu.memref_slice %arg6[%rem3A_1074, %dma_start3A_1108] : memref<3x128xi32, #tpu.memory_space<vmem>> -> memref<1x128xi32, #tpu.memory_space<vmem>>
        %dma_start3A_1110 = tpu.memref_squeeze %dma_start3A_1109 : memref<1x128xi32, #tpu.memory_space<vmem>> -> memref<128xi32, #tpu.memory_space<vmem>>
        %dma_start3A_1111 = arith.constant 0 : i32
        %dma_start3A_1112 = tpu.memref_slice %arg2[%add3A, %add3A_1107, %dma_start3A_1111] : memref<32x79x128xi32, #tpu.memory_space<hbm>> -> memref<1x1x128xi32, #tpu.memory_space<hbm>>
        %dma_start3A_1113 = tpu.memref_squeeze %dma_start3A_1112 : memref<1x1x128xi32, #tpu.memory_space<hbm>> -> memref<128xi32, #tpu.memory_space<hbm>>
        %dma_start3A_1114 = arith.constant 0 : i32
        %dma_start3A_1115 = tpu.memref_slice %arg6[%rem3A_1074, %dma_start3A_1114] : memref<3x128xi32, #tpu.memory_space<vmem>> -> memref<1x128xi32, #tpu.memory_space<vmem>>
        %dma_start3A_1116 = tpu.memref_squeeze %dma_start3A_1115 : memref<1x128xi32, #tpu.memory_space<vmem>> -> memref<128xi32, #tpu.memory_space<vmem>>
        %dma_start3A_1117 = arith.constant 0 : i32
        %dma_start3A_1118 = tpu.memref_slice %arg2[%add3A, %add3A_1107, %dma_start3A_1117] : memref<32x79x128xi32, #tpu.memory_space<hbm>> -> memref<1x1x128xi32, #tpu.memory_space<hbm>>
        %dma_start3A_1119 = tpu.memref_squeeze %dma_start3A_1118 : memref<1x1x128xi32, #tpu.memory_space<hbm>> -> memref<128xi32, #tpu.memory_space<hbm>>
        tpu.enqueue_dma source(%dma_start3A_1119 : memref<128xi32, #tpu.memory_space<hbm>>) target(%dma_start3A_1116 : memref<128xi32, #tpu.memory_space<vmem>>) target_semaphore(%arg13 : memref<!tpu.dma_semaphore, #tpu.memory_space<semaphore_mem>>)
        %add3A_1120 = arith.constant 2 : i32
        %add3A_1121 = arith.addi %scan3A_1062, %add3A_1120 : i32
        %dma_start3A_1122 = arith.constant 0 : i32
        %dma_start3A_1123 = tpu.memref_slice %arg7[%rem3A_1074, %dma_start3A_1122] : memref<3x128xi32, #tpu.memory_space<vmem>> -> memref<1x128xi32, #tpu.memory_space<vmem>>
        %dma_start3A_1124 = tpu.memref_squeeze %dma_start3A_1123 : memref<1x128xi32, #tpu.memory_space<vmem>> -> memref<128xi32, #tpu.memory_space<vmem>>
        %dma_start3A_1125 = arith.constant 0 : i32
        %dma_start3A_1126 = tpu.memref_slice %arg3[%add3A, %add3A_1121, %dma_start3A_1125] : memref<32x79x128xi32, #tpu.memory_space<hbm>> -> memref<1x1x128xi32, #tpu.memory_space<hbm>>
        %dma_start3A_1127 = tpu.memref_squeeze %dma_start3A_1126 : memref<1x1x128xi32, #tpu.memory_space<hbm>> -> memref<128xi32, #tpu.memory_space<hbm>>
        %dma_start3A_1128 = arith.constant 0 : i32
        %dma_start3A_1129 = tpu.memref_slice %arg7[%rem3A_1074, %dma_start3A_1128] : memref<3x128xi32, #tpu.memory_space<vmem>> -> memref<1x128xi32, #tpu.memory_space<vmem>>
        %dma_start3A_1130 = tpu.memref_squeeze %dma_start3A_1129 : memref<1x128xi32, #tpu.memory_space<vmem>> -> memref<128xi32, #tpu.memory_space<vmem>>
        %dma_start3A_1131 = arith.constant 0 : i32
        %dma_start3A_1132 = tpu.memref_slice %arg3[%add3A, %add3A_1121, %dma_start3A_1131] : memref<32x79x128xi32, #tpu.memory_space<hbm>> -> memref<1x1x128xi32, #tpu.memory_space<hbm>>
        %dma_start3A_1133 = tpu.memref_squeeze %dma_start3A_1132 : memref<1x1x128xi32, #tpu.memory_space<hbm>> -> memref<128xi32, #tpu.memory_space<hbm>>
        tpu.enqueue_dma source(%dma_start3A_1133 : memref<128xi32, #tpu.memory_space<hbm>>) target(%dma_start3A_1130 : memref<128xi32, #tpu.memory_space<vmem>>) target_semaphore(%arg13 : memref<!tpu.dma_semaphore, #tpu.memory_space<semaphore_mem>>)
      } else {
      }
      %dma_start3A_1096 = arith.constant 0 : i32
      %dma_start3A_1097 = arith.constant 0 : i32
      %dma_start3A_1098 = tpu.memref_slice %arg9[%rem3A_1064, %dma_start3A_1096, %dma_start3A_1097] : memref<2x128x128xf32, #tpu.memory_space<vmem>> -> memref<1x128x128xf32, #tpu.memory_space<vmem>>
      %dma_start3A_1099 = tpu.memref_squeeze %dma_start3A_1098 : memref<1x128x128xf32, #tpu.memory_space<vmem>> -> memref<128x128xf32, #tpu.memory_space<vmem>>
      %dma_start3A_1100 = arith.constant 0 : i32
      %dma_start3A_1101 = tpu.memref_slice %arg7[%rem3A_1066, %dma_start3A_1100] : memref<3x128xi32, #tpu.memory_space<vmem>> -> memref<1x128xi32, #tpu.memory_space<vmem>>
      %dma_start3A_1102 = tpu.memref_squeeze %dma_start3A_1101 : memref<1x128xi32, #tpu.memory_space<vmem>> -> memref<128xi32, #tpu.memory_space<vmem>>
      %dma_start3A_1103 = arith.constant 0 : i32
      %dma_start3A_1104 = arith.constant 0 : i32
      %dma_start3A_1105 = tpu.memref_slice %arg10[%dma_start3A_1103, %dma_start3A_1104] : memref<10240x128xf32, #tpu.memory_space<vmem_shared>> -> memref<10240x128xf32, #tpu.memory_space<vmem_shared>>
      tpu.enqueue_indirect_dma source(%dma_start3A_1099 : memref<128x128xf32, #tpu.memory_space<vmem>>) target(%dma_start3A_1105 : memref<10240x128xf32, #tpu.memory_space<vmem_shared>>) offsets(%dma_start3A_1102 : memref<128xi32, #tpu.memory_space<vmem>>) semaphore(%arg12 : memref<!tpu.dma_semaphore, #tpu.memory_space<semaphore_mem>>) {add = true}
    }
    %scan3A_745 = arith.constant 79 : i32
    %rem3A = arith.constant 78 : i32
    %rem3A_746 = arith.constant 2 : i32
    %rem3A_747 = arith.remsi %rem3A, %rem3A_746 : i32
    %sub3A = arith.constant 1 : i32
    %sub3A_748 = arith.subi %sub3A, %rem3A_747 : i32
    %dma_wait3A_749 = arith.constant 0 : i32
    %dma_wait3A_750 = arith.constant 0 : i32
    %dma_wait3A_751 = arith.constant 0 : i32
    %dma_wait3A_752 = tpu.memref_slice %arg9[%sub3A_748, %dma_wait3A_750, %dma_wait3A_751] : memref<2x128x128xf32, #tpu.memory_space<vmem>> -> memref<1x128x128xf32, #tpu.memory_space<vmem>>
    %dma_wait3A_753 = tpu.memref_squeeze %dma_wait3A_752 : memref<1x128x128xf32, #tpu.memory_space<vmem>> -> memref<128x128xf32, #tpu.memory_space<vmem>>
    %dma_wait3A_754 = arith.constant 0 : i32
    %dma_wait3A_755 = tpu.memref_slice %arg8[%dma_wait3A_749, %dma_wait3A_754] : memref<5x128xi32, #tpu.memory_space<vmem>> -> memref<1x128xi32, #tpu.memory_space<vmem>>
    %dma_wait3A_756 = tpu.memref_squeeze %dma_wait3A_755 : memref<1x128xi32, #tpu.memory_space<vmem>> -> memref<128xi32, #tpu.memory_space<vmem>>
    %dma_wait3A_757 = arith.constant 0 : i32
    %dma_wait3A_758 = arith.constant 0 : i32
    %dma_wait3A_759 = tpu.memref_slice %arg10[%dma_wait3A_757, %dma_wait3A_758] : memref<10240x128xf32, #tpu.memory_space<vmem_shared>> -> memref<10240x128xf32, #tpu.memory_space<vmem_shared>>
    tpu.wait_indirect_dma semaphore(%arg12 : memref<!tpu.dma_semaphore, #tpu.memory_space<semaphore_mem>>) src(%dma_wait3A_753 : memref<128x128xf32, #tpu.memory_space<vmem>>) dst(%dma_wait3A_759 : memref<10240x128xf32, #tpu.memory_space<vmem_shared>>)
    %dma_wait3A_760 = arith.constant 0 : i32
    %dma_wait3A_761 = arith.constant 0 : i32
    %dma_wait3A_762 = arith.constant 0 : i32
    %dma_wait3A_763 = tpu.memref_slice %arg9[%rem3A_747, %dma_wait3A_761, %dma_wait3A_762] : memref<2x128x128xf32, #tpu.memory_space<vmem>> -> memref<1x128x128xf32, #tpu.memory_space<vmem>>
    %dma_wait3A_764 = tpu.memref_squeeze %dma_wait3A_763 : memref<1x128x128xf32, #tpu.memory_space<vmem>> -> memref<128x128xf32, #tpu.memory_space<vmem>>
    %dma_wait3A_765 = arith.constant 0 : i32
    %dma_wait3A_766 = tpu.memref_slice %arg8[%dma_wait3A_760, %dma_wait3A_765] : memref<5x128xi32, #tpu.memory_space<vmem>> -> memref<1x128xi32, #tpu.memory_space<vmem>>
    %dma_wait3A_767 = tpu.memref_squeeze %dma_wait3A_766 : memref<1x128xi32, #tpu.memory_space<vmem>> -> memref<128xi32, #tpu.memory_space<vmem>>
    %dma_wait3A_768 = arith.constant 0 : i32
    %dma_wait3A_769 = arith.constant 0 : i32
    %dma_wait3A_770 = tpu.memref_slice %arg10[%dma_wait3A_768, %dma_wait3A_769] : memref<10240x128xf32, #tpu.memory_space<vmem_shared>> -> memref<10240x128xf32, #tpu.memory_space<vmem_shared>>
    tpu.wait_indirect_dma semaphore(%arg12 : memref<!tpu.dma_semaphore, #tpu.memory_space<semaphore_mem>>) src(%dma_wait3A_764 : memref<128x128xf32, #tpu.memory_space<vmem>>) dst(%dma_wait3A_770 : memref<10240x128xf32, #tpu.memory_space<vmem_shared>>)
    %barrier3A_771 = arith.constant 0 : index
    tpu.barrier barrier_id(%barrier3A_771)
    %dma_start3A_772 = arith.constant 0 : i32
    %dma_start3A_773 = arith.constant 0 : i32
    %dma_start3A_774 = arith.constant 0 : i32
    %dma_start3A_775 = arith.constant 0 : i32
    %dma_start3A_776 = tpu.memref_slice %arg9[%dma_start3A_773, %dma_start3A_774, %dma_start3A_775] : memref<2x128x128xf32, #tpu.memory_space<vmem>> -> memref<1x128x128xf32, #tpu.memory_space<vmem>>
    %dma_start3A_777 = tpu.memref_squeeze %dma_start3A_776 : memref<1x128x128xf32, #tpu.memory_space<vmem>> -> memref<128x128xf32, #tpu.memory_space<vmem>>
    %dma_start3A_778 = arith.constant 0 : i32
    %dma_start3A_779 = tpu.memref_slice %arg8[%dma_start3A_772, %dma_start3A_778] : memref<5x128xi32, #tpu.memory_space<vmem>> -> memref<1x128xi32, #tpu.memory_space<vmem>>
    %dma_start3A_780 = tpu.memref_squeeze %dma_start3A_779 : memref<1x128xi32, #tpu.memory_space<vmem>> -> memref<128xi32, #tpu.memory_space<vmem>>
    %dma_start3A_781 = arith.constant 0 : i32
    %dma_start3A_782 = arith.constant 0 : i32
    %dma_start3A_783 = tpu.memref_slice %arg10[%dma_start3A_781, %dma_start3A_782] : memref<10240x128xf32, #tpu.memory_space<vmem_shared>> -> memref<10240x128xf32, #tpu.memory_space<vmem_shared>>
    tpu.enqueue_indirect_dma source(%dma_start3A_783 : memref<10240x128xf32, #tpu.memory_space<vmem_shared>>) target(%dma_start3A_777 : memref<128x128xf32, #tpu.memory_space<vmem>>) offsets(%dma_start3A_780 : memref<128xi32, #tpu.memory_space<vmem>>) semaphore(%arg11 : memref<!tpu.dma_semaphore, #tpu.memory_space<semaphore_mem>>)
    %dma_wait3A_784 = arith.constant 0 : i32
    %dma_wait3A_785 = arith.constant 0 : i32
    %dma_wait3A_786 = arith.constant 0 : i32
    %dma_wait3A_787 = arith.constant 0 : i32
    %dma_wait3A_788 = tpu.memref_slice %arg9[%dma_wait3A_785, %dma_wait3A_786, %dma_wait3A_787] : memref<2x128x128xf32, #tpu.memory_space<vmem>> -> memref<1x128x128xf32, #tpu.memory_space<vmem>>
    %dma_wait3A_789 = tpu.memref_squeeze %dma_wait3A_788 : memref<1x128x128xf32, #tpu.memory_space<vmem>> -> memref<128x128xf32, #tpu.memory_space<vmem>>
    %dma_wait3A_790 = arith.constant 0 : i32
    %dma_wait3A_791 = tpu.memref_slice %arg8[%dma_wait3A_784, %dma_wait3A_790] : memref<5x128xi32, #tpu.memory_space<vmem>> -> memref<1x128xi32, #tpu.memory_space<vmem>>
    %dma_wait3A_792 = tpu.memref_squeeze %dma_wait3A_791 : memref<1x128xi32, #tpu.memory_space<vmem>> -> memref<128xi32, #tpu.memory_space<vmem>>
    %dma_wait3A_793 = arith.constant 0 : i32
    %dma_wait3A_794 = arith.constant 0 : i32
    %dma_wait3A_795 = tpu.memref_slice %arg10[%dma_wait3A_793, %dma_wait3A_794] : memref<10240x128xf32, #tpu.memory_space<vmem_shared>> -> memref<10240x128xf32, #tpu.memory_space<vmem_shared>>
    tpu.wait_indirect_dma semaphore(%arg11 : memref<!tpu.dma_semaphore, #tpu.memory_space<semaphore_mem>>) src(%dma_wait3A_795 : memref<10240x128xf32, #tpu.memory_space<vmem_shared>>) dst(%dma_wait3A_789 : memref<128x128xf32, #tpu.memory_space<vmem>>)
    %dma_start3A_796 = arith.constant 1 : i32
    %dma_start3A_797 = arith.constant 1 : i32
    %dma_start3A_798 = arith.constant 0 : i32
    %dma_start3A_799 = arith.constant 0 : i32
    %dma_start3A_800 = tpu.memref_slice %arg9[%dma_start3A_797, %dma_start3A_798, %dma_start3A_799] : memref<2x128x128xf32, #tpu.memory_space<vmem>> -> memref<1x128x128xf32, #tpu.memory_space<vmem>>
    %dma_start3A_801 = tpu.memref_squeeze %dma_start3A_800 : memref<1x128x128xf32, #tpu.memory_space<vmem>> -> memref<128x128xf32, #tpu.memory_space<vmem>>
    %dma_start3A_802 = arith.constant 0 : i32
    %dma_start3A_803 = tpu.memref_slice %arg8[%dma_start3A_796, %dma_start3A_802] : memref<5x128xi32, #tpu.memory_space<vmem>> -> memref<1x128xi32, #tpu.memory_space<vmem>>
    %dma_start3A_804 = tpu.memref_squeeze %dma_start3A_803 : memref<1x128xi32, #tpu.memory_space<vmem>> -> memref<128xi32, #tpu.memory_space<vmem>>
    %dma_start3A_805 = arith.constant 0 : i32
    %dma_start3A_806 = arith.constant 0 : i32
    %dma_start3A_807 = tpu.memref_slice %arg10[%dma_start3A_805, %dma_start3A_806] : memref<10240x128xf32, #tpu.memory_space<vmem_shared>> -> memref<10240x128xf32, #tpu.memory_space<vmem_shared>>
    tpu.enqueue_indirect_dma source(%dma_start3A_807 : memref<10240x128xf32, #tpu.memory_space<vmem_shared>>) target(%dma_start3A_801 : memref<128x128xf32, #tpu.memory_space<vmem>>) offsets(%dma_start3A_804 : memref<128xi32, #tpu.memory_space<vmem>>) semaphore(%arg11 : memref<!tpu.dma_semaphore, #tpu.memory_space<semaphore_mem>>)
    %add3A_808 = arith.constant 0 : i32
    %add3A_809 = arith.addi %mul3A_2, %add3A_808 : i32
    %dma_start3A_810 = arith.constant 0 : i32
    %dma_start3A_811 = arith.constant 0 : i32
    %dma_start3A_812 = arith.constant 0 : i32
    %dma_start3A_813 = tpu.memref_slice %arg9[%dma_start3A_810, %dma_start3A_811, %dma_start3A_812] : memref<2x128x128xf32, #tpu.memory_space<vmem>> -> memref<1x128x128xf32, #tpu.memory_space<vmem>>
    %dma_start3A_814 = tpu.memref_squeeze %dma_start3A_813 : memref<1x128x128xf32, #tpu.memory_space<vmem>> -> memref<128x128xf32, #tpu.memory_space<vmem>>
    %dma_start3A_815 = arith.constant 0 : i32
    %dma_start3A_816 = tpu.memref_slice %arg5[%arg0, %add3A_809, %dma_start3A_815] : memref<2x10240x128xf32, #tpu.memory_space<hbm>> -> memref<1x128x128xf32, #tpu.memory_space<hbm>>
    %dma_start3A_817 = tpu.memref_squeeze %dma_start3A_816 : memref<1x128x128xf32, #tpu.memory_space<hbm>> -> memref<128x128xf32, #tpu.memory_space<hbm>>
    %dma_start3A_818 = arith.constant 0 : i32
    %dma_start3A_819 = tpu.memref_slice %arg5[%arg0, %add3A_809, %dma_start3A_818] : memref<2x10240x128xf32, #tpu.memory_space<hbm>> -> memref<1x128x128xf32, #tpu.memory_space<hbm>>
    %dma_start3A_820 = tpu.memref_squeeze %dma_start3A_819 : memref<1x128x128xf32, #tpu.memory_space<hbm>> -> memref<128x128xf32, #tpu.memory_space<hbm>>
    %dma_start3A_821 = arith.constant 0 : i32
    %dma_start3A_822 = arith.constant 0 : i32
    %dma_start3A_823 = tpu.memref_slice %arg9[%dma_start3A_810, %dma_start3A_821, %dma_start3A_822] : memref<2x128x128xf32, #tpu.memory_space<vmem>> -> memref<1x128x128xf32, #tpu.memory_space<vmem>>
    %dma_start3A_824 = tpu.memref_squeeze %dma_start3A_823 : memref<1x128x128xf32, #tpu.memory_space<vmem>> -> memref<128x128xf32, #tpu.memory_space<vmem>>
    tpu.enqueue_dma source(%dma_start3A_824 : memref<128x128xf32, #tpu.memory_space<vmem>>) target(%dma_start3A_820 : memref<128x128xf32, #tpu.memory_space<hbm>>) target_semaphore(%arg12 : memref<!tpu.dma_semaphore, #tpu.memory_space<semaphore_mem>>)
    %dma_wait3A_825 = arith.constant 1 : i32
    %dma_wait3A_826 = arith.constant 1 : i32
    %dma_wait3A_827 = arith.constant 0 : i32
    %dma_wait3A_828 = arith.constant 0 : i32
    %dma_wait3A_829 = tpu.memref_slice %arg9[%dma_wait3A_826, %dma_wait3A_827, %dma_wait3A_828] : memref<2x128x128xf32, #tpu.memory_space<vmem>> -> memref<1x128x128xf32, #tpu.memory_space<vmem>>
    %dma_wait3A_830 = tpu.memref_squeeze %dma_wait3A_829 : memref<1x128x128xf32, #tpu.memory_space<vmem>> -> memref<128x128xf32, #tpu.memory_space<vmem>>
    %dma_wait3A_831 = arith.constant 0 : i32
    %dma_wait3A_832 = tpu.memref_slice %arg8[%dma_wait3A_825, %dma_wait3A_831] : memref<5x128xi32, #tpu.memory_space<vmem>> -> memref<1x128xi32, #tpu.memory_space<vmem>>
    %dma_wait3A_833 = tpu.memref_squeeze %dma_wait3A_832 : memref<1x128xi32, #tpu.memory_space<vmem>> -> memref<128xi32, #tpu.memory_space<vmem>>
    %dma_wait3A_834 = arith.constant 0 : i32
    %dma_wait3A_835 = arith.constant 0 : i32
    %dma_wait3A_836 = tpu.memref_slice %arg10[%dma_wait3A_834, %dma_wait3A_835] : memref<10240x128xf32, #tpu.memory_space<vmem_shared>> -> memref<10240x128xf32, #tpu.memory_space<vmem_shared>>
    tpu.wait_indirect_dma semaphore(%arg11 : memref<!tpu.dma_semaphore, #tpu.memory_space<semaphore_mem>>) src(%dma_wait3A_836 : memref<10240x128xf32, #tpu.memory_space<vmem_shared>>) dst(%dma_wait3A_830 : memref<128x128xf32, #tpu.memory_space<vmem>>)
    %add3A_837 = arith.constant 0 : i32
    %add3A_838 = arith.addi %mul3A_2, %add3A_837 : i32
    %dma_wait3A_839 = arith.constant 0 : i32
    %dma_wait3A_840 = arith.constant 0 : i32
    %dma_wait3A_841 = arith.constant 0 : i32
    %dma_wait3A_842 = tpu.memref_slice %arg9[%dma_wait3A_839, %dma_wait3A_840, %dma_wait3A_841] : memref<2x128x128xf32, #tpu.memory_space<vmem>> -> memref<1x128x128xf32, #tpu.memory_space<vmem>>
    %dma_wait3A_843 = tpu.memref_squeeze %dma_wait3A_842 : memref<1x128x128xf32, #tpu.memory_space<vmem>> -> memref<128x128xf32, #tpu.memory_space<vmem>>
    %dma_wait3A_844 = arith.constant 0 : i32
    %dma_wait3A_845 = tpu.memref_slice %arg5[%arg0, %add3A_838, %dma_wait3A_844] : memref<2x10240x128xf32, #tpu.memory_space<hbm>> -> memref<1x128x128xf32, #tpu.memory_space<hbm>>
    %dma_wait3A_846 = tpu.memref_squeeze %dma_wait3A_845 : memref<1x128x128xf32, #tpu.memory_space<hbm>> -> memref<128x128xf32, #tpu.memory_space<hbm>>
    %dma_wait3A_847 = arith.constant 0 : i32
    %dma_wait3A_848 = tpu.memref_slice %arg5[%arg0, %add3A_838, %dma_wait3A_847] : memref<2x10240x128xf32, #tpu.memory_space<hbm>> -> memref<1x128x128xf32, #tpu.memory_space<hbm>>
    %dma_wait3A_849 = tpu.memref_squeeze %dma_wait3A_848 : memref<1x128x128xf32, #tpu.memory_space<hbm>> -> memref<128x128xf32, #tpu.memory_space<hbm>>
    %dma_wait3A_850 = arith.constant 0 : i32
    %dma_wait3A_851 = arith.constant 0 : i32
    %dma_wait3A_852 = tpu.memref_slice %arg9[%dma_wait3A_839, %dma_wait3A_850, %dma_wait3A_851] : memref<2x128x128xf32, #tpu.memory_space<vmem>> -> memref<1x128x128xf32, #tpu.memory_space<vmem>>
    %dma_wait3A_853 = tpu.memref_squeeze %dma_wait3A_852 : memref<1x128x128xf32, #tpu.memory_space<vmem>> -> memref<128x128xf32, #tpu.memory_space<vmem>>
    tpu.wait_dma2 semaphore(%arg12 : memref<!tpu.dma_semaphore, #tpu.memory_space<semaphore_mem>>) src(%dma_wait3A_853 : memref<128x128xf32, #tpu.memory_space<vmem>>) dst(%dma_wait3A_849 : memref<128x128xf32, #tpu.memory_space<hbm>>)
    %dma_start3A_854 = arith.constant 2 : i32
    %dma_start3A_855 = arith.constant 0 : i32
    %dma_start3A_856 = arith.constant 0 : i32
    %dma_start3A_857 = arith.constant 0 : i32
    %dma_start3A_858 = tpu.memref_slice %arg9[%dma_start3A_855, %dma_start3A_856, %dma_start3A_857] : memref<2x128x128xf32, #tpu.memory_space<vmem>> -> memref<1x128x128xf32, #tpu.memory_space<vmem>>
    %dma_start3A_859 = tpu.memref_squeeze %dma_start3A_858 : memref<1x128x128xf32, #tpu.memory_space<vmem>> -> memref<128x128xf32, #tpu.memory_space<vmem>>
    %dma_start3A_860 = arith.constant 0 : i32
    %dma_start3A_861 = tpu.memref_slice %arg8[%dma_start3A_854, %dma_start3A_860] : memref<5x128xi32, #tpu.memory_space<vmem>> -> memref<1x128xi32, #tpu.memory_space<vmem>>
    %dma_start3A_862 = tpu.memref_squeeze %dma_start3A_861 : memref<1x128xi32, #tpu.memory_space<vmem>> -> memref<128xi32, #tpu.memory_space<vmem>>
    %dma_start3A_863 = arith.constant 0 : i32
    %dma_start3A_864 = arith.constant 0 : i32
    %dma_start3A_865 = tpu.memref_slice %arg10[%dma_start3A_863, %dma_start3A_864] : memref<10240x128xf32, #tpu.memory_space<vmem_shared>> -> memref<10240x128xf32, #tpu.memory_space<vmem_shared>>
    tpu.enqueue_indirect_dma source(%dma_start3A_865 : memref<10240x128xf32, #tpu.memory_space<vmem_shared>>) target(%dma_start3A_859 : memref<128x128xf32, #tpu.memory_space<vmem>>) offsets(%dma_start3A_862 : memref<128xi32, #tpu.memory_space<vmem>>) semaphore(%arg11 : memref<!tpu.dma_semaphore, #tpu.memory_space<semaphore_mem>>)
    %add3A_866 = arith.constant 128 : i32
    %add3A_867 = arith.addi %mul3A_2, %add3A_866 : i32
    %dma_start3A_868 = arith.constant 1 : i32
    %dma_start3A_869 = arith.constant 0 : i32
    %dma_start3A_870 = arith.constant 0 : i32
    %dma_start3A_871 = tpu.memref_slice %arg9[%dma_start3A_868, %dma_start3A_869, %dma_start3A_870] : memref<2x128x128xf32, #tpu.memory_space<vmem>> -> memref<1x128x128xf32, #tpu.memory_space<vmem>>
    %dma_start3A_872 = tpu.memref_squeeze %dma_start3A_871 : memref<1x128x128xf32, #tpu.memory_space<vmem>> -> memref<128x128xf32, #tpu.memory_space<vmem>>
    %dma_start3A_873 = arith.constant 0 : i32
    %dma_start3A_874 = tpu.memref_slice %arg5[%arg0, %add3A_867, %dma_start3A_873] : memref<2x10240x128xf32, #tpu.memory_space<hbm>> -> memref<1x128x128xf32, #tpu.memory_space<hbm>>
    %dma_start3A_875 = tpu.memref_squeeze %dma_start3A_874 : memref<1x128x128xf32, #tpu.memory_space<hbm>> -> memref<128x128xf32, #tpu.memory_space<hbm>>
    %dma_start3A_876 = arith.constant 0 : i32
    %dma_start3A_877 = tpu.memref_slice %arg5[%arg0, %add3A_867, %dma_start3A_876] : memref<2x10240x128xf32, #tpu.memory_space<hbm>> -> memref<1x128x128xf32, #tpu.memory_space<hbm>>
    %dma_start3A_878 = tpu.memref_squeeze %dma_start3A_877 : memref<1x128x128xf32, #tpu.memory_space<hbm>> -> memref<128x128xf32, #tpu.memory_space<hbm>>
    %dma_start3A_879 = arith.constant 0 : i32
    %dma_start3A_880 = arith.constant 0 : i32
    %dma_start3A_881 = tpu.memref_slice %arg9[%dma_start3A_868, %dma_start3A_879, %dma_start3A_880] : memref<2x128x128xf32, #tpu.memory_space<vmem>> -> memref<1x128x128xf32, #tpu.memory_space<vmem>>
    %dma_start3A_882 = tpu.memref_squeeze %dma_start3A_881 : memref<1x128x128xf32, #tpu.memory_space<vmem>> -> memref<128x128xf32, #tpu.memory_space<vmem>>
    tpu.enqueue_dma source(%dma_start3A_882 : memref<128x128xf32, #tpu.memory_space<vmem>>) target(%dma_start3A_878 : memref<128x128xf32, #tpu.memory_space<hbm>>) target_semaphore(%arg12 : memref<!tpu.dma_semaphore, #tpu.memory_space<semaphore_mem>>)
    %dma_wait3A_883 = arith.constant 2 : i32
    %dma_wait3A_884 = arith.constant 0 : i32
    %dma_wait3A_885 = arith.constant 0 : i32
    %dma_wait3A_886 = arith.constant 0 : i32
    %dma_wait3A_887 = tpu.memref_slice %arg9[%dma_wait3A_884, %dma_wait3A_885, %dma_wait3A_886] : memref<2x128x128xf32, #tpu.memory_space<vmem>> -> memref<1x128x128xf32, #tpu.memory_space<vmem>>
    %dma_wait3A_888 = tpu.memref_squeeze %dma_wait3A_887 : memref<1x128x128xf32, #tpu.memory_space<vmem>> -> memref<128x128xf32, #tpu.memory_space<vmem>>
    %dma_wait3A_889 = arith.constant 0 : i32
    %dma_wait3A_890 = tpu.memref_slice %arg8[%dma_wait3A_883, %dma_wait3A_889] : memref<5x128xi32, #tpu.memory_space<vmem>> -> memref<1x128xi32, #tpu.memory_space<vmem>>
    %dma_wait3A_891 = tpu.memref_squeeze %dma_wait3A_890 : memref<1x128xi32, #tpu.memory_space<vmem>> -> memref<128xi32, #tpu.memory_space<vmem>>
    %dma_wait3A_892 = arith.constant 0 : i32
    %dma_wait3A_893 = arith.constant 0 : i32
    %dma_wait3A_894 = tpu.memref_slice %arg10[%dma_wait3A_892, %dma_wait3A_893] : memref<10240x128xf32, #tpu.memory_space<vmem_shared>> -> memref<10240x128xf32, #tpu.memory_space<vmem_shared>>
    tpu.wait_indirect_dma semaphore(%arg11 : memref<!tpu.dma_semaphore, #tpu.memory_space<semaphore_mem>>) src(%dma_wait3A_894 : memref<10240x128xf32, #tpu.memory_space<vmem_shared>>) dst(%dma_wait3A_888 : memref<128x128xf32, #tpu.memory_space<vmem>>)
    %add3A_895 = arith.constant 128 : i32
    %add3A_896 = arith.addi %mul3A_2, %add3A_895 : i32
    %dma_wait3A_897 = arith.constant 1 : i32
    %dma_wait3A_898 = arith.constant 0 : i32
    %dma_wait3A_899 = arith.constant 0 : i32
    %dma_wait3A_900 = tpu.memref_slice %arg9[%dma_wait3A_897, %dma_wait3A_898, %dma_wait3A_899] : memref<2x128x128xf32, #tpu.memory_space<vmem>> -> memref<1x128x128xf32, #tpu.memory_space<vmem>>
    %dma_wait3A_901 = tpu.memref_squeeze %dma_wait3A_900 : memref<1x128x128xf32, #tpu.memory_space<vmem>> -> memref<128x128xf32, #tpu.memory_space<vmem>>
    %dma_wait3A_902 = arith.constant 0 : i32
    %dma_wait3A_903 = tpu.memref_slice %arg5[%arg0, %add3A_896, %dma_wait3A_902] : memref<2x10240x128xf32, #tpu.memory_space<hbm>> -> memref<1x128x128xf32, #tpu.memory_space<hbm>>
    %dma_wait3A_904 = tpu.memref_squeeze %dma_wait3A_903 : memref<1x128x128xf32, #tpu.memory_space<hbm>> -> memref<128x128xf32, #tpu.memory_space<hbm>>
    %dma_wait3A_905 = arith.constant 0 : i32
    %dma_wait3A_906 = tpu.memref_slice %arg5[%arg0, %add3A_896, %dma_wait3A_905] : memref<2x10240x128xf32, #tpu.memory_space<hbm>> -> memref<1x128x128xf32, #tpu.memory_space<hbm>>
    %dma_wait3A_907 = tpu.memref_squeeze %dma_wait3A_906 : memref<1x128x128xf32, #tpu.memory_space<hbm>> -> memref<128x128xf32, #tpu.memory_space<hbm>>
    %dma_wait3A_908 = arith.constant 0 : i32
    %dma_wait3A_909 = arith.constant 0 : i32
    %dma_wait3A_910 = tpu.memref_slice %arg9[%dma_wait3A_897, %dma_wait3A_908, %dma_wait3A_909] : memref<2x128x128xf32, #tpu.memory_space<vmem>> -> memref<1x128x128xf32, #tpu.memory_space<vmem>>
    %dma_wait3A_911 = tpu.memref_squeeze %dma_wait3A_910 : memref<1x128x128xf32, #tpu.memory_space<vmem>> -> memref<128x128xf32, #tpu.memory_space<vmem>>
    tpu.wait_dma2 semaphore(%arg12 : memref<!tpu.dma_semaphore, #tpu.memory_space<semaphore_mem>>) src(%dma_wait3A_911 : memref<128x128xf32, #tpu.memory_space<vmem>>) dst(%dma_wait3A_907 : memref<128x128xf32, #tpu.memory_space<hbm>>)
    %dma_start3A_912 = arith.constant 3 : i32
    %dma_start3A_913 = arith.constant 1 : i32
    %dma_start3A_914 = arith.constant 0 : i32
    %dma_start3A_915 = arith.constant 0 : i32
    %dma_start3A_916 = tpu.memref_slice %arg9[%dma_start3A_913, %dma_start3A_914, %dma_start3A_915] : memref<2x128x128xf32, #tpu.memory_space<vmem>> -> memref<1x128x128xf32, #tpu.memory_space<vmem>>
    %dma_start3A_917 = tpu.memref_squeeze %dma_start3A_916 : memref<1x128x128xf32, #tpu.memory_space<vmem>> -> memref<128x128xf32, #tpu.memory_space<vmem>>
    %dma_start3A_918 = arith.constant 0 : i32
    %dma_start3A_919 = tpu.memref_slice %arg8[%dma_start3A_912, %dma_start3A_918] : memref<5x128xi32, #tpu.memory_space<vmem>> -> memref<1x128xi32, #tpu.memory_space<vmem>>
    %dma_start3A_920 = tpu.memref_squeeze %dma_start3A_919 : memref<1x128xi32, #tpu.memory_space<vmem>> -> memref<128xi32, #tpu.memory_space<vmem>>
    %dma_start3A_921 = arith.constant 0 : i32
    %dma_start3A_922 = arith.constant 0 : i32
    %dma_start3A_923 = tpu.memref_slice %arg10[%dma_start3A_921, %dma_start3A_922] : memref<10240x128xf32, #tpu.memory_space<vmem_shared>> -> memref<10240x128xf32, #tpu.memory_space<vmem_shared>>
    tpu.enqueue_indirect_dma source(%dma_start3A_923 : memref<10240x128xf32, #tpu.memory_space<vmem_shared>>) target(%dma_start3A_917 : memref<128x128xf32, #tpu.memory_space<vmem>>) offsets(%dma_start3A_920 : memref<128xi32, #tpu.memory_space<vmem>>) semaphore(%arg11 : memref<!tpu.dma_semaphore, #tpu.memory_space<semaphore_mem>>)
    %add3A_924 = arith.constant 256 : i32
    %add3A_925 = arith.addi %mul3A_2, %add3A_924 : i32
    %dma_start3A_926 = arith.constant 0 : i32
    %dma_start3A_927 = arith.constant 0 : i32
    %dma_start3A_928 = arith.constant 0 : i32
    %dma_start3A_929 = tpu.memref_slice %arg9[%dma_start3A_926, %dma_start3A_927, %dma_start3A_928] : memref<2x128x128xf32, #tpu.memory_space<vmem>> -> memref<1x128x128xf32, #tpu.memory_space<vmem>>
    %dma_start3A_930 = tpu.memref_squeeze %dma_start3A_929 : memref<1x128x128xf32, #tpu.memory_space<vmem>> -> memref<128x128xf32, #tpu.memory_space<vmem>>
    %dma_start3A_931 = arith.constant 0 : i32
    %dma_start3A_932 = tpu.memref_slice %arg5[%arg0, %add3A_925, %dma_start3A_931] : memref<2x10240x128xf32, #tpu.memory_space<hbm>> -> memref<1x128x128xf32, #tpu.memory_space<hbm>>
    %dma_start3A_933 = tpu.memref_squeeze %dma_start3A_932 : memref<1x128x128xf32, #tpu.memory_space<hbm>> -> memref<128x128xf32, #tpu.memory_space<hbm>>
    %dma_start3A_934 = arith.constant 0 : i32
    %dma_start3A_935 = tpu.memref_slice %arg5[%arg0, %add3A_925, %dma_start3A_934] : memref<2x10240x128xf32, #tpu.memory_space<hbm>> -> memref<1x128x128xf32, #tpu.memory_space<hbm>>
    %dma_start3A_936 = tpu.memref_squeeze %dma_start3A_935 : memref<1x128x128xf32, #tpu.memory_space<hbm>> -> memref<128x128xf32, #tpu.memory_space<hbm>>
    %dma_start3A_937 = arith.constant 0 : i32
    %dma_start3A_938 = arith.constant 0 : i32
    %dma_start3A_939 = tpu.memref_slice %arg9[%dma_start3A_926, %dma_start3A_937, %dma_start3A_938] : memref<2x128x128xf32, #tpu.memory_space<vmem>> -> memref<1x128x128xf32, #tpu.memory_space<vmem>>
    %dma_start3A_940 = tpu.memref_squeeze %dma_start3A_939 : memref<1x128x128xf32, #tpu.memory_space<vmem>> -> memref<128x128xf32, #tpu.memory_space<vmem>>
    tpu.enqueue_dma source(%dma_start3A_940 : memref<128x128xf32, #tpu.memory_space<vmem>>) target(%dma_start3A_936 : memref<128x128xf32, #tpu.memory_space<hbm>>) target_semaphore(%arg12 : memref<!tpu.dma_semaphore, #tpu.memory_space<semaphore_mem>>)
    %dma_wait3A_941 = arith.constant 3 : i32
    %dma_wait3A_942 = arith.constant 1 : i32
    %dma_wait3A_943 = arith.constant 0 : i32
    %dma_wait3A_944 = arith.constant 0 : i32
    %dma_wait3A_945 = tpu.memref_slice %arg9[%dma_wait3A_942, %dma_wait3A_943, %dma_wait3A_944] : memref<2x128x128xf32, #tpu.memory_space<vmem>> -> memref<1x128x128xf32, #tpu.memory_space<vmem>>
    %dma_wait3A_946 = tpu.memref_squeeze %dma_wait3A_945 : memref<1x128x128xf32, #tpu.memory_space<vmem>> -> memref<128x128xf32, #tpu.memory_space<vmem>>
    %dma_wait3A_947 = arith.constant 0 : i32
    %dma_wait3A_948 = tpu.memref_slice %arg8[%dma_wait3A_941, %dma_wait3A_947] : memref<5x128xi32, #tpu.memory_space<vmem>> -> memref<1x128xi32, #tpu.memory_space<vmem>>
    %dma_wait3A_949 = tpu.memref_squeeze %dma_wait3A_948 : memref<1x128xi32, #tpu.memory_space<vmem>> -> memref<128xi32, #tpu.memory_space<vmem>>
    %dma_wait3A_950 = arith.constant 0 : i32
    %dma_wait3A_951 = arith.constant 0 : i32
    %dma_wait3A_952 = tpu.memref_slice %arg10[%dma_wait3A_950, %dma_wait3A_951] : memref<10240x128xf32, #tpu.memory_space<vmem_shared>> -> memref<10240x128xf32, #tpu.memory_space<vmem_shared>>
    tpu.wait_indirect_dma semaphore(%arg11 : memref<!tpu.dma_semaphore, #tpu.memory_space<semaphore_mem>>) src(%dma_wait3A_952 : memref<10240x128xf32, #tpu.memory_space<vmem_shared>>) dst(%dma_wait3A_946 : memref<128x128xf32, #tpu.memory_space<vmem>>)
    %add3A_953 = arith.constant 256 : i32
    %add3A_954 = arith.addi %mul3A_2, %add3A_953 : i32
    %dma_wait3A_955 = arith.constant 0 : i32
    %dma_wait3A_956 = arith.constant 0 : i32
    %dma_wait3A_957 = arith.constant 0 : i32
    %dma_wait3A_958 = tpu.memref_slice %arg9[%dma_wait3A_955, %dma_wait3A_956, %dma_wait3A_957] : memref<2x128x128xf32, #tpu.memory_space<vmem>> -> memref<1x128x128xf32, #tpu.memory_space<vmem>>
    %dma_wait3A_959 = tpu.memref_squeeze %dma_wait3A_958 : memref<1x128x128xf32, #tpu.memory_space<vmem>> -> memref<128x128xf32, #tpu.memory_space<vmem>>
    %dma_wait3A_960 = arith.constant 0 : i32
    %dma_wait3A_961 = tpu.memref_slice %arg5[%arg0, %add3A_954, %dma_wait3A_960] : memref<2x10240x128xf32, #tpu.memory_space<hbm>> -> memref<1x128x128xf32, #tpu.memory_space<hbm>>
    %dma_wait3A_962 = tpu.memref_squeeze %dma_wait3A_961 : memref<1x128x128xf32, #tpu.memory_space<hbm>> -> memref<128x128xf32, #tpu.memory_space<hbm>>
    %dma_wait3A_963 = arith.constant 0 : i32
    %dma_wait3A_964 = tpu.memref_slice %arg5[%arg0, %add3A_954, %dma_wait3A_963] : memref<2x10240x128xf32, #tpu.memory_space<hbm>> -> memref<1x128x128xf32, #tpu.memory_space<hbm>>
    %dma_wait3A_965 = tpu.memref_squeeze %dma_wait3A_964 : memref<1x128x128xf32, #tpu.memory_space<hbm>> -> memref<128x128xf32, #tpu.memory_space<hbm>>
    %dma_wait3A_966 = arith.constant 0 : i32
    %dma_wait3A_967 = arith.constant 0 : i32
    %dma_wait3A_968 = tpu.memref_slice %arg9[%dma_wait3A_955, %dma_wait3A_966, %dma_wait3A_967] : memref<2x128x128xf32, #tpu.memory_space<vmem>> -> memref<1x128x128xf32, #tpu.memory_space<vmem>>
    %dma_wait3A_969 = tpu.memref_squeeze %dma_wait3A_968 : memref<1x128x128xf32, #tpu.memory_space<vmem>> -> memref<128x128xf32, #tpu.memory_space<vmem>>
    tpu.wait_dma2 semaphore(%arg12 : memref<!tpu.dma_semaphore, #tpu.memory_space<semaphore_mem>>) src(%dma_wait3A_969 : memref<128x128xf32, #tpu.memory_space<vmem>>) dst(%dma_wait3A_965 : memref<128x128xf32, #tpu.memory_space<hbm>>)
    %dma_start3A_970 = arith.constant 4 : i32
    %dma_start3A_971 = arith.constant 0 : i32
    %dma_start3A_972 = arith.constant 0 : i32
    %dma_start3A_973 = arith.constant 0 : i32
    %dma_start3A_974 = tpu.memref_slice %arg9[%dma_start3A_971, %dma_start3A_972, %dma_start3A_973] : memref<2x128x128xf32, #tpu.memory_space<vmem>> -> memref<1x128x128xf32, #tpu.memory_space<vmem>>
    %dma_start3A_975 = tpu.memref_squeeze %dma_start3A_974 : memref<1x128x128xf32, #tpu.memory_space<vmem>> -> memref<128x128xf32, #tpu.memory_space<vmem>>
    %dma_start3A_976 = arith.constant 0 : i32
    %dma_start3A_977 = tpu.memref_slice %arg8[%dma_start3A_970, %dma_start3A_976] : memref<5x128xi32, #tpu.memory_space<vmem>> -> memref<1x128xi32, #tpu.memory_space<vmem>>
    %dma_start3A_978 = tpu.memref_squeeze %dma_start3A_977 : memref<1x128xi32, #tpu.memory_space<vmem>> -> memref<128xi32, #tpu.memory_space<vmem>>
    %dma_start3A_979 = arith.constant 0 : i32
    %dma_start3A_980 = arith.constant 0 : i32
    %dma_start3A_981 = tpu.memref_slice %arg10[%dma_start3A_979, %dma_start3A_980] : memref<10240x128xf32, #tpu.memory_space<vmem_shared>> -> memref<10240x128xf32, #tpu.memory_space<vmem_shared>>
    tpu.enqueue_indirect_dma source(%dma_start3A_981 : memref<10240x128xf32, #tpu.memory_space<vmem_shared>>) target(%dma_start3A_975 : memref<128x128xf32, #tpu.memory_space<vmem>>) offsets(%dma_start3A_978 : memref<128xi32, #tpu.memory_space<vmem>>) semaphore(%arg11 : memref<!tpu.dma_semaphore, #tpu.memory_space<semaphore_mem>>)
    %add3A_982 = arith.constant 384 : i32
    %add3A_983 = arith.addi %mul3A_2, %add3A_982 : i32
    %dma_start3A_984 = arith.constant 1 : i32
    %dma_start3A_985 = arith.constant 0 : i32
    %dma_start3A_986 = arith.constant 0 : i32
    %dma_start3A_987 = tpu.memref_slice %arg9[%dma_start3A_984, %dma_start3A_985, %dma_start3A_986] : memref<2x128x128xf32, #tpu.memory_space<vmem>> -> memref<1x128x128xf32, #tpu.memory_space<vmem>>
    %dma_start3A_988 = tpu.memref_squeeze %dma_start3A_987 : memref<1x128x128xf32, #tpu.memory_space<vmem>> -> memref<128x128xf32, #tpu.memory_space<vmem>>
    %dma_start3A_989 = arith.constant 0 : i32
    %dma_start3A_990 = tpu.memref_slice %arg5[%arg0, %add3A_983, %dma_start3A_989] : memref<2x10240x128xf32, #tpu.memory_space<hbm>> -> memref<1x128x128xf32, #tpu.memory_space<hbm>>
    %dma_start3A_991 = tpu.memref_squeeze %dma_start3A_990 : memref<1x128x128xf32, #tpu.memory_space<hbm>> -> memref<128x128xf32, #tpu.memory_space<hbm>>
    %dma_start3A_992 = arith.constant 0 : i32
    %dma_start3A_993 = tpu.memref_slice %arg5[%arg0, %add3A_983, %dma_start3A_992] : memref<2x10240x128xf32, #tpu.memory_space<hbm>> -> memref<1x128x128xf32, #tpu.memory_space<hbm>>
    %dma_start3A_994 = tpu.memref_squeeze %dma_start3A_993 : memref<1x128x128xf32, #tpu.memory_space<hbm>> -> memref<128x128xf32, #tpu.memory_space<hbm>>
    %dma_start3A_995 = arith.constant 0 : i32
    %dma_start3A_996 = arith.constant 0 : i32
    %dma_start3A_997 = tpu.memref_slice %arg9[%dma_start3A_984, %dma_start3A_995, %dma_start3A_996] : memref<2x128x128xf32, #tpu.memory_space<vmem>> -> memref<1x128x128xf32, #tpu.memory_space<vmem>>
    %dma_start3A_998 = tpu.memref_squeeze %dma_start3A_997 : memref<1x128x128xf32, #tpu.memory_space<vmem>> -> memref<128x128xf32, #tpu.memory_space<vmem>>
    tpu.enqueue_dma source(%dma_start3A_998 : memref<128x128xf32, #tpu.memory_space<vmem>>) target(%dma_start3A_994 : memref<128x128xf32, #tpu.memory_space<hbm>>) target_semaphore(%arg12 : memref<!tpu.dma_semaphore, #tpu.memory_space<semaphore_mem>>)
    %dma_wait3A_999 = arith.constant 4 : i32
    %dma_wait3A_1000 = arith.constant 0 : i32
    %dma_wait3A_1001 = arith.constant 0 : i32
    %dma_wait3A_1002 = arith.constant 0 : i32
    %dma_wait3A_1003 = tpu.memref_slice %arg9[%dma_wait3A_1000, %dma_wait3A_1001, %dma_wait3A_1002] : memref<2x128x128xf32, #tpu.memory_space<vmem>> -> memref<1x128x128xf32, #tpu.memory_space<vmem>>
    %dma_wait3A_1004 = tpu.memref_squeeze %dma_wait3A_1003 : memref<1x128x128xf32, #tpu.memory_space<vmem>> -> memref<128x128xf32, #tpu.memory_space<vmem>>
    %dma_wait3A_1005 = arith.constant 0 : i32
    %dma_wait3A_1006 = tpu.memref_slice %arg8[%dma_wait3A_999, %dma_wait3A_1005] : memref<5x128xi32, #tpu.memory_space<vmem>> -> memref<1x128xi32, #tpu.memory_space<vmem>>
    %dma_wait3A_1007 = tpu.memref_squeeze %dma_wait3A_1006 : memref<1x128xi32, #tpu.memory_space<vmem>> -> memref<128xi32, #tpu.memory_space<vmem>>
    %dma_wait3A_1008 = arith.constant 0 : i32
    %dma_wait3A_1009 = arith.constant 0 : i32
    %dma_wait3A_1010 = tpu.memref_slice %arg10[%dma_wait3A_1008, %dma_wait3A_1009] : memref<10240x128xf32, #tpu.memory_space<vmem_shared>> -> memref<10240x128xf32, #tpu.memory_space<vmem_shared>>
    tpu.wait_indirect_dma semaphore(%arg11 : memref<!tpu.dma_semaphore, #tpu.memory_space<semaphore_mem>>) src(%dma_wait3A_1010 : memref<10240x128xf32, #tpu.memory_space<vmem_shared>>) dst(%dma_wait3A_1004 : memref<128x128xf32, #tpu.memory_space<vmem>>)
    %add3A_1011 = arith.constant 512 : i32
    %add3A_1012 = arith.addi %mul3A_2, %add3A_1011 : i32
    %dma_start3A_1013 = arith.constant 0 : i32
    %dma_start3A_1014 = arith.constant 0 : i32
    %dma_start3A_1015 = arith.constant 0 : i32
    %dma_start3A_1016 = tpu.memref_slice %arg9[%dma_start3A_1013, %dma_start3A_1014, %dma_start3A_1015] : memref<2x128x128xf32, #tpu.memory_space<vmem>> -> memref<1x128x128xf32, #tpu.memory_space<vmem>>
    %dma_start3A_1017 = tpu.memref_squeeze %dma_start3A_1016 : memref<1x128x128xf32, #tpu.memory_space<vmem>> -> memref<128x128xf32, #tpu.memory_space<vmem>>
    %dma_start3A_1018 = arith.constant 0 : i32
    %dma_start3A_1019 = tpu.memref_slice %arg5[%arg0, %add3A_1012, %dma_start3A_1018] : memref<2x10240x128xf32, #tpu.memory_space<hbm>> -> memref<1x128x128xf32, #tpu.memory_space<hbm>>
    %dma_start3A_1020 = tpu.memref_squeeze %dma_start3A_1019 : memref<1x128x128xf32, #tpu.memory_space<hbm>> -> memref<128x128xf32, #tpu.memory_space<hbm>>
    %dma_start3A_1021 = arith.constant 0 : i32
    %dma_start3A_1022 = tpu.memref_slice %arg5[%arg0, %add3A_1012, %dma_start3A_1021] : memref<2x10240x128xf32, #tpu.memory_space<hbm>> -> memref<1x128x128xf32, #tpu.memory_space<hbm>>
    %dma_start3A_1023 = tpu.memref_squeeze %dma_start3A_1022 : memref<1x128x128xf32, #tpu.memory_space<hbm>> -> memref<128x128xf32, #tpu.memory_space<hbm>>
    %dma_start3A_1024 = arith.constant 0 : i32
    %dma_start3A_1025 = arith.constant 0 : i32
    %dma_start3A_1026 = tpu.memref_slice %arg9[%dma_start3A_1013, %dma_start3A_1024, %dma_start3A_1025] : memref<2x128x128xf32, #tpu.memory_space<vmem>> -> memref<1x128x128xf32, #tpu.memory_space<vmem>>
    %dma_start3A_1027 = tpu.memref_squeeze %dma_start3A_1026 : memref<1x128x128xf32, #tpu.memory_space<vmem>> -> memref<128x128xf32, #tpu.memory_space<vmem>>
    tpu.enqueue_dma source(%dma_start3A_1027 : memref<128x128xf32, #tpu.memory_space<vmem>>) target(%dma_start3A_1023 : memref<128x128xf32, #tpu.memory_space<hbm>>) target_semaphore(%arg12 : memref<!tpu.dma_semaphore, #tpu.memory_space<semaphore_mem>>)
    %add3A_1028 = arith.constant 384 : i32
    %add3A_1029 = arith.addi %mul3A_2, %add3A_1028 : i32
    %dma_wait3A_1030 = arith.constant 1 : i32
    %dma_wait3A_1031 = arith.constant 0 : i32
    %dma_wait3A_1032 = arith.constant 0 : i32
    %dma_wait3A_1033 = tpu.memref_slice %arg9[%dma_wait3A_1030, %dma_wait3A_1031, %dma_wait3A_1032] : memref<2x128x128xf32, #tpu.memory_space<vmem>> -> memref<1x128x128xf32, #tpu.memory_space<vmem>>
    %dma_wait3A_1034 = tpu.memref_squeeze %dma_wait3A_1033 : memref<1x128x128xf32, #tpu.memory_space<vmem>> -> memref<128x128xf32, #tpu.memory_space<vmem>>
    %dma_wait3A_1035 = arith.constant 0 : i32
    %dma_wait3A_1036 = tpu.memref_slice %arg5[%arg0, %add3A_1029, %dma_wait3A_1035] : memref<2x10240x128xf32, #tpu.memory_space<hbm>> -> memref<1x128x128xf32, #tpu.memory_space<hbm>>
    %dma_wait3A_1037 = tpu.memref_squeeze %dma_wait3A_1036 : memref<1x128x128xf32, #tpu.memory_space<hbm>> -> memref<128x128xf32, #tpu.memory_space<hbm>>
    %dma_wait3A_1038 = arith.constant 0 : i32
    %dma_wait3A_1039 = tpu.memref_slice %arg5[%arg0, %add3A_1029, %dma_wait3A_1038] : memref<2x10240x128xf32, #tpu.memory_space<hbm>> -> memref<1x128x128xf32, #tpu.memory_space<hbm>>
    %dma_wait3A_1040 = tpu.memref_squeeze %dma_wait3A_1039 : memref<1x128x128xf32, #tpu.memory_space<hbm>> -> memref<128x128xf32, #tpu.memory_space<hbm>>
    %dma_wait3A_1041 = arith.constant 0 : i32
    %dma_wait3A_1042 = arith.constant 0 : i32
    %dma_wait3A_1043 = tpu.memref_slice %arg9[%dma_wait3A_1030, %dma_wait3A_1041, %dma_wait3A_1042] : memref<2x128x128xf32, #tpu.memory_space<vmem>> -> memref<1x128x128xf32, #tpu.memory_space<vmem>>
    %dma_wait3A_1044 = tpu.memref_squeeze %dma_wait3A_1043 : memref<1x128x128xf32, #tpu.memory_space<vmem>> -> memref<128x128xf32, #tpu.memory_space<vmem>>
    tpu.wait_dma2 semaphore(%arg12 : memref<!tpu.dma_semaphore, #tpu.memory_space<semaphore_mem>>) src(%dma_wait3A_1044 : memref<128x128xf32, #tpu.memory_space<vmem>>) dst(%dma_wait3A_1040 : memref<128x128xf32, #tpu.memory_space<hbm>>)
    %add3A_1045 = arith.constant 512 : i32
    %add3A_1046 = arith.addi %mul3A_2, %add3A_1045 : i32
    %dma_wait3A_1047 = arith.constant 0 : i32
    %dma_wait3A_1048 = arith.constant 0 : i32
    %dma_wait3A_1049 = arith.constant 0 : i32
    %dma_wait3A_1050 = tpu.memref_slice %arg9[%dma_wait3A_1047, %dma_wait3A_1048, %dma_wait3A_1049] : memref<2x128x128xf32, #tpu.memory_space<vmem>> -> memref<1x128x128xf32, #tpu.memory_space<vmem>>
    %dma_wait3A_1051 = tpu.memref_squeeze %dma_wait3A_1050 : memref<1x128x128xf32, #tpu.memory_space<vmem>> -> memref<128x128xf32, #tpu.memory_space<vmem>>
    %dma_wait3A_1052 = arith.constant 0 : i32
    %dma_wait3A_1053 = tpu.memref_slice %arg5[%arg0, %add3A_1046, %dma_wait3A_1052] : memref<2x10240x128xf32, #tpu.memory_space<hbm>> -> memref<1x128x128xf32, #tpu.memory_space<hbm>>
    %dma_wait3A_1054 = tpu.memref_squeeze %dma_wait3A_1053 : memref<1x128x128xf32, #tpu.memory_space<hbm>> -> memref<128x128xf32, #tpu.memory_space<hbm>>
    %dma_wait3A_1055 = arith.constant 0 : i32
    %dma_wait3A_1056 = tpu.memref_slice %arg5[%arg0, %add3A_1046, %dma_wait3A_1055] : memref<2x10240x128xf32, #tpu.memory_space<hbm>> -> memref<1x128x128xf32, #tpu.memory_space<hbm>>
    %dma_wait3A_1057 = tpu.memref_squeeze %dma_wait3A_1056 : memref<1x128x128xf32, #tpu.memory_space<hbm>> -> memref<128x128xf32, #tpu.memory_space<hbm>>
    %dma_wait3A_1058 = arith.constant 0 : i32
    %dma_wait3A_1059 = arith.constant 0 : i32
    %dma_wait3A_1060 = tpu.memref_slice %arg9[%dma_wait3A_1047, %dma_wait3A_1058, %dma_wait3A_1059] : memref<2x128x128xf32, #tpu.memory_space<vmem>> -> memref<1x128x128xf32, #tpu.memory_space<vmem>>
    %dma_wait3A_1061 = tpu.memref_squeeze %dma_wait3A_1060 : memref<1x128x128xf32, #tpu.memory_space<vmem>> -> memref<128x128xf32, #tpu.memory_space<vmem>>
    tpu.wait_dma2 semaphore(%arg12 : memref<!tpu.dma_semaphore, #tpu.memory_space<semaphore_mem>>) src(%dma_wait3A_1061 : memref<128x128xf32, #tpu.memory_space<vmem>>) dst(%dma_wait3A_1057 : memref<128x128xf32, #tpu.memory_space<hbm>>)
    return
  }
}

#map = affine_map<(d0, d1) -> (0, 0, 0)>
module attributes {stable_mosaic.version = 14 : i64} {
  func.func @deg(%arg0: i32, %arg1: i32, %arg2: memref<32x79x128xi32, #tpu.memory_space<hbm>>, %arg3: memref<32x79x128xi32, #tpu.memory_space<hbm>>, %arg4: memref<32x2x10240xf32, #tpu.memory_space<hbm>>, %arg5: memref<79x128xi32, #tpu.memory_space<vmem>>, %arg6: memref<79x128xi32, #tpu.memory_space<vmem>>, %arg7: memref<10240xf32, #tpu.memory_space<vmem>>, %arg8: memref<10240xf32, #tpu.memory_space<vmem>>, %arg9: memref<!tpu.dma_semaphore, #tpu.memory_space<semaphore_mem>>) attributes {dimension_semantics = [#tpu.dimension_semantics<core_parallel>, #tpu.dimension_semantics<subcore_parallel>], iteration_bounds = array<i64: 2, 16>, scalar_prefetch = 0 : i64, scratch_operands = 5 : i64, tpu.core_type = #tpu.core_type<sc_vector_subcore>, window_params = [{transform_indices = #map}, {transform_indices = #map}, {transform_indices = #map}]} {
    %mul3A = arith.constant 2 : i32
    %mul3A_0 = arith.muli %arg1, %mul3A : i32
    %add3A = arith.addi %mul3A_0, %arg0 : i32
    %broadcast_in_dim3A = arith.constant 1.000000e+00 : f32
    %broadcast_in_dim3A_1 = vector.broadcast %broadcast_in_dim3A : f32 to vector<16xf32>
    %dma_start3A = arith.constant 0 : i32
    %dma_start3A_2 = arith.constant 0 : i32
    %dma_start3A_3 = tpu.memref_slice %arg2[%add3A, %dma_start3A, %dma_start3A_2] : memref<32x79x128xi32, #tpu.memory_space<hbm>> -> memref<1x79x128xi32, #tpu.memory_space<hbm>>
    %dma_start3A_4 = tpu.memref_squeeze %dma_start3A_3 : memref<1x79x128xi32, #tpu.memory_space<hbm>> -> memref<79x128xi32, #tpu.memory_space<hbm>>
    %dma_start3A_5 = arith.constant 0 : i32
    %dma_start3A_6 = arith.constant 0 : i32
    %dma_start3A_7 = tpu.memref_slice %arg2[%add3A, %dma_start3A_5, %dma_start3A_6] : memref<32x79x128xi32, #tpu.memory_space<hbm>> -> memref<1x79x128xi32, #tpu.memory_space<hbm>>
    %dma_start3A_8 = tpu.memref_squeeze %dma_start3A_7 : memref<1x79x128xi32, #tpu.memory_space<hbm>> -> memref<79x128xi32, #tpu.memory_space<hbm>>
    tpu.enqueue_dma source(%dma_start3A_8 : memref<79x128xi32, #tpu.memory_space<hbm>>) target(%arg5 : memref<79x128xi32, #tpu.memory_space<vmem>>) target_semaphore(%arg9 : memref<!tpu.dma_semaphore, #tpu.memory_space<semaphore_mem>>)
    %dma_start3A_9 = arith.constant 0 : i32
    %dma_start3A_10 = arith.constant 0 : i32
    %dma_start3A_11 = tpu.memref_slice %arg3[%add3A, %dma_start3A_9, %dma_start3A_10] : memref<32x79x128xi32, #tpu.memory_space<hbm>> -> memref<1x79x128xi32, #tpu.memory_space<hbm>>
    %dma_start3A_12 = tpu.memref_squeeze %dma_start3A_11 : memref<1x79x128xi32, #tpu.memory_space<hbm>> -> memref<79x128xi32, #tpu.memory_space<hbm>>
    %dma_start3A_13 = arith.constant 0 : i32
    %dma_start3A_14 = arith.constant 0 : i32
    %dma_start3A_15 = tpu.memref_slice %arg3[%add3A, %dma_start3A_13, %dma_start3A_14] : memref<32x79x128xi32, #tpu.memory_space<hbm>> -> memref<1x79x128xi32, #tpu.memory_space<hbm>>
    %dma_start3A_16 = tpu.memref_squeeze %dma_start3A_15 : memref<1x79x128xi32, #tpu.memory_space<hbm>> -> memref<79x128xi32, #tpu.memory_space<hbm>>
    tpu.enqueue_dma source(%dma_start3A_16 : memref<79x128xi32, #tpu.memory_space<hbm>>) target(%arg6 : memref<79x128xi32, #tpu.memory_space<vmem>>) target_semaphore(%arg9 : memref<!tpu.dma_semaphore, #tpu.memory_space<semaphore_mem>>)
    %scan3A = arith.constant 0 : i32
    %scan3A_17 = arith.constant 0 : i32
    %scan3A_18 = arith.constant 640 : i32
    %scan3A_19 = arith.addi %scan3A_17, %scan3A_18 : i32
    %scan3A_20 = arith.constant 1 : i32
    scf.for %scan3A_44 = %scan3A_17 to %scan3A_19 step %scan3A_20  : i32 {
      %broadcast_in_dim3A_45 = arith.constant 0.000000e+00 : f32
      %broadcast_in_dim3A_46 = vector.broadcast %broadcast_in_dim3A_45 : f32 to vector<16xf32>
      %mul3A_47 = arith.constant 16 : i32
      %mul3A_48 = arith.muli %scan3A_44, %mul3A_47 : i32
      %swap3A = arith.index_cast %mul3A_48 : i32 to index
      %swap3A_49 = tpu.vector_load %arg7[%swap3A] {strides = array<i32>} : memref<10240xf32, #tpu.memory_space<vmem>>, vector<16xf32>,
      tpu.vector_store %arg7[%swap3A], %broadcast_in_dim3A_46 {strides = array<i32>} : memref<10240xf32, #tpu.memory_space<vmem>>, vector<16xf32>,
      %broadcast_in_dim3A_50 = arith.constant 0.000000e+00 : f32
      %broadcast_in_dim3A_51 = vector.broadcast %broadcast_in_dim3A_50 : f32 to vector<16xf32>
      %mul3A_52 = arith.constant 16 : i32
      %mul3A_53 = arith.muli %scan3A_44, %mul3A_52 : i32
      %swap3A_54 = arith.index_cast %mul3A_53 : i32 to index
      %swap3A_55 = tpu.vector_load %arg8[%swap3A_54] {strides = array<i32>} : memref<10240xf32, #tpu.memory_space<vmem>>, vector<16xf32>,
      tpu.vector_store %arg8[%swap3A_54], %broadcast_in_dim3A_51 {strides = array<i32>} : memref<10240xf32, #tpu.memory_space<vmem>>, vector<16xf32>,
    }
    %scan3A_21 = arith.constant 640 : i32
    %dma_wait3A = arith.constant 0 : i32
    %dma_wait3A_22 = arith.constant 0 : i32
    %dma_wait3A_23 = tpu.memref_slice %arg2[%add3A, %dma_wait3A, %dma_wait3A_22] : memref<32x79x128xi32, #tpu.memory_space<hbm>> -> memref<1x79x128xi32, #tpu.memory_space<hbm>>
    %dma_wait3A_24 = tpu.memref_squeeze %dma_wait3A_23 : memref<1x79x128xi32, #tpu.memory_space<hbm>> -> memref<79x128xi32, #tpu.memory_space<hbm>>
    %dma_wait3A_25 = arith.constant 0 : i32
    %dma_wait3A_26 = arith.constant 0 : i32
    %dma_wait3A_27 = tpu.memref_slice %arg2[%add3A, %dma_wait3A_25, %dma_wait3A_26] : memref<32x79x128xi32, #tpu.memory_space<hbm>> -> memref<1x79x128xi32, #tpu.memory_space<hbm>>
    %dma_wait3A_28 = tpu.memref_squeeze %dma_wait3A_27 : memref<1x79x128xi32, #tpu.memory_space<hbm>> -> memref<79x128xi32, #tpu.memory_space<hbm>>
    tpu.wait_dma2 semaphore(%arg9 : memref<!tpu.dma_semaphore, #tpu.memory_space<semaphore_mem>>) src(%dma_wait3A_28 : memref<79x128xi32, #tpu.memory_space<hbm>>) dst(%arg5 : memref<79x128xi32, #tpu.memory_space<vmem>>)
    %dma_wait3A_29 = arith.constant 0 : i32
    %dma_wait3A_30 = arith.constant 0 : i32
    %dma_wait3A_31 = tpu.memref_slice %arg3[%add3A, %dma_wait3A_29, %dma_wait3A_30] : memref<32x79x128xi32, #tpu.memory_space<hbm>> -> memref<1x79x128xi32, #tpu.memory_space<hbm>>
    %dma_wait3A_32 = tpu.memref_squeeze %dma_wait3A_31 : memref<1x79x128xi32, #tpu.memory_space<hbm>> -> memref<79x128xi32, #tpu.memory_space<hbm>>
    %dma_wait3A_33 = arith.constant 0 : i32
    %dma_wait3A_34 = arith.constant 0 : i32
    %dma_wait3A_35 = tpu.memref_slice %arg3[%add3A, %dma_wait3A_33, %dma_wait3A_34] : memref<32x79x128xi32, #tpu.memory_space<hbm>> -> memref<1x79x128xi32, #tpu.memory_space<hbm>>
    %dma_wait3A_36 = tpu.memref_squeeze %dma_wait3A_35 : memref<1x79x128xi32, #tpu.memory_space<hbm>> -> memref<79x128xi32, #tpu.memory_space<hbm>>
    tpu.wait_dma2 semaphore(%arg9 : memref<!tpu.dma_semaphore, #tpu.memory_space<semaphore_mem>>) src(%dma_wait3A_36 : memref<79x128xi32, #tpu.memory_space<hbm>>) dst(%arg6 : memref<79x128xi32, #tpu.memory_space<vmem>>)
    %scan3A_37 = arith.constant 0 : i32
    %scan3A_38 = arith.constant 0 : i32
    %scan3A_39 = arith.constant 79 : i32
    %scan3A_40 = arith.addi %scan3A_38, %scan3A_39 : i32
    %scan3A_41 = arith.constant 1 : i32
    scf.for %scan3A_44 = %scan3A_38 to %scan3A_40 step %scan3A_41  : i32 {
      %get3A = arith.index_cast %scan3A_44 : i32 to index
      %get3A_45 = arith.constant 0 : index
      %get3A_46 = tpu.vector_load %arg5[%get3A, %get3A_45] {strides = array<i32>} : memref<79x128xi32, #tpu.memory_space<vmem>>, vector<16xi32>,
      %get3A_47 = arith.index_cast %scan3A_44 : i32 to index
      %get3A_48 = arith.constant 0 : index
      %get3A_49 = tpu.vector_load %arg6[%get3A_47, %get3A_48] {strides = array<i32>} : memref<79x128xi32, #tpu.memory_space<vmem>>, vector<16xi32>,
      tpu.vector_store_idx %arg7[%get3A_46], %broadcast_in_dim3A_1 {add = true} : memref<10240xf32, #tpu.memory_space<vmem>>[vector<16xi32>], vector<16xf32>,
      tpu.vector_store_idx %arg8[%get3A_49], %broadcast_in_dim3A_1 {add = true} : memref<10240xf32, #tpu.memory_space<vmem>>[vector<16xi32>], vector<16xf32>,
      %get3A_50 = arith.index_cast %scan3A_44 : i32 to index
      %get3A_51 = arith.constant 16 : index
      %get3A_52 = tpu.vector_load %arg5[%get3A_50, %get3A_51] {strides = array<i32>} : memref<79x128xi32, #tpu.memory_space<vmem>>, vector<16xi32>,
      %get3A_53 = arith.index_cast %scan3A_44 : i32 to index
      %get3A_54 = arith.constant 16 : index
      %get3A_55 = tpu.vector_load %arg6[%get3A_53, %get3A_54] {strides = array<i32>} : memref<79x128xi32, #tpu.memory_space<vmem>>, vector<16xi32>,
      tpu.vector_store_idx %arg7[%get3A_52], %broadcast_in_dim3A_1 {add = true} : memref<10240xf32, #tpu.memory_space<vmem>>[vector<16xi32>], vector<16xf32>,
      tpu.vector_store_idx %arg8[%get3A_55], %broadcast_in_dim3A_1 {add = true} : memref<10240xf32, #tpu.memory_space<vmem>>[vector<16xi32>], vector<16xf32>,
      %get3A_56 = arith.index_cast %scan3A_44 : i32 to index
      %get3A_57 = arith.constant 32 : index
      %get3A_58 = tpu.vector_load %arg5[%get3A_56, %get3A_57] {strides = array<i32>} : memref<79x128xi32, #tpu.memory_space<vmem>>, vector<16xi32>,
      %get3A_59 = arith.index_cast %scan3A_44 : i32 to index
      %get3A_60 = arith.constant 32 : index
      %get3A_61 = tpu.vector_load %arg6[%get3A_59, %get3A_60] {strides = array<i32>} : memref<79x128xi32, #tpu.memory_space<vmem>>, vector<16xi32>,
      tpu.vector_store_idx %arg7[%get3A_58], %broadcast_in_dim3A_1 {add = true} : memref<10240xf32, #tpu.memory_space<vmem>>[vector<16xi32>], vector<16xf32>,
      tpu.vector_store_idx %arg8[%get3A_61], %broadcast_in_dim3A_1 {add = true} : memref<10240xf32, #tpu.memory_space<vmem>>[vector<16xi32>], vector<16xf32>,
      %get3A_62 = arith.index_cast %scan3A_44 : i32 to index
      %get3A_63 = arith.constant 48 : index
      %get3A_64 = tpu.vector_load %arg5[%get3A_62, %get3A_63] {strides = array<i32>} : memref<79x128xi32, #tpu.memory_space<vmem>>, vector<16xi32>,
      %get3A_65 = arith.index_cast %scan3A_44 : i32 to index
      %get3A_66 = arith.constant 48 : index
      %get3A_67 = tpu.vector_load %arg6[%get3A_65, %get3A_66] {strides = array<i32>} : memref<79x128xi32, #tpu.memory_space<vmem>>, vector<16xi32>,
      tpu.vector_store_idx %arg7[%get3A_64], %broadcast_in_dim3A_1 {add = true} : memref<10240xf32, #tpu.memory_space<vmem>>[vector<16xi32>], vector<16xf32>,
      tpu.vector_store_idx %arg8[%get3A_67], %broadcast_in_dim3A_1 {add = true} : memref<10240xf32, #tpu.memory_space<vmem>>[vector<16xi32>], vector<16xf32>,
      %get3A_68 = arith.index_cast %scan3A_44 : i32 to index
      %get3A_69 = arith.constant 64 : index
      %get3A_70 = tpu.vector_load %arg5[%get3A_68, %get3A_69] {strides = array<i32>} : memref<79x128xi32, #tpu.memory_space<vmem>>, vector<16xi32>,
      %get3A_71 = arith.index_cast %scan3A_44 : i32 to index
      %get3A_72 = arith.constant 64 : index
      %get3A_73 = tpu.vector_load %arg6[%get3A_71, %get3A_72] {strides = array<i32>} : memref<79x128xi32, #tpu.memory_space<vmem>>, vector<16xi32>,
      tpu.vector_store_idx %arg7[%get3A_70], %broadcast_in_dim3A_1 {add = true} : memref<10240xf32, #tpu.memory_space<vmem>>[vector<16xi32>], vector<16xf32>,
      tpu.vector_store_idx %arg8[%get3A_73], %broadcast_in_dim3A_1 {add = true} : memref<10240xf32, #tpu.memory_space<vmem>>[vector<16xi32>], vector<16xf32>,
      %get3A_74 = arith.index_cast %scan3A_44 : i32 to index
      %get3A_75 = arith.constant 80 : index
      %get3A_76 = tpu.vector_load %arg5[%get3A_74, %get3A_75] {strides = array<i32>} : memref<79x128xi32, #tpu.memory_space<vmem>>, vector<16xi32>,
      %get3A_77 = arith.index_cast %scan3A_44 : i32 to index
      %get3A_78 = arith.constant 80 : index
      %get3A_79 = tpu.vector_load %arg6[%get3A_77, %get3A_78] {strides = array<i32>} : memref<79x128xi32, #tpu.memory_space<vmem>>, vector<16xi32>,
      tpu.vector_store_idx %arg7[%get3A_76], %broadcast_in_dim3A_1 {add = true} : memref<10240xf32, #tpu.memory_space<vmem>>[vector<16xi32>], vector<16xf32>,
      tpu.vector_store_idx %arg8[%get3A_79], %broadcast_in_dim3A_1 {add = true} : memref<10240xf32, #tpu.memory_space<vmem>>[vector<16xi32>], vector<16xf32>,
      %get3A_80 = arith.index_cast %scan3A_44 : i32 to index
      %get3A_81 = arith.constant 96 : index
      %get3A_82 = tpu.vector_load %arg5[%get3A_80, %get3A_81] {strides = array<i32>} : memref<79x128xi32, #tpu.memory_space<vmem>>, vector<16xi32>,
      %get3A_83 = arith.index_cast %scan3A_44 : i32 to index
      %get3A_84 = arith.constant 96 : index
      %get3A_85 = tpu.vector_load %arg6[%get3A_83, %get3A_84] {strides = array<i32>} : memref<79x128xi32, #tpu.memory_space<vmem>>, vector<16xi32>,
      tpu.vector_store_idx %arg7[%get3A_82], %broadcast_in_dim3A_1 {add = true} : memref<10240xf32, #tpu.memory_space<vmem>>[vector<16xi32>], vector<16xf32>,
      tpu.vector_store_idx %arg8[%get3A_85], %broadcast_in_dim3A_1 {add = true} : memref<10240xf32, #tpu.memory_space<vmem>>[vector<16xi32>], vector<16xf32>,
      %get3A_86 = arith.index_cast %scan3A_44 : i32 to index
      %get3A_87 = arith.constant 112 : index
      %get3A_88 = tpu.vector_load %arg5[%get3A_86, %get3A_87] {strides = array<i32>} : memref<79x128xi32, #tpu.memory_space<vmem>>, vector<16xi32>,
      %get3A_89 = arith.index_cast %scan3A_44 : i32 to index
      %get3A_90 = arith.constant 112 : index
      %get3A_91 = tpu.vector_load %arg6[%get3A_89, %get3A_90] {strides = array<i32>} : memref<79x128xi32, #tpu.memory_space<vmem>>, vector<16xi32>,
      tpu.vector_store_idx %arg7[%get3A_88], %broadcast_in_dim3A_1 {add = true} : memref<10240xf32, #tpu.memory_space<vmem>>[vector<16xi32>], vector<16xf32>,
      tpu.vector_store_idx %arg8[%get3A_91], %broadcast_in_dim3A_1 {add = true} : memref<10240xf32, #tpu.memory_space<vmem>>[vector<16xi32>], vector<16xf32>,
    }
    %scan3A_42 = arith.constant 79 : i32
    %run_scoped3A = arith.constant 0 : i32
    "tpu.region"() ({
      %run_scoped3A_44 = tpu.sem_alloc : memref<!tpu.dma_semaphore, #tpu.memory_space<semaphore_mem>>
      %dma_start3A_45 = arith.constant 0 : i32
      %dma_start3A_46 = tpu.memref_slice %arg4[%add3A, %run_scoped3A, %dma_start3A_45] : memref<32x2x10240xf32, #tpu.memory_space<hbm>> -> memref<1x1x10240xf32, #tpu.memory_space<hbm>>
      %dma_start3A_47 = tpu.memref_squeeze %dma_start3A_46 : memref<1x1x10240xf32, #tpu.memory_space<hbm>> -> memref<10240xf32, #tpu.memory_space<hbm>>
      %dma_start3A_48 = arith.constant 0 : i32
      %dma_start3A_49 = tpu.memref_slice %arg4[%add3A, %run_scoped3A, %dma_start3A_48] : memref<32x2x10240xf32, #tpu.memory_space<hbm>> -> memref<1x1x10240xf32, #tpu.memory_space<hbm>>
      %dma_start3A_50 = tpu.memref_squeeze %dma_start3A_49 : memref<1x1x10240xf32, #tpu.memory_space<hbm>> -> memref<10240xf32, #tpu.memory_space<hbm>>
      tpu.enqueue_dma source(%arg7 : memref<10240xf32, #tpu.memory_space<vmem>>) target(%dma_start3A_50 : memref<10240xf32, #tpu.memory_space<hbm>>) target_semaphore(%run_scoped3A_44 : memref<!tpu.dma_semaphore, #tpu.memory_space<semaphore_mem>>)
      %dma_wait3A_51 = arith.constant 0 : i32
      %dma_wait3A_52 = tpu.memref_slice %arg4[%add3A, %run_scoped3A, %dma_wait3A_51] : memref<32x2x10240xf32, #tpu.memory_space<hbm>> -> memref<1x1x10240xf32, #tpu.memory_space<hbm>>
      %dma_wait3A_53 = tpu.memref_squeeze %dma_wait3A_52 : memref<1x1x10240xf32, #tpu.memory_space<hbm>> -> memref<10240xf32, #tpu.memory_space<hbm>>
      %dma_wait3A_54 = arith.constant 0 : i32
      %dma_wait3A_55 = tpu.memref_slice %arg4[%add3A, %run_scoped3A, %dma_wait3A_54] : memref<32x2x10240xf32, #tpu.memory_space<hbm>> -> memref<1x1x10240xf32, #tpu.memory_space<hbm>>
      %dma_wait3A_56 = tpu.memref_squeeze %dma_wait3A_55 : memref<1x1x10240xf32, #tpu.memory_space<hbm>> -> memref<10240xf32, #tpu.memory_space<hbm>>
      tpu.wait_dma2 semaphore(%run_scoped3A_44 : memref<!tpu.dma_semaphore, #tpu.memory_space<semaphore_mem>>) src(%arg7 : memref<10240xf32, #tpu.memory_space<vmem>>) dst(%dma_wait3A_56 : memref<10240xf32, #tpu.memory_space<hbm>>)
      tpu.yield
    }) : () -> ()
    %run_scoped3A_43 = arith.constant 1 : i32
    "tpu.region"() ({
      %run_scoped3A_44 = tpu.sem_alloc : memref<!tpu.dma_semaphore, #tpu.memory_space<semaphore_mem>>
      %dma_start3A_45 = arith.constant 0 : i32
      %dma_start3A_46 = tpu.memref_slice %arg4[%add3A, %run_scoped3A_43, %dma_start3A_45] : memref<32x2x10240xf32, #tpu.memory_space<hbm>> -> memref<1x1x10240xf32, #tpu.memory_space<hbm>>
      %dma_start3A_47 = tpu.memref_squeeze %dma_start3A_46 : memref<1x1x10240xf32, #tpu.memory_space<hbm>> -> memref<10240xf32, #tpu.memory_space<hbm>>
      %dma_start3A_48 = arith.constant 0 : i32
      %dma_start3A_49 = tpu.memref_slice %arg4[%add3A, %run_scoped3A_43, %dma_start3A_48] : memref<32x2x10240xf32, #tpu.memory_space<hbm>> -> memref<1x1x10240xf32, #tpu.memory_space<hbm>>
      %dma_start3A_50 = tpu.memref_squeeze %dma_start3A_49 : memref<1x1x10240xf32, #tpu.memory_space<hbm>> -> memref<10240xf32, #tpu.memory_space<hbm>>
      tpu.enqueue_dma source(%arg8 : memref<10240xf32, #tpu.memory_space<vmem>>) target(%dma_start3A_50 : memref<10240xf32, #tpu.memory_space<hbm>>) target_semaphore(%run_scoped3A_44 : memref<!tpu.dma_semaphore, #tpu.memory_space<semaphore_mem>>)
      %dma_wait3A_51 = arith.constant 0 : i32
      %dma_wait3A_52 = tpu.memref_slice %arg4[%add3A, %run_scoped3A_43, %dma_wait3A_51] : memref<32x2x10240xf32, #tpu.memory_space<hbm>> -> memref<1x1x10240xf32, #tpu.memory_space<hbm>>
      %dma_wait3A_53 = tpu.memref_squeeze %dma_wait3A_52 : memref<1x1x10240xf32, #tpu.memory_space<hbm>> -> memref<10240xf32, #tpu.memory_space<hbm>>
      %dma_wait3A_54 = arith.constant 0 : i32
      %dma_wait3A_55 = tpu.memref_slice %arg4[%add3A, %run_scoped3A_43, %dma_wait3A_54] : memref<32x2x10240xf32, #tpu.memory_space<hbm>> -> memref<1x1x10240xf32, #tpu.memory_space<hbm>>
      %dma_wait3A_56 = tpu.memref_squeeze %dma_wait3A_55 : memref<1x1x10240xf32, #tpu.memory_space<hbm>> -> memref<10240xf32, #tpu.memory_space<hbm>>
      tpu.wait_dma2 semaphore(%run_scoped3A_44 : memref<!tpu.dma_semaphore, #tpu.memory_space<semaphore_mem>>) src(%arg8 : memref<10240xf32, #tpu.memory_space<vmem>>) dst(%dma_wait3A_56 : memref<10240xf32, #tpu.memory_space<hbm>>)
      tpu.yield
    }) : () -> ()
    return
  }
}

#map = affine_map<(d0, d1) -> (0, 0, 0)>
#map1 = affine_map<(d0, d1) -> (0, 0)>
module attributes {stable_mosaic.version = 14 : i64} {
  func.func @agg(%arg0: i32, %arg1: i32, %arg2: memref<32x79x128xi32, #tpu.memory_space<hbm>>, %arg3: memref<32x79x128xi32, #tpu.memory_space<hbm>>, %arg4: memref<10240x128xf32, #tpu.memory_space<hbm>>, %arg5: memref<2x10240x128xf32, #tpu.memory_space<hbm>>, %arg6: memref<3x128xi32, #tpu.memory_space<vmem>>, %arg7: memref<3x128xi32, #tpu.memory_space<vmem>>, %arg8: memref<5x128xi32, #tpu.memory_space<vmem>>, %arg9: memref<2x128x128xf32, #tpu.memory_space<vmem>>, %arg10: memref<10240x128xf32, #tpu.memory_space<vmem_shared>>, %arg11: memref<!tpu.dma_semaphore, #tpu.memory_space<semaphore_mem>>, %arg12: memref<!tpu.dma_semaphore, #tpu.memory_space<semaphore_mem>>, %arg13: memref<!tpu.dma_semaphore, #tpu.memory_space<semaphore_mem>>) attributes {dimension_semantics = [#tpu.dimension_semantics<core_parallel>, #tpu.dimension_semantics<subcore_parallel>], iteration_bounds = array<i64: 2, 16>, scalar_prefetch = 0 : i64, scratch_operands = 8 : i64, tpu.core_type = #tpu.core_type<sc_vector_subcore>, window_params = [{transform_indices = #map}, {transform_indices = #map}, {transform_indices = #map1}, {transform_indices = #map}]} {
    %mul3A = arith.constant 2 : i32
    %mul3A_0 = arith.muli %arg1, %mul3A : i32
    %add3A = arith.addi %mul3A_0, %arg0 : i32
    %mul3A_1 = arith.constant 640 : i32
    %mul3A_2 = arith.muli %arg1, %mul3A_1 : i32
    %dma_start3A = arith.constant 0 : i32
    %dma_start3A_3 = arith.constant 0 : i32
    %dma_start3A_4 = arith.constant 0 : i32
    %dma_start3A_5 = tpu.memref_slice %arg6[%dma_start3A_3, %dma_start3A_4] : memref<3x128xi32, #tpu.memory_space<vmem>> -> memref<1x128xi32, #tpu.memory_space<vmem>>
    %dma_start3A_6 = tpu.memref_squeeze %dma_start3A_5 : memref<1x128xi32, #tpu.memory_space<vmem>> -> memref<128xi32, #tpu.memory_space<vmem>>
    %dma_start3A_7 = arith.constant 0 : i32
    %dma_start3A_8 = tpu.memref_slice %arg2[%add3A, %dma_start3A, %dma_start3A_7] : memref<32x79x128xi32, #tpu.memory_space<hbm>> -> memref<1x1x128xi32, #tpu.memory_space<hbm>>
    %dma_start3A_9 = tpu.memref_squeeze %dma_start3A_8 : memref<1x1x128xi32, #tpu.memory_space<hbm>> -> memref<128xi32, #tpu.memory_space<hbm>>
    %dma_start3A_10 = arith.constant 0 : i32
    %dma_start3A_11 = tpu.memref_slice %arg6[%dma_start3A_3, %dma_start3A_10] : memref<3x128xi32, #tpu.memory_space<vmem>> -> memref<1x128xi32, #tpu.memory_space<vmem>>
    %dma_start3A_12 = tpu.memref_squeeze %dma_start3A_11 : memref<1x128xi32, #tpu.memory_space<vmem>> -> memref<128xi32, #tpu.memory_space<vmem>>
    %dma_start3A_13 = arith.constant 0 : i32
    %dma_start3A_14 = tpu.memref_slice %arg2[%add3A, %dma_start3A, %dma_start3A_13] : memref<32x79x128xi32, #tpu.memory_space<hbm>> -> memref<1x1x128xi32, #tpu.memory_space<hbm>>
    %dma_start3A_15 = tpu.memref_squeeze %dma_start3A_14 : memref<1x1x128xi32, #tpu.memory_space<hbm>> -> memref<128xi32, #tpu.memory_space<hbm>>
    tpu.enqueue_dma source(%dma_start3A_15 : memref<128xi32, #tpu.memory_space<hbm>>) target(%dma_start3A_12 : memref<128xi32, #tpu.memory_space<vmem>>) target_semaphore(%arg13 : memref<!tpu.dma_semaphore, #tpu.memory_space<semaphore_mem>>)
    %dma_start3A_16 = arith.constant 0 : i32
    %dma_start3A_17 = arith.constant 0 : i32
    %dma_start3A_18 = arith.constant 0 : i32
    %dma_start3A_19 = tpu.memref_slice %arg7[%dma_start3A_17, %dma_start3A_18] : memref<3x128xi32, #tpu.memory_space<vmem>> -> memref<1x128xi32, #tpu.memory_space<vmem>>
    %dma_start3A_20 = tpu.memref_squeeze %dma_start3A_19 : memref<1x128xi32, #tpu.memory_space<vmem>> -> memref<128xi32, #tpu.memory_space<vmem>>
    %dma_start3A_21 = arith.constant 0 : i32
    %dma_start3A_22 = tpu.memref_slice %arg3[%add3A, %dma_start3A_16, %dma_start3A_21] : memref<32x79x128xi32, #tpu.memory_space<hbm>> -> memref<1x1x128xi32, #tpu.memory_space<hbm>>
    %dma_start3A_23 = tpu.memref_squeeze %dma_start3A_22 : memref<1x1x128xi32, #tpu.memory_space<hbm>> -> memref<128xi32, #tpu.memory_space<hbm>>
    %dma_start3A_24 = arith.constant 0 : i32
    %dma_start3A_25 = tpu.memref_slice %arg7[%dma_start3A_17, %dma_start3A_24] : memref<3x128xi32, #tpu.memory_space<vmem>> -> memref<1x128xi32, #tpu.memory_space<vmem>>
    %dma_start3A_26 = tpu.memref_squeeze %dma_start3A_25 : memref<1x128xi32, #tpu.memory_space<vmem>> -> memref<128xi32, #tpu.memory_space<vmem>>
    %dma_start3A_27 = arith.constant 0 : i32
    %dma_start3A_28 = tpu.memref_slice %arg3[%add3A, %dma_start3A_16, %dma_start3A_27] : memref<32x79x128xi32, #tpu.memory_space<hbm>> -> memref<1x1x128xi32, #tpu.memory_space<hbm>>
    %dma_start3A_29 = tpu.memref_squeeze %dma_start3A_28 : memref<1x1x128xi32, #tpu.memory_space<hbm>> -> memref<128xi32, #tpu.memory_space<hbm>>
    tpu.enqueue_dma source(%dma_start3A_29 : memref<128xi32, #tpu.memory_space<hbm>>) target(%dma_start3A_26 : memref<128xi32, #tpu.memory_space<vmem>>) target_semaphore(%arg13 : memref<!tpu.dma_semaphore, #tpu.memory_space<semaphore_mem>>)
    %scan3A = arith.constant 0 : i32
    %scan3A_30 = arith.constant 0 : i32
    %scan3A_31 = arith.constant 128 : i32
    %scan3A_32 = arith.addi %scan3A_30, %scan3A_31 : i32
    %scan3A_33 = arith.constant 1 : i32
    scf.for %scan3A_1062 = %scan3A_30 to %scan3A_32 step %scan3A_33  : i32 {
      %broadcast_in_dim3A = arith.constant 0.000000e+00 : f32
      %broadcast_in_dim3A_1063 = vector.broadcast %broadcast_in_dim3A : f32 to vector<16xf32>
      %swap3A_1064 = arith.constant 0 : i32
      %swap3A_1065 = arith.index_cast %swap3A_1064 : i32 to index
      %swap3A_1066 = arith.index_cast %scan3A_1062 : i32 to index
      %swap3A_1067 = arith.constant 0 : index
      %swap3A_1068 = tpu.vector_load %arg9[%swap3A_1065, %swap3A_1066, %swap3A_1067] {strides = array<i32>} : memref<2x128x128xf32, #tpu.memory_space<vmem>>, vector<1x1x16xf32>,
      %swap3A_1069 = vector.shape_cast %swap3A_1068 : vector<1x1x16xf32> to vector<16xf32>
      %swap3A_1070 = vector.shape_cast %broadcast_in_dim3A_1063 : vector<16xf32> to vector<1x1x16xf32>
      tpu.vector_store %arg9[%swap3A_1065, %swap3A_1066, %swap3A_1067], %swap3A_1070 {strides = array<i32>} : memref<2x128x128xf32, #tpu.memory_space<vmem>>, vector<1x1x16xf32>,
      %broadcast_in_dim3A_1071 = arith.constant 0.000000e+00 : f32
      %broadcast_in_dim3A_1072 = vector.broadcast %broadcast_in_dim3A_1071 : f32 to vector<16xf32>
      %swap3A_1073 = arith.constant 0 : i32
      %swap3A_1074 = arith.index_cast %swap3A_1073 : i32 to index
      %swap3A_1075 = arith.index_cast %scan3A_1062 : i32 to index
      %swap3A_1076 = arith.constant 16 : index
      %swap3A_1077 = tpu.vector_load %arg9[%swap3A_1074, %swap3A_1075, %swap3A_1076] {strides = array<i32>} : memref<2x128x128xf32, #tpu.memory_space<vmem>>, vector<1x1x16xf32>,
      %swap3A_1078 = vector.shape_cast %swap3A_1077 : vector<1x1x16xf32> to vector<16xf32>
      %swap3A_1079 = vector.shape_cast %broadcast_in_dim3A_1072 : vector<16xf32> to vector<1x1x16xf32>
      tpu.vector_store %arg9[%swap3A_1074, %swap3A_1075, %swap3A_1076], %swap3A_1079 {strides = array<i32>} : memref<2x128x128xf32, #tpu.memory_space<vmem>>, vector<1x1x16xf32>,
      %broadcast_in_dim3A_1080 = arith.constant 0.000000e+00 : f32
      %broadcast_in_dim3A_1081 = vector.broadcast %broadcast_in_dim3A_1080 : f32 to vector<16xf32>
      %swap3A_1082 = arith.constant 0 : i32
      %swap3A_1083 = arith.index_cast %swap3A_1082 : i32 to index
      %swap3A_1084 = arith.index_cast %scan3A_1062 : i32 to index
      %swap3A_1085 = arith.constant 32 : index
      %swap3A_1086 = tpu.vector_load %arg9[%swap3A_1083, %swap3A_1084, %swap3A_1085] {strides = array<i32>} : memref<2x128x128xf32, #tpu.memory_space<vmem>>, vector<1x1x16xf32>,
      %swap3A_1087 = vector.shape_cast %swap3A_1086 : vector<1x1x16xf32> to vector<16xf32>
      %swap3A_1088 = vector.shape_cast %broadcast_in_dim3A_1081 : vector<16xf32> to vector<1x1x16xf32>
      tpu.vector_store %arg9[%swap3A_1083, %swap3A_1084, %swap3A_1085], %swap3A_1088 {strides = array<i32>} : memref<2x128x128xf32, #tpu.memory_space<vmem>>, vector<1x1x16xf32>,
      %broadcast_in_dim3A_1089 = arith.constant 0.000000e+00 : f32
      %broadcast_in_dim3A_1090 = vector.broadcast %broadcast_in_dim3A_1089 : f32 to vector<16xf32>
      %swap3A_1091 = arith.constant 0 : i32
      %swap3A_1092 = arith.index_cast %swap3A_1091 : i32 to index
      %swap3A_1093 = arith.index_cast %scan3A_1062 : i32 to index
      %swap3A_1094 = arith.constant 48 : index
      %swap3A_1095 = tpu.vector_load %arg9[%swap3A_1092, %swap3A_1093, %swap3A_1094] {strides = array<i32>} : memref<2x128x128xf32, #tpu.memory_space<vmem>>, vector<1x1x16xf32>,
      %swap3A_1096 = vector.shape_cast %swap3A_1095 : vector<1x1x16xf32> to vector<16xf32>
      %swap3A_1097 = vector.shape_cast %broadcast_in_dim3A_1090 : vector<16xf32> to vector<1x1x16xf32>
      tpu.vector_store %arg9[%swap3A_1092, %swap3A_1093, %swap3A_1094], %swap3A_1097 {strides = array<i32>} : memref<2x128x128xf32, #tpu.memory_space<vmem>>, vector<1x1x16xf32>,
      %broadcast_in_dim3A_1098 = arith.constant 0.000000e+00 : f32
      %broadcast_in_dim3A_1099 = vector.broadcast %broadcast_in_dim3A_1098 : f32 to vector<16xf32>
      %swap3A_1100 = arith.constant 0 : i32
      %swap3A_1101 = arith.index_cast %swap3A_1100 : i32 to index
      %swap3A_1102 = arith.index_cast %scan3A_1062 : i32 to index
      %swap3A_1103 = arith.constant 64 : index
      %swap3A_1104 = tpu.vector_load %arg9[%swap3A_1101, %swap3A_1102, %swap3A_1103] {strides = array<i32>} : memref<2x128x128xf32, #tpu.memory_space<vmem>>, vector<1x1x16xf32>,
      %swap3A_1105 = vector.shape_cast %swap3A_1104 : vector<1x1x16xf32> to vector<16xf32>
      %swap3A_1106 = vector.shape_cast %broadcast_in_dim3A_1099 : vector<16xf32> to vector<1x1x16xf32>
      tpu.vector_store %arg9[%swap3A_1101, %swap3A_1102, %swap3A_1103], %swap3A_1106 {strides = array<i32>} : memref<2x128x128xf32, #tpu.memory_space<vmem>>, vector<1x1x16xf32>,
      %broadcast_in_dim3A_1107 = arith.constant 0.000000e+00 : f32
      %broadcast_in_dim3A_1108 = vector.broadcast %broadcast_in_dim3A_1107 : f32 to vector<16xf32>
      %swap3A_1109 = arith.constant 0 : i32
      %swap3A_1110 = arith.index_cast %swap3A_1109 : i32 to index
      %swap3A_1111 = arith.index_cast %scan3A_1062 : i32 to index
      %swap3A_1112 = arith.constant 80 : index
      %swap3A_1113 = tpu.vector_load %arg9[%swap3A_1110, %swap3A_1111, %swap3A_1112] {strides = array<i32>} : memref<2x128x128xf32, #tpu.memory_space<vmem>>, vector<1x1x16xf32>,
      %swap3A_1114 = vector.shape_cast %swap3A_1113 : vector<1x1x16xf32> to vector<16xf32>
      %swap3A_1115 = vector.shape_cast %broadcast_in_dim3A_1108 : vector<16xf32> to vector<1x1x16xf32>
      tpu.vector_store %arg9[%swap3A_1110, %swap3A_1111, %swap3A_1112], %swap3A_1115 {strides = array<i32>} : memref<2x128x128xf32, #tpu.memory_space<vmem>>, vector<1x1x16xf32>,
      %broadcast_in_dim3A_1116 = arith.constant 0.000000e+00 : f32
      %broadcast_in_dim3A_1117 = vector.broadcast %broadcast_in_dim3A_1116 : f32 to vector<16xf32>
      %swap3A_1118 = arith.constant 0 : i32
      %swap3A_1119 = arith.index_cast %swap3A_1118 : i32 to index
      %swap3A_1120 = arith.index_cast %scan3A_1062 : i32 to index
      %swap3A_1121 = arith.constant 96 : index
      %swap3A_1122 = tpu.vector_load %arg9[%swap3A_1119, %swap3A_1120, %swap3A_1121] {strides = array<i32>} : memref<2x128x128xf32, #tpu.memory_space<vmem>>, vector<1x1x16xf32>,
      %swap3A_1123 = vector.shape_cast %swap3A_1122 : vector<1x1x16xf32> to vector<16xf32>
      %swap3A_1124 = vector.shape_cast %broadcast_in_dim3A_1117 : vector<16xf32> to vector<1x1x16xf32>
      tpu.vector_store %arg9[%swap3A_1119, %swap3A_1120, %swap3A_1121], %swap3A_1124 {strides = array<i32>} : memref<2x128x128xf32, #tpu.memory_space<vmem>>, vector<1x1x16xf32>,
      %broadcast_in_dim3A_1125 = arith.constant 0.000000e+00 : f32
      %broadcast_in_dim3A_1126 = vector.broadcast %broadcast_in_dim3A_1125 : f32 to vector<16xf32>
      %swap3A_1127 = arith.constant 0 : i32
      %swap3A_1128 = arith.index_cast %swap3A_1127 : i32 to index
      %swap3A_1129 = arith.index_cast %scan3A_1062 : i32 to index
      %swap3A_1130 = arith.constant 112 : index
      %swap3A_1131 = tpu.vector_load %arg9[%swap3A_1128, %swap3A_1129, %swap3A_1130] {strides = array<i32>} : memref<2x128x128xf32, #tpu.memory_space<vmem>>, vector<1x1x16xf32>,
      %swap3A_1132 = vector.shape_cast %swap3A_1131 : vector<1x1x16xf32> to vector<16xf32>
      %swap3A_1133 = vector.shape_cast %broadcast_in_dim3A_1126 : vector<16xf32> to vector<1x1x16xf32>
      tpu.vector_store %arg9[%swap3A_1128, %swap3A_1129, %swap3A_1130], %swap3A_1133 {strides = array<i32>} : memref<2x128x128xf32, #tpu.memory_space<vmem>>, vector<1x1x16xf32>,
    }
    %scan3A_34 = arith.constant 128 : i32
    %add3A_35 = arith.constant 0 : i32
    %add3A_36 = arith.addi %mul3A_2, %add3A_35 : i32
    %add3A_37 = arith.constant 0 : i32
    %add3A_38 = arith.addi %add3A_36, %add3A_37 : i32
    %iota3A = tpu.iota {dimensions = array<i32: 0>} : vector<16xi32>
    %add3A_39 = vector.broadcast %add3A_38 : i32 to vector<16xi32>
    %add3A_40 = arith.addi %add3A_39, %iota3A : vector<16xi32>
    %swap3A = arith.constant 0 : i32
    %swap3A_41 = arith.index_cast %swap3A : i32 to index
    %swap3A_42 = arith.constant 0 : index
    %swap3A_43 = tpu.vector_load %arg8[%swap3A_41, %swap3A_42] {strides = array<i32>} : memref<5x128xi32, #tpu.memory_space<vmem>>, vector<1x16xi32>,
    %swap3A_44 = vector.shape_cast %swap3A_43 : vector<1x16xi32> to vector<16xi32>
    %swap3A_45 = vector.shape_cast %add3A_40 : vector<16xi32> to vector<1x16xi32>
    tpu.vector_store %arg8[%swap3A_41, %swap3A_42], %swap3A_45 {strides = array<i32>} : memref<5x128xi32, #tpu.memory_space<vmem>>, vector<1x16xi32>,
    %add3A_46 = arith.constant 0 : i32
    %add3A_47 = arith.addi %mul3A_2, %add3A_46 : i32
    %add3A_48 = arith.constant 16 : i32
    %add3A_49 = arith.addi %add3A_47, %add3A_48 : i32
    %iota3A_50 = tpu.iota {dimensions = array<i32: 0>} : vector<16xi32>
    %add3A_51 = vector.broadcast %add3A_49 : i32 to vector<16xi32>
    %add3A_52 = arith.addi %add3A_51, %iota3A_50 : vector<16xi32>
    %swap3A_53 = arith.constant 0 : i32
    %swap3A_54 = arith.index_cast %swap3A_53 : i32 to index
    %swap3A_55 = arith.constant 16 : index
    %swap3A_56 = tpu.vector_load %arg8[%swap3A_54, %swap3A_55] {strides = array<i32>} : memref<5x128xi32, #tpu.memory_space<vmem>>, vector<1x16xi32>,
    %swap3A_57 = vector.shape_cast %swap3A_56 : vector<1x16xi32> to vector<16xi32>
    %swap3A_58 = vector.shape_cast %add3A_52 : vector<16xi32> to vector<1x16xi32>
    tpu.vector_store %arg8[%swap3A_54, %swap3A_55], %swap3A_58 {strides = array<i32>} : memref<5x128xi32, #tpu.memory_space<vmem>>, vector<1x16xi32>,
    %add3A_59 = arith.constant 0 : i32
    %add3A_60 = arith.addi %mul3A_2, %add3A_59 : i32
    %add3A_61 = arith.constant 32 : i32
    %add3A_62 = arith.addi %add3A_60, %add3A_61 : i32
    %iota3A_63 = tpu.iota {dimensions = array<i32: 0>} : vector<16xi32>
    %add3A_64 = vector.broadcast %add3A_62 : i32 to vector<16xi32>
    %add3A_65 = arith.addi %add3A_64, %iota3A_63 : vector<16xi32>
    %swap3A_66 = arith.constant 0 : i32
    %swap3A_67 = arith.index_cast %swap3A_66 : i32 to index
    %swap3A_68 = arith.constant 32 : index
    %swap3A_69 = tpu.vector_load %arg8[%swap3A_67, %swap3A_68] {strides = array<i32>} : memref<5x128xi32, #tpu.memory_space<vmem>>, vector<1x16xi32>,
    %swap3A_70 = vector.shape_cast %swap3A_69 : vector<1x16xi32> to vector<16xi32>
    %swap3A_71 = vector.shape_cast %add3A_65 : vector<16xi32> to vector<1x16xi32>
    tpu.vector_store %arg8[%swap3A_67, %swap3A_68], %swap3A_71 {strides = array<i32>} : memref<5x128xi32, #tpu.memory_space<vmem>>, vector<1x16xi32>,
    %add3A_72 = arith.constant 0 : i32
    %add3A_73 = arith.addi %mul3A_2, %add3A_72 : i32
    %add3A_74 = arith.constant 48 : i32
    %add3A_75 = arith.addi %add3A_73, %add3A_74 : i32
    %iota3A_76 = tpu.iota {dimensions = array<i32: 0>} : vector<16xi32>
    %add3A_77 = vector.broadcast %add3A_75 : i32 to vector<16xi32>
    %add3A_78 = arith.addi %add3A_77, %iota3A_76 : vector<16xi32>
    %swap3A_79 = arith.constant 0 : i32
    %swap3A_80 = arith.index_cast %swap3A_79 : i32 to index
    %swap3A_81 = arith.constant 48 : index
    %swap3A_82 = tpu.vector_load %arg8[%swap3A_80, %swap3A_81] {strides = array<i32>} : memref<5x128xi32, #tpu.memory_space<vmem>>, vector<1x16xi32>,
    %swap3A_83 = vector.shape_cast %swap3A_82 : vector<1x16xi32> to vector<16xi32>
    %swap3A_84 = vector.shape_cast %add3A_78 : vector<16xi32> to vector<1x16xi32>
    tpu.vector_store %arg8[%swap3A_80, %swap3A_81], %swap3A_84 {strides = array<i32>} : memref<5x128xi32, #tpu.memory_space<vmem>>, vector<1x16xi32>,
    %add3A_85 = arith.constant 0 : i32
    %add3A_86 = arith.addi %mul3A_2, %add3A_85 : i32
    %add3A_87 = arith.constant 64 : i32
    %add3A_88 = arith.addi %add3A_86, %add3A_87 : i32
    %iota3A_89 = tpu.iota {dimensions = array<i32: 0>} : vector<16xi32>
    %add3A_90 = vector.broadcast %add3A_88 : i32 to vector<16xi32>
    %add3A_91 = arith.addi %add3A_90, %iota3A_89 : vector<16xi32>
    %swap3A_92 = arith.constant 0 : i32
    %swap3A_93 = arith.index_cast %swap3A_92 : i32 to index
    %swap3A_94 = arith.constant 64 : index
    %swap3A_95 = tpu.vector_load %arg8[%swap3A_93, %swap3A_94] {strides = array<i32>} : memref<5x128xi32, #tpu.memory_space<vmem>>, vector<1x16xi32>,
    %swap3A_96 = vector.shape_cast %swap3A_95 : vector<1x16xi32> to vector<16xi32>
    %swap3A_97 = vector.shape_cast %add3A_91 : vector<16xi32> to vector<1x16xi32>
    tpu.vector_store %arg8[%swap3A_93, %swap3A_94], %swap3A_97 {strides = array<i32>} : memref<5x128xi32, #tpu.memory_space<vmem>>, vector<1x16xi32>,
    %add3A_98 = arith.constant 0 : i32
    %add3A_99 = arith.addi %mul3A_2, %add3A_98 : i32
    %add3A_100 = arith.constant 80 : i32
    %add3A_101 = arith.addi %add3A_99, %add3A_100 : i32
    %iota3A_102 = tpu.iota {dimensions = array<i32: 0>} : vector<16xi32>
    %add3A_103 = vector.broadcast %add3A_101 : i32 to vector<16xi32>
    %add3A_104 = arith.addi %add3A_103, %iota3A_102 : vector<16xi32>
    %swap3A_105 = arith.constant 0 : i32
    %swap3A_106 = arith.index_cast %swap3A_105 : i32 to index
    %swap3A_107 = arith.constant 80 : index
    %swap3A_108 = tpu.vector_load %arg8[%swap3A_106, %swap3A_107] {strides = array<i32>} : memref<5x128xi32, #tpu.memory_space<vmem>>, vector<1x16xi32>,
    %swap3A_109 = vector.shape_cast %swap3A_108 : vector<1x16xi32> to vector<16xi32>
    %swap3A_110 = vector.shape_cast %add3A_104 : vector<16xi32> to vector<1x16xi32>
    tpu.vector_store %arg8[%swap3A_106, %swap3A_107], %swap3A_110 {strides = array<i32>} : memref<5x128xi32, #tpu.memory_space<vmem>>, vector<1x16xi32>,
    %add3A_111 = arith.constant 0 : i32
    %add3A_112 = arith.addi %mul3A_2, %add3A_111 : i32
    %add3A_113 = arith.constant 96 : i32
    %add3A_114 = arith.addi %add3A_112, %add3A_113 : i32
    %iota3A_115 = tpu.iota {dimensions = array<i32: 0>} : vector<16xi32>
    %add3A_116 = vector.broadcast %add3A_114 : i32 to vector<16xi32>
    %add3A_117 = arith.addi %add3A_116, %iota3A_115 : vector<16xi32>
    %swap3A_118 = arith.constant 0 : i32
    %swap3A_119 = arith.index_cast %swap3A_118 : i32 to index
    %swap3A_120 = arith.constant 96 : index
    %swap3A_121 = tpu.vector_load %arg8[%swap3A_119, %swap3A_120] {strides = array<i32>} : memref<5x128xi32, #tpu.memory_space<vmem>>, vector<1x16xi32>,
    %swap3A_122 = vector.shape_cast %swap3A_121 : vector<1x16xi32> to vector<16xi32>
    %swap3A_123 = vector.shape_cast %add3A_117 : vector<16xi32> to vector<1x16xi32>
    tpu.vector_store %arg8[%swap3A_119, %swap3A_120], %swap3A_123 {strides = array<i32>} : memref<5x128xi32, #tpu.memory_space<vmem>>, vector<1x16xi32>,
    %add3A_124 = arith.constant 0 : i32
    %add3A_125 = arith.addi %mul3A_2, %add3A_124 : i32
    %add3A_126 = arith.constant 112 : i32
    %add3A_127 = arith.addi %add3A_125, %add3A_126 : i32
    %iota3A_128 = tpu.iota {dimensions = array<i32: 0>} : vector<16xi32>
    %add3A_129 = vector.broadcast %add3A_127 : i32 to vector<16xi32>
    %add3A_130 = arith.addi %add3A_129, %iota3A_128 : vector<16xi32>
    %swap3A_131 = arith.constant 0 : i32
    %swap3A_132 = arith.index_cast %swap3A_131 : i32 to index
    %swap3A_133 = arith.constant 112 : index
    %swap3A_134 = tpu.vector_load %arg8[%swap3A_132, %swap3A_133] {strides = array<i32>} : memref<5x128xi32, #tpu.memory_space<vmem>>, vector<1x16xi32>,
    %swap3A_135 = vector.shape_cast %swap3A_134 : vector<1x16xi32> to vector<16xi32>
    %swap3A_136 = vector.shape_cast %add3A_130 : vector<16xi32> to vector<1x16xi32>
    tpu.vector_store %arg8[%swap3A_132, %swap3A_133], %swap3A_136 {strides = array<i32>} : memref<5x128xi32, #tpu.memory_space<vmem>>, vector<1x16xi32>,
    %add3A_137 = arith.constant 128 : i32
    %add3A_138 = arith.addi %mul3A_2, %add3A_137 : i32
    %add3A_139 = arith.constant 0 : i32
    %add3A_140 = arith.addi %add3A_138, %add3A_139 : i32
    %iota3A_141 = tpu.iota {dimensions = array<i32: 0>} : vector<16xi32>
    %add3A_142 = vector.broadcast %add3A_140 : i32 to vector<16xi32>
    %add3A_143 = arith.addi %add3A_142, %iota3A_141 : vector<16xi32>
    %swap3A_144 = arith.constant 1 : i32
    %swap3A_145 = arith.index_cast %swap3A_144 : i32 to index
    %swap3A_146 = arith.constant 0 : index
    %swap3A_147 = tpu.vector_load %arg8[%swap3A_145, %swap3A_146] {strides = array<i32>} : memref<5x128xi32, #tpu.memory_space<vmem>>, vector<1x16xi32>,
    %swap3A_148 = vector.shape_cast %swap3A_147 : vector<1x16xi32> to vector<16xi32>
    %swap3A_149 = vector.shape_cast %add3A_143 : vector<16xi32> to vector<1x16xi32>
    tpu.vector_store %arg8[%swap3A_145, %swap3A_146], %swap3A_149 {strides = array<i32>} : memref<5x128xi32, #tpu.memory_space<vmem>>, vector<1x16xi32>,
    %add3A_150 = arith.constant 128 : i32
    %add3A_151 = arith.addi %mul3A_2, %add3A_150 : i32
    %add3A_152 = arith.constant 16 : i32
    %add3A_153 = arith.addi %add3A_151, %add3A_152 : i32
    %iota3A_154 = tpu.iota {dimensions = array<i32: 0>} : vector<16xi32>
    %add3A_155 = vector.broadcast %add3A_153 : i32 to vector<16xi32>
    %add3A_156 = arith.addi %add3A_155, %iota3A_154 : vector<16xi32>
    %swap3A_157 = arith.constant 1 : i32
    %swap3A_158 = arith.index_cast %swap3A_157 : i32 to index
    %swap3A_159 = arith.constant 16 : index
    %swap3A_160 = tpu.vector_load %arg8[%swap3A_158, %swap3A_159] {strides = array<i32>} : memref<5x128xi32, #tpu.memory_space<vmem>>, vector<1x16xi32>,
    %swap3A_161 = vector.shape_cast %swap3A_160 : vector<1x16xi32> to vector<16xi32>
    %swap3A_162 = vector.shape_cast %add3A_156 : vector<16xi32> to vector<1x16xi32>
    tpu.vector_store %arg8[%swap3A_158, %swap3A_159], %swap3A_162 {strides = array<i32>} : memref<5x128xi32, #tpu.memory_space<vmem>>, vector<1x16xi32>,
    %add3A_163 = arith.constant 128 : i32
    %add3A_164 = arith.addi %mul3A_2, %add3A_163 : i32
    %add3A_165 = arith.constant 32 : i32
    %add3A_166 = arith.addi %add3A_164, %add3A_165 : i32
    %iota3A_167 = tpu.iota {dimensions = array<i32: 0>} : vector<16xi32>
    %add3A_168 = vector.broadcast %add3A_166 : i32 to vector<16xi32>
    %add3A_169 = arith.addi %add3A_168, %iota3A_167 : vector<16xi32>
    %swap3A_170 = arith.constant 1 : i32
    %swap3A_171 = arith.index_cast %swap3A_170 : i32 to index
    %swap3A_172 = arith.constant 32 : index
    %swap3A_173 = tpu.vector_load %arg8[%swap3A_171, %swap3A_172] {strides = array<i32>} : memref<5x128xi32, #tpu.memory_space<vmem>>, vector<1x16xi32>,
    %swap3A_174 = vector.shape_cast %swap3A_173 : vector<1x16xi32> to vector<16xi32>
    %swap3A_175 = vector.shape_cast %add3A_169 : vector<16xi32> to vector<1x16xi32>
    tpu.vector_store %arg8[%swap3A_171, %swap3A_172], %swap3A_175 {strides = array<i32>} : memref<5x128xi32, #tpu.memory_space<vmem>>, vector<1x16xi32>,
    %add3A_176 = arith.constant 128 : i32
    %add3A_177 = arith.addi %mul3A_2, %add3A_176 : i32
    %add3A_178 = arith.constant 48 : i32
    %add3A_179 = arith.addi %add3A_177, %add3A_178 : i32
    %iota3A_180 = tpu.iota {dimensions = array<i32: 0>} : vector<16xi32>
    %add3A_181 = vector.broadcast %add3A_179 : i32 to vector<16xi32>
    %add3A_182 = arith.addi %add3A_181, %iota3A_180 : vector<16xi32>
    %swap3A_183 = arith.constant 1 : i32
    %swap3A_184 = arith.index_cast %swap3A_183 : i32 to index
    %swap3A_185 = arith.constant 48 : index
    %swap3A_186 = tpu.vector_load %arg8[%swap3A_184, %swap3A_185] {strides = array<i32>} : memref<5x128xi32, #tpu.memory_space<vmem>>, vector<1x16xi32>,
    %swap3A_187 = vector.shape_cast %swap3A_186 : vector<1x16xi32> to vector<16xi32>
    %swap3A_188 = vector.shape_cast %add3A_182 : vector<16xi32> to vector<1x16xi32>
    tpu.vector_store %arg8[%swap3A_184, %swap3A_185], %swap3A_188 {strides = array<i32>} : memref<5x128xi32, #tpu.memory_space<vmem>>, vector<1x16xi32>,
    %add3A_189 = arith.constant 128 : i32
    %add3A_190 = arith.addi %mul3A_2, %add3A_189 : i32
    %add3A_191 = arith.constant 64 : i32
    %add3A_192 = arith.addi %add3A_190, %add3A_191 : i32
    %iota3A_193 = tpu.iota {dimensions = array<i32: 0>} : vector<16xi32>
    %add3A_194 = vector.broadcast %add3A_192 : i32 to vector<16xi32>
    %add3A_195 = arith.addi %add3A_194, %iota3A_193 : vector<16xi32>
    %swap3A_196 = arith.constant 1 : i32
    %swap3A_197 = arith.index_cast %swap3A_196 : i32 to index
    %swap3A_198 = arith.constant 64 : index
    %swap3A_199 = tpu.vector_load %arg8[%swap3A_197, %swap3A_198] {strides = array<i32>} : memref<5x128xi32, #tpu.memory_space<vmem>>, vector<1x16xi32>,
    %swap3A_200 = vector.shape_cast %swap3A_199 : vector<1x16xi32> to vector<16xi32>
    %swap3A_201 = vector.shape_cast %add3A_195 : vector<16xi32> to vector<1x16xi32>
    tpu.vector_store %arg8[%swap3A_197, %swap3A_198], %swap3A_201 {strides = array<i32>} : memref<5x128xi32, #tpu.memory_space<vmem>>, vector<1x16xi32>,
    %add3A_202 = arith.constant 128 : i32
    %add3A_203 = arith.addi %mul3A_2, %add3A_202 : i32
    %add3A_204 = arith.constant 80 : i32
    %add3A_205 = arith.addi %add3A_203, %add3A_204 : i32
    %iota3A_206 = tpu.iota {dimensions = array<i32: 0>} : vector<16xi32>
    %add3A_207 = vector.broadcast %add3A_205 : i32 to vector<16xi32>
    %add3A_208 = arith.addi %add3A_207, %iota3A_206 : vector<16xi32>
    %swap3A_209 = arith.constant 1 : i32
    %swap3A_210 = arith.index_cast %swap3A_209 : i32 to index
    %swap3A_211 = arith.constant 80 : index
    %swap3A_212 = tpu.vector_load %arg8[%swap3A_210, %swap3A_211] {strides = array<i32>} : memref<5x128xi32, #tpu.memory_space<vmem>>, vector<1x16xi32>,
    %swap3A_213 = vector.shape_cast %swap3A_212 : vector<1x16xi32> to vector<16xi32>
    %swap3A_214 = vector.shape_cast %add3A_208 : vector<16xi32> to vector<1x16xi32>
    tpu.vector_store %arg8[%swap3A_210, %swap3A_211], %swap3A_214 {strides = array<i32>} : memref<5x128xi32, #tpu.memory_space<vmem>>, vector<1x16xi32>,
    %add3A_215 = arith.constant 128 : i32
    %add3A_216 = arith.addi %mul3A_2, %add3A_215 : i32
    %add3A_217 = arith.constant 96 : i32
    %add3A_218 = arith.addi %add3A_216, %add3A_217 : i32
    %iota3A_219 = tpu.iota {dimensions = array<i32: 0>} : vector<16xi32>
    %add3A_220 = vector.broadcast %add3A_218 : i32 to vector<16xi32>
    %add3A_221 = arith.addi %add3A_220, %iota3A_219 : vector<16xi32>
    %swap3A_222 = arith.constant 1 : i32
    %swap3A_223 = arith.index_cast %swap3A_222 : i32 to index
    %swap3A_224 = arith.constant 96 : index
    %swap3A_225 = tpu.vector_load %arg8[%swap3A_223, %swap3A_224] {strides = array<i32>} : memref<5x128xi32, #tpu.memory_space<vmem>>, vector<1x16xi32>,
    %swap3A_226 = vector.shape_cast %swap3A_225 : vector<1x16xi32> to vector<16xi32>
    %swap3A_227 = vector.shape_cast %add3A_221 : vector<16xi32> to vector<1x16xi32>
    tpu.vector_store %arg8[%swap3A_223, %swap3A_224], %swap3A_227 {strides = array<i32>} : memref<5x128xi32, #tpu.memory_space<vmem>>, vector<1x16xi32>,
    %add3A_228 = arith.constant 128 : i32
    %add3A_229 = arith.addi %mul3A_2, %add3A_228 : i32
    %add3A_230 = arith.constant 112 : i32
    %add3A_231 = arith.addi %add3A_229, %add3A_230 : i32
    %iota3A_232 = tpu.iota {dimensions = array<i32: 0>} : vector<16xi32>
    %add3A_233 = vector.broadcast %add3A_231 : i32 to vector<16xi32>
    %add3A_234 = arith.addi %add3A_233, %iota3A_232 : vector<16xi32>
    %swap3A_235 = arith.constant 1 : i32
    %swap3A_236 = arith.index_cast %swap3A_235 : i32 to index
    %swap3A_237 = arith.constant 112 : index
    %swap3A_238 = tpu.vector_load %arg8[%swap3A_236, %swap3A_237] {strides = array<i32>} : memref<5x128xi32, #tpu.memory_space<vmem>>, vector<1x16xi32>,
    %swap3A_239 = vector.shape_cast %swap3A_238 : vector<1x16xi32> to vector<16xi32>
    %swap3A_240 = vector.shape_cast %add3A_234 : vector<16xi32> to vector<1x16xi32>
    tpu.vector_store %arg8[%swap3A_236, %swap3A_237], %swap3A_240 {strides = array<i32>} : memref<5x128xi32, #tpu.memory_space<vmem>>, vector<1x16xi32>,
    %add3A_241 = arith.constant 256 : i32
    %add3A_242 = arith.addi %mul3A_2, %add3A_241 : i32
    %add3A_243 = arith.constant 0 : i32
    %add3A_244 = arith.addi %add3A_242, %add3A_243 : i32
    %iota3A_245 = tpu.iota {dimensions = array<i32: 0>} : vector<16xi32>
    %add3A_246 = vector.broadcast %add3A_244 : i32 to vector<16xi32>
    %add3A_247 = arith.addi %add3A_246, %iota3A_245 : vector<16xi32>
    %swap3A_248 = arith.constant 2 : i32
    %swap3A_249 = arith.index_cast %swap3A_248 : i32 to index
    %swap3A_250 = arith.constant 0 : index
    %swap3A_251 = tpu.vector_load %arg8[%swap3A_249, %swap3A_250] {strides = array<i32>} : memref<5x128xi32, #tpu.memory_space<vmem>>, vector<1x16xi32>,
    %swap3A_252 = vector.shape_cast %swap3A_251 : vector<1x16xi32> to vector<16xi32>
    %swap3A_253 = vector.shape_cast %add3A_247 : vector<16xi32> to vector<1x16xi32>
    tpu.vector_store %arg8[%swap3A_249, %swap3A_250], %swap3A_253 {strides = array<i32>} : memref<5x128xi32, #tpu.memory_space<vmem>>, vector<1x16xi32>,
    %add3A_254 = arith.constant 256 : i32
    %add3A_255 = arith.addi %mul3A_2, %add3A_254 : i32
    %add3A_256 = arith.constant 16 : i32
    %add3A_257 = arith.addi %add3A_255, %add3A_256 : i32
    %iota3A_258 = tpu.iota {dimensions = array<i32: 0>} : vector<16xi32>
    %add3A_259 = vector.broadcast %add3A_257 : i32 to vector<16xi32>
    %add3A_260 = arith.addi %add3A_259, %iota3A_258 : vector<16xi32>
    %swap3A_261 = arith.constant 2 : i32
    %swap3A_262 = arith.index_cast %swap3A_261 : i32 to index
    %swap3A_263 = arith.constant 16 : index
    %swap3A_264 = tpu.vector_load %arg8[%swap3A_262, %swap3A_263] {strides = array<i32>} : memref<5x128xi32, #tpu.memory_space<vmem>>, vector<1x16xi32>,
    %swap3A_265 = vector.shape_cast %swap3A_264 : vector<1x16xi32> to vector<16xi32>
    %swap3A_266 = vector.shape_cast %add3A_260 : vector<16xi32> to vector<1x16xi32>
    tpu.vector_store %arg8[%swap3A_262, %swap3A_263], %swap3A_266 {strides = array<i32>} : memref<5x128xi32, #tpu.memory_space<vmem>>, vector<1x16xi32>,
    %add3A_267 = arith.constant 256 : i32
    %add3A_268 = arith.addi %mul3A_2, %add3A_267 : i32
    %add3A_269 = arith.constant 32 : i32
    %add3A_270 = arith.addi %add3A_268, %add3A_269 : i32
    %iota3A_271 = tpu.iota {dimensions = array<i32: 0>} : vector<16xi32>
    %add3A_272 = vector.broadcast %add3A_270 : i32 to vector<16xi32>
    %add3A_273 = arith.addi %add3A_272, %iota3A_271 : vector<16xi32>
    %swap3A_274 = arith.constant 2 : i32
    %swap3A_275 = arith.index_cast %swap3A_274 : i32 to index
    %swap3A_276 = arith.constant 32 : index
    %swap3A_277 = tpu.vector_load %arg8[%swap3A_275, %swap3A_276] {strides = array<i32>} : memref<5x128xi32, #tpu.memory_space<vmem>>, vector<1x16xi32>,
    %swap3A_278 = vector.shape_cast %swap3A_277 : vector<1x16xi32> to vector<16xi32>
    %swap3A_279 = vector.shape_cast %add3A_273 : vector<16xi32> to vector<1x16xi32>
    tpu.vector_store %arg8[%swap3A_275, %swap3A_276], %swap3A_279 {strides = array<i32>} : memref<5x128xi32, #tpu.memory_space<vmem>>, vector<1x16xi32>,
    %add3A_280 = arith.constant 256 : i32
    %add3A_281 = arith.addi %mul3A_2, %add3A_280 : i32
    %add3A_282 = arith.constant 48 : i32
    %add3A_283 = arith.addi %add3A_281, %add3A_282 : i32
    %iota3A_284 = tpu.iota {dimensions = array<i32: 0>} : vector<16xi32>
    %add3A_285 = vector.broadcast %add3A_283 : i32 to vector<16xi32>
    %add3A_286 = arith.addi %add3A_285, %iota3A_284 : vector<16xi32>
    %swap3A_287 = arith.constant 2 : i32
    %swap3A_288 = arith.index_cast %swap3A_287 : i32 to index
    %swap3A_289 = arith.constant 48 : index
    %swap3A_290 = tpu.vector_load %arg8[%swap3A_288, %swap3A_289] {strides = array<i32>} : memref<5x128xi32, #tpu.memory_space<vmem>>, vector<1x16xi32>,
    %swap3A_291 = vector.shape_cast %swap3A_290 : vector<1x16xi32> to vector<16xi32>
    %swap3A_292 = vector.shape_cast %add3A_286 : vector<16xi32> to vector<1x16xi32>
    tpu.vector_store %arg8[%swap3A_288, %swap3A_289], %swap3A_292 {strides = array<i32>} : memref<5x128xi32, #tpu.memory_space<vmem>>, vector<1x16xi32>,
    %add3A_293 = arith.constant 256 : i32
    %add3A_294 = arith.addi %mul3A_2, %add3A_293 : i32
    %add3A_295 = arith.constant 64 : i32
    %add3A_296 = arith.addi %add3A_294, %add3A_295 : i32
    %iota3A_297 = tpu.iota {dimensions = array<i32: 0>} : vector<16xi32>
    %add3A_298 = vector.broadcast %add3A_296 : i32 to vector<16xi32>
    %add3A_299 = arith.addi %add3A_298, %iota3A_297 : vector<16xi32>
    %swap3A_300 = arith.constant 2 : i32
    %swap3A_301 = arith.index_cast %swap3A_300 : i32 to index
    %swap3A_302 = arith.constant 64 : index
    %swap3A_303 = tpu.vector_load %arg8[%swap3A_301, %swap3A_302] {strides = array<i32>} : memref<5x128xi32, #tpu.memory_space<vmem>>, vector<1x16xi32>,
    %swap3A_304 = vector.shape_cast %swap3A_303 : vector<1x16xi32> to vector<16xi32>
    %swap3A_305 = vector.shape_cast %add3A_299 : vector<16xi32> to vector<1x16xi32>
    tpu.vector_store %arg8[%swap3A_301, %swap3A_302], %swap3A_305 {strides = array<i32>} : memref<5x128xi32, #tpu.memory_space<vmem>>, vector<1x16xi32>,
    %add3A_306 = arith.constant 256 : i32
    %add3A_307 = arith.addi %mul3A_2, %add3A_306 : i32
    %add3A_308 = arith.constant 80 : i32
    %add3A_309 = arith.addi %add3A_307, %add3A_308 : i32
    %iota3A_310 = tpu.iota {dimensions = array<i32: 0>} : vector<16xi32>
    %add3A_311 = vector.broadcast %add3A_309 : i32 to vector<16xi32>
    %add3A_312 = arith.addi %add3A_311, %iota3A_310 : vector<16xi32>
    %swap3A_313 = arith.constant 2 : i32
    %swap3A_314 = arith.index_cast %swap3A_313 : i32 to index
    %swap3A_315 = arith.constant 80 : index
    %swap3A_316 = tpu.vector_load %arg8[%swap3A_314, %swap3A_315] {strides = array<i32>} : memref<5x128xi32, #tpu.memory_space<vmem>>, vector<1x16xi32>,
    %swap3A_317 = vector.shape_cast %swap3A_316 : vector<1x16xi32> to vector<16xi32>
    %swap3A_318 = vector.shape_cast %add3A_312 : vector<16xi32> to vector<1x16xi32>
    tpu.vector_store %arg8[%swap3A_314, %swap3A_315], %swap3A_318 {strides = array<i32>} : memref<5x128xi32, #tpu.memory_space<vmem>>, vector<1x16xi32>,
    %add3A_319 = arith.constant 256 : i32
    %add3A_320 = arith.addi %mul3A_2, %add3A_319 : i32
    %add3A_321 = arith.constant 96 : i32
    %add3A_322 = arith.addi %add3A_320, %add3A_321 : i32
    %iota3A_323 = tpu.iota {dimensions = array<i32: 0>} : vector<16xi32>
    %add3A_324 = vector.broadcast %add3A_322 : i32 to vector<16xi32>
    %add3A_325 = arith.addi %add3A_324, %iota3A_323 : vector<16xi32>
    %swap3A_326 = arith.constant 2 : i32
    %swap3A_327 = arith.index_cast %swap3A_326 : i32 to index
    %swap3A_328 = arith.constant 96 : index
    %swap3A_329 = tpu.vector_load %arg8[%swap3A_327, %swap3A_328] {strides = array<i32>} : memref<5x128xi32, #tpu.memory_space<vmem>>, vector<1x16xi32>,
    %swap3A_330 = vector.shape_cast %swap3A_329 : vector<1x16xi32> to vector<16xi32>
    %swap3A_331 = vector.shape_cast %add3A_325 : vector<16xi32> to vector<1x16xi32>
    tpu.vector_store %arg8[%swap3A_327, %swap3A_328], %swap3A_331 {strides = array<i32>} : memref<5x128xi32, #tpu.memory_space<vmem>>, vector<1x16xi32>,
    %add3A_332 = arith.constant 256 : i32
    %add3A_333 = arith.addi %mul3A_2, %add3A_332 : i32
    %add3A_334 = arith.constant 112 : i32
    %add3A_335 = arith.addi %add3A_333, %add3A_334 : i32
    %iota3A_336 = tpu.iota {dimensions = array<i32: 0>} : vector<16xi32>
    %add3A_337 = vector.broadcast %add3A_335 : i32 to vector<16xi32>
    %add3A_338 = arith.addi %add3A_337, %iota3A_336 : vector<16xi32>
    %swap3A_339 = arith.constant 2 : i32
    %swap3A_340 = arith.index_cast %swap3A_339 : i32 to index
    %swap3A_341 = arith.constant 112 : index
    %swap3A_342 = tpu.vector_load %arg8[%swap3A_340, %swap3A_341] {strides = array<i32>} : memref<5x128xi32, #tpu.memory_space<vmem>>, vector<1x16xi32>,
    %swap3A_343 = vector.shape_cast %swap3A_342 : vector<1x16xi32> to vector<16xi32>
    %swap3A_344 = vector.shape_cast %add3A_338 : vector<16xi32> to vector<1x16xi32>
    tpu.vector_store %arg8[%swap3A_340, %swap3A_341], %swap3A_344 {strides = array<i32>} : memref<5x128xi32, #tpu.memory_space<vmem>>, vector<1x16xi32>,
    %add3A_345 = arith.constant 384 : i32
    %add3A_346 = arith.addi %mul3A_2, %add3A_345 : i32
    %add3A_347 = arith.constant 0 : i32
    %add3A_348 = arith.addi %add3A_346, %add3A_347 : i32
    %iota3A_349 = tpu.iota {dimensions = array<i32: 0>} : vector<16xi32>
    %add3A_350 = vector.broadcast %add3A_348 : i32 to vector<16xi32>
    %add3A_351 = arith.addi %add3A_350, %iota3A_349 : vector<16xi32>
    %swap3A_352 = arith.constant 3 : i32
    %swap3A_353 = arith.index_cast %swap3A_352 : i32 to index
    %swap3A_354 = arith.constant 0 : index
    %swap3A_355 = tpu.vector_load %arg8[%swap3A_353, %swap3A_354] {strides = array<i32>} : memref<5x128xi32, #tpu.memory_space<vmem>>, vector<1x16xi32>,
    %swap3A_356 = vector.shape_cast %swap3A_355 : vector<1x16xi32> to vector<16xi32>
    %swap3A_357 = vector.shape_cast %add3A_351 : vector<16xi32> to vector<1x16xi32>
    tpu.vector_store %arg8[%swap3A_353, %swap3A_354], %swap3A_357 {strides = array<i32>} : memref<5x128xi32, #tpu.memory_space<vmem>>, vector<1x16xi32>,
    %add3A_358 = arith.constant 384 : i32
    %add3A_359 = arith.addi %mul3A_2, %add3A_358 : i32
    %add3A_360 = arith.constant 16 : i32
    %add3A_361 = arith.addi %add3A_359, %add3A_360 : i32
    %iota3A_362 = tpu.iota {dimensions = array<i32: 0>} : vector<16xi32>
    %add3A_363 = vector.broadcast %add3A_361 : i32 to vector<16xi32>
    %add3A_364 = arith.addi %add3A_363, %iota3A_362 : vector<16xi32>
    %swap3A_365 = arith.constant 3 : i32
    %swap3A_366 = arith.index_cast %swap3A_365 : i32 to index
    %swap3A_367 = arith.constant 16 : index
    %swap3A_368 = tpu.vector_load %arg8[%swap3A_366, %swap3A_367] {strides = array<i32>} : memref<5x128xi32, #tpu.memory_space<vmem>>, vector<1x16xi32>,
    %swap3A_369 = vector.shape_cast %swap3A_368 : vector<1x16xi32> to vector<16xi32>
    %swap3A_370 = vector.shape_cast %add3A_364 : vector<16xi32> to vector<1x16xi32>
    tpu.vector_store %arg8[%swap3A_366, %swap3A_367], %swap3A_370 {strides = array<i32>} : memref<5x128xi32, #tpu.memory_space<vmem>>, vector<1x16xi32>,
    %add3A_371 = arith.constant 384 : i32
    %add3A_372 = arith.addi %mul3A_2, %add3A_371 : i32
    %add3A_373 = arith.constant 32 : i32
    %add3A_374 = arith.addi %add3A_372, %add3A_373 : i32
    %iota3A_375 = tpu.iota {dimensions = array<i32: 0>} : vector<16xi32>
    %add3A_376 = vector.broadcast %add3A_374 : i32 to vector<16xi32>
    %add3A_377 = arith.addi %add3A_376, %iota3A_375 : vector<16xi32>
    %swap3A_378 = arith.constant 3 : i32
    %swap3A_379 = arith.index_cast %swap3A_378 : i32 to index
    %swap3A_380 = arith.constant 32 : index
    %swap3A_381 = tpu.vector_load %arg8[%swap3A_379, %swap3A_380] {strides = array<i32>} : memref<5x128xi32, #tpu.memory_space<vmem>>, vector<1x16xi32>,
    %swap3A_382 = vector.shape_cast %swap3A_381 : vector<1x16xi32> to vector<16xi32>
    %swap3A_383 = vector.shape_cast %add3A_377 : vector<16xi32> to vector<1x16xi32>
    tpu.vector_store %arg8[%swap3A_379, %swap3A_380], %swap3A_383 {strides = array<i32>} : memref<5x128xi32, #tpu.memory_space<vmem>>, vector<1x16xi32>,
    %add3A_384 = arith.constant 384 : i32
    %add3A_385 = arith.addi %mul3A_2, %add3A_384 : i32
    %add3A_386 = arith.constant 48 : i32
    %add3A_387 = arith.addi %add3A_385, %add3A_386 : i32
    %iota3A_388 = tpu.iota {dimensions = array<i32: 0>} : vector<16xi32>
    %add3A_389 = vector.broadcast %add3A_387 : i32 to vector<16xi32>
    %add3A_390 = arith.addi %add3A_389, %iota3A_388 : vector<16xi32>
    %swap3A_391 = arith.constant 3 : i32
    %swap3A_392 = arith.index_cast %swap3A_391 : i32 to index
    %swap3A_393 = arith.constant 48 : index
    %swap3A_394 = tpu.vector_load %arg8[%swap3A_392, %swap3A_393] {strides = array<i32>} : memref<5x128xi32, #tpu.memory_space<vmem>>, vector<1x16xi32>,
    %swap3A_395 = vector.shape_cast %swap3A_394 : vector<1x16xi32> to vector<16xi32>
    %swap3A_396 = vector.shape_cast %add3A_390 : vector<16xi32> to vector<1x16xi32>
    tpu.vector_store %arg8[%swap3A_392, %swap3A_393], %swap3A_396 {strides = array<i32>} : memref<5x128xi32, #tpu.memory_space<vmem>>, vector<1x16xi32>,
    %add3A_397 = arith.constant 384 : i32
    %add3A_398 = arith.addi %mul3A_2, %add3A_397 : i32
    %add3A_399 = arith.constant 64 : i32
    %add3A_400 = arith.addi %add3A_398, %add3A_399 : i32
    %iota3A_401 = tpu.iota {dimensions = array<i32: 0>} : vector<16xi32>
    %add3A_402 = vector.broadcast %add3A_400 : i32 to vector<16xi32>
    %add3A_403 = arith.addi %add3A_402, %iota3A_401 : vector<16xi32>
    %swap3A_404 = arith.constant 3 : i32
    %swap3A_405 = arith.index_cast %swap3A_404 : i32 to index
    %swap3A_406 = arith.constant 64 : index
    %swap3A_407 = tpu.vector_load %arg8[%swap3A_405, %swap3A_406] {strides = array<i32>} : memref<5x128xi32, #tpu.memory_space<vmem>>, vector<1x16xi32>,
    %swap3A_408 = vector.shape_cast %swap3A_407 : vector<1x16xi32> to vector<16xi32>
    %swap3A_409 = vector.shape_cast %add3A_403 : vector<16xi32> to vector<1x16xi32>
    tpu.vector_store %arg8[%swap3A_405, %swap3A_406], %swap3A_409 {strides = array<i32>} : memref<5x128xi32, #tpu.memory_space<vmem>>, vector<1x16xi32>,
    %add3A_410 = arith.constant 384 : i32
    %add3A_411 = arith.addi %mul3A_2, %add3A_410 : i32
    %add3A_412 = arith.constant 80 : i32
    %add3A_413 = arith.addi %add3A_411, %add3A_412 : i32
    %iota3A_414 = tpu.iota {dimensions = array<i32: 0>} : vector<16xi32>
    %add3A_415 = vector.broadcast %add3A_413 : i32 to vector<16xi32>
    %add3A_416 = arith.addi %add3A_415, %iota3A_414 : vector<16xi32>
    %swap3A_417 = arith.constant 3 : i32
    %swap3A_418 = arith.index_cast %swap3A_417 : i32 to index
    %swap3A_419 = arith.constant 80 : index
    %swap3A_420 = tpu.vector_load %arg8[%swap3A_418, %swap3A_419] {strides = array<i32>} : memref<5x128xi32, #tpu.memory_space<vmem>>, vector<1x16xi32>,
    %swap3A_421 = vector.shape_cast %swap3A_420 : vector<1x16xi32> to vector<16xi32>
    %swap3A_422 = vector.shape_cast %add3A_416 : vector<16xi32> to vector<1x16xi32>
    tpu.vector_store %arg8[%swap3A_418, %swap3A_419], %swap3A_422 {strides = array<i32>} : memref<5x128xi32, #tpu.memory_space<vmem>>, vector<1x16xi32>,
    %add3A_423 = arith.constant 384 : i32
    %add3A_424 = arith.addi %mul3A_2, %add3A_423 : i32
    %add3A_425 = arith.constant 96 : i32
    %add3A_426 = arith.addi %add3A_424, %add3A_425 : i32
    %iota3A_427 = tpu.iota {dimensions = array<i32: 0>} : vector<16xi32>
    %add3A_428 = vector.broadcast %add3A_426 : i32 to vector<16xi32>
    %add3A_429 = arith.addi %add3A_428, %iota3A_427 : vector<16xi32>
    %swap3A_430 = arith.constant 3 : i32
    %swap3A_431 = arith.index_cast %swap3A_430 : i32 to index
    %swap3A_432 = arith.constant 96 : index
    %swap3A_433 = tpu.vector_load %arg8[%swap3A_431, %swap3A_432] {strides = array<i32>} : memref<5x128xi32, #tpu.memory_space<vmem>>, vector<1x16xi32>,
    %swap3A_434 = vector.shape_cast %swap3A_433 : vector<1x16xi32> to vector<16xi32>
    %swap3A_435 = vector.shape_cast %add3A_429 : vector<16xi32> to vector<1x16xi32>
    tpu.vector_store %arg8[%swap3A_431, %swap3A_432], %swap3A_435 {strides = array<i32>} : memref<5x128xi32, #tpu.memory_space<vmem>>, vector<1x16xi32>,
    %add3A_436 = arith.constant 384 : i32
    %add3A_437 = arith.addi %mul3A_2, %add3A_436 : i32
    %add3A_438 = arith.constant 112 : i32
    %add3A_439 = arith.addi %add3A_437, %add3A_438 : i32
    %iota3A_440 = tpu.iota {dimensions = array<i32: 0>} : vector<16xi32>
    %add3A_441 = vector.broadcast %add3A_439 : i32 to vector<16xi32>
    %add3A_442 = arith.addi %add3A_441, %iota3A_440 : vector<16xi32>
    %swap3A_443 = arith.constant 3 : i32
    %swap3A_444 = arith.index_cast %swap3A_443 : i32 to index
    %swap3A_445 = arith.constant 112 : index
    %swap3A_446 = tpu.vector_load %arg8[%swap3A_444, %swap3A_445] {strides = array<i32>} : memref<5x128xi32, #tpu.memory_space<vmem>>, vector<1x16xi32>,
    %swap3A_447 = vector.shape_cast %swap3A_446 : vector<1x16xi32> to vector<16xi32>
    %swap3A_448 = vector.shape_cast %add3A_442 : vector<16xi32> to vector<1x16xi32>
    tpu.vector_store %arg8[%swap3A_444, %swap3A_445], %swap3A_448 {strides = array<i32>} : memref<5x128xi32, #tpu.memory_space<vmem>>, vector<1x16xi32>,
    %add3A_449 = arith.constant 512 : i32
    %add3A_450 = arith.addi %mul3A_2, %add3A_449 : i32
    %add3A_451 = arith.constant 0 : i32
    %add3A_452 = arith.addi %add3A_450, %add3A_451 : i32
    %iota3A_453 = tpu.iota {dimensions = array<i32: 0>} : vector<16xi32>
    %add3A_454 = vector.broadcast %add3A_452 : i32 to vector<16xi32>
    %add3A_455 = arith.addi %add3A_454, %iota3A_453 : vector<16xi32>
    %swap3A_456 = arith.constant 4 : i32
    %swap3A_457 = arith.index_cast %swap3A_456 : i32 to index
    %swap3A_458 = arith.constant 0 : index
    %swap3A_459 = tpu.vector_load %arg8[%swap3A_457, %swap3A_458] {strides = array<i32>} : memref<5x128xi32, #tpu.memory_space<vmem>>, vector<1x16xi32>,
    %swap3A_460 = vector.shape_cast %swap3A_459 : vector<1x16xi32> to vector<16xi32>
    %swap3A_461 = vector.shape_cast %add3A_455 : vector<16xi32> to vector<1x16xi32>
    tpu.vector_store %arg8[%swap3A_457, %swap3A_458], %swap3A_461 {strides = array<i32>} : memref<5x128xi32, #tpu.memory_space<vmem>>, vector<1x16xi32>,
    %add3A_462 = arith.constant 512 : i32
    %add3A_463 = arith.addi %mul3A_2, %add3A_462 : i32
    %add3A_464 = arith.constant 16 : i32
    %add3A_465 = arith.addi %add3A_463, %add3A_464 : i32
    %iota3A_466 = tpu.iota {dimensions = array<i32: 0>} : vector<16xi32>
    %add3A_467 = vector.broadcast %add3A_465 : i32 to vector<16xi32>
    %add3A_468 = arith.addi %add3A_467, %iota3A_466 : vector<16xi32>
    %swap3A_469 = arith.constant 4 : i32
    %swap3A_470 = arith.index_cast %swap3A_469 : i32 to index
    %swap3A_471 = arith.constant 16 : index
    %swap3A_472 = tpu.vector_load %arg8[%swap3A_470, %swap3A_471] {strides = array<i32>} : memref<5x128xi32, #tpu.memory_space<vmem>>, vector<1x16xi32>,
    %swap3A_473 = vector.shape_cast %swap3A_472 : vector<1x16xi32> to vector<16xi32>
    %swap3A_474 = vector.shape_cast %add3A_468 : vector<16xi32> to vector<1x16xi32>
    tpu.vector_store %arg8[%swap3A_470, %swap3A_471], %swap3A_474 {strides = array<i32>} : memref<5x128xi32, #tpu.memory_space<vmem>>, vector<1x16xi32>,
    %add3A_475 = arith.constant 512 : i32
    %add3A_476 = arith.addi %mul3A_2, %add3A_475 : i32
    %add3A_477 = arith.constant 32 : i32
    %add3A_478 = arith.addi %add3A_476, %add3A_477 : i32
    %iota3A_479 = tpu.iota {dimensions = array<i32: 0>} : vector<16xi32>
    %add3A_480 = vector.broadcast %add3A_478 : i32 to vector<16xi32>
    %add3A_481 = arith.addi %add3A_480, %iota3A_479 : vector<16xi32>
    %swap3A_482 = arith.constant 4 : i32
    %swap3A_483 = arith.index_cast %swap3A_482 : i32 to index
    %swap3A_484 = arith.constant 32 : index
    %swap3A_485 = tpu.vector_load %arg8[%swap3A_483, %swap3A_484] {strides = array<i32>} : memref<5x128xi32, #tpu.memory_space<vmem>>, vector<1x16xi32>,
    %swap3A_486 = vector.shape_cast %swap3A_485 : vector<1x16xi32> to vector<16xi32>
    %swap3A_487 = vector.shape_cast %add3A_481 : vector<16xi32> to vector<1x16xi32>
    tpu.vector_store %arg8[%swap3A_483, %swap3A_484], %swap3A_487 {strides = array<i32>} : memref<5x128xi32, #tpu.memory_space<vmem>>, vector<1x16xi32>,
    %add3A_488 = arith.constant 512 : i32
    %add3A_489 = arith.addi %mul3A_2, %add3A_488 : i32
    %add3A_490 = arith.constant 48 : i32
    %add3A_491 = arith.addi %add3A_489, %add3A_490 : i32
    %iota3A_492 = tpu.iota {dimensions = array<i32: 0>} : vector<16xi32>
    %add3A_493 = vector.broadcast %add3A_491 : i32 to vector<16xi32>
    %add3A_494 = arith.addi %add3A_493, %iota3A_492 : vector<16xi32>
    %swap3A_495 = arith.constant 4 : i32
    %swap3A_496 = arith.index_cast %swap3A_495 : i32 to index
    %swap3A_497 = arith.constant 48 : index
    %swap3A_498 = tpu.vector_load %arg8[%swap3A_496, %swap3A_497] {strides = array<i32>} : memref<5x128xi32, #tpu.memory_space<vmem>>, vector<1x16xi32>,
    %swap3A_499 = vector.shape_cast %swap3A_498 : vector<1x16xi32> to vector<16xi32>
    %swap3A_500 = vector.shape_cast %add3A_494 : vector<16xi32> to vector<1x16xi32>
    tpu.vector_store %arg8[%swap3A_496, %swap3A_497], %swap3A_500 {strides = array<i32>} : memref<5x128xi32, #tpu.memory_space<vmem>>, vector<1x16xi32>,
    %add3A_501 = arith.constant 512 : i32
    %add3A_502 = arith.addi %mul3A_2, %add3A_501 : i32
    %add3A_503 = arith.constant 64 : i32
    %add3A_504 = arith.addi %add3A_502, %add3A_503 : i32
    %iota3A_505 = tpu.iota {dimensions = array<i32: 0>} : vector<16xi32>
    %add3A_506 = vector.broadcast %add3A_504 : i32 to vector<16xi32>
    %add3A_507 = arith.addi %add3A_506, %iota3A_505 : vector<16xi32>
    %swap3A_508 = arith.constant 4 : i32
    %swap3A_509 = arith.index_cast %swap3A_508 : i32 to index
    %swap3A_510 = arith.constant 64 : index
    %swap3A_511 = tpu.vector_load %arg8[%swap3A_509, %swap3A_510] {strides = array<i32>} : memref<5x128xi32, #tpu.memory_space<vmem>>, vector<1x16xi32>,
    %swap3A_512 = vector.shape_cast %swap3A_511 : vector<1x16xi32> to vector<16xi32>
    %swap3A_513 = vector.shape_cast %add3A_507 : vector<16xi32> to vector<1x16xi32>
    tpu.vector_store %arg8[%swap3A_509, %swap3A_510], %swap3A_513 {strides = array<i32>} : memref<5x128xi32, #tpu.memory_space<vmem>>, vector<1x16xi32>,
    %add3A_514 = arith.constant 512 : i32
    %add3A_515 = arith.addi %mul3A_2, %add3A_514 : i32
    %add3A_516 = arith.constant 80 : i32
    %add3A_517 = arith.addi %add3A_515, %add3A_516 : i32
    %iota3A_518 = tpu.iota {dimensions = array<i32: 0>} : vector<16xi32>
    %add3A_519 = vector.broadcast %add3A_517 : i32 to vector<16xi32>
    %add3A_520 = arith.addi %add3A_519, %iota3A_518 : vector<16xi32>
    %swap3A_521 = arith.constant 4 : i32
    %swap3A_522 = arith.index_cast %swap3A_521 : i32 to index
    %swap3A_523 = arith.constant 80 : index
    %swap3A_524 = tpu.vector_load %arg8[%swap3A_522, %swap3A_523] {strides = array<i32>} : memref<5x128xi32, #tpu.memory_space<vmem>>, vector<1x16xi32>,
    %swap3A_525 = vector.shape_cast %swap3A_524 : vector<1x16xi32> to vector<16xi32>
    %swap3A_526 = vector.shape_cast %add3A_520 : vector<16xi32> to vector<1x16xi32>
    tpu.vector_store %arg8[%swap3A_522, %swap3A_523], %swap3A_526 {strides = array<i32>} : memref<5x128xi32, #tpu.memory_space<vmem>>, vector<1x16xi32>,
    %add3A_527 = arith.constant 512 : i32
    %add3A_528 = arith.addi %mul3A_2, %add3A_527 : i32
    %add3A_529 = arith.constant 96 : i32
    %add3A_530 = arith.addi %add3A_528, %add3A_529 : i32
    %iota3A_531 = tpu.iota {dimensions = array<i32: 0>} : vector<16xi32>
    %add3A_532 = vector.broadcast %add3A_530 : i32 to vector<16xi32>
    %add3A_533 = arith.addi %add3A_532, %iota3A_531 : vector<16xi32>
    %swap3A_534 = arith.constant 4 : i32
    %swap3A_535 = arith.index_cast %swap3A_534 : i32 to index
    %swap3A_536 = arith.constant 96 : index
    %swap3A_537 = tpu.vector_load %arg8[%swap3A_535, %swap3A_536] {strides = array<i32>} : memref<5x128xi32, #tpu.memory_space<vmem>>, vector<1x16xi32>,
    %swap3A_538 = vector.shape_cast %swap3A_537 : vector<1x16xi32> to vector<16xi32>
    %swap3A_539 = vector.shape_cast %add3A_533 : vector<16xi32> to vector<1x16xi32>
    tpu.vector_store %arg8[%swap3A_535, %swap3A_536], %swap3A_539 {strides = array<i32>} : memref<5x128xi32, #tpu.memory_space<vmem>>, vector<1x16xi32>,
    %add3A_540 = arith.constant 512 : i32
    %add3A_541 = arith.addi %mul3A_2, %add3A_540 : i32
    %add3A_542 = arith.constant 112 : i32
    %add3A_543 = arith.addi %add3A_541, %add3A_542 : i32
    %iota3A_544 = tpu.iota {dimensions = array<i32: 0>} : vector<16xi32>
    %add3A_545 = vector.broadcast %add3A_543 : i32 to vector<16xi32>
    %add3A_546 = arith.addi %add3A_545, %iota3A_544 : vector<16xi32>
    %swap3A_547 = arith.constant 4 : i32
    %swap3A_548 = arith.index_cast %swap3A_547 : i32 to index
    %swap3A_549 = arith.constant 112 : index
    %swap3A_550 = tpu.vector_load %arg8[%swap3A_548, %swap3A_549] {strides = array<i32>} : memref<5x128xi32, #tpu.memory_space<vmem>>, vector<1x16xi32>,
    %swap3A_551 = vector.shape_cast %swap3A_550 : vector<1x16xi32> to vector<16xi32>
    %swap3A_552 = vector.shape_cast %add3A_546 : vector<16xi32> to vector<1x16xi32>
    tpu.vector_store %arg8[%swap3A_548, %swap3A_549], %swap3A_552 {strides = array<i32>} : memref<5x128xi32, #tpu.memory_space<vmem>>, vector<1x16xi32>,
    %dma_start3A_553 = arith.constant 0 : i32
    %dma_start3A_554 = arith.constant 0 : i32
    %dma_start3A_555 = arith.constant 0 : i32
    %dma_start3A_556 = arith.constant 0 : i32
    %dma_start3A_557 = tpu.memref_slice %arg9[%dma_start3A_553, %dma_start3A_555, %dma_start3A_556] : memref<2x128x128xf32, #tpu.memory_space<vmem>> -> memref<1x128x128xf32, #tpu.memory_space<vmem>>
    %dma_start3A_558 = tpu.memref_squeeze %dma_start3A_557 : memref<1x128x128xf32, #tpu.memory_space<vmem>> -> memref<128x128xf32, #tpu.memory_space<vmem>>
    %dma_start3A_559 = arith.constant 0 : i32
    %dma_start3A_560 = tpu.memref_slice %arg8[%dma_start3A_554, %dma_start3A_559] : memref<5x128xi32, #tpu.memory_space<vmem>> -> memref<1x128xi32, #tpu.memory_space<vmem>>
    %dma_start3A_561 = tpu.memref_squeeze %dma_start3A_560 : memref<1x128xi32, #tpu.memory_space<vmem>> -> memref<128xi32, #tpu.memory_space<vmem>>
    %dma_start3A_562 = arith.constant 0 : i32
    %dma_start3A_563 = arith.constant 0 : i32
    %dma_start3A_564 = tpu.memref_slice %arg10[%dma_start3A_562, %dma_start3A_563] : memref<10240x128xf32, #tpu.memory_space<vmem_shared>> -> memref<10240x128xf32, #tpu.memory_space<vmem_shared>>
    tpu.enqueue_indirect_dma source(%dma_start3A_558 : memref<128x128xf32, #tpu.memory_space<vmem>>) target(%dma_start3A_564 : memref<10240x128xf32, #tpu.memory_space<vmem_shared>>) offsets(%dma_start3A_561 : memref<128xi32, #tpu.memory_space<vmem>>) semaphore(%arg12 : memref<!tpu.dma_semaphore, #tpu.memory_space<semaphore_mem>>)
    %dma_start3A_565 = arith.constant 0 : i32
    %dma_start3A_566 = arith.constant 1 : i32
    %dma_start3A_567 = arith.constant 0 : i32
    %dma_start3A_568 = arith.constant 0 : i32
    %dma_start3A_569 = tpu.memref_slice %arg9[%dma_start3A_565, %dma_start3A_567, %dma_start3A_568] : memref<2x128x128xf32, #tpu.memory_space<vmem>> -> memref<1x128x128xf32, #tpu.memory_space<vmem>>
    %dma_start3A_570 = tpu.memref_squeeze %dma_start3A_569 : memref<1x128x128xf32, #tpu.memory_space<vmem>> -> memref<128x128xf32, #tpu.memory_space<vmem>>
    %dma_start3A_571 = arith.constant 0 : i32
    %dma_start3A_572 = tpu.memref_slice %arg8[%dma_start3A_566, %dma_start3A_571] : memref<5x128xi32, #tpu.memory_space<vmem>> -> memref<1x128xi32, #tpu.memory_space<vmem>>
    %dma_start3A_573 = tpu.memref_squeeze %dma_start3A_572 : memref<1x128xi32, #tpu.memory_space<vmem>> -> memref<128xi32, #tpu.memory_space<vmem>>
    %dma_start3A_574 = arith.constant 0 : i32
    %dma_start3A_575 = arith.constant 0 : i32
    %dma_start3A_576 = tpu.memref_slice %arg10[%dma_start3A_574, %dma_start3A_575] : memref<10240x128xf32, #tpu.memory_space<vmem_shared>> -> memref<10240x128xf32, #tpu.memory_space<vmem_shared>>
    tpu.enqueue_indirect_dma source(%dma_start3A_570 : memref<128x128xf32, #tpu.memory_space<vmem>>) target(%dma_start3A_576 : memref<10240x128xf32, #tpu.memory_space<vmem_shared>>) offsets(%dma_start3A_573 : memref<128xi32, #tpu.memory_space<vmem>>) semaphore(%arg12 : memref<!tpu.dma_semaphore, #tpu.memory_space<semaphore_mem>>)
    %dma_start3A_577 = arith.constant 0 : i32
    %dma_start3A_578 = arith.constant 2 : i32
    %dma_start3A_579 = arith.constant 0 : i32
    %dma_start3A_580 = arith.constant 0 : i32
    %dma_start3A_581 = tpu.memref_slice %arg9[%dma_start3A_577, %dma_start3A_579, %dma_start3A_580] : memref<2x128x128xf32, #tpu.memory_space<vmem>> -> memref<1x128x128xf32, #tpu.memory_space<vmem>>
    %dma_start3A_582 = tpu.memref_squeeze %dma_start3A_581 : memref<1x128x128xf32, #tpu.memory_space<vmem>> -> memref<128x128xf32, #tpu.memory_space<vmem>>
    %dma_start3A_583 = arith.constant 0 : i32
    %dma_start3A_584 = tpu.memref_slice %arg8[%dma_start3A_578, %dma_start3A_583] : memref<5x128xi32, #tpu.memory_space<vmem>> -> memref<1x128xi32, #tpu.memory_space<vmem>>
    %dma_start3A_585 = tpu.memref_squeeze %dma_start3A_584 : memref<1x128xi32, #tpu.memory_space<vmem>> -> memref<128xi32, #tpu.memory_space<vmem>>
    %dma_start3A_586 = arith.constant 0 : i32
    %dma_start3A_587 = arith.constant 0 : i32
    %dma_start3A_588 = tpu.memref_slice %arg10[%dma_start3A_586, %dma_start3A_587] : memref<10240x128xf32, #tpu.memory_space<vmem_shared>> -> memref<10240x128xf32, #tpu.memory_space<vmem_shared>>
    tpu.enqueue_indirect_dma source(%dma_start3A_582 : memref<128x128xf32, #tpu.memory_space<vmem>>) target(%dma_start3A_588 : memref<10240x128xf32, #tpu.memory_space<vmem_shared>>) offsets(%dma_start3A_585 : memref<128xi32, #tpu.memory_space<vmem>>) semaphore(%arg12 : memref<!tpu.dma_semaphore, #tpu.memory_space<semaphore_mem>>)
    %dma_start3A_589 = arith.constant 0 : i32
    %dma_start3A_590 = arith.constant 3 : i32
    %dma_start3A_591 = arith.constant 0 : i32
    %dma_start3A_592 = arith.constant 0 : i32
    %dma_start3A_593 = tpu.memref_slice %arg9[%dma_start3A_589, %dma_start3A_591, %dma_start3A_592] : memref<2x128x128xf32, #tpu.memory_space<vmem>> -> memref<1x128x128xf32, #tpu.memory_space<vmem>>
    %dma_start3A_594 = tpu.memref_squeeze %dma_start3A_593 : memref<1x128x128xf32, #tpu.memory_space<vmem>> -> memref<128x128xf32, #tpu.memory_space<vmem>>
    %dma_start3A_595 = arith.constant 0 : i32
    %dma_start3A_596 = tpu.memref_slice %arg8[%dma_start3A_590, %dma_start3A_595] : memref<5x128xi32, #tpu.memory_space<vmem>> -> memref<1x128xi32, #tpu.memory_space<vmem>>
    %dma_start3A_597 = tpu.memref_squeeze %dma_start3A_596 : memref<1x128xi32, #tpu.memory_space<vmem>> -> memref<128xi32, #tpu.memory_space<vmem>>
    %dma_start3A_598 = arith.constant 0 : i32
    %dma_start3A_599 = arith.constant 0 : i32
    %dma_start3A_600 = tpu.memref_slice %arg10[%dma_start3A_598, %dma_start3A_599] : memref<10240x128xf32, #tpu.memory_space<vmem_shared>> -> memref<10240x128xf32, #tpu.memory_space<vmem_shared>>
    tpu.enqueue_indirect_dma source(%dma_start3A_594 : memref<128x128xf32, #tpu.memory_space<vmem>>) target(%dma_start3A_600 : memref<10240x128xf32, #tpu.memory_space<vmem_shared>>) offsets(%dma_start3A_597 : memref<128xi32, #tpu.memory_space<vmem>>) semaphore(%arg12 : memref<!tpu.dma_semaphore, #tpu.memory_space<semaphore_mem>>)
    %dma_start3A_601 = arith.constant 0 : i32
    %dma_start3A_602 = arith.constant 4 : i32
    %dma_start3A_603 = arith.constant 0 : i32
    %dma_start3A_604 = arith.constant 0 : i32
    %dma_start3A_605 = tpu.memref_slice %arg9[%dma_start3A_601, %dma_start3A_603, %dma_start3A_604] : memref<2x128x128xf32, #tpu.memory_space<vmem>> -> memref<1x128x128xf32, #tpu.memory_space<vmem>>
    %dma_start3A_606 = tpu.memref_squeeze %dma_start3A_605 : memref<1x128x128xf32, #tpu.memory_space<vmem>> -> memref<128x128xf32, #tpu.memory_space<vmem>>
    %dma_start3A_607 = arith.constant 0 : i32
    %dma_start3A_608 = tpu.memref_slice %arg8[%dma_start3A_602, %dma_start3A_607] : memref<5x128xi32, #tpu.memory_space<vmem>> -> memref<1x128xi32, #tpu.memory_space<vmem>>
    %dma_start3A_609 = tpu.memref_squeeze %dma_start3A_608 : memref<1x128xi32, #tpu.memory_space<vmem>> -> memref<128xi32, #tpu.memory_space<vmem>>
    %dma_start3A_610 = arith.constant 0 : i32
    %dma_start3A_611 = arith.constant 0 : i32
    %dma_start3A_612 = tpu.memref_slice %arg10[%dma_start3A_610, %dma_start3A_611] : memref<10240x128xf32, #tpu.memory_space<vmem_shared>> -> memref<10240x128xf32, #tpu.memory_space<vmem_shared>>
    tpu.enqueue_indirect_dma source(%dma_start3A_606 : memref<128x128xf32, #tpu.memory_space<vmem>>) target(%dma_start3A_612 : memref<10240x128xf32, #tpu.memory_space<vmem_shared>>) offsets(%dma_start3A_609 : memref<128xi32, #tpu.memory_space<vmem>>) semaphore(%arg12 : memref<!tpu.dma_semaphore, #tpu.memory_space<semaphore_mem>>)
    %dma_wait3A = arith.constant 0 : i32
    %dma_wait3A_613 = arith.constant 0 : i32
    %dma_wait3A_614 = arith.constant 0 : i32
    %dma_wait3A_615 = arith.constant 0 : i32
    %dma_wait3A_616 = tpu.memref_slice %arg9[%dma_wait3A, %dma_wait3A_614, %dma_wait3A_615] : memref<2x128x128xf32, #tpu.memory_space<vmem>> -> memref<1x128x128xf32, #tpu.memory_space<vmem>>
    %dma_wait3A_617 = tpu.memref_squeeze %dma_wait3A_616 : memref<1x128x128xf32, #tpu.memory_space<vmem>> -> memref<128x128xf32, #tpu.memory_space<vmem>>
    %dma_wait3A_618 = arith.constant 0 : i32
    %dma_wait3A_619 = tpu.memref_slice %arg8[%dma_wait3A_613, %dma_wait3A_618] : memref<5x128xi32, #tpu.memory_space<vmem>> -> memref<1x128xi32, #tpu.memory_space<vmem>>
    %dma_wait3A_620 = tpu.memref_squeeze %dma_wait3A_619 : memref<1x128xi32, #tpu.memory_space<vmem>> -> memref<128xi32, #tpu.memory_space<vmem>>
    %dma_wait3A_621 = arith.constant 0 : i32
    %dma_wait3A_622 = arith.constant 0 : i32
    %dma_wait3A_623 = tpu.memref_slice %arg10[%dma_wait3A_621, %dma_wait3A_622] : memref<10240x128xf32, #tpu.memory_space<vmem_shared>> -> memref<10240x128xf32, #tpu.memory_space<vmem_shared>>
    tpu.wait_indirect_dma semaphore(%arg12 : memref<!tpu.dma_semaphore, #tpu.memory_space<semaphore_mem>>) src(%dma_wait3A_617 : memref<128x128xf32, #tpu.memory_space<vmem>>) dst(%dma_wait3A_623 : memref<10240x128xf32, #tpu.memory_space<vmem_shared>>)
    %dma_wait3A_624 = arith.constant 0 : i32
    %dma_wait3A_625 = arith.constant 1 : i32
    %dma_wait3A_626 = arith.constant 0 : i32
    %dma_wait3A_627 = arith.constant 0 : i32
    %dma_wait3A_628 = tpu.memref_slice %arg9[%dma_wait3A_624, %dma_wait3A_626, %dma_wait3A_627] : memref<2x128x128xf32, #tpu.memory_space<vmem>> -> memref<1x128x128xf32, #tpu.memory_space<vmem>>
    %dma_wait3A_629 = tpu.memref_squeeze %dma_wait3A_628 : memref<1x128x128xf32, #tpu.memory_space<vmem>> -> memref<128x128xf32, #tpu.memory_space<vmem>>
    %dma_wait3A_630 = arith.constant 0 : i32
    %dma_wait3A_631 = tpu.memref_slice %arg8[%dma_wait3A_625, %dma_wait3A_630] : memref<5x128xi32, #tpu.memory_space<vmem>> -> memref<1x128xi32, #tpu.memory_space<vmem>>
    %dma_wait3A_632 = tpu.memref_squeeze %dma_wait3A_631 : memref<1x128xi32, #tpu.memory_space<vmem>> -> memref<128xi32, #tpu.memory_space<vmem>>
    %dma_wait3A_633 = arith.constant 0 : i32
    %dma_wait3A_634 = arith.constant 0 : i32
    %dma_wait3A_635 = tpu.memref_slice %arg10[%dma_wait3A_633, %dma_wait3A_634] : memref<10240x128xf32, #tpu.memory_space<vmem_shared>> -> memref<10240x128xf32, #tpu.memory_space<vmem_shared>>
    tpu.wait_indirect_dma semaphore(%arg12 : memref<!tpu.dma_semaphore, #tpu.memory_space<semaphore_mem>>) src(%dma_wait3A_629 : memref<128x128xf32, #tpu.memory_space<vmem>>) dst(%dma_wait3A_635 : memref<10240x128xf32, #tpu.memory_space<vmem_shared>>)
    %dma_wait3A_636 = arith.constant 0 : i32
    %dma_wait3A_637 = arith.constant 2 : i32
    %dma_wait3A_638 = arith.constant 0 : i32
    %dma_wait3A_639 = arith.constant 0 : i32
    %dma_wait3A_640 = tpu.memref_slice %arg9[%dma_wait3A_636, %dma_wait3A_638, %dma_wait3A_639] : memref<2x128x128xf32, #tpu.memory_space<vmem>> -> memref<1x128x128xf32, #tpu.memory_space<vmem>>
    %dma_wait3A_641 = tpu.memref_squeeze %dma_wait3A_640 : memref<1x128x128xf32, #tpu.memory_space<vmem>> -> memref<128x128xf32, #tpu.memory_space<vmem>>
    %dma_wait3A_642 = arith.constant 0 : i32
    %dma_wait3A_643 = tpu.memref_slice %arg8[%dma_wait3A_637, %dma_wait3A_642] : memref<5x128xi32, #tpu.memory_space<vmem>> -> memref<1x128xi32, #tpu.memory_space<vmem>>
    %dma_wait3A_644 = tpu.memref_squeeze %dma_wait3A_643 : memref<1x128xi32, #tpu.memory_space<vmem>> -> memref<128xi32, #tpu.memory_space<vmem>>
    %dma_wait3A_645 = arith.constant 0 : i32
    %dma_wait3A_646 = arith.constant 0 : i32
    %dma_wait3A_647 = tpu.memref_slice %arg10[%dma_wait3A_645, %dma_wait3A_646] : memref<10240x128xf32, #tpu.memory_space<vmem_shared>> -> memref<10240x128xf32, #tpu.memory_space<vmem_shared>>
    tpu.wait_indirect_dma semaphore(%arg12 : memref<!tpu.dma_semaphore, #tpu.memory_space<semaphore_mem>>) src(%dma_wait3A_641 : memref<128x128xf32, #tpu.memory_space<vmem>>) dst(%dma_wait3A_647 : memref<10240x128xf32, #tpu.memory_space<vmem_shared>>)
    %dma_wait3A_648 = arith.constant 0 : i32
    %dma_wait3A_649 = arith.constant 3 : i32
    %dma_wait3A_650 = arith.constant 0 : i32
    %dma_wait3A_651 = arith.constant 0 : i32
    %dma_wait3A_652 = tpu.memref_slice %arg9[%dma_wait3A_648, %dma_wait3A_650, %dma_wait3A_651] : memref<2x128x128xf32, #tpu.memory_space<vmem>> -> memref<1x128x128xf32, #tpu.memory_space<vmem>>
    %dma_wait3A_653 = tpu.memref_squeeze %dma_wait3A_652 : memref<1x128x128xf32, #tpu.memory_space<vmem>> -> memref<128x128xf32, #tpu.memory_space<vmem>>
    %dma_wait3A_654 = arith.constant 0 : i32
    %dma_wait3A_655 = tpu.memref_slice %arg8[%dma_wait3A_649, %dma_wait3A_654] : memref<5x128xi32, #tpu.memory_space<vmem>> -> memref<1x128xi32, #tpu.memory_space<vmem>>
    %dma_wait3A_656 = tpu.memref_squeeze %dma_wait3A_655 : memref<1x128xi32, #tpu.memory_space<vmem>> -> memref<128xi32, #tpu.memory_space<vmem>>
    %dma_wait3A_657 = arith.constant 0 : i32
    %dma_wait3A_658 = arith.constant 0 : i32
    %dma_wait3A_659 = tpu.memref_slice %arg10[%dma_wait3A_657, %dma_wait3A_658] : memref<10240x128xf32, #tpu.memory_space<vmem_shared>> -> memref<10240x128xf32, #tpu.memory_space<vmem_shared>>
    tpu.wait_indirect_dma semaphore(%arg12 : memref<!tpu.dma_semaphore, #tpu.memory_space<semaphore_mem>>) src(%dma_wait3A_653 : memref<128x128xf32, #tpu.memory_space<vmem>>) dst(%dma_wait3A_659 : memref<10240x128xf32, #tpu.memory_space<vmem_shared>>)
    %dma_wait3A_660 = arith.constant 0 : i32
    %dma_wait3A_661 = arith.constant 4 : i32
    %dma_wait3A_662 = arith.constant 0 : i32
    %dma_wait3A_663 = arith.constant 0 : i32
    %dma_wait3A_664 = tpu.memref_slice %arg9[%dma_wait3A_660, %dma_wait3A_662, %dma_wait3A_663] : memref<2x128x128xf32, #tpu.memory_space<vmem>> -> memref<1x128x128xf32, #tpu.memory_space<vmem>>
    %dma_wait3A_665 = tpu.memref_squeeze %dma_wait3A_664 : memref<1x128x128xf32, #tpu.memory_space<vmem>> -> memref<128x128xf32, #tpu.memory_space<vmem>>
    %dma_wait3A_666 = arith.constant 0 : i32
    %dma_wait3A_667 = tpu.memref_slice %arg8[%dma_wait3A_661, %dma_wait3A_666] : memref<5x128xi32, #tpu.memory_space<vmem>> -> memref<1x128xi32, #tpu.memory_space<vmem>>
    %dma_wait3A_668 = tpu.memref_squeeze %dma_wait3A_667 : memref<1x128xi32, #tpu.memory_space<vmem>> -> memref<128xi32, #tpu.memory_space<vmem>>
    %dma_wait3A_669 = arith.constant 0 : i32
    %dma_wait3A_670 = arith.constant 0 : i32
    %dma_wait3A_671 = tpu.memref_slice %arg10[%dma_wait3A_669, %dma_wait3A_670] : memref<10240x128xf32, #tpu.memory_space<vmem_shared>> -> memref<10240x128xf32, #tpu.memory_space<vmem_shared>>
    tpu.wait_indirect_dma semaphore(%arg12 : memref<!tpu.dma_semaphore, #tpu.memory_space<semaphore_mem>>) src(%dma_wait3A_665 : memref<128x128xf32, #tpu.memory_space<vmem>>) dst(%dma_wait3A_671 : memref<10240x128xf32, #tpu.memory_space<vmem_shared>>)
    %barrier3A = arith.constant 0 : index
    tpu.barrier barrier_id(%barrier3A)
    %dma_wait3A_672 = arith.constant 0 : i32
    %dma_wait3A_673 = arith.constant 0 : i32
    %dma_wait3A_674 = arith.constant 0 : i32
    %dma_wait3A_675 = tpu.memref_slice %arg6[%dma_wait3A_673, %dma_wait3A_674] : memref<3x128xi32, #tpu.memory_space<vmem>> -> memref<1x128xi32, #tpu.memory_space<vmem>>
    %dma_wait3A_676 = tpu.memref_squeeze %dma_wait3A_675 : memref<1x128xi32, #tpu.memory_space<vmem>> -> memref<128xi32, #tpu.memory_space<vmem>>
    %dma_wait3A_677 = arith.constant 0 : i32
    %dma_wait3A_678 = tpu.memref_slice %arg2[%add3A, %dma_wait3A_672, %dma_wait3A_677] : memref<32x79x128xi32, #tpu.memory_space<hbm>> -> memref<1x1x128xi32, #tpu.memory_space<hbm>>
    %dma_wait3A_679 = tpu.memref_squeeze %dma_wait3A_678 : memref<1x1x128xi32, #tpu.memory_space<hbm>> -> memref<128xi32, #tpu.memory_space<hbm>>
    %dma_wait3A_680 = arith.constant 0 : i32
    %dma_wait3A_681 = tpu.memref_slice %arg6[%dma_wait3A_673, %dma_wait3A_680] : memref<3x128xi32, #tpu.memory_space<vmem>> -> memref<1x128xi32, #tpu.memory_space<vmem>>
    %dma_wait3A_682 = tpu.memref_squeeze %dma_wait3A_681 : memref<1x128xi32, #tpu.memory_space<vmem>> -> memref<128xi32, #tpu.memory_space<vmem>>
    %dma_wait3A_683 = arith.constant 0 : i32
    %dma_wait3A_684 = tpu.memref_slice %arg2[%add3A, %dma_wait3A_672, %dma_wait3A_683] : memref<32x79x128xi32, #tpu.memory_space<hbm>> -> memref<1x1x128xi32, #tpu.memory_space<hbm>>
    %dma_wait3A_685 = tpu.memref_squeeze %dma_wait3A_684 : memref<1x1x128xi32, #tpu.memory_space<hbm>> -> memref<128xi32, #tpu.memory_space<hbm>>
    tpu.wait_dma2 semaphore(%arg13 : memref<!tpu.dma_semaphore, #tpu.memory_space<semaphore_mem>>) src(%dma_wait3A_685 : memref<128xi32, #tpu.memory_space<hbm>>) dst(%dma_wait3A_682 : memref<128xi32, #tpu.memory_space<vmem>>)
    %dma_wait3A_686 = arith.constant 0 : i32
    %dma_wait3A_687 = arith.constant 0 : i32
    %dma_wait3A_688 = arith.constant 0 : i32
    %dma_wait3A_689 = tpu.memref_slice %arg7[%dma_wait3A_687, %dma_wait3A_688] : memref<3x128xi32, #tpu.memory_space<vmem>> -> memref<1x128xi32, #tpu.memory_space<vmem>>
    %dma_wait3A_690 = tpu.memref_squeeze %dma_wait3A_689 : memref<1x128xi32, #tpu.memory_space<vmem>> -> memref<128xi32, #tpu.memory_space<vmem>>
    %dma_wait3A_691 = arith.constant 0 : i32
    %dma_wait3A_692 = tpu.memref_slice %arg3[%add3A, %dma_wait3A_686, %dma_wait3A_691] : memref<32x79x128xi32, #tpu.memory_space<hbm>> -> memref<1x1x128xi32, #tpu.memory_space<hbm>>
    %dma_wait3A_693 = tpu.memref_squeeze %dma_wait3A_692 : memref<1x1x128xi32, #tpu.memory_space<hbm>> -> memref<128xi32, #tpu.memory_space<hbm>>
    %dma_wait3A_694 = arith.constant 0 : i32
    %dma_wait3A_695 = tpu.memref_slice %arg7[%dma_wait3A_687, %dma_wait3A_694] : memref<3x128xi32, #tpu.memory_space<vmem>> -> memref<1x128xi32, #tpu.memory_space<vmem>>
    %dma_wait3A_696 = tpu.memref_squeeze %dma_wait3A_695 : memref<1x128xi32, #tpu.memory_space<vmem>> -> memref<128xi32, #tpu.memory_space<vmem>>
    %dma_wait3A_697 = arith.constant 0 : i32
    %dma_wait3A_698 = tpu.memref_slice %arg3[%add3A, %dma_wait3A_686, %dma_wait3A_697] : memref<32x79x128xi32, #tpu.memory_space<hbm>> -> memref<1x1x128xi32, #tpu.memory_space<hbm>>
    %dma_wait3A_699 = tpu.memref_squeeze %dma_wait3A_698 : memref<1x1x128xi32, #tpu.memory_space<hbm>> -> memref<128xi32, #tpu.memory_space<hbm>>
    tpu.wait_dma2 semaphore(%arg13 : memref<!tpu.dma_semaphore, #tpu.memory_space<semaphore_mem>>) src(%dma_wait3A_699 : memref<128xi32, #tpu.memory_space<hbm>>) dst(%dma_wait3A_696 : memref<128xi32, #tpu.memory_space<vmem>>)
    %dma_start3A_700 = arith.constant 1 : i32
    %dma_start3A_701 = arith.constant 1 : i32
    %dma_start3A_702 = arith.constant 0 : i32
    %dma_start3A_703 = tpu.memref_slice %arg6[%dma_start3A_701, %dma_start3A_702] : memref<3x128xi32, #tpu.memory_space<vmem>> -> memref<1x128xi32, #tpu.memory_space<vmem>>
    %dma_start3A_704 = tpu.memref_squeeze %dma_start3A_703 : memref<1x128xi32, #tpu.memory_space<vmem>> -> memref<128xi32, #tpu.memory_space<vmem>>
    %dma_start3A_705 = arith.constant 0 : i32
    %dma_start3A_706 = tpu.memref_slice %arg2[%add3A, %dma_start3A_700, %dma_start3A_705] : memref<32x79x128xi32, #tpu.memory_space<hbm>> -> memref<1x1x128xi32, #tpu.memory_space<hbm>>
    %dma_start3A_707 = tpu.memref_squeeze %dma_start3A_706 : memref<1x1x128xi32, #tpu.memory_space<hbm>> -> memref<128xi32, #tpu.memory_space<hbm>>
    %dma_start3A_708 = arith.constant 0 : i32
    %dma_start3A_709 = tpu.memref_slice %arg6[%dma_start3A_701, %dma_start3A_708] : memref<3x128xi32, #tpu.memory_space<vmem>> -> memref<1x128xi32, #tpu.memory_space<vmem>>
    %dma_start3A_710 = tpu.memref_squeeze %dma_start3A_709 : memref<1x128xi32, #tpu.memory_space<vmem>> -> memref<128xi32, #tpu.memory_space<vmem>>
    %dma_start3A_711 = arith.constant 0 : i32
    %dma_start3A_712 = tpu.memref_slice %arg2[%add3A, %dma_start3A_700, %dma_start3A_711] : memref<32x79x128xi32, #tpu.memory_space<hbm>> -> memref<1x1x128xi32, #tpu.memory_space<hbm>>
    %dma_start3A_713 = tpu.memref_squeeze %dma_start3A_712 : memref<1x1x128xi32, #tpu.memory_space<hbm>> -> memref<128xi32, #tpu.memory_space<hbm>>
    tpu.enqueue_dma source(%dma_start3A_713 : memref<128xi32, #tpu.memory_space<hbm>>) target(%dma_start3A_710 : memref<128xi32, #tpu.memory_space<vmem>>) target_semaphore(%arg13 : memref<!tpu.dma_semaphore, #tpu.memory_space<semaphore_mem>>)
    %dma_start3A_714 = arith.constant 1 : i32
    %dma_start3A_715 = arith.constant 1 : i32
    %dma_start3A_716 = arith.constant 0 : i32
    %dma_start3A_717 = tpu.memref_slice %arg7[%dma_start3A_715, %dma_start3A_716] : memref<3x128xi32, #tpu.memory_space<vmem>> -> memref<1x128xi32, #tpu.memory_space<vmem>>
    %dma_start3A_718 = tpu.memref_squeeze %dma_start3A_717 : memref<1x128xi32, #tpu.memory_space<vmem>> -> memref<128xi32, #tpu.memory_space<vmem>>
    %dma_start3A_719 = arith.constant 0 : i32
    %dma_start3A_720 = tpu.memref_slice %arg3[%add3A, %dma_start3A_714, %dma_start3A_719] : memref<32x79x128xi32, #tpu.memory_space<hbm>> -> memref<1x1x128xi32, #tpu.memory_space<hbm>>
    %dma_start3A_721 = tpu.memref_squeeze %dma_start3A_720 : memref<1x1x128xi32, #tpu.memory_space<hbm>> -> memref<128xi32, #tpu.memory_space<hbm>>
    %dma_start3A_722 = arith.constant 0 : i32
    %dma_start3A_723 = tpu.memref_slice %arg7[%dma_start3A_715, %dma_start3A_722] : memref<3x128xi32, #tpu.memory_space<vmem>> -> memref<1x128xi32, #tpu.memory_space<vmem>>
    %dma_start3A_724 = tpu.memref_squeeze %dma_start3A_723 : memref<1x128xi32, #tpu.memory_space<vmem>> -> memref<128xi32, #tpu.memory_space<vmem>>
    %dma_start3A_725 = arith.constant 0 : i32
    %dma_start3A_726 = tpu.memref_slice %arg3[%add3A, %dma_start3A_714, %dma_start3A_725] : memref<32x79x128xi32, #tpu.memory_space<hbm>> -> memref<1x1x128xi32, #tpu.memory_space<hbm>>
    %dma_start3A_727 = tpu.memref_squeeze %dma_start3A_726 : memref<1x1x128xi32, #tpu.memory_space<hbm>> -> memref<128xi32, #tpu.memory_space<hbm>>
    tpu.enqueue_dma source(%dma_start3A_727 : memref<128xi32, #tpu.memory_space<hbm>>) target(%dma_start3A_724 : memref<128xi32, #tpu.memory_space<vmem>>) target_semaphore(%arg13 : memref<!tpu.dma_semaphore, #tpu.memory_space<semaphore_mem>>)
    %dma_start3A_728 = arith.constant 0 : i32
    %dma_start3A_729 = arith.constant 0 : i32
    %dma_start3A_730 = arith.constant 0 : i32
    %dma_start3A_731 = arith.constant 0 : i32
    %dma_start3A_732 = tpu.memref_slice %arg9[%dma_start3A_729, %dma_start3A_730, %dma_start3A_731] : memref<2x128x128xf32, #tpu.memory_space<vmem>> -> memref<1x128x128xf32, #tpu.memory_space<vmem>>
    %dma_start3A_733 = tpu.memref_squeeze %dma_start3A_732 : memref<1x128x128xf32, #tpu.memory_space<vmem>> -> memref<128x128xf32, #tpu.memory_space<vmem>>
    %dma_start3A_734 = arith.constant 0 : i32
    %dma_start3A_735 = tpu.memref_slice %arg6[%dma_start3A_728, %dma_start3A_734] : memref<3x128xi32, #tpu.memory_space<vmem>> -> memref<1x128xi32, #tpu.memory_space<vmem>>
    %dma_start3A_736 = tpu.memref_squeeze %dma_start3A_735 : memref<1x128xi32, #tpu.memory_space<vmem>> -> memref<128xi32, #tpu.memory_space<vmem>>
    %dma_start3A_737 = arith.constant 0 : i32
    %dma_start3A_738 = arith.constant 0 : i32
    %dma_start3A_739 = tpu.memref_slice %arg4[%dma_start3A_737, %dma_start3A_738] : memref<10240x128xf32, #tpu.memory_space<hbm>> -> memref<10240x128xf32, #tpu.memory_space<hbm>>
    tpu.enqueue_indirect_dma source(%dma_start3A_739 : memref<10240x128xf32, #tpu.memory_space<hbm>>) target(%dma_start3A_733 : memref<128x128xf32, #tpu.memory_space<vmem>>) offsets(%dma_start3A_736 : memref<128xi32, #tpu.memory_space<vmem>>) semaphore(%arg11 : memref<!tpu.dma_semaphore, #tpu.memory_space<semaphore_mem>>)
    %scan3A_740 = arith.constant 0 : i32
    %scan3A_741 = arith.constant 0 : i32
    %scan3A_742 = arith.constant 79 : i32
    %scan3A_743 = arith.addi %scan3A_741, %scan3A_742 : i32
    %scan3A_744 = arith.constant 1 : i32
    scf.for %scan3A_1062 = %scan3A_741 to %scan3A_743 step %scan3A_744  : i32 {
      %rem3A_1063 = arith.constant 2 : i32
      %rem3A_1064 = arith.remsi %scan3A_1062, %rem3A_1063 : i32
      %rem3A_1065 = arith.constant 3 : i32
      %rem3A_1066 = arith.remsi %scan3A_1062, %rem3A_1065 : i32
      %add3A_1067 = arith.constant 1 : i32
      %add3A_1068 = arith.addi %scan3A_1062, %add3A_1067 : i32
      %rem3A_1069 = arith.constant 3 : i32
      %rem3A_1070 = arith.remsi %add3A_1068, %rem3A_1069 : i32
      %add3A_1071 = arith.constant 2 : i32
      %add3A_1072 = arith.addi %scan3A_1062, %add3A_1071 : i32
      %rem3A_1073 = arith.constant 3 : i32
      %rem3A_1074 = arith.remsi %add3A_1072, %rem3A_1073 : i32
      %dma_wait3A_1075 = arith.constant 0 : i32
      %dma_wait3A_1076 = arith.constant 0 : i32
      %dma_wait3A_1077 = tpu.memref_slice %arg9[%rem3A_1064, %dma_wait3A_1075, %dma_wait3A_1076] : memref<2x128x128xf32, #tpu.memory_space<vmem>> -> memref<1x128x128xf32, #tpu.memory_space<vmem>>
      %dma_wait3A_1078 = tpu.memref_squeeze %dma_wait3A_1077 : memref<1x128x128xf32, #tpu.memory_space<vmem>> -> memref<128x128xf32, #tpu.memory_space<vmem>>
      %dma_wait3A_1079 = arith.constant 0 : i32
      %dma_wait3A_1080 = tpu.memref_slice %arg6[%rem3A_1066, %dma_wait3A_1079] : memref<3x128xi32, #tpu.memory_space<vmem>> -> memref<1x128xi32, #tpu.memory_space<vmem>>
      %dma_wait3A_1081 = tpu.memref_squeeze %dma_wait3A_1080 : memref<1x128xi32, #tpu.memory_space<vmem>> -> memref<128xi32, #tpu.memory_space<vmem>>
      %dma_wait3A_1082 = arith.constant 0 : i32
      %dma_wait3A_1083 = arith.constant 0 : i32
      %dma_wait3A_1084 = tpu.memref_slice %arg4[%dma_wait3A_1082, %dma_wait3A_1083] : memref<10240x128xf32, #tpu.memory_space<hbm>> -> memref<10240x128xf32, #tpu.memory_space<hbm>>
      tpu.wait_indirect_dma semaphore(%arg11 : memref<!tpu.dma_semaphore, #tpu.memory_space<semaphore_mem>>) src(%dma_wait3A_1084 : memref<10240x128xf32, #tpu.memory_space<hbm>>) dst(%dma_wait3A_1078 : memref<128x128xf32, #tpu.memory_space<vmem>>)
      %add3A_1085 = arith.constant 1 : i32
      %add3A_1086 = arith.addi %scan3A_1062, %add3A_1085 : i32
      %lt3A = arith.constant 79 : i32
      %lt3A_1087 = arith.cmpi slt, %add3A_1086, %lt3A : i32
      %convert_element_type3A = arith.extui %lt3A_1087 : i1 to i32
      %cond3A = arith.constant 0 : i32
      %cond3A_1088 = arith.cmpi ne, %convert_element_type3A, %cond3A : i32
      scf.if %cond3A_1088 {
        %dma_wait3A_1106 = arith.constant 0 : i32
        %dma_wait3A_1107 = tpu.memref_slice %arg6[%rem3A_1070, %dma_wait3A_1106] : memref<3x128xi32, #tpu.memory_space<vmem>> -> memref<1x128xi32, #tpu.memory_space<vmem>>
        %dma_wait3A_1108 = tpu.memref_squeeze %dma_wait3A_1107 : memref<1x128xi32, #tpu.memory_space<vmem>> -> memref<128xi32, #tpu.memory_space<vmem>>
        %dma_wait3A_1109 = arith.constant 0 : i32
        %dma_wait3A_1110 = tpu.memref_slice %arg2[%add3A, %scan3A_1062, %dma_wait3A_1109] : memref<32x79x128xi32, #tpu.memory_space<hbm>> -> memref<1x1x128xi32, #tpu.memory_space<hbm>>
        %dma_wait3A_1111 = tpu.memref_squeeze %dma_wait3A_1110 : memref<1x1x128xi32, #tpu.memory_space<hbm>> -> memref<128xi32, #tpu.memory_space<hbm>>
        %dma_wait3A_1112 = arith.constant 0 : i32
        %dma_wait3A_1113 = tpu.memref_slice %arg6[%rem3A_1070, %dma_wait3A_1112] : memref<3x128xi32, #tpu.memory_space<vmem>> -> memref<1x128xi32, #tpu.memory_space<vmem>>
        %dma_wait3A_1114 = tpu.memref_squeeze %dma_wait3A_1113 : memref<1x128xi32, #tpu.memory_space<vmem>> -> memref<128xi32, #tpu.memory_space<vmem>>
        %dma_wait3A_1115 = arith.constant 0 : i32
        %dma_wait3A_1116 = tpu.memref_slice %arg2[%add3A, %scan3A_1062, %dma_wait3A_1115] : memref<32x79x128xi32, #tpu.memory_space<hbm>> -> memref<1x1x128xi32, #tpu.memory_space<hbm>>
        %dma_wait3A_1117 = tpu.memref_squeeze %dma_wait3A_1116 : memref<1x1x128xi32, #tpu.memory_space<hbm>> -> memref<128xi32, #tpu.memory_space<hbm>>
        tpu.wait_dma2 semaphore(%arg13 : memref<!tpu.dma_semaphore, #tpu.memory_space<semaphore_mem>>) src(%dma_wait3A_1117 : memref<128xi32, #tpu.memory_space<hbm>>) dst(%dma_wait3A_1114 : memref<128xi32, #tpu.memory_space<vmem>>)
        %dma_wait3A_1118 = arith.constant 0 : i32
        %dma_wait3A_1119 = tpu.memref_slice %arg7[%rem3A_1070, %dma_wait3A_1118] : memref<3x128xi32, #tpu.memory_space<vmem>> -> memref<1x128xi32, #tpu.memory_space<vmem>>
        %dma_wait3A_1120 = tpu.memref_squeeze %dma_wait3A_1119 : memref<1x128xi32, #tpu.memory_space<vmem>> -> memref<128xi32, #tpu.memory_space<vmem>>
        %dma_wait3A_1121 = arith.constant 0 : i32
        %dma_wait3A_1122 = tpu.memref_slice %arg3[%add3A, %scan3A_1062, %dma_wait3A_1121] : memref<32x79x128xi32, #tpu.memory_space<hbm>> -> memref<1x1x128xi32, #tpu.memory_space<hbm>>
        %dma_wait3A_1123 = tpu.memref_squeeze %dma_wait3A_1122 : memref<1x1x128xi32, #tpu.memory_space<hbm>> -> memref<128xi32, #tpu.memory_space<hbm>>
        %dma_wait3A_1124 = arith.constant 0 : i32
        %dma_wait3A_1125 = tpu.memref_slice %arg7[%rem3A_1070, %dma_wait3A_1124] : memref<3x128xi32, #tpu.memory_space<vmem>> -> memref<1x128xi32, #tpu.memory_space<vmem>>
        %dma_wait3A_1126 = tpu.memref_squeeze %dma_wait3A_1125 : memref<1x128xi32, #tpu.memory_space<vmem>> -> memref<128xi32, #tpu.memory_space<vmem>>
        %dma_wait3A_1127 = arith.constant 0 : i32
        %dma_wait3A_1128 = tpu.memref_slice %arg3[%add3A, %scan3A_1062, %dma_wait3A_1127] : memref<32x79x128xi32, #tpu.memory_space<hbm>> -> memref<1x1x128xi32, #tpu.memory_space<hbm>>
        %dma_wait3A_1129 = tpu.memref_squeeze %dma_wait3A_1128 : memref<1x1x128xi32, #tpu.memory_space<hbm>> -> memref<128xi32, #tpu.memory_space<hbm>>
        tpu.wait_dma2 semaphore(%arg13 : memref<!tpu.dma_semaphore, #tpu.memory_space<semaphore_mem>>) src(%dma_wait3A_1129 : memref<128xi32, #tpu.memory_space<hbm>>) dst(%dma_wait3A_1126 : memref<128xi32, #tpu.memory_space<vmem>>)
        %ge3A = arith.constant 1 : i32
        %ge3A_1130 = arith.cmpi sge, %scan3A_1062, %ge3A : i32
        %convert_element_type3A_1131 = arith.extui %ge3A_1130 : i1 to i32
        %cond3A_1132 = arith.constant 0 : i32
        %cond3A_1133 = arith.cmpi ne, %convert_element_type3A_1131, %cond3A_1132 : i32
        scf.if %cond3A_1133 {
          %sub3A_1146 = arith.constant 1 : i32
          %sub3A_1147 = arith.subi %sub3A_1146, %rem3A_1064 : i32
          %dma_wait3A_1148 = arith.constant 0 : i32
          %dma_wait3A_1149 = arith.constant 0 : i32
          %dma_wait3A_1150 = arith.constant 0 : i32
          %dma_wait3A_1151 = tpu.memref_slice %arg9[%sub3A_1147, %dma_wait3A_1149, %dma_wait3A_1150] : memref<2x128x128xf32, #tpu.memory_space<vmem>> -> memref<1x128x128xf32, #tpu.memory_space<vmem>>
          %dma_wait3A_1152 = tpu.memref_squeeze %dma_wait3A_1151 : memref<1x128x128xf32, #tpu.memory_space<vmem>> -> memref<128x128xf32, #tpu.memory_space<vmem>>
          %dma_wait3A_1153 = arith.constant 0 : i32
          %dma_wait3A_1154 = tpu.memref_slice %arg8[%dma_wait3A_1148, %dma_wait3A_1153] : memref<5x128xi32, #tpu.memory_space<vmem>> -> memref<1x128xi32, #tpu.memory_space<vmem>>
          %dma_wait3A_1155 = tpu.memref_squeeze %dma_wait3A_1154 : memref<1x128xi32, #tpu.memory_space<vmem>> -> memref<128xi32, #tpu.memory_space<vmem>>
          %dma_wait3A_1156 = arith.constant 0 : i32
          %dma_wait3A_1157 = arith.constant 0 : i32
          %dma_wait3A_1158 = tpu.memref_slice %arg10[%dma_wait3A_1156, %dma_wait3A_1157] : memref<10240x128xf32, #tpu.memory_space<vmem_shared>> -> memref<10240x128xf32, #tpu.memory_space<vmem_shared>>
          tpu.wait_indirect_dma semaphore(%arg12 : memref<!tpu.dma_semaphore, #tpu.memory_space<semaphore_mem>>) src(%dma_wait3A_1152 : memref<128x128xf32, #tpu.memory_space<vmem>>) dst(%dma_wait3A_1158 : memref<10240x128xf32, #tpu.memory_space<vmem_shared>>)
        } else {
        }
        %sub3A_1134 = arith.constant 1 : i32
        %sub3A_1135 = arith.subi %sub3A_1134, %rem3A_1064 : i32
        %dma_start3A_1136 = arith.constant 0 : i32
        %dma_start3A_1137 = arith.constant 0 : i32
        %dma_start3A_1138 = tpu.memref_slice %arg9[%sub3A_1135, %dma_start3A_1136, %dma_start3A_1137] : memref<2x128x128xf32, #tpu.memory_space<vmem>> -> memref<1x128x128xf32, #tpu.memory_space<vmem>>
        %dma_start3A_1139 = tpu.memref_squeeze %dma_start3A_1138 : memref<1x128x128xf32, #tpu.memory_space<vmem>> -> memref<128x128xf32, #tpu.memory_space<vmem>>
        %dma_start3A_1140 = arith.constant 0 : i32
        %dma_start3A_1141 = tpu.memref_slice %arg6[%rem3A_1070, %dma_start3A_1140] : memref<3x128xi32, #tpu.memory_space<vmem>> -> memref<1x128xi32, #tpu.memory_space<vmem>>
        %dma_start3A_1142 = tpu.memref_squeeze %dma_start3A_1141 : memref<1x128xi32, #tpu.memory_space<vmem>> -> memref<128xi32, #tpu.memory_space<vmem>>
        %dma_start3A_1143 = arith.constant 0 : i32
        %dma_start3A_1144 = arith.constant 0 : i32
        %dma_start3A_1145 = tpu.memref_slice %arg4[%dma_start3A_1143, %dma_start3A_1144] : memref<10240x128xf32, #tpu.memory_space<hbm>> -> memref<10240x128xf32, #tpu.memory_space<hbm>>
        tpu.enqueue_indirect_dma source(%dma_start3A_1145 : memref<10240x128xf32, #tpu.memory_space<hbm>>) target(%dma_start3A_1139 : memref<128x128xf32, #tpu.memory_space<vmem>>) offsets(%dma_start3A_1142 : memref<128xi32, #tpu.memory_space<vmem>>) semaphore(%arg11 : memref<!tpu.dma_semaphore, #tpu.memory_space<semaphore_mem>>)
      } else {
      }
      %add3A_1089 = arith.constant 2 : i32
      %add3A_1090 = arith.addi %scan3A_1062, %add3A_1089 : i32
      %lt3A_1091 = arith.constant 79 : i32
      %lt3A_1092 = arith.cmpi slt, %add3A_1090, %lt3A_1091 : i32
      %convert_element_type3A_1093 = arith.extui %lt3A_1092 : i1 to i32
      %cond3A_1094 = arith.constant 0 : i32
      %cond3A_1095 = arith.cmpi ne, %convert_element_type3A_1093, %cond3A_1094 : i32
      scf.if %cond3A_1095 {
        %add3A_1106 = arith.constant 2 : i32
        %add3A_1107 = arith.addi %scan3A_1062, %add3A_1106 : i32
        %dma_start3A_1108 = arith.constant 0 : i32
        %dma_start3A_1109 = tpu.memref_slice %arg6[%rem3A_1074, %dma_start3A_1108] : memref<3x128xi32, #tpu.memory_space<vmem>> -> memref<1x128xi32, #tpu.memory_space<vmem>>
        %dma_start3A_1110 = tpu.memref_squeeze %dma_start3A_1109 : memref<1x128xi32, #tpu.memory_space<vmem>> -> memref<128xi32, #tpu.memory_space<vmem>>
        %dma_start3A_1111 = arith.constant 0 : i32
        %dma_start3A_1112 = tpu.memref_slice %arg2[%add3A, %add3A_1107, %dma_start3A_1111] : memref<32x79x128xi32, #tpu.memory_space<hbm>> -> memref<1x1x128xi32, #tpu.memory_space<hbm>>
        %dma_start3A_1113 = tpu.memref_squeeze %dma_start3A_1112 : memref<1x1x128xi32, #tpu.memory_space<hbm>> -> memref<128xi32, #tpu.memory_space<hbm>>
        %dma_start3A_1114 = arith.constant 0 : i32
        %dma_start3A_1115 = tpu.memref_slice %arg6[%rem3A_1074, %dma_start3A_1114] : memref<3x128xi32, #tpu.memory_space<vmem>> -> memref<1x128xi32, #tpu.memory_space<vmem>>
        %dma_start3A_1116 = tpu.memref_squeeze %dma_start3A_1115 : memref<1x128xi32, #tpu.memory_space<vmem>> -> memref<128xi32, #tpu.memory_space<vmem>>
        %dma_start3A_1117 = arith.constant 0 : i32
        %dma_start3A_1118 = tpu.memref_slice %arg2[%add3A, %add3A_1107, %dma_start3A_1117] : memref<32x79x128xi32, #tpu.memory_space<hbm>> -> memref<1x1x128xi32, #tpu.memory_space<hbm>>
        %dma_start3A_1119 = tpu.memref_squeeze %dma_start3A_1118 : memref<1x1x128xi32, #tpu.memory_space<hbm>> -> memref<128xi32, #tpu.memory_space<hbm>>
        tpu.enqueue_dma source(%dma_start3A_1119 : memref<128xi32, #tpu.memory_space<hbm>>) target(%dma_start3A_1116 : memref<128xi32, #tpu.memory_space<vmem>>) target_semaphore(%arg13 : memref<!tpu.dma_semaphore, #tpu.memory_space<semaphore_mem>>)
        %add3A_1120 = arith.constant 2 : i32
        %add3A_1121 = arith.addi %scan3A_1062, %add3A_1120 : i32
        %dma_start3A_1122 = arith.constant 0 : i32
        %dma_start3A_1123 = tpu.memref_slice %arg7[%rem3A_1074, %dma_start3A_1122] : memref<3x128xi32, #tpu.memory_space<vmem>> -> memref<1x128xi32, #tpu.memory_space<vmem>>
        %dma_start3A_1124 = tpu.memref_squeeze %dma_start3A_1123 : memref<1x128xi32, #tpu.memory_space<vmem>> -> memref<128xi32, #tpu.memory_space<vmem>>
        %dma_start3A_1125 = arith.constant 0 : i32
        %dma_start3A_1126 = tpu.memref_slice %arg3[%add3A, %add3A_1121, %dma_start3A_1125] : memref<32x79x128xi32, #tpu.memory_space<hbm>> -> memref<1x1x128xi32, #tpu.memory_space<hbm>>
        %dma_start3A_1127 = tpu.memref_squeeze %dma_start3A_1126 : memref<1x1x128xi32, #tpu.memory_space<hbm>> -> memref<128xi32, #tpu.memory_space<hbm>>
        %dma_start3A_1128 = arith.constant 0 : i32
        %dma_start3A_1129 = tpu.memref_slice %arg7[%rem3A_1074, %dma_start3A_1128] : memref<3x128xi32, #tpu.memory_space<vmem>> -> memref<1x128xi32, #tpu.memory_space<vmem>>
        %dma_start3A_1130 = tpu.memref_squeeze %dma_start3A_1129 : memref<1x128xi32, #tpu.memory_space<vmem>> -> memref<128xi32, #tpu.memory_space<vmem>>
        %dma_start3A_1131 = arith.constant 0 : i32
        %dma_start3A_1132 = tpu.memref_slice %arg3[%add3A, %add3A_1121, %dma_start3A_1131] : memref<32x79x128xi32, #tpu.memory_space<hbm>> -> memref<1x1x128xi32, #tpu.memory_space<hbm>>
        %dma_start3A_1133 = tpu.memref_squeeze %dma_start3A_1132 : memref<1x1x128xi32, #tpu.memory_space<hbm>> -> memref<128xi32, #tpu.memory_space<hbm>>
        tpu.enqueue_dma source(%dma_start3A_1133 : memref<128xi32, #tpu.memory_space<hbm>>) target(%dma_start3A_1130 : memref<128xi32, #tpu.memory_space<vmem>>) target_semaphore(%arg13 : memref<!tpu.dma_semaphore, #tpu.memory_space<semaphore_mem>>)
      } else {
      }
      %dma_start3A_1096 = arith.constant 0 : i32
      %dma_start3A_1097 = arith.constant 0 : i32
      %dma_start3A_1098 = tpu.memref_slice %arg9[%rem3A_1064, %dma_start3A_1096, %dma_start3A_1097] : memref<2x128x128xf32, #tpu.memory_space<vmem>> -> memref<1x128x128xf32, #tpu.memory_space<vmem>>
      %dma_start3A_1099 = tpu.memref_squeeze %dma_start3A_1098 : memref<1x128x128xf32, #tpu.memory_space<vmem>> -> memref<128x128xf32, #tpu.memory_space<vmem>>
      %dma_start3A_1100 = arith.constant 0 : i32
      %dma_start3A_1101 = tpu.memref_slice %arg7[%rem3A_1066, %dma_start3A_1100] : memref<3x128xi32, #tpu.memory_space<vmem>> -> memref<1x128xi32, #tpu.memory_space<vmem>>
      %dma_start3A_1102 = tpu.memref_squeeze %dma_start3A_1101 : memref<1x128xi32, #tpu.memory_space<vmem>> -> memref<128xi32, #tpu.memory_space<vmem>>
      %dma_start3A_1103 = arith.constant 0 : i32
      %dma_start3A_1104 = arith.constant 0 : i32
      %dma_start3A_1105 = tpu.memref_slice %arg10[%dma_start3A_1103, %dma_start3A_1104] : memref<10240x128xf32, #tpu.memory_space<vmem_shared>> -> memref<10240x128xf32, #tpu.memory_space<vmem_shared>>
      tpu.enqueue_indirect_dma source(%dma_start3A_1099 : memref<128x128xf32, #tpu.memory_space<vmem>>) target(%dma_start3A_1105 : memref<10240x128xf32, #tpu.memory_space<vmem_shared>>) offsets(%dma_start3A_1102 : memref<128xi32, #tpu.memory_space<vmem>>) semaphore(%arg12 : memref<!tpu.dma_semaphore, #tpu.memory_space<semaphore_mem>>) {add = true}
    }
    %scan3A_745 = arith.constant 79 : i32
    %rem3A = arith.constant 78 : i32
    %rem3A_746 = arith.constant 2 : i32
    %rem3A_747 = arith.remsi %rem3A, %rem3A_746 : i32
    %sub3A = arith.constant 1 : i32
    %sub3A_748 = arith.subi %sub3A, %rem3A_747 : i32
    %dma_wait3A_749 = arith.constant 0 : i32
    %dma_wait3A_750 = arith.constant 0 : i32
    %dma_wait3A_751 = arith.constant 0 : i32
    %dma_wait3A_752 = tpu.memref_slice %arg9[%sub3A_748, %dma_wait3A_750, %dma_wait3A_751] : memref<2x128x128xf32, #tpu.memory_space<vmem>> -> memref<1x128x128xf32, #tpu.memory_space<vmem>>
    %dma_wait3A_753 = tpu.memref_squeeze %dma_wait3A_752 : memref<1x128x128xf32, #tpu.memory_space<vmem>> -> memref<128x128xf32, #tpu.memory_space<vmem>>
    %dma_wait3A_754 = arith.constant 0 : i32
    %dma_wait3A_755 = tpu.memref_slice %arg8[%dma_wait3A_749, %dma_wait3A_754] : memref<5x128xi32, #tpu.memory_space<vmem>> -> memref<1x128xi32, #tpu.memory_space<vmem>>
    %dma_wait3A_756 = tpu.memref_squeeze %dma_wait3A_755 : memref<1x128xi32, #tpu.memory_space<vmem>> -> memref<128xi32, #tpu.memory_space<vmem>>
    %dma_wait3A_757 = arith.constant 0 : i32
    %dma_wait3A_758 = arith.constant 0 : i32
    %dma_wait3A_759 = tpu.memref_slice %arg10[%dma_wait3A_757, %dma_wait3A_758] : memref<10240x128xf32, #tpu.memory_space<vmem_shared>> -> memref<10240x128xf32, #tpu.memory_space<vmem_shared>>
    tpu.wait_indirect_dma semaphore(%arg12 : memref<!tpu.dma_semaphore, #tpu.memory_space<semaphore_mem>>) src(%dma_wait3A_753 : memref<128x128xf32, #tpu.memory_space<vmem>>) dst(%dma_wait3A_759 : memref<10240x128xf32, #tpu.memory_space<vmem_shared>>)
    %dma_wait3A_760 = arith.constant 0 : i32
    %dma_wait3A_761 = arith.constant 0 : i32
    %dma_wait3A_762 = arith.constant 0 : i32
    %dma_wait3A_763 = tpu.memref_slice %arg9[%rem3A_747, %dma_wait3A_761, %dma_wait3A_762] : memref<2x128x128xf32, #tpu.memory_space<vmem>> -> memref<1x128x128xf32, #tpu.memory_space<vmem>>
    %dma_wait3A_764 = tpu.memref_squeeze %dma_wait3A_763 : memref<1x128x128xf32, #tpu.memory_space<vmem>> -> memref<128x128xf32, #tpu.memory_space<vmem>>
    %dma_wait3A_765 = arith.constant 0 : i32
    %dma_wait3A_766 = tpu.memref_slice %arg8[%dma_wait3A_760, %dma_wait3A_765] : memref<5x128xi32, #tpu.memory_space<vmem>> -> memref<1x128xi32, #tpu.memory_space<vmem>>
    %dma_wait3A_767 = tpu.memref_squeeze %dma_wait3A_766 : memref<1x128xi32, #tpu.memory_space<vmem>> -> memref<128xi32, #tpu.memory_space<vmem>>
    %dma_wait3A_768 = arith.constant 0 : i32
    %dma_wait3A_769 = arith.constant 0 : i32
    %dma_wait3A_770 = tpu.memref_slice %arg10[%dma_wait3A_768, %dma_wait3A_769] : memref<10240x128xf32, #tpu.memory_space<vmem_shared>> -> memref<10240x128xf32, #tpu.memory_space<vmem_shared>>
    tpu.wait_indirect_dma semaphore(%arg12 : memref<!tpu.dma_semaphore, #tpu.memory_space<semaphore_mem>>) src(%dma_wait3A_764 : memref<128x128xf32, #tpu.memory_space<vmem>>) dst(%dma_wait3A_770 : memref<10240x128xf32, #tpu.memory_space<vmem_shared>>)
    %barrier3A_771 = arith.constant 0 : index
    tpu.barrier barrier_id(%barrier3A_771)
    %dma_start3A_772 = arith.constant 0 : i32
    %dma_start3A_773 = arith.constant 0 : i32
    %dma_start3A_774 = arith.constant 0 : i32
    %dma_start3A_775 = arith.constant 0 : i32
    %dma_start3A_776 = tpu.memref_slice %arg9[%dma_start3A_773, %dma_start3A_774, %dma_start3A_775] : memref<2x128x128xf32, #tpu.memory_space<vmem>> -> memref<1x128x128xf32, #tpu.memory_space<vmem>>
    %dma_start3A_777 = tpu.memref_squeeze %dma_start3A_776 : memref<1x128x128xf32, #tpu.memory_space<vmem>> -> memref<128x128xf32, #tpu.memory_space<vmem>>
    %dma_start3A_778 = arith.constant 0 : i32
    %dma_start3A_779 = tpu.memref_slice %arg8[%dma_start3A_772, %dma_start3A_778] : memref<5x128xi32, #tpu.memory_space<vmem>> -> memref<1x128xi32, #tpu.memory_space<vmem>>
    %dma_start3A_780 = tpu.memref_squeeze %dma_start3A_779 : memref<1x128xi32, #tpu.memory_space<vmem>> -> memref<128xi32, #tpu.memory_space<vmem>>
    %dma_start3A_781 = arith.constant 0 : i32
    %dma_start3A_782 = arith.constant 0 : i32
    %dma_start3A_783 = tpu.memref_slice %arg10[%dma_start3A_781, %dma_start3A_782] : memref<10240x128xf32, #tpu.memory_space<vmem_shared>> -> memref<10240x128xf32, #tpu.memory_space<vmem_shared>>
    tpu.enqueue_indirect_dma source(%dma_start3A_783 : memref<10240x128xf32, #tpu.memory_space<vmem_shared>>) target(%dma_start3A_777 : memref<128x128xf32, #tpu.memory_space<vmem>>) offsets(%dma_start3A_780 : memref<128xi32, #tpu.memory_space<vmem>>) semaphore(%arg11 : memref<!tpu.dma_semaphore, #tpu.memory_space<semaphore_mem>>)
    %dma_wait3A_784 = arith.constant 0 : i32
    %dma_wait3A_785 = arith.constant 0 : i32
    %dma_wait3A_786 = arith.constant 0 : i32
    %dma_wait3A_787 = arith.constant 0 : i32
    %dma_wait3A_788 = tpu.memref_slice %arg9[%dma_wait3A_785, %dma_wait3A_786, %dma_wait3A_787] : memref<2x128x128xf32, #tpu.memory_space<vmem>> -> memref<1x128x128xf32, #tpu.memory_space<vmem>>
    %dma_wait3A_789 = tpu.memref_squeeze %dma_wait3A_788 : memref<1x128x128xf32, #tpu.memory_space<vmem>> -> memref<128x128xf32, #tpu.memory_space<vmem>>
    %dma_wait3A_790 = arith.constant 0 : i32
    %dma_wait3A_791 = tpu.memref_slice %arg8[%dma_wait3A_784, %dma_wait3A_790] : memref<5x128xi32, #tpu.memory_space<vmem>> -> memref<1x128xi32, #tpu.memory_space<vmem>>
    %dma_wait3A_792 = tpu.memref_squeeze %dma_wait3A_791 : memref<1x128xi32, #tpu.memory_space<vmem>> -> memref<128xi32, #tpu.memory_space<vmem>>
    %dma_wait3A_793 = arith.constant 0 : i32
    %dma_wait3A_794 = arith.constant 0 : i32
    %dma_wait3A_795 = tpu.memref_slice %arg10[%dma_wait3A_793, %dma_wait3A_794] : memref<10240x128xf32, #tpu.memory_space<vmem_shared>> -> memref<10240x128xf32, #tpu.memory_space<vmem_shared>>
    tpu.wait_indirect_dma semaphore(%arg11 : memref<!tpu.dma_semaphore, #tpu.memory_space<semaphore_mem>>) src(%dma_wait3A_795 : memref<10240x128xf32, #tpu.memory_space<vmem_shared>>) dst(%dma_wait3A_789 : memref<128x128xf32, #tpu.memory_space<vmem>>)
    %dma_start3A_796 = arith.constant 1 : i32
    %dma_start3A_797 = arith.constant 1 : i32
    %dma_start3A_798 = arith.constant 0 : i32
    %dma_start3A_799 = arith.constant 0 : i32
    %dma_start3A_800 = tpu.memref_slice %arg9[%dma_start3A_797, %dma_start3A_798, %dma_start3A_799] : memref<2x128x128xf32, #tpu.memory_space<vmem>> -> memref<1x128x128xf32, #tpu.memory_space<vmem>>
    %dma_start3A_801 = tpu.memref_squeeze %dma_start3A_800 : memref<1x128x128xf32, #tpu.memory_space<vmem>> -> memref<128x128xf32, #tpu.memory_space<vmem>>
    %dma_start3A_802 = arith.constant 0 : i32
    %dma_start3A_803 = tpu.memref_slice %arg8[%dma_start3A_796, %dma_start3A_802] : memref<5x128xi32, #tpu.memory_space<vmem>> -> memref<1x128xi32, #tpu.memory_space<vmem>>
    %dma_start3A_804 = tpu.memref_squeeze %dma_start3A_803 : memref<1x128xi32, #tpu.memory_space<vmem>> -> memref<128xi32, #tpu.memory_space<vmem>>
    %dma_start3A_805 = arith.constant 0 : i32
    %dma_start3A_806 = arith.constant 0 : i32
    %dma_start3A_807 = tpu.memref_slice %arg10[%dma_start3A_805, %dma_start3A_806] : memref<10240x128xf32, #tpu.memory_space<vmem_shared>> -> memref<10240x128xf32, #tpu.memory_space<vmem_shared>>
    tpu.enqueue_indirect_dma source(%dma_start3A_807 : memref<10240x128xf32, #tpu.memory_space<vmem_shared>>) target(%dma_start3A_801 : memref<128x128xf32, #tpu.memory_space<vmem>>) offsets(%dma_start3A_804 : memref<128xi32, #tpu.memory_space<vmem>>) semaphore(%arg11 : memref<!tpu.dma_semaphore, #tpu.memory_space<semaphore_mem>>)
    %add3A_808 = arith.constant 0 : i32
    %add3A_809 = arith.addi %mul3A_2, %add3A_808 : i32
    %dma_start3A_810 = arith.constant 0 : i32
    %dma_start3A_811 = arith.constant 0 : i32
    %dma_start3A_812 = arith.constant 0 : i32
    %dma_start3A_813 = tpu.memref_slice %arg9[%dma_start3A_810, %dma_start3A_811, %dma_start3A_812] : memref<2x128x128xf32, #tpu.memory_space<vmem>> -> memref<1x128x128xf32, #tpu.memory_space<vmem>>
    %dma_start3A_814 = tpu.memref_squeeze %dma_start3A_813 : memref<1x128x128xf32, #tpu.memory_space<vmem>> -> memref<128x128xf32, #tpu.memory_space<vmem>>
    %dma_start3A_815 = arith.constant 0 : i32
    %dma_start3A_816 = tpu.memref_slice %arg5[%arg0, %add3A_809, %dma_start3A_815] : memref<2x10240x128xf32, #tpu.memory_space<hbm>> -> memref<1x128x128xf32, #tpu.memory_space<hbm>>
    %dma_start3A_817 = tpu.memref_squeeze %dma_start3A_816 : memref<1x128x128xf32, #tpu.memory_space<hbm>> -> memref<128x128xf32, #tpu.memory_space<hbm>>
    %dma_start3A_818 = arith.constant 0 : i32
    %dma_start3A_819 = tpu.memref_slice %arg5[%arg0, %add3A_809, %dma_start3A_818] : memref<2x10240x128xf32, #tpu.memory_space<hbm>> -> memref<1x128x128xf32, #tpu.memory_space<hbm>>
    %dma_start3A_820 = tpu.memref_squeeze %dma_start3A_819 : memref<1x128x128xf32, #tpu.memory_space<hbm>> -> memref<128x128xf32, #tpu.memory_space<hbm>>
    %dma_start3A_821 = arith.constant 0 : i32
    %dma_start3A_822 = arith.constant 0 : i32
    %dma_start3A_823 = tpu.memref_slice %arg9[%dma_start3A_810, %dma_start3A_821, %dma_start3A_822] : memref<2x128x128xf32, #tpu.memory_space<vmem>> -> memref<1x128x128xf32, #tpu.memory_space<vmem>>
    %dma_start3A_824 = tpu.memref_squeeze %dma_start3A_823 : memref<1x128x128xf32, #tpu.memory_space<vmem>> -> memref<128x128xf32, #tpu.memory_space<vmem>>
    tpu.enqueue_dma source(%dma_start3A_824 : memref<128x128xf32, #tpu.memory_space<vmem>>) target(%dma_start3A_820 : memref<128x128xf32, #tpu.memory_space<hbm>>) target_semaphore(%arg12 : memref<!tpu.dma_semaphore, #tpu.memory_space<semaphore_mem>>)
    %dma_wait3A_825 = arith.constant 1 : i32
    %dma_wait3A_826 = arith.constant 1 : i32
    %dma_wait3A_827 = arith.constant 0 : i32
    %dma_wait3A_828 = arith.constant 0 : i32
    %dma_wait3A_829 = tpu.memref_slice %arg9[%dma_wait3A_826, %dma_wait3A_827, %dma_wait3A_828] : memref<2x128x128xf32, #tpu.memory_space<vmem>> -> memref<1x128x128xf32, #tpu.memory_space<vmem>>
    %dma_wait3A_830 = tpu.memref_squeeze %dma_wait3A_829 : memref<1x128x128xf32, #tpu.memory_space<vmem>> -> memref<128x128xf32, #tpu.memory_space<vmem>>
    %dma_wait3A_831 = arith.constant 0 : i32
    %dma_wait3A_832 = tpu.memref_slice %arg8[%dma_wait3A_825, %dma_wait3A_831] : memref<5x128xi32, #tpu.memory_space<vmem>> -> memref<1x128xi32, #tpu.memory_space<vmem>>
    %dma_wait3A_833 = tpu.memref_squeeze %dma_wait3A_832 : memref<1x128xi32, #tpu.memory_space<vmem>> -> memref<128xi32, #tpu.memory_space<vmem>>
    %dma_wait3A_834 = arith.constant 0 : i32
    %dma_wait3A_835 = arith.constant 0 : i32
    %dma_wait3A_836 = tpu.memref_slice %arg10[%dma_wait3A_834, %dma_wait3A_835] : memref<10240x128xf32, #tpu.memory_space<vmem_shared>> -> memref<10240x128xf32, #tpu.memory_space<vmem_shared>>
    tpu.wait_indirect_dma semaphore(%arg11 : memref<!tpu.dma_semaphore, #tpu.memory_space<semaphore_mem>>) src(%dma_wait3A_836 : memref<10240x128xf32, #tpu.memory_space<vmem_shared>>) dst(%dma_wait3A_830 : memref<128x128xf32, #tpu.memory_space<vmem>>)
    %add3A_837 = arith.constant 0 : i32
    %add3A_838 = arith.addi %mul3A_2, %add3A_837 : i32
    %dma_wait3A_839 = arith.constant 0 : i32
    %dma_wait3A_840 = arith.constant 0 : i32
    %dma_wait3A_841 = arith.constant 0 : i32
    %dma_wait3A_842 = tpu.memref_slice %arg9[%dma_wait3A_839, %dma_wait3A_840, %dma_wait3A_841] : memref<2x128x128xf32, #tpu.memory_space<vmem>> -> memref<1x128x128xf32, #tpu.memory_space<vmem>>
    %dma_wait3A_843 = tpu.memref_squeeze %dma_wait3A_842 : memref<1x128x128xf32, #tpu.memory_space<vmem>> -> memref<128x128xf32, #tpu.memory_space<vmem>>
    %dma_wait3A_844 = arith.constant 0 : i32
    %dma_wait3A_845 = tpu.memref_slice %arg5[%arg0, %add3A_838, %dma_wait3A_844] : memref<2x10240x128xf32, #tpu.memory_space<hbm>> -> memref<1x128x128xf32, #tpu.memory_space<hbm>>
    %dma_wait3A_846 = tpu.memref_squeeze %dma_wait3A_845 : memref<1x128x128xf32, #tpu.memory_space<hbm>> -> memref<128x128xf32, #tpu.memory_space<hbm>>
    %dma_wait3A_847 = arith.constant 0 : i32
    %dma_wait3A_848 = tpu.memref_slice %arg5[%arg0, %add3A_838, %dma_wait3A_847] : memref<2x10240x128xf32, #tpu.memory_space<hbm>> -> memref<1x128x128xf32, #tpu.memory_space<hbm>>
    %dma_wait3A_849 = tpu.memref_squeeze %dma_wait3A_848 : memref<1x128x128xf32, #tpu.memory_space<hbm>> -> memref<128x128xf32, #tpu.memory_space<hbm>>
    %dma_wait3A_850 = arith.constant 0 : i32
    %dma_wait3A_851 = arith.constant 0 : i32
    %dma_wait3A_852 = tpu.memref_slice %arg9[%dma_wait3A_839, %dma_wait3A_850, %dma_wait3A_851] : memref<2x128x128xf32, #tpu.memory_space<vmem>> -> memref<1x128x128xf32, #tpu.memory_space<vmem>>
    %dma_wait3A_853 = tpu.memref_squeeze %dma_wait3A_852 : memref<1x128x128xf32, #tpu.memory_space<vmem>> -> memref<128x128xf32, #tpu.memory_space<vmem>>
    tpu.wait_dma2 semaphore(%arg12 : memref<!tpu.dma_semaphore, #tpu.memory_space<semaphore_mem>>) src(%dma_wait3A_853 : memref<128x128xf32, #tpu.memory_space<vmem>>) dst(%dma_wait3A_849 : memref<128x128xf32, #tpu.memory_space<hbm>>)
    %dma_start3A_854 = arith.constant 2 : i32
    %dma_start3A_855 = arith.constant 0 : i32
    %dma_start3A_856 = arith.constant 0 : i32
    %dma_start3A_857 = arith.constant 0 : i32
    %dma_start3A_858 = tpu.memref_slice %arg9[%dma_start3A_855, %dma_start3A_856, %dma_start3A_857] : memref<2x128x128xf32, #tpu.memory_space<vmem>> -> memref<1x128x128xf32, #tpu.memory_space<vmem>>
    %dma_start3A_859 = tpu.memref_squeeze %dma_start3A_858 : memref<1x128x128xf32, #tpu.memory_space<vmem>> -> memref<128x128xf32, #tpu.memory_space<vmem>>
    %dma_start3A_860 = arith.constant 0 : i32
    %dma_start3A_861 = tpu.memref_slice %arg8[%dma_start3A_854, %dma_start3A_860] : memref<5x128xi32, #tpu.memory_space<vmem>> -> memref<1x128xi32, #tpu.memory_space<vmem>>
    %dma_start3A_862 = tpu.memref_squeeze %dma_start3A_861 : memref<1x128xi32, #tpu.memory_space<vmem>> -> memref<128xi32, #tpu.memory_space<vmem>>
    %dma_start3A_863 = arith.constant 0 : i32
    %dma_start3A_864 = arith.constant 0 : i32
    %dma_start3A_865 = tpu.memref_slice %arg10[%dma_start3A_863, %dma_start3A_864] : memref<10240x128xf32, #tpu.memory_space<vmem_shared>> -> memref<10240x128xf32, #tpu.memory_space<vmem_shared>>
    tpu.enqueue_indirect_dma source(%dma_start3A_865 : memref<10240x128xf32, #tpu.memory_space<vmem_shared>>) target(%dma_start3A_859 : memref<128x128xf32, #tpu.memory_space<vmem>>) offsets(%dma_start3A_862 : memref<128xi32, #tpu.memory_space<vmem>>) semaphore(%arg11 : memref<!tpu.dma_semaphore, #tpu.memory_space<semaphore_mem>>)
    %add3A_866 = arith.constant 128 : i32
    %add3A_867 = arith.addi %mul3A_2, %add3A_866 : i32
    %dma_start3A_868 = arith.constant 1 : i32
    %dma_start3A_869 = arith.constant 0 : i32
    %dma_start3A_870 = arith.constant 0 : i32
    %dma_start3A_871 = tpu.memref_slice %arg9[%dma_start3A_868, %dma_start3A_869, %dma_start3A_870] : memref<2x128x128xf32, #tpu.memory_space<vmem>> -> memref<1x128x128xf32, #tpu.memory_space<vmem>>
    %dma_start3A_872 = tpu.memref_squeeze %dma_start3A_871 : memref<1x128x128xf32, #tpu.memory_space<vmem>> -> memref<128x128xf32, #tpu.memory_space<vmem>>
    %dma_start3A_873 = arith.constant 0 : i32
    %dma_start3A_874 = tpu.memref_slice %arg5[%arg0, %add3A_867, %dma_start3A_873] : memref<2x10240x128xf32, #tpu.memory_space<hbm>> -> memref<1x128x128xf32, #tpu.memory_space<hbm>>
    %dma_start3A_875 = tpu.memref_squeeze %dma_start3A_874 : memref<1x128x128xf32, #tpu.memory_space<hbm>> -> memref<128x128xf32, #tpu.memory_space<hbm>>
    %dma_start3A_876 = arith.constant 0 : i32
    %dma_start3A_877 = tpu.memref_slice %arg5[%arg0, %add3A_867, %dma_start3A_876] : memref<2x10240x128xf32, #tpu.memory_space<hbm>> -> memref<1x128x128xf32, #tpu.memory_space<hbm>>
    %dma_start3A_878 = tpu.memref_squeeze %dma_start3A_877 : memref<1x128x128xf32, #tpu.memory_space<hbm>> -> memref<128x128xf32, #tpu.memory_space<hbm>>
    %dma_start3A_879 = arith.constant 0 : i32
    %dma_start3A_880 = arith.constant 0 : i32
    %dma_start3A_881 = tpu.memref_slice %arg9[%dma_start3A_868, %dma_start3A_879, %dma_start3A_880] : memref<2x128x128xf32, #tpu.memory_space<vmem>> -> memref<1x128x128xf32, #tpu.memory_space<vmem>>
    %dma_start3A_882 = tpu.memref_squeeze %dma_start3A_881 : memref<1x128x128xf32, #tpu.memory_space<vmem>> -> memref<128x128xf32, #tpu.memory_space<vmem>>
    tpu.enqueue_dma source(%dma_start3A_882 : memref<128x128xf32, #tpu.memory_space<vmem>>) target(%dma_start3A_878 : memref<128x128xf32, #tpu.memory_space<hbm>>) target_semaphore(%arg12 : memref<!tpu.dma_semaphore, #tpu.memory_space<semaphore_mem>>)
    %dma_wait3A_883 = arith.constant 2 : i32
    %dma_wait3A_884 = arith.constant 0 : i32
    %dma_wait3A_885 = arith.constant 0 : i32
    %dma_wait3A_886 = arith.constant 0 : i32
    %dma_wait3A_887 = tpu.memref_slice %arg9[%dma_wait3A_884, %dma_wait3A_885, %dma_wait3A_886] : memref<2x128x128xf32, #tpu.memory_space<vmem>> -> memref<1x128x128xf32, #tpu.memory_space<vmem>>
    %dma_wait3A_888 = tpu.memref_squeeze %dma_wait3A_887 : memref<1x128x128xf32, #tpu.memory_space<vmem>> -> memref<128x128xf32, #tpu.memory_space<vmem>>
    %dma_wait3A_889 = arith.constant 0 : i32
    %dma_wait3A_890 = tpu.memref_slice %arg8[%dma_wait3A_883, %dma_wait3A_889] : memref<5x128xi32, #tpu.memory_space<vmem>> -> memref<1x128xi32, #tpu.memory_space<vmem>>
    %dma_wait3A_891 = tpu.memref_squeeze %dma_wait3A_890 : memref<1x128xi32, #tpu.memory_space<vmem>> -> memref<128xi32, #tpu.memory_space<vmem>>
    %dma_wait3A_892 = arith.constant 0 : i32
    %dma_wait3A_893 = arith.constant 0 : i32
    %dma_wait3A_894 = tpu.memref_slice %arg10[%dma_wait3A_892, %dma_wait3A_893] : memref<10240x128xf32, #tpu.memory_space<vmem_shared>> -> memref<10240x128xf32, #tpu.memory_space<vmem_shared>>
    tpu.wait_indirect_dma semaphore(%arg11 : memref<!tpu.dma_semaphore, #tpu.memory_space<semaphore_mem>>) src(%dma_wait3A_894 : memref<10240x128xf32, #tpu.memory_space<vmem_shared>>) dst(%dma_wait3A_888 : memref<128x128xf32, #tpu.memory_space<vmem>>)
    %add3A_895 = arith.constant 128 : i32
    %add3A_896 = arith.addi %mul3A_2, %add3A_895 : i32
    %dma_wait3A_897 = arith.constant 1 : i32
    %dma_wait3A_898 = arith.constant 0 : i32
    %dma_wait3A_899 = arith.constant 0 : i32
    %dma_wait3A_900 = tpu.memref_slice %arg9[%dma_wait3A_897, %dma_wait3A_898, %dma_wait3A_899] : memref<2x128x128xf32, #tpu.memory_space<vmem>> -> memref<1x128x128xf32, #tpu.memory_space<vmem>>
    %dma_wait3A_901 = tpu.memref_squeeze %dma_wait3A_900 : memref<1x128x128xf32, #tpu.memory_space<vmem>> -> memref<128x128xf32, #tpu.memory_space<vmem>>
    %dma_wait3A_902 = arith.constant 0 : i32
    %dma_wait3A_903 = tpu.memref_slice %arg5[%arg0, %add3A_896, %dma_wait3A_902] : memref<2x10240x128xf32, #tpu.memory_space<hbm>> -> memref<1x128x128xf32, #tpu.memory_space<hbm>>
    %dma_wait3A_904 = tpu.memref_squeeze %dma_wait3A_903 : memref<1x128x128xf32, #tpu.memory_space<hbm>> -> memref<128x128xf32, #tpu.memory_space<hbm>>
    %dma_wait3A_905 = arith.constant 0 : i32
    %dma_wait3A_906 = tpu.memref_slice %arg5[%arg0, %add3A_896, %dma_wait3A_905] : memref<2x10240x128xf32, #tpu.memory_space<hbm>> -> memref<1x128x128xf32, #tpu.memory_space<hbm>>
    %dma_wait3A_907 = tpu.memref_squeeze %dma_wait3A_906 : memref<1x128x128xf32, #tpu.memory_space<hbm>> -> memref<128x128xf32, #tpu.memory_space<hbm>>
    %dma_wait3A_908 = arith.constant 0 : i32
    %dma_wait3A_909 = arith.constant 0 : i32
    %dma_wait3A_910 = tpu.memref_slice %arg9[%dma_wait3A_897, %dma_wait3A_908, %dma_wait3A_909] : memref<2x128x128xf32, #tpu.memory_space<vmem>> -> memref<1x128x128xf32, #tpu.memory_space<vmem>>
    %dma_wait3A_911 = tpu.memref_squeeze %dma_wait3A_910 : memref<1x128x128xf32, #tpu.memory_space<vmem>> -> memref<128x128xf32, #tpu.memory_space<vmem>>
    tpu.wait_dma2 semaphore(%arg12 : memref<!tpu.dma_semaphore, #tpu.memory_space<semaphore_mem>>) src(%dma_wait3A_911 : memref<128x128xf32, #tpu.memory_space<vmem>>) dst(%dma_wait3A_907 : memref<128x128xf32, #tpu.memory_space<hbm>>)
    %dma_start3A_912 = arith.constant 3 : i32
    %dma_start3A_913 = arith.constant 1 : i32
    %dma_start3A_914 = arith.constant 0 : i32
    %dma_start3A_915 = arith.constant 0 : i32
    %dma_start3A_916 = tpu.memref_slice %arg9[%dma_start3A_913, %dma_start3A_914, %dma_start3A_915] : memref<2x128x128xf32, #tpu.memory_space<vmem>> -> memref<1x128x128xf32, #tpu.memory_space<vmem>>
    %dma_start3A_917 = tpu.memref_squeeze %dma_start3A_916 : memref<1x128x128xf32, #tpu.memory_space<vmem>> -> memref<128x128xf32, #tpu.memory_space<vmem>>
    %dma_start3A_918 = arith.constant 0 : i32
    %dma_start3A_919 = tpu.memref_slice %arg8[%dma_start3A_912, %dma_start3A_918] : memref<5x128xi32, #tpu.memory_space<vmem>> -> memref<1x128xi32, #tpu.memory_space<vmem>>
    %dma_start3A_920 = tpu.memref_squeeze %dma_start3A_919 : memref<1x128xi32, #tpu.memory_space<vmem>> -> memref<128xi32, #tpu.memory_space<vmem>>
    %dma_start3A_921 = arith.constant 0 : i32
    %dma_start3A_922 = arith.constant 0 : i32
    %dma_start3A_923 = tpu.memref_slice %arg10[%dma_start3A_921, %dma_start3A_922] : memref<10240x128xf32, #tpu.memory_space<vmem_shared>> -> memref<10240x128xf32, #tpu.memory_space<vmem_shared>>
    tpu.enqueue_indirect_dma source(%dma_start3A_923 : memref<10240x128xf32, #tpu.memory_space<vmem_shared>>) target(%dma_start3A_917 : memref<128x128xf32, #tpu.memory_space<vmem>>) offsets(%dma_start3A_920 : memref<128xi32, #tpu.memory_space<vmem>>) semaphore(%arg11 : memref<!tpu.dma_semaphore, #tpu.memory_space<semaphore_mem>>)
    %add3A_924 = arith.constant 256 : i32
    %add3A_925 = arith.addi %mul3A_2, %add3A_924 : i32
    %dma_start3A_926 = arith.constant 0 : i32
    %dma_start3A_927 = arith.constant 0 : i32
    %dma_start3A_928 = arith.constant 0 : i32
    %dma_start3A_929 = tpu.memref_slice %arg9[%dma_start3A_926, %dma_start3A_927, %dma_start3A_928] : memref<2x128x128xf32, #tpu.memory_space<vmem>> -> memref<1x128x128xf32, #tpu.memory_space<vmem>>
    %dma_start3A_930 = tpu.memref_squeeze %dma_start3A_929 : memref<1x128x128xf32, #tpu.memory_space<vmem>> -> memref<128x128xf32, #tpu.memory_space<vmem>>
    %dma_start3A_931 = arith.constant 0 : i32
    %dma_start3A_932 = tpu.memref_slice %arg5[%arg0, %add3A_925, %dma_start3A_931] : memref<2x10240x128xf32, #tpu.memory_space<hbm>> -> memref<1x128x128xf32, #tpu.memory_space<hbm>>
    %dma_start3A_933 = tpu.memref_squeeze %dma_start3A_932 : memref<1x128x128xf32, #tpu.memory_space<hbm>> -> memref<128x128xf32, #tpu.memory_space<hbm>>
    %dma_start3A_934 = arith.constant 0 : i32
    %dma_start3A_935 = tpu.memref_slice %arg5[%arg0, %add3A_925, %dma_start3A_934] : memref<2x10240x128xf32, #tpu.memory_space<hbm>> -> memref<1x128x128xf32, #tpu.memory_space<hbm>>
    %dma_start3A_936 = tpu.memref_squeeze %dma_start3A_935 : memref<1x128x128xf32, #tpu.memory_space<hbm>> -> memref<128x128xf32, #tpu.memory_space<hbm>>
    %dma_start3A_937 = arith.constant 0 : i32
    %dma_start3A_938 = arith.constant 0 : i32
    %dma_start3A_939 = tpu.memref_slice %arg9[%dma_start3A_926, %dma_start3A_937, %dma_start3A_938] : memref<2x128x128xf32, #tpu.memory_space<vmem>> -> memref<1x128x128xf32, #tpu.memory_space<vmem>>
    %dma_start3A_940 = tpu.memref_squeeze %dma_start3A_939 : memref<1x128x128xf32, #tpu.memory_space<vmem>> -> memref<128x128xf32, #tpu.memory_space<vmem>>
    tpu.enqueue_dma source(%dma_start3A_940 : memref<128x128xf32, #tpu.memory_space<vmem>>) target(%dma_start3A_936 : memref<128x128xf32, #tpu.memory_space<hbm>>) target_semaphore(%arg12 : memref<!tpu.dma_semaphore, #tpu.memory_space<semaphore_mem>>)
    %dma_wait3A_941 = arith.constant 3 : i32
    %dma_wait3A_942 = arith.constant 1 : i32
    %dma_wait3A_943 = arith.constant 0 : i32
    %dma_wait3A_944 = arith.constant 0 : i32
    %dma_wait3A_945 = tpu.memref_slice %arg9[%dma_wait3A_942, %dma_wait3A_943, %dma_wait3A_944] : memref<2x128x128xf32, #tpu.memory_space<vmem>> -> memref<1x128x128xf32, #tpu.memory_space<vmem>>
    %dma_wait3A_946 = tpu.memref_squeeze %dma_wait3A_945 : memref<1x128x128xf32, #tpu.memory_space<vmem>> -> memref<128x128xf32, #tpu.memory_space<vmem>>
    %dma_wait3A_947 = arith.constant 0 : i32
    %dma_wait3A_948 = tpu.memref_slice %arg8[%dma_wait3A_941, %dma_wait3A_947] : memref<5x128xi32, #tpu.memory_space<vmem>> -> memref<1x128xi32, #tpu.memory_space<vmem>>
    %dma_wait3A_949 = tpu.memref_squeeze %dma_wait3A_948 : memref<1x128xi32, #tpu.memory_space<vmem>> -> memref<128xi32, #tpu.memory_space<vmem>>
    %dma_wait3A_950 = arith.constant 0 : i32
    %dma_wait3A_951 = arith.constant 0 : i32
    %dma_wait3A_952 = tpu.memref_slice %arg10[%dma_wait3A_950, %dma_wait3A_951] : memref<10240x128xf32, #tpu.memory_space<vmem_shared>> -> memref<10240x128xf32, #tpu.memory_space<vmem_shared>>
    tpu.wait_indirect_dma semaphore(%arg11 : memref<!tpu.dma_semaphore, #tpu.memory_space<semaphore_mem>>) src(%dma_wait3A_952 : memref<10240x128xf32, #tpu.memory_space<vmem_shared>>) dst(%dma_wait3A_946 : memref<128x128xf32, #tpu.memory_space<vmem>>)
    %add3A_953 = arith.constant 256 : i32
    %add3A_954 = arith.addi %mul3A_2, %add3A_953 : i32
    %dma_wait3A_955 = arith.constant 0 : i32
    %dma_wait3A_956 = arith.constant 0 : i32
    %dma_wait3A_957 = arith.constant 0 : i32
    %dma_wait3A_958 = tpu.memref_slice %arg9[%dma_wait3A_955, %dma_wait3A_956, %dma_wait3A_957] : memref<2x128x128xf32, #tpu.memory_space<vmem>> -> memref<1x128x128xf32, #tpu.memory_space<vmem>>
    %dma_wait3A_959 = tpu.memref_squeeze %dma_wait3A_958 : memref<1x128x128xf32, #tpu.memory_space<vmem>> -> memref<128x128xf32, #tpu.memory_space<vmem>>
    %dma_wait3A_960 = arith.constant 0 : i32
    %dma_wait3A_961 = tpu.memref_slice %arg5[%arg0, %add3A_954, %dma_wait3A_960] : memref<2x10240x128xf32, #tpu.memory_space<hbm>> -> memref<1x128x128xf32, #tpu.memory_space<hbm>>
    %dma_wait3A_962 = tpu.memref_squeeze %dma_wait3A_961 : memref<1x128x128xf32, #tpu.memory_space<hbm>> -> memref<128x128xf32, #tpu.memory_space<hbm>>
    %dma_wait3A_963 = arith.constant 0 : i32
    %dma_wait3A_964 = tpu.memref_slice %arg5[%arg0, %add3A_954, %dma_wait3A_963] : memref<2x10240x128xf32, #tpu.memory_space<hbm>> -> memref<1x128x128xf32, #tpu.memory_space<hbm>>
    %dma_wait3A_965 = tpu.memref_squeeze %dma_wait3A_964 : memref<1x128x128xf32, #tpu.memory_space<hbm>> -> memref<128x128xf32, #tpu.memory_space<hbm>>
    %dma_wait3A_966 = arith.constant 0 : i32
    %dma_wait3A_967 = arith.constant 0 : i32
    %dma_wait3A_968 = tpu.memref_slice %arg9[%dma_wait3A_955, %dma_wait3A_966, %dma_wait3A_967] : memref<2x128x128xf32, #tpu.memory_space<vmem>> -> memref<1x128x128xf32, #tpu.memory_space<vmem>>
    %dma_wait3A_969 = tpu.memref_squeeze %dma_wait3A_968 : memref<1x128x128xf32, #tpu.memory_space<vmem>> -> memref<128x128xf32, #tpu.memory_space<vmem>>
    tpu.wait_dma2 semaphore(%arg12 : memref<!tpu.dma_semaphore, #tpu.memory_space<semaphore_mem>>) src(%dma_wait3A_969 : memref<128x128xf32, #tpu.memory_space<vmem>>) dst(%dma_wait3A_965 : memref<128x128xf32, #tpu.memory_space<hbm>>)
    %dma_start3A_970 = arith.constant 4 : i32
    %dma_start3A_971 = arith.constant 0 : i32
    %dma_start3A_972 = arith.constant 0 : i32
    %dma_start3A_973 = arith.constant 0 : i32
    %dma_start3A_974 = tpu.memref_slice %arg9[%dma_start3A_971, %dma_start3A_972, %dma_start3A_973] : memref<2x128x128xf32, #tpu.memory_space<vmem>> -> memref<1x128x128xf32, #tpu.memory_space<vmem>>
    %dma_start3A_975 = tpu.memref_squeeze %dma_start3A_974 : memref<1x128x128xf32, #tpu.memory_space<vmem>> -> memref<128x128xf32, #tpu.memory_space<vmem>>
    %dma_start3A_976 = arith.constant 0 : i32
    %dma_start3A_977 = tpu.memref_slice %arg8[%dma_start3A_970, %dma_start3A_976] : memref<5x128xi32, #tpu.memory_space<vmem>> -> memref<1x128xi32, #tpu.memory_space<vmem>>
    %dma_start3A_978 = tpu.memref_squeeze %dma_start3A_977 : memref<1x128xi32, #tpu.memory_space<vmem>> -> memref<128xi32, #tpu.memory_space<vmem>>
    %dma_start3A_979 = arith.constant 0 : i32
    %dma_start3A_980 = arith.constant 0 : i32
    %dma_start3A_981 = tpu.memref_slice %arg10[%dma_start3A_979, %dma_start3A_980] : memref<10240x128xf32, #tpu.memory_space<vmem_shared>> -> memref<10240x128xf32, #tpu.memory_space<vmem_shared>>
    tpu.enqueue_indirect_dma source(%dma_start3A_981 : memref<10240x128xf32, #tpu.memory_space<vmem_shared>>) target(%dma_start3A_975 : memref<128x128xf32, #tpu.memory_space<vmem>>) offsets(%dma_start3A_978 : memref<128xi32, #tpu.memory_space<vmem>>) semaphore(%arg11 : memref<!tpu.dma_semaphore, #tpu.memory_space<semaphore_mem>>)
    %add3A_982 = arith.constant 384 : i32
    %add3A_983 = arith.addi %mul3A_2, %add3A_982 : i32
    %dma_start3A_984 = arith.constant 1 : i32
    %dma_start3A_985 = arith.constant 0 : i32
    %dma_start3A_986 = arith.constant 0 : i32
    %dma_start3A_987 = tpu.memref_slice %arg9[%dma_start3A_984, %dma_start3A_985, %dma_start3A_986] : memref<2x128x128xf32, #tpu.memory_space<vmem>> -> memref<1x128x128xf32, #tpu.memory_space<vmem>>
    %dma_start3A_988 = tpu.memref_squeeze %dma_start3A_987 : memref<1x128x128xf32, #tpu.memory_space<vmem>> -> memref<128x128xf32, #tpu.memory_space<vmem>>
    %dma_start3A_989 = arith.constant 0 : i32
    %dma_start3A_990 = tpu.memref_slice %arg5[%arg0, %add3A_983, %dma_start3A_989] : memref<2x10240x128xf32, #tpu.memory_space<hbm>> -> memref<1x128x128xf32, #tpu.memory_space<hbm>>
    %dma_start3A_991 = tpu.memref_squeeze %dma_start3A_990 : memref<1x128x128xf32, #tpu.memory_space<hbm>> -> memref<128x128xf32, #tpu.memory_space<hbm>>
    %dma_start3A_992 = arith.constant 0 : i32
    %dma_start3A_993 = tpu.memref_slice %arg5[%arg0, %add3A_983, %dma_start3A_992] : memref<2x10240x128xf32, #tpu.memory_space<hbm>> -> memref<1x128x128xf32, #tpu.memory_space<hbm>>
    %dma_start3A_994 = tpu.memref_squeeze %dma_start3A_993 : memref<1x128x128xf32, #tpu.memory_space<hbm>> -> memref<128x128xf32, #tpu.memory_space<hbm>>
    %dma_start3A_995 = arith.constant 0 : i32
    %dma_start3A_996 = arith.constant 0 : i32
    %dma_start3A_997 = tpu.memref_slice %arg9[%dma_start3A_984, %dma_start3A_995, %dma_start3A_996] : memref<2x128x128xf32, #tpu.memory_space<vmem>> -> memref<1x128x128xf32, #tpu.memory_space<vmem>>
    %dma_start3A_998 = tpu.memref_squeeze %dma_start3A_997 : memref<1x128x128xf32, #tpu.memory_space<vmem>> -> memref<128x128xf32, #tpu.memory_space<vmem>>
    tpu.enqueue_dma source(%dma_start3A_998 : memref<128x128xf32, #tpu.memory_space<vmem>>) target(%dma_start3A_994 : memref<128x128xf32, #tpu.memory_space<hbm>>) target_semaphore(%arg12 : memref<!tpu.dma_semaphore, #tpu.memory_space<semaphore_mem>>)
    %dma_wait3A_999 = arith.constant 4 : i32
    %dma_wait3A_1000 = arith.constant 0 : i32
    %dma_wait3A_1001 = arith.constant 0 : i32
    %dma_wait3A_1002 = arith.constant 0 : i32
    %dma_wait3A_1003 = tpu.memref_slice %arg9[%dma_wait3A_1000, %dma_wait3A_1001, %dma_wait3A_1002] : memref<2x128x128xf32, #tpu.memory_space<vmem>> -> memref<1x128x128xf32, #tpu.memory_space<vmem>>
    %dma_wait3A_1004 = tpu.memref_squeeze %dma_wait3A_1003 : memref<1x128x128xf32, #tpu.memory_space<vmem>> -> memref<128x128xf32, #tpu.memory_space<vmem>>
    %dma_wait3A_1005 = arith.constant 0 : i32
    %dma_wait3A_1006 = tpu.memref_slice %arg8[%dma_wait3A_999, %dma_wait3A_1005] : memref<5x128xi32, #tpu.memory_space<vmem>> -> memref<1x128xi32, #tpu.memory_space<vmem>>
    %dma_wait3A_1007 = tpu.memref_squeeze %dma_wait3A_1006 : memref<1x128xi32, #tpu.memory_space<vmem>> -> memref<128xi32, #tpu.memory_space<vmem>>
    %dma_wait3A_1008 = arith.constant 0 : i32
    %dma_wait3A_1009 = arith.constant 0 : i32
    %dma_wait3A_1010 = tpu.memref_slice %arg10[%dma_wait3A_1008, %dma_wait3A_1009] : memref<10240x128xf32, #tpu.memory_space<vmem_shared>> -> memref<10240x128xf32, #tpu.memory_space<vmem_shared>>
    tpu.wait_indirect_dma semaphore(%arg11 : memref<!tpu.dma_semaphore, #tpu.memory_space<semaphore_mem>>) src(%dma_wait3A_1010 : memref<10240x128xf32, #tpu.memory_space<vmem_shared>>) dst(%dma_wait3A_1004 : memref<128x128xf32, #tpu.memory_space<vmem>>)
    %add3A_1011 = arith.constant 512 : i32
    %add3A_1012 = arith.addi %mul3A_2, %add3A_1011 : i32
    %dma_start3A_1013 = arith.constant 0 : i32
    %dma_start3A_1014 = arith.constant 0 : i32
    %dma_start3A_1015 = arith.constant 0 : i32
    %dma_start3A_1016 = tpu.memref_slice %arg9[%dma_start3A_1013, %dma_start3A_1014, %dma_start3A_1015] : memref<2x128x128xf32, #tpu.memory_space<vmem>> -> memref<1x128x128xf32, #tpu.memory_space<vmem>>
    %dma_start3A_1017 = tpu.memref_squeeze %dma_start3A_1016 : memref<1x128x128xf32, #tpu.memory_space<vmem>> -> memref<128x128xf32, #tpu.memory_space<vmem>>
    %dma_start3A_1018 = arith.constant 0 : i32
    %dma_start3A_1019 = tpu.memref_slice %arg5[%arg0, %add3A_1012, %dma_start3A_1018] : memref<2x10240x128xf32, #tpu.memory_space<hbm>> -> memref<1x128x128xf32, #tpu.memory_space<hbm>>
    %dma_start3A_1020 = tpu.memref_squeeze %dma_start3A_1019 : memref<1x128x128xf32, #tpu.memory_space<hbm>> -> memref<128x128xf32, #tpu.memory_space<hbm>>
    %dma_start3A_1021 = arith.constant 0 : i32
    %dma_start3A_1022 = tpu.memref_slice %arg5[%arg0, %add3A_1012, %dma_start3A_1021] : memref<2x10240x128xf32, #tpu.memory_space<hbm>> -> memref<1x128x128xf32, #tpu.memory_space<hbm>>
    %dma_start3A_1023 = tpu.memref_squeeze %dma_start3A_1022 : memref<1x128x128xf32, #tpu.memory_space<hbm>> -> memref<128x128xf32, #tpu.memory_space<hbm>>
    %dma_start3A_1024 = arith.constant 0 : i32
    %dma_start3A_1025 = arith.constant 0 : i32
    %dma_start3A_1026 = tpu.memref_slice %arg9[%dma_start3A_1013, %dma_start3A_1024, %dma_start3A_1025] : memref<2x128x128xf32, #tpu.memory_space<vmem>> -> memref<1x128x128xf32, #tpu.memory_space<vmem>>
    %dma_start3A_1027 = tpu.memref_squeeze %dma_start3A_1026 : memref<1x128x128xf32, #tpu.memory_space<vmem>> -> memref<128x128xf32, #tpu.memory_space<vmem>>
    tpu.enqueue_dma source(%dma_start3A_1027 : memref<128x128xf32, #tpu.memory_space<vmem>>) target(%dma_start3A_1023 : memref<128x128xf32, #tpu.memory_space<hbm>>) target_semaphore(%arg12 : memref<!tpu.dma_semaphore, #tpu.memory_space<semaphore_mem>>)
    %add3A_1028 = arith.constant 384 : i32
    %add3A_1029 = arith.addi %mul3A_2, %add3A_1028 : i32
    %dma_wait3A_1030 = arith.constant 1 : i32
    %dma_wait3A_1031 = arith.constant 0 : i32
    %dma_wait3A_1032 = arith.constant 0 : i32
    %dma_wait3A_1033 = tpu.memref_slice %arg9[%dma_wait3A_1030, %dma_wait3A_1031, %dma_wait3A_1032] : memref<2x128x128xf32, #tpu.memory_space<vmem>> -> memref<1x128x128xf32, #tpu.memory_space<vmem>>
    %dma_wait3A_1034 = tpu.memref_squeeze %dma_wait3A_1033 : memref<1x128x128xf32, #tpu.memory_space<vmem>> -> memref<128x128xf32, #tpu.memory_space<vmem>>
    %dma_wait3A_1035 = arith.constant 0 : i32
    %dma_wait3A_1036 = tpu.memref_slice %arg5[%arg0, %add3A_1029, %dma_wait3A_1035] : memref<2x10240x128xf32, #tpu.memory_space<hbm>> -> memref<1x128x128xf32, #tpu.memory_space<hbm>>
    %dma_wait3A_1037 = tpu.memref_squeeze %dma_wait3A_1036 : memref<1x128x128xf32, #tpu.memory_space<hbm>> -> memref<128x128xf32, #tpu.memory_space<hbm>>
    %dma_wait3A_1038 = arith.constant 0 : i32
    %dma_wait3A_1039 = tpu.memref_slice %arg5[%arg0, %add3A_1029, %dma_wait3A_1038] : memref<2x10240x128xf32, #tpu.memory_space<hbm>> -> memref<1x128x128xf32, #tpu.memory_space<hbm>>
    %dma_wait3A_1040 = tpu.memref_squeeze %dma_wait3A_1039 : memref<1x128x128xf32, #tpu.memory_space<hbm>> -> memref<128x128xf32, #tpu.memory_space<hbm>>
    %dma_wait3A_1041 = arith.constant 0 : i32
    %dma_wait3A_1042 = arith.constant 0 : i32
    %dma_wait3A_1043 = tpu.memref_slice %arg9[%dma_wait3A_1030, %dma_wait3A_1041, %dma_wait3A_1042] : memref<2x128x128xf32, #tpu.memory_space<vmem>> -> memref<1x128x128xf32, #tpu.memory_space<vmem>>
    %dma_wait3A_1044 = tpu.memref_squeeze %dma_wait3A_1043 : memref<1x128x128xf32, #tpu.memory_space<vmem>> -> memref<128x128xf32, #tpu.memory_space<vmem>>
    tpu.wait_dma2 semaphore(%arg12 : memref<!tpu.dma_semaphore, #tpu.memory_space<semaphore_mem>>) src(%dma_wait3A_1044 : memref<128x128xf32, #tpu.memory_space<vmem>>) dst(%dma_wait3A_1040 : memref<128x128xf32, #tpu.memory_space<hbm>>)
    %add3A_1045 = arith.constant 512 : i32
    %add3A_1046 = arith.addi %mul3A_2, %add3A_1045 : i32
    %dma_wait3A_1047 = arith.constant 0 : i32
    %dma_wait3A_1048 = arith.constant 0 : i32
    %dma_wait3A_1049 = arith.constant 0 : i32
    %dma_wait3A_1050 = tpu.memref_slice %arg9[%dma_wait3A_1047, %dma_wait3A_1048, %dma_wait3A_1049] : memref<2x128x128xf32, #tpu.memory_space<vmem>> -> memref<1x128x128xf32, #tpu.memory_space<vmem>>
    %dma_wait3A_1051 = tpu.memref_squeeze %dma_wait3A_1050 : memref<1x128x128xf32, #tpu.memory_space<vmem>> -> memref<128x128xf32, #tpu.memory_space<vmem>>
    %dma_wait3A_1052 = arith.constant 0 : i32
    %dma_wait3A_1053 = tpu.memref_slice %arg5[%arg0, %add3A_1046, %dma_wait3A_1052] : memref<2x10240x128xf32, #tpu.memory_space<hbm>> -> memref<1x128x128xf32, #tpu.memory_space<hbm>>
    %dma_wait3A_1054 = tpu.memref_squeeze %dma_wait3A_1053 : memref<1x128x128xf32, #tpu.memory_space<hbm>> -> memref<128x128xf32, #tpu.memory_space<hbm>>
    %dma_wait3A_1055 = arith.constant 0 : i32
    %dma_wait3A_1056 = tpu.memref_slice %arg5[%arg0, %add3A_1046, %dma_wait3A_1055] : memref<2x10240x128xf32, #tpu.memory_space<hbm>> -> memref<1x128x128xf32, #tpu.memory_space<hbm>>
    %dma_wait3A_1057 = tpu.memref_squeeze %dma_wait3A_1056 : memref<1x128x128xf32, #tpu.memory_space<hbm>> -> memref<128x128xf32, #tpu.memory_space<hbm>>
    %dma_wait3A_1058 = arith.constant 0 : i32
    %dma_wait3A_1059 = arith.constant 0 : i32
    %dma_wait3A_1060 = tpu.memref_slice %arg9[%dma_wait3A_1047, %dma_wait3A_1058, %dma_wait3A_1059] : memref<2x128x128xf32, #tpu.memory_space<vmem>> -> memref<1x128x128xf32, #tpu.memory_space<vmem>>
    %dma_wait3A_1061 = tpu.memref_squeeze %dma_wait3A_1060 : memref<1x128x128xf32, #tpu.memory_space<vmem>> -> memref<128x128xf32, #tpu.memory_space<vmem>>
    tpu.wait_dma2 semaphore(%arg12 : memref<!tpu.dma_semaphore, #tpu.memory_space<semaphore_mem>>) src(%dma_wait3A_1061 : memref<128x128xf32, #tpu.memory_space<vmem>>) dst(%dma_wait3A_1057 : memref<128x128xf32, #tpu.memory_space<hbm>>)
    return
  }
}

module attributes {stable_mosaic.version = 14 : i64} {
  func.func @_embed_scale_body(%arg0: i32, %arg1: memref<2048x128xf32, #tpu.memory_space<vmem>>, %arg2: memref<2048x32xf32, #tpu.memory_space<vmem>>, %arg3: memref<128x128xf32, #tpu.memory_space<vmem>>, %arg4: memref<1x128xf32, #tpu.memory_space<vmem>>, %arg5: memref<2048x128xf32, #tpu.memory_space<vmem>>) attributes {dimension_semantics = [#tpu.dimension_semantics<arbitrary>], iteration_bounds = array<i64: 5>, scalar_prefetch = 0 : i64, scratch_operands = 0 : i64, tpu.core_type = #tpu.core_type<tc>, window_params = [{transform_indices = @transform_0, window_bounds = array<i64: 2048, 128>}, {transform_indices = @transform_1, window_bounds = array<i64: 2048, 32>}, {pipeline_mode = #tpu.pipeline_mode<synchronous>, transform_indices = @transform_2, window_bounds = array<i64: 128, 128>}, {pipeline_mode = #tpu.pipeline_mode<synchronous>, transform_indices = @transform_3, window_bounds = array<i64: 1, 128>}, {transform_indices = @transform_4, window_bounds = array<i64: 2048, 128>}]} {
    %get3A = arith.constant 0 : index
    %get3A_0 = arith.constant 0 : index
    %get3A_1 = vector.load %arg1[%get3A, %get3A_0] : memref<2048x128xf32, #tpu.memory_space<vmem>>, vector<2048x128xf32>
    %get3A_2 = arith.constant 0 : index
    %get3A_3 = arith.constant 0 : index
    %get3A_4 = vector.load %arg3[%get3A_2, %get3A_3] : memref<128x128xf32, #tpu.memory_space<vmem>>, vector<128x128xf32>
    %dot_general3A = arith.constant dense<0.000000e+00> : vector<2048x128xf32>
    %dot_general3A_5 = tpu.matmul %get3A_1, %get3A_4, %dot_general3A {dimension_numbers = #tpu.dot_dimension_numbers<[1], [0], [0], [1], [0, 0, 1, 1], [], []>, precision = #tpu.contract_precision<fp32>, transpose_lhs_hint = false} : vector<2048x128xf32>, vector<128x128xf32>, vector<2048x128xf32> -> vector<2048x128xf32>
    %get3A_6 = arith.constant 0 : index
    %get3A_7 = arith.constant 0 : index
    %get3A_8 = vector.load %arg4[%get3A_6, %get3A_7] : memref<1x128xf32, #tpu.memory_space<vmem>>, vector<1x128xf32>
    %add3A = vector.broadcast %get3A_8 : vector<1x128xf32> to vector<2048x128xf32>
    %add3A_9 = arith.addf %dot_general3A_5, %add3A : vector<2048x128xf32>
    %get3A_10 = arith.constant 0 : index
    %get3A_11 = arith.constant 0 : index
    %get3A_12 = vector.load %arg2[%get3A_10, %get3A_11] : memref<2048x32xf32, #tpu.memory_space<vmem>>, vector<2048x32xf32>
    %reduce_sum3A = arith.constant dense<0.000000e+00> : vector<2048xf32>
    %reduce_sum3A_13 = vector.multi_reduction <add>, %get3A_12, %reduce_sum3A [1] : vector<2048x32xf32> to vector<2048xf32>
    %broadcast_in_dim3A = vector.shape_cast %reduce_sum3A_13 : vector<2048xf32> to vector<2048x1xf32>
    %max3A = arith.constant 1.000000e+00 : f32
    %max3A_14 = vector.broadcast %max3A : f32 to vector<2048x1xf32>
    %max3A_15 = arith.maximumf %broadcast_in_dim3A, %max3A_14 : vector<2048x1xf32>
    %rsqrt3A = math.rsqrt %max3A_15 : vector<2048x1xf32>
    %mul3A = vector.broadcast %rsqrt3A : vector<2048x1xf32> to vector<2048x128xf32>
    %mul3A_16 = arith.mulf %add3A_9, %mul3A : vector<2048x128xf32>
    %swap3A = arith.constant 0 : index
    %swap3A_17 = arith.constant 0 : index
    %swap3A_18 = vector.load %arg5[%swap3A, %swap3A_17] : memref<2048x128xf32, #tpu.memory_space<vmem>>, vector<2048x128xf32>
    tpu.vector_store %arg5[%swap3A, %swap3A_17], %mul3A_16 {strides = array<i32>} : memref<2048x128xf32, #tpu.memory_space<vmem>>, vector<2048x128xf32>,
    return
  }
  func.func @transform_0(%arg0: i32) -> (i32, i32) {
    %c0_i32 = arith.constant 0 : i32
    %c0_i32_0 = arith.constant 0 : i32
    return %arg0, %c0_i32 : i32, i32
  }
  func.func @transform_1(%arg0: i32) -> (i32, i32) {
    %c0_i32 = arith.constant 0 : i32
    %c0_i32_0 = arith.constant 0 : i32
    return %arg0, %c0_i32 : i32, i32
  }
  func.func @transform_2(%arg0: i32) -> (i32, i32) {
    %c0_i32 = arith.constant 0 : i32
    %c0_i32_0 = arith.constant 0 : i32
    %c0_i32_1 = arith.constant 0 : i32
    return %c0_i32, %c0_i32_0 : i32, i32
  }
  func.func @transform_3(%arg0: i32) -> (i32, i32) {
    %c0_i32 = arith.constant 0 : i32
    %c0_i32_0 = arith.constant 0 : i32
    %c0_i32_1 = arith.constant 0 : i32
    return %c0_i32, %c0_i32_0 : i32, i32
  }
  func.func @transform_4(%arg0: i32) -> (i32, i32) {
    %c0_i32 = arith.constant 0 : i32
    %c0_i32_0 = arith.constant 0 : i32
    return %arg0, %c0_i32 : i32, i32
  }
}

module attributes {stable_mosaic.version = 14 : i64} {
  func.func @_mid_body(%arg0: i32, %arg1: memref<2048x128xf32, #tpu.memory_space<vmem>>, %arg2: memref<2048x128xf32, #tpu.memory_space<vmem>>, %arg3: memref<2048x32xf32, #tpu.memory_space<vmem>>, %arg4: memref<2048x32xf32, #tpu.memory_space<vmem>>, %arg5: memref<128x128xf32, #tpu.memory_space<vmem>>, %arg6: memref<1x128xf32, #tpu.memory_space<vmem>>, %arg7: memref<2048x128xf32, #tpu.memory_space<vmem>>) attributes {dimension_semantics = [#tpu.dimension_semantics<arbitrary>], iteration_bounds = array<i64: 5>, scalar_prefetch = 0 : i64, scratch_operands = 0 : i64, tpu.core_type = #tpu.core_type<tc>, window_params = [{transform_indices = @transform_0, window_bounds = array<i64: 2048, 128>}, {transform_indices = @transform_1, window_bounds = array<i64: 2048, 128>}, {transform_indices = @transform_2, window_bounds = array<i64: 2048, 32>}, {transform_indices = @transform_3, window_bounds = array<i64: 2048, 32>}, {pipeline_mode = #tpu.pipeline_mode<synchronous>, transform_indices = @transform_4, window_bounds = array<i64: 128, 128>}, {pipeline_mode = #tpu.pipeline_mode<synchronous>, transform_indices = @transform_5, window_bounds = array<i64: 1, 128>}, {transform_indices = @transform_6, window_bounds = array<i64: 2048, 128>}]} {
    %get3A = arith.constant 0 : index
    %get3A_0 = arith.constant 0 : index
    %get3A_1 = vector.load %arg1[%get3A, %get3A_0] : memref<2048x128xf32, #tpu.memory_space<vmem>>, vector<2048x128xf32>
    %get3A_2 = arith.constant 0 : index
    %get3A_3 = arith.constant 0 : index
    %get3A_4 = vector.load %arg2[%get3A_2, %get3A_3] : memref<2048x128xf32, #tpu.memory_space<vmem>>, vector<2048x128xf32>
    %add3A = arith.addf %get3A_1, %get3A_4 : vector<2048x128xf32>
    %get3A_5 = arith.constant 0 : index
    %get3A_6 = arith.constant 0 : index
    %get3A_7 = vector.load %arg3[%get3A_5, %get3A_6] : memref<2048x32xf32, #tpu.memory_space<vmem>>, vector<2048x32xf32>
    %reduce_sum3A = arith.constant dense<0.000000e+00> : vector<2048xf32>
    %reduce_sum3A_8 = vector.multi_reduction <add>, %get3A_7, %reduce_sum3A [1] : vector<2048x32xf32> to vector<2048xf32>
    %broadcast_in_dim3A = vector.shape_cast %reduce_sum3A_8 : vector<2048xf32> to vector<2048x1xf32>
    %max3A = arith.constant 1.000000e+00 : f32
    %max3A_9 = vector.broadcast %max3A : f32 to vector<2048x1xf32>
    %max3A_10 = arith.maximumf %broadcast_in_dim3A, %max3A_9 : vector<2048x1xf32>
    %rsqrt3A = math.rsqrt %max3A_10 : vector<2048x1xf32>
    %mul3A = vector.broadcast %rsqrt3A : vector<2048x1xf32> to vector<2048x128xf32>
    %mul3A_11 = arith.mulf %add3A, %mul3A : vector<2048x128xf32>
    %get3A_12 = arith.constant 0 : index
    %get3A_13 = arith.constant 0 : index
    %get3A_14 = vector.load %arg5[%get3A_12, %get3A_13] : memref<128x128xf32, #tpu.memory_space<vmem>>, vector<128x128xf32>
    %dot_general3A = arith.constant dense<0.000000e+00> : vector<2048x128xf32>
    %dot_general3A_15 = tpu.matmul %mul3A_11, %get3A_14, %dot_general3A {dimension_numbers = #tpu.dot_dimension_numbers<[1], [0], [0], [1], [0, 0, 1, 1], [], []>, precision = #tpu.contract_precision<fp32>, transpose_lhs_hint = false} : vector<2048x128xf32>, vector<128x128xf32>, vector<2048x128xf32> -> vector<2048x128xf32>
    %get3A_16 = arith.constant 0 : index
    %get3A_17 = arith.constant 0 : index
    %get3A_18 = vector.load %arg6[%get3A_16, %get3A_17] : memref<1x128xf32, #tpu.memory_space<vmem>>, vector<1x128xf32>
    %add3A_19 = vector.broadcast %get3A_18 : vector<1x128xf32> to vector<2048x128xf32>
    %add3A_20 = arith.addf %dot_general3A_15, %add3A_19 : vector<2048x128xf32>
    %get3A_21 = arith.constant 0 : index
    %get3A_22 = arith.constant 0 : index
    %get3A_23 = vector.load %arg4[%get3A_21, %get3A_22] : memref<2048x32xf32, #tpu.memory_space<vmem>>, vector<2048x32xf32>
    %reduce_sum3A_24 = arith.constant dense<0.000000e+00> : vector<2048xf32>
    %reduce_sum3A_25 = vector.multi_reduction <add>, %get3A_23, %reduce_sum3A_24 [1] : vector<2048x32xf32> to vector<2048xf32>
    %broadcast_in_dim3A_26 = vector.shape_cast %reduce_sum3A_25 : vector<2048xf32> to vector<2048x1xf32>
    %max3A_27 = arith.constant 1.000000e+00 : f32
    %max3A_28 = vector.broadcast %max3A_27 : f32 to vector<2048x1xf32>
    %max3A_29 = arith.maximumf %broadcast_in_dim3A_26, %max3A_28 : vector<2048x1xf32>
    %rsqrt3A_30 = math.rsqrt %max3A_29 : vector<2048x1xf32>
    %mul3A_31 = vector.broadcast %rsqrt3A_30 : vector<2048x1xf32> to vector<2048x128xf32>
    %mul3A_32 = arith.mulf %add3A_20, %mul3A_31 : vector<2048x128xf32>
    %swap3A = arith.constant 0 : index
    %swap3A_33 = arith.constant 0 : index
    %swap3A_34 = vector.load %arg7[%swap3A, %swap3A_33] : memref<2048x128xf32, #tpu.memory_space<vmem>>, vector<2048x128xf32>
    tpu.vector_store %arg7[%swap3A, %swap3A_33], %mul3A_32 {strides = array<i32>} : memref<2048x128xf32, #tpu.memory_space<vmem>>, vector<2048x128xf32>,
    return
  }
  func.func @transform_0(%arg0: i32) -> (i32, i32) {
    %c0_i32 = arith.constant 0 : i32
    %c0_i32_0 = arith.constant 0 : i32
    return %arg0, %c0_i32 : i32, i32
  }
  func.func @transform_1(%arg0: i32) -> (i32, i32) {
    %c0_i32 = arith.constant 0 : i32
    %c0_i32_0 = arith.constant 0 : i32
    return %arg0, %c0_i32 : i32, i32
  }
  func.func @transform_2(%arg0: i32) -> (i32, i32) {
    %c0_i32 = arith.constant 0 : i32
    %c0_i32_0 = arith.constant 0 : i32
    return %arg0, %c0_i32 : i32, i32
  }
  func.func @transform_3(%arg0: i32) -> (i32, i32) {
    %c0_i32 = arith.constant 0 : i32
    %c0_i32_0 = arith.constant 0 : i32
    return %arg0, %c0_i32 : i32, i32
  }
  func.func @transform_4(%arg0: i32) -> (i32, i32) {
    %c0_i32 = arith.constant 0 : i32
    %c0_i32_0 = arith.constant 0 : i32
    %c0_i32_1 = arith.constant 0 : i32
    return %c0_i32, %c0_i32_0 : i32, i32
  }
  func.func @transform_5(%arg0: i32) -> (i32, i32) {
    %c0_i32 = arith.constant 0 : i32
    %c0_i32_0 = arith.constant 0 : i32
    %c0_i32_1 = arith.constant 0 : i32
    return %c0_i32, %c0_i32_0 : i32, i32
  }
  func.func @transform_6(%arg0: i32) -> (i32, i32) {
    %c0_i32 = arith.constant 0 : i32
    %c0_i32_0 = arith.constant 0 : i32
    return %arg0, %c0_i32 : i32, i32
  }
}

module attributes {stable_mosaic.version = 14 : i64} {
  func.func @_head_body(%arg0: i32, %arg1: memref<2048x128xf32, #tpu.memory_space<vmem>>, %arg2: memref<2048x128xf32, #tpu.memory_space<vmem>>, %arg3: memref<2048x32xf32, #tpu.memory_space<vmem>>, %arg4: memref<128x128xf32, #tpu.memory_space<vmem>>, %arg5: memref<1x128xf32, #tpu.memory_space<vmem>>, %arg6: memref<128x128xf32, #tpu.memory_space<vmem>>, %arg7: memref<1x128xf32, #tpu.memory_space<vmem>>, %arg8: memref<2048x128xf32, #tpu.memory_space<vmem>>) attributes {dimension_semantics = [#tpu.dimension_semantics<arbitrary>], iteration_bounds = array<i64: 5>, scalar_prefetch = 0 : i64, scratch_operands = 0 : i64, tpu.core_type = #tpu.core_type<tc>, window_params = [{transform_indices = @transform_0, window_bounds = array<i64: 2048, 128>}, {transform_indices = @transform_1, window_bounds = array<i64: 2048, 128>}, {transform_indices = @transform_2, window_bounds = array<i64: 2048, 32>}, {pipeline_mode = #tpu.pipeline_mode<synchronous>, transform_indices = @transform_3, window_bounds = array<i64: 128, 128>}, {pipeline_mode = #tpu.pipeline_mode<synchronous>, transform_indices = @transform_4, window_bounds = array<i64: 1, 128>}, {pipeline_mode = #tpu.pipeline_mode<synchronous>, transform_indices = @transform_5, window_bounds = array<i64: 128, 128>}, {pipeline_mode = #tpu.pipeline_mode<synchronous>, transform_indices = @transform_6, window_bounds = array<i64: 1, 128>}, {transform_indices = @transform_7, window_bounds = array<i64: 2048, 128>}]} {
    %get3A = arith.constant 0 : index
    %get3A_0 = arith.constant 0 : index
    %get3A_1 = vector.load %arg1[%get3A, %get3A_0] : memref<2048x128xf32, #tpu.memory_space<vmem>>, vector<2048x128xf32>
    %get3A_2 = arith.constant 0 : index
    %get3A_3 = arith.constant 0 : index
    %get3A_4 = vector.load %arg2[%get3A_2, %get3A_3] : memref<2048x128xf32, #tpu.memory_space<vmem>>, vector<2048x128xf32>
    %add3A = arith.addf %get3A_1, %get3A_4 : vector<2048x128xf32>
    %get3A_5 = arith.constant 0 : index
    %get3A_6 = arith.constant 0 : index
    %get3A_7 = vector.load %arg3[%get3A_5, %get3A_6] : memref<2048x32xf32, #tpu.memory_space<vmem>>, vector<2048x32xf32>
    %reduce_sum3A = arith.constant dense<0.000000e+00> : vector<2048xf32>
    %reduce_sum3A_8 = vector.multi_reduction <add>, %get3A_7, %reduce_sum3A [1] : vector<2048x32xf32> to vector<2048xf32>
    %broadcast_in_dim3A = vector.shape_cast %reduce_sum3A_8 : vector<2048xf32> to vector<2048x1xf32>
    %max3A = arith.constant 1.000000e+00 : f32
    %max3A_9 = vector.broadcast %max3A : f32 to vector<2048x1xf32>
    %max3A_10 = arith.maximumf %broadcast_in_dim3A, %max3A_9 : vector<2048x1xf32>
    %rsqrt3A = math.rsqrt %max3A_10 : vector<2048x1xf32>
    %mul3A = vector.broadcast %rsqrt3A : vector<2048x1xf32> to vector<2048x128xf32>
    %mul3A_11 = arith.mulf %add3A, %mul3A : vector<2048x128xf32>
    %get3A_12 = arith.constant 0 : index
    %get3A_13 = arith.constant 0 : index
    %get3A_14 = vector.load %arg4[%get3A_12, %get3A_13] : memref<128x128xf32, #tpu.memory_space<vmem>>, vector<128x128xf32>
    %dot_general3A = arith.constant dense<0.000000e+00> : vector<2048x128xf32>
    %dot_general3A_15 = tpu.matmul %mul3A_11, %get3A_14, %dot_general3A {dimension_numbers = #tpu.dot_dimension_numbers<[1], [0], [0], [1], [0, 0, 1, 1], [], []>, precision = #tpu.contract_precision<fp32>, transpose_lhs_hint = false} : vector<2048x128xf32>, vector<128x128xf32>, vector<2048x128xf32> -> vector<2048x128xf32>
    %get3A_16 = arith.constant 0 : index
    %get3A_17 = arith.constant 0 : index
    %get3A_18 = vector.load %arg5[%get3A_16, %get3A_17] : memref<1x128xf32, #tpu.memory_space<vmem>>, vector<1x128xf32>
    %add3A_19 = vector.broadcast %get3A_18 : vector<1x128xf32> to vector<2048x128xf32>
    %add3A_20 = arith.addf %dot_general3A_15, %add3A_19 : vector<2048x128xf32>
    %get3A_21 = arith.constant 0 : index
    %get3A_22 = arith.constant 0 : index
    %get3A_23 = vector.load %arg6[%get3A_21, %get3A_22] : memref<128x128xf32, #tpu.memory_space<vmem>>, vector<128x128xf32>
    %dot_general3A_24 = arith.constant dense<0.000000e+00> : vector<2048x128xf32>
    %dot_general3A_25 = tpu.matmul %add3A_20, %get3A_23, %dot_general3A_24 {dimension_numbers = #tpu.dot_dimension_numbers<[1], [0], [0], [1], [0, 0, 1, 1], [], []>, precision = #tpu.contract_precision<fp32>, transpose_lhs_hint = false} : vector<2048x128xf32>, vector<128x128xf32>, vector<2048x128xf32> -> vector<2048x128xf32>
    %get3A_26 = arith.constant 0 : index
    %get3A_27 = arith.constant 0 : index
    %get3A_28 = vector.load %arg7[%get3A_26, %get3A_27] : memref<1x128xf32, #tpu.memory_space<vmem>>, vector<1x128xf32>
    %add3A_29 = vector.broadcast %get3A_28 : vector<1x128xf32> to vector<2048x128xf32>
    %add3A_30 = arith.addf %dot_general3A_25, %add3A_29 : vector<2048x128xf32>
    %swap3A = arith.constant 0 : index
    %swap3A_31 = arith.constant 0 : index
    %swap3A_32 = vector.load %arg8[%swap3A, %swap3A_31] : memref<2048x128xf32, #tpu.memory_space<vmem>>, vector<2048x128xf32>
    tpu.vector_store %arg8[%swap3A, %swap3A_31], %add3A_30 {strides = array<i32>} : memref<2048x128xf32, #tpu.memory_space<vmem>>, vector<2048x128xf32>,
    return
  }
  func.func @transform_0(%arg0: i32) -> (i32, i32) {
    %c0_i32 = arith.constant 0 : i32
    %c0_i32_0 = arith.constant 0 : i32
    return %arg0, %c0_i32 : i32, i32
  }
  func.func @transform_1(%arg0: i32) -> (i32, i32) {
    %c0_i32 = arith.constant 0 : i32
    %c0_i32_0 = arith.constant 0 : i32
    return %arg0, %c0_i32 : i32, i32
  }
  func.func @transform_2(%arg0: i32) -> (i32, i32) {
    %c0_i32 = arith.constant 0 : i32
    %c0_i32_0 = arith.constant 0 : i32
    return %arg0, %c0_i32 : i32, i32
  }
  func.func @transform_3(%arg0: i32) -> (i32, i32) {
    %c0_i32 = arith.constant 0 : i32
    %c0_i32_0 = arith.constant 0 : i32
    %c0_i32_1 = arith.constant 0 : i32
    return %c0_i32, %c0_i32_0 : i32, i32
  }
  func.func @transform_4(%arg0: i32) -> (i32, i32) {
    %c0_i32 = arith.constant 0 : i32
    %c0_i32_0 = arith.constant 0 : i32
    %c0_i32_1 = arith.constant 0 : i32
    return %c0_i32, %c0_i32_0 : i32, i32
  }
  func.func @transform_5(%arg0: i32) -> (i32, i32) {
    %c0_i32 = arith.constant 0 : i32
    %c0_i32_0 = arith.constant 0 : i32
    %c0_i32_1 = arith.constant 0 : i32
    return %c0_i32, %c0_i32_0 : i32, i32
  }
  func.func @transform_6(%arg0: i32) -> (i32, i32) {
    %c0_i32 = arith.constant 0 : i32
    %c0_i32_0 = arith.constant 0 : i32
    %c0_i32_1 = arith.constant 0 : i32
    return %c0_i32, %c0_i32_0 : i32, i32
  }
  func.func @transform_7(%arg0: i32) -> (i32, i32) {
    %c0_i32 = arith.constant 0 : i32
    %c0_i32_0 = arith.constant 0 : i32
    return %arg0, %c0_i32 : i32, i32
  }
}

</mosaic_0001>

<sc_bundles>
// kernel: kernel.11.cloned.1.call-start
scs
__scs_entry_jumppad:
0x0: {  	(pc) =	sbr.rel $0x88, $3  }
0x1: {  	(tag) =	ssettag $0x0;
	lr =	simm.s32 $0x1  }
0x2: {  	[smem:$0x3F97] =	sst lr;
	_ =	strace $0xD0000000  }
0x3: {  	_ = 	snop  }
0x4: {  	_ = 	snop  }
0x5: {  	_ = 	snop  }
0x6: {  	_ = 	snop  }
0x7: {  	_ = 	snop  }
__scs_overlays_trampoline_lowered:
0x8: {  	[smem:$0x3FA6] =	sst s0  }
0x9: {  	[smem:$0x3FA7] =	sst s1  }
0xa: {  	[smem:$0x3FA8] =	sst s2  }
0xb: {  	[smem:$0x3FA9] =	sst s3  }
0xc: {  	[smem:$0x3FAA] =	sst s4  }
0xd: {  	[smem:$0x3FAB] =	sst s5  }
0xe: {  	[smem:$0x3FAC] =	sst s6  }
0xf: {  	[smem:$0x3FAD] =	sst s7  }
0x10: {  	[smem:$0x3FAE] =	sst s8  }
0x11: {  	[smem:$0x3FAF] =	sst s9;
	s0 =	simm.s32 @!p0 $0x0  }
0x12: {  	s1 =	sld [smem:$0x3F95];
	s0 =	simm.s32 @p0 $0x1  }
0x13: {  	[smem:$0x3FB0] =	sst s0;
	s0 =	simm.s32 @!p1 $0x0  }
0x14: {  	s2 =	sld [smem:$0x3F94];
	s0 =	simm.s32 @p1 $0x1  }
0x15: {  	[smem:$0x3FB1] =	sst s0;
	s0 =	simm.s32 @!p2 $0x0  }
0x16: {  	s3 =	sld [smem:$0x3FDB];
	s0 =	simm.s32 @p2 $0x1  }
0x17: {  	s4 =	simm.s32 $0x1BF5;
	[smem:$0x3FB3] =	sst s0  }
0x18: {  	s0 =	sld [smem:$0x3F96];
	_ =	swait.ge [sflag:s4], $0x0  }
0x19: {  	s7 =	sld [smem:$0x3F97]  }
0x1a: {  	s8 =	sadd.s32 $0xFFFFE003, lr  }
0x1b: {  	s9 =	sadd.s32 $0xFFFFFEF7, lr;
	s5 =	simm.s32 $0xFFFFFFFF;
	p2 =	slt.u32 s8, $0xFFFFF086  }
0x1c: {  	p1 =	slt.u32 s9, $0xF7A;
	s5 =	simm.s32 @!p2 $0x0  }
0x1d: {  	s5 =	simm.s32 @p1 $0x1;
	p0 =	seq.s32 s7, s2  }
0x1e: {  	s7 =	smul.u32 @!p0 $0xF7A, s2;
	p2 =	seq.s32 @!p0 s5, $0x0  }
0x1f: {  	s9 =	smul.u32 $0xF7A, s1;
	s8 =	simm.s32 @!p0 $0x1BF5;
	p2 =	por !p2, p0  }
0x20: {  	[sflag:s8] =	ssyncset.s32 @!p0 $0xFFFFF086;
	s6 =	sadd.s32 @!p0 s3, s7;
	s7 =	simm.s32 @!p0 $0x108  }
0x21: {  	s3 =	sadd.s32 s3, s9;
	s6 =	sadd.s32 @!p0 $0x88, s6;
	s7 =	simm.s32 @p2 $0x1082  }
0x22: {  	[simem:s7], [sflag:s8] =	dma.local @!p0 [hbm:s6], $0xF7A  }
0x23: {  	s9 =	sor.u32 $0xD0000000, s2;
	s6 =	simm.s32 $0x108;
	_ =	swait.ge @!p0 [sflag:s8], $0x0  }
0x24: {  	s3 =	sadd.s32 $0x88, s3;
	s6 =	simm.s32 @!p1 $0x1082;
	[sflag:s4] =	ssyncset.s32 $0xFFFFF086  }
0x25: {  	[simem:s6], [sflag:s4] =	dma.local [hbm:s3], $0xF7A  }
0x26: {  	[smem:$0x3F97] =	sst s1;
	(tag) =	ssettag s2;
	_ =	strace s9  }
0x27: {  	s1 =	sld [smem:$0x3FA7]  }
0x28: {  	s2 =	sld [smem:$0x3FA8]  }
0x29: {  	s4 =	sld [smem:$0x3FAA]  }
0x2a: {  	p0 =	seq.s32 s5, $0x0;
	s5 =	sld [smem:$0x3FAB]  }
0x2b: {  	s6 =	sld [smem:$0x3FAC]  }
0x2c: {  	s7 =	sld [smem:$0x3FAD]  }
0x2d: {  	s3 =	simm.s32 $0x108;
	s8 =	sld [smem:$0x3FAE]  }
0x2e: {  	s3 =	simm.s32 @!p0 $0x1082;
	s9 =	sld [smem:$0x3FAF]  }
0x2f: {  	lr =	sadd.s32 s0, s3;
	s0 =	sld [smem:$0x3FA6]  }
0x30: {  	s3 =	sld [smem:$0x3FA9]  }
0x31: {  	[smem:$0x3FB2] =	sst s10  }
0x32: {  	s10 =	sld [smem:$0x3FB0];
	_ =	sdelay $0x3  }
0x33: {  	p0 =	seq.s32 s10, $0x1;
	s10 =	sld [smem:$0x3FB2];
	_ =	sdelay $0x3  }
0x34: {  	[smem:$0x3FB2] =	sst s10  }
0x35: {  	s10 =	sld [smem:$0x3FB1];
	_ =	sdelay $0x3  }
0x36: {  	p1 =	seq.s32 s10, $0x1;
	s10 =	sld [smem:$0x3FB2];
	_ =	sdelay $0x3  }
0x37: {  	[smem:$0x3FB2] =	sst s10  }
0x38: {  	s10 =	sld [smem:$0x3FB3]  }
0x39: {  	_ = 	snop;
	(pc) =	sbr.ind lr, $3  }
0x3a: {  	_ = 	snop  }
0x3b: {  	_ = 	snop  }
0x3c: {  	p2 =	seq.s32 s10, $0x1;
	s10 =	sld [smem:$0x3FB2]  }
0x3d: {  	_ =	shalt  }
0x3e: {  	_ =	shalt  }
0x3f: {  	_ =	shalt  }
0x40: {  	_ =	shalt  }
0x41: {  	_ =	shalt  }
0x42: {  	_ =	shalt  }
0x43: {  	_ =	shalt  }
0x44: {  	_ =	shalt  }
0x45: {  	_ =	shalt  }
0x46: {  	_ =	shalt  }
0x47: {  	_ =	shalt  }
0x48: {  	_ =	shalt  }
0x49: {  	_ =	shalt  }
0x4a: {  	_ =	shalt  }
0x4b: {  	_ =	shalt  }
0x4c: {  	_ =	shalt  }
0x4d: {  	_ =	shalt  }
0x4e: {  	_ =	shalt  }
0x4f: {  	_ =	shalt  }
0x50: {  	_ =	shalt  }
0x51: {  	_ =	shalt  }
0x52: {  	_ =	shalt  }
0x53: {  	_ =	shalt  }
0x54: {  	_ =	shalt  }
0x55: {  	_ =	shalt  }
0x56: {  	_ =	shalt  }
0x57: {  	_ =	shalt  }
0x58: {  	_ =	shalt  }
0x59: {  	_ =	shalt  }
0x5a: {  	_ =	shalt  }
0x5b: {  	_ =	shalt  }
0x5c: {  	_ =	shalt  }
0x5d: {  	_ =	shalt  }
0x5e: {  	_ =	shalt  }
0x5f: {  	_ =	shalt  }
0x60: {  	_ =	shalt  }
0x61: {  	_ =	shalt  }
0x62: {  	_ =	shalt  }
0x63: {  	_ =	shalt  }
0x64: {  	_ =	shalt  }
0x65: {  	_ =	shalt  }
0x66: {  	_ =	shalt  }
0x67: {  	_ =	shalt  }
0x68: {  	_ =	shalt  }
0x69: {  	_ =	shalt  }
0x6a: {  	_ =	shalt  }
0x6b: {  	_ =	shalt  }
0x6c: {  	_ =	shalt  }
0x6d: {  	_ =	shalt  }
0x6e: {  	_ =	shalt  }
0x6f: {  	_ =	shalt  }
0x70: {  	_ =	shalt  }
0x71: {  	_ =	shalt  }
0x72: {  	_ =	shalt  }
0x73: {  	_ =	shalt  }
0x74: {  	_ =	shalt  }
0x75: {  	_ =	shalt  }
0x76: {  	_ =	shalt  }
0x77: {  	_ =	shalt  }
0x78: {  	_ =	shalt  }
0x79: {  	_ =	shalt  }
0x7a: {  	_ =	shalt  }
0x7b: {  	_ =	shalt  }
0x7c: {  	_ =	shalt  }
0x7d: {  	_ =	shalt  }
0x7e: {  	_ =	shalt  }
0x7f: {  	_ =	shalt  }
0x80: {  	_ =	shalt  }
0x81: {  	_ =	shalt  }
0x82: {  	_ =	shalt  }
0x83: {  	_ =	shalt  }
0x84: {  	_ =	shalt  }
0x85: {  	_ =	shalt  }
0x86: {  	_ =	shalt  }
0x87: {  	_ =	shalt  }
.Lfunc_end0:
.L_simem_size_0:
called_computation.1_lowered:
.L_overlay_start_0:
0x88: {  	s2 =	sld [smem:$0x3FD9]  }
0x89: {  	s3 =	sld [smem:$0x3FFE];
	_ =	sdelay $0x1  }
0x8a: {  	s1 =	srdreg.scid  }
0x8b: {  	s0 =	sand.u32 $0x1, s1  }
0x8c: {  	s16 =	sshll.u32 s0, $0xA;
	s2 =	sadd.s32 s3, s2  }
0x8d: {  	s2 =	sadd.s32 s2, s16  }
0x8e: {  	[smem:$0x3FBE] =	sst s2  }
0x8f: {  	_ = 	snop  }
0x90: {  	(tm) =	ssettm $0x1  }
0x91: {  	s17 =	sld [smem:$0x3FFB];
	_ =	sdelay $0x3  }
0x92: {  	_ =	strace s17  }
0x93: {  	s2 =	sld [smem:$0x3FFC];
	_ =	sdelay $0x3  }
0x94: {  	_ =	strace s2  }
0x95: {  	s2 =	sld [smem:$0x3FFD];
	_ =	sdelay $0x3  }
0x96: {  	_ =	strace s2  }
0x97: {  	_ =	strace $0x8FFFFFFF  }
0x98: {  	s18 =	sld [smem:$0x3FDB];
	_ =	sdelay $0x1  }
0x99: {  	s19 =	simm.s32 $_scs_section_size  }
0x9a: {  	s4 =	simm.s32 $_size__tile_overlayer_lowered;
	s5 =	simm.s32 $_tile_overlayer_lowered  }
0x9b: {  	s22 =	simm.s32 $0x1BFF;
	s21 =	sshll.u32 s5, $0x1;
	s2 =	sadd.s32 s19, s18  }
0x9c: {  	s6 =	simm.s32 $0x0;
	s20 =	sshll.u32 s4, $0x1;
	s4 =	sadd.s32 s21, s2  }
0x9d: {  	[timem:s6], [sflag:s22] =	dma.local [hbm:s4], s20  }
0x9e: {  	_ =	swait.ge [sflag:s22], s20  }
0x9f: {  	s3 =	ssub.s32 $0x0, s20;
	[sflag:s22] =	ssyncset.done $0x0  }
0xa0: {  	[sflag:s22] =	ssyncadd.s32 s3;
	_ =	sdelay $0x1  }
0xa1: {  	s23 =	simm.s32 $0x1B8B  }
0xa2: {  	_ =	swait.ge [sflag:s23], $0x1  }
0xa3: {  	[sflag:s23] =	ssyncset.done $0x0  }
0xa4: {  	s25 =	simm.s32 $0x1B8E;
	s24 =	sld [smem:$0x3FFE];
	[sflag:s23] =	ssyncadd.s32 $0xFFFFFFFF  }
0xa5: {  	s26 =	simm.s32 $execute0_lowered;
	[smem:$0x3FD2] =	sst s25  }
0xa6: {  	s4 =	sshll.u32 s26, $0x1;
	_ =	strace $0x80000049;
	[dreg:$0x1] =	wrdreg $0xFFFFFFFF  }
0xa7: {  	s28 =	simm.s32 $_size_execute0_lowered;
	s2 =	sadd.s32 s2, s4;
	[dreg:$0x0] =	wrdreg $0x0  }
0xa8: {  	s4 =	sshll.u32 s28, $0x1;
	[dreg:$0x2] =	wrdreg s2  }
0xa9: {  	[dreg:$0x3] =	wrdreg s4  }
0xaa: {  	[dreg:$0x4] =	wrdreg $0xC0  }
0xab: {  	_ =	task [dreg:s6], $0x5FFFF  }
0xac: {  	[dreg:$0x1] =	wrdreg $0xFFFFFFFF  }
0xad: {  	[dreg:$0x0] =	wrdreg $0x60  }
0xae: {  	[dreg:$0x2] =	wrdreg s24  }
0xaf: {  	[dreg:$0x3] =	wrdreg $0x88000  }
0xb0: {  	[dreg:$0x4] =	wrdreg $0x9  }
0xb1: {  	_ =	task.clear_ibuf [dreg:s6], $0x5FFFF;
	_ =	strace $0x90000049  }
0xb2: {  	s29 =	simm.s32 $0x9;
	_ =	strace $0x8000004B  }
0xb3: {  	_ =	swait.ge [sflag:s29], $0x1  }
0xb4: {  	[sflag:s29] =	ssyncadd.s32 $0xFFFFFFFF  }
0xb5: {  	_ =	strace $0x9000004B  }
0xb6: {  	_ =	sfence  }
0xb7: {  	s30 =	sld [smem:$0x0];
	_ =	sdelay $0x2  }
0xb8: {  	s31 =	sshll.u32 s1, $0xD;
	s1 =	sshrl.u32 s1, $0x2  }
0xb9: {  	s3 =	sand.u32 $0x4000, s31;
	s1 =	sadd.s32 s1, s30  }
0xba: {  	s0 =	sor.u32 s3, s0;
	s1 =	sshll.u32 s1, $0x11  }
0xbb: {  	s0 =	sor.u32 s1, s0  }
0xbc: {  	s0 =	sadd.s32 $0x8F2B, s0  }
0xbd: {  	[sflag:s0] =	ssyncadd.remote.s32 $0x1  }
0xbe: {  	_ =	sfence.sel $0xFFFF  }
0xbf: {  	[dreg:$0x0] =	wrdreg $0xFFFFFFFF;
	(pc) =	sbr.abs _section_cstart, $3  }
0xc0: {  	[dreg:$0x1] =	wrdreg $0xFFFFFFFF  }
0xc1: {  	_ =	task.clear_ibuf [dreg:s6], $0x2FFFF;
	_ =	strace $0x9FFFFFFF  }
0xc2: {  	(tm) =	ssettm $0x7FFFFFFF  }
0xc3: {  	_ =	shalt  }
tec
execute0_lowered:
.L_overlay_start_1:
0x0: {  	(tag) =	ssettag $0x1  }
0x1: {  	s0 =	rddreg [dreg:$0x0]  }
0x2: {  	s2 =	rddreg [dreg:$0x1];
	s3 =	simm.s32 $0x0;
	s1 =	srdreg.scid  }
0x3: {  	s11 =	stileid.u32;
	[smem:$0x7FF] =	sst s3;
	s1 =	sand.u32 $0x1, s1  }
0x4: {  	s4 =	sshll.u32 s11, $0x1;
	s5 =	sadd.s32 $0xCA00, s0;
	s15 =	smul.u32 $0x280, s11  }
0x5: {  	s7 =	sadd.s32 $0x3EA00, s0;
	s8 =	sadd.s32 $0x66A00, s0;
	s11 =	smul.u32 $0x14000, s11  }
0x6: {  	s6 =	sor.u32 s1, s4;
	s19 =	ssub.s32 $0x2, s1;
	s1 =	smul.u32 $0x140000, s1  }
0x7: {  	_ =	strace $0x8000004A;
	s4 =	sadd.s32 $0x2A00, s0;
	s6 =	smul.u32 $0x2800, s6  }
0x8: {  	s9 =	sshrl.u32 s19, $0x1;
	s12 =	sor.u32 $0x20, s15;
	s17 =	sadd.s32 $0x80, s15  }
0x9: {  	s18 =	sadd.s32 $0x100, s15;
	s16 =	sadd.s32 $0x180, s15;
	s23 =	sadd.s32 $0x200, s15  }
0xa: {  	s28 =	sadd.s32 $0x230, s15;
	s30 =	sadd.s32 $0x250, s15;
	s31 =	sadd.s32 $0x260, s15  }
0xb: {  	s0 =	ssub.s32 s19, s9;
	s9 =	sor.u32 $0x10, s15;
	s11 =	sadd.s32 s11, s1  }
0xc: {  	v39 =	vlaneseq.u32;
	s13 =	sshll.u32 s17, $0x7;
	s14 =	sshll.u32 s18, $0x7;
	s19 =	sshll.u32 s16, $0x7  }
0xd: {  	v1 =	vor.u32 s12, v39;
	s12 =	sadd.s32 $0xD0, s15;
	v7 =	vor.u32 s17, v39;
	s17 =	sadd.s32 $0x130, s15;
	v15 =	vor.u32 s18, v39;
	s18 =	sadd.s32 $0x1F0, s15  }
0xe: {  	v35 =	vor.u32 s28, v39;
	v37 =	vor.u32 s30, v39;
	s28 =	simm.s32 $0x3;
	v38 =	vor.u32 s31, v39;
	s30 =	simm.s32 $0x1;
	s31 =	simm.s32 $0x4800  }
0xf: {  	s10 =	sshrl.u32 s6, $0x3;
	[dreg:$0x8] =	wrdreg s0;
	s11 =	sshrl.u32 s11, $0x3  }
0x10: {  	s13 =	sadd.s32 s1, s13;
	s14 =	sadd.s32 s1, s14;
	s19 =	sadd.s32 s1, s19  }
0x11: {  	s0 =	sor.u32 $0x70, s15;
	v0 =	vor.u32 s9, v39;
	s9 =	sadd.s32 $0xC0, s15;
	v12 =	vor.u32 s12, v39;
	s12 =	sadd.s32 $0x1B0, s15  }
0x12: {  	s20 =	sadd.s32 s4, s10;
	s21 =	sadd.s32 s5, s10;
	s22 =	sadd.s32 s8, s11  }
0x13: {  	s24 =	sshrl.u32 s13, $0x3;
	s26 =	sshrl.u32 s14, $0x3;
	s29 =	sshrl.u32 s19, $0x3  }
0x14: {  	s19 =	sor.u32 $0x40, s15;
	v6 =	vor.u32 s0, v39;
	s0 =	sadd.s32 $0x190, s15;
	[dreg:$0x3] =	wrdreg s20  }
0x15: {  	v11 =	vor.u32 s9, v39;
	s9 =	sadd.s32 $0x1A0, s15;
	s11 =	sadd.s32 $0x210, s15;
	[dreg:$0x4] =	wrdreg s21  }
0x16: {  	s20 =	sshll.u32 s23, $0x7;
	[dreg:$0x5] =	wrdreg s22;
	s25 =	sadd.s32 s8, s24  }
0x17: {  	s14 =	sadd.s32 s8, s26;
	s13 =	sadd.s32 s8, s29;
	s26 =	sor.u32 $0x50, s15  }
0x18: {  	s29 =	sor.u32 $0x60, s15;
	s21 =	sadd.s32 $0x90, s15;
	s22 =	sadd.s32 $0xA0, s15  }
0x19: {  	s24 =	sadd.s32 $0xB0, s15;
	v3 =	vor.u32 s19, v39;
	s19 =	sadd.s32 $0x150, s15;
	v24 =	vor.u32 s0, v39;
	s0 =	sadd.s32 $0x270, s15  }
0x1a: {  	v32 =	vor.u32 s23, v39;
	s23 =	simm.s32 $0x500;
	s1 =	sadd.s32 s1, s20;
	[dreg:$0x6] =	wrdreg s25  }
0x1b: {  	v40 =	vimm.f32 $0.0e+00;
	s20 =	sor.u32 $0x30, s15;
	[dreg:$0x7] =	wrdreg s14;
	s25 =	sadd.s32 $0xE0, s15  }
0x1c: {  	v4 =	vor.u32 s26, v39;
	v5 =	vor.u32 s29, v39;
	s26 =	sadd.s32 $0x140, s15;
	v10 =	vor.u32 s24, v39;
	s24 =	sadd.s32 $0x160, s15;
	s29 =	sadd.s32 $0x170, s15  }
0x1d: {  	v8 =	vor.u32 s21, v39;
	v9 =	vor.u32 s22, v39;
	v20 =	vor.u32 s19, v39;
	s19 =	simm.s32 $0x80;
	s21 =	simm.s32 $0x800;
	s22 =	simm.s32 $0x480  }
0x1e: {  	v25 =	vor.u32 s15, v39;
	s1 =	sshrl.u32 s1, $0x3;
	v2 =	vor.u32 s20, v39;
	s20 =	sadd.s32 $0x120, s15;
	v13 =	vor.u32 s25, v39;
	s25 =	sadd.s32 $0x1C0, s15  }
0x1f: {  	v19 =	vor.u32 s26, v39;
	s26 =	sadd.s32 $0x220, s15;
	v21 =	vor.u32 s24, v39;
	v22 =	vor.u32 s29, v39;
	s29 =	sadd.s32 $0x240, s15;
	s24 =	simm.s32 $0x580  }
.Ltmp0:
0x20: {  	v23 =	vor.u32 s16, v39;
	v18 =	vor.u32 s17, v39;
	v31 =	vor.u32 s18, v39;
	s14 =	sadd.s32 s8, s1;
	s8 =	sor.u32 $0x10, s10;
	(pc) =	sbr.rel .LBB2_1-.Ltmp0, $4  }
0x21: {  	v27 =	vor.u32 s12, v39;
	v26 =	vor.u32 s9, v39;
	s1 =	sadd.s32 $0xF0, s15;
	s10 =	sadd.s32 $0x110, s15;
	v28 =	vor.u32 s25, v39;
	s25 =	rddreg [dreg:$0x8]  }
0x22: {  	v17 =	vor.u32 s20, v39;
	s20 =	simm.s32 $0x400;
	v34 =	vor.u32 s26, v39;
	s26 =	simm.s32 $0x2;
	v14 =	vor.u32 s1, v39;
	s1 =	sadd.s32 $0x1D0, s15  }
0x23: {  	v33 =	vor.u32 s11, v39;
	v36 =	vor.u32 s29, v39;
	v16 =	vor.u32 s10, v39;
	s10 =	sadd.s32 $0x1E0, s15;
	s15 =	sadd.s32 s4, s8;
	s16 =	sadd.s32 s5, s8  }
0x24: {  	s17 =	smax.u32 s25, $0x1;
	s25 =	simm.s32 $0x600;
	v29 =	vor.u32 s1, v39;
	v30 =	vor.u32 s10, v39;
	v39 =	vor.u32 s0, v39;
	s0 =	simm.s32 $0x0  }
.LBB2_5:
0x25: {  	s1 =	sshll.u32 s8, $0x7  }
0x26: {  	s1 =	sadd.s32 $0x200, s1  }
0x27: {  	[spmem:s2] =	stream.indirect.scatter.add.f32 [tilespmem:s29], [sflag:$0x2], $0x80, s1, s19, $0xb8;
	[tilespmem:$0x1C800] =	vst v63  }
.LBB2_11:
0x28: {  	_ =	swait.ge [sflag:s26], $0x4000  }
0x29: {  	[sflag:s26] =	ssyncset.done $0x0  }
0x2a: {  	[sflag:s26] =	ssyncadd.s32 $0xFFFFC000  }
0x2b: {  	_ =	swait.ge [sflag:s26], $0x4000  }
0x2c: {  	[sflag:s26] =	ssyncset.done $0x0  }
0x2d: {  	[sflag:s26] =	ssyncadd.s32 $0xFFFFC000  }
0x2e: {  	[bflag:$0x0] =	sbarrier.arrive $0xFFFF  }
0x2f: {  	[tilespmem:s21], [sflag:$0x1] =	stream.indirect.gather [spmem:s2], $0x80, s20, s19, $0xb8;
	[tilespmem:$0x1C800] =	vst v63  }
0x30: {  	_ =	swait.ge [sflag:s30], $0x4000  }
0x31: {  	[sflag:s30] =	ssyncset.done $0x0  }
0x32: {  	[sflag:s30] =	ssyncadd.s32 $0xFFFFC000  }
0x33: {  	[tilespmem:s31], [sflag:$0x1] =	stream.indirect.gather [spmem:s2], $0x80, s22, s19, $0xb8;
	[tilespmem:$0x1C800] =	vst v63  }
0x34: {  	s1 =	rddreg [dreg:$0x5]  }
0x35: {  	[hbm4b:s1+s3] =	stream.linear.scatter [tilespmem:s21], [sflag:$0x2], $0x4000, $0x38;
	[tilespmem:$0x1C800] =	vst v63  }
0x36: {  	_ =	swait.ge [sflag:s30], $0x4000  }
0x37: {  	[sflag:s30] =	ssyncset.done $0x0  }
0x38: {  	[sflag:s30] =	ssyncadd.s32 $0xFFFFC000  }
0x39: {  	_ =	swait.ge [sflag:s26], $0x4000  }
0x3a: {  	[sflag:s26] =	ssyncset.done $0x0  }
0x3b: {  	[sflag:s26] =	ssyncadd.s32 $0xFFFFC000  }
0x3c: {  	[tilespmem:s21], [sflag:$0x1] =	stream.indirect.gather [spmem:s2], $0x80, s23, s19, $0xb8;
	[tilespmem:$0x1C800] =	vst v63  }
0x3d: {  	s18 =	rddreg [dreg:$0x6]  }
0x3e: {  	[hbm4b:s18+s3] =	stream.linear.scatter [tilespmem:s31], [sflag:$0x2], $0x4000, $0x38;
	[tilespmem:$0x1C800] =	vst v63  }
0x3f: {  	_ =	swait.ge [sflag:s30], $0x4000  }
0x40: {  	[sflag:s30] =	ssyncset.done $0x0  }
0x41: {  	[sflag:s30] =	ssyncadd.s32 $0xFFFFC000  }
0x42: {  	_ =	swait.ge [sflag:s26], $0x4000  }
0x43: {  	[sflag:s26] =	ssyncset.done $0x0  }
0x44: {  	[sflag:s26] =	ssyncadd.s32 $0xFFFFC000  }
0x45: {  	[tilespmem:s31], [sflag:$0x1] =	stream.indirect.gather [spmem:s2], $0x80, s24, s19, $0xb8;
	[tilespmem:$0x1C800] =	vst v63  }
0x46: {  	s29 =	rddreg [dreg:$0x7]  }
0x47: {  	[hbm4b:s29+s3] =	stream.linear.scatter [tilespmem:s21], [sflag:$0x2], $0x4000, $0x38;
	[tilespmem:$0x1C800] =	vst v63  }
0x48: {  	_ =	swait.ge [sflag:s30], $0x4000  }
0x49: {  	[sflag:s30] =	ssyncset.done $0x0  }
0x4a: {  	[sflag:s30] =	ssyncadd.s32 $0xFFFFC000  }
0x4b: {  	_ =	swait.ge [sflag:s26], $0x4000  }
0x4c: {  	[sflag:s26] =	ssyncset.done $0x0  }
0x4d: {  	[sflag:s26] =	ssyncadd.s32 $0xFFFFC000  }
0x4e: {  	[tilespmem:s21], [sflag:$0x1] =	stream.indirect.gather [spmem:s2], $0x80, s25, s19, $0xb8;
	[tilespmem:$0x1C800] =	vst v63  }
0x4f: {  	_ = 	snop  }
0x50: {  	[hbm4b:s13+s3] =	stream.linear.scatter [tilespmem:s31], [sflag:$0x2], $0x4000, $0x38;
	[tilespmem:$0x1C800] =	vst v63  }
0x51: {  	_ =	swait.ge [sflag:s30], $0x4000  }
0x52: {  	[sflag:s30] =	ssyncset.done $0x0  }
0x53: {  	s0 =	sadd.s32 $0x1, s0;
	[sflag:s30] =	ssyncadd.s32 $0xFFFFC000  }
0x54: {  	[hbm4b:s14+s3] =	stream.linear.scatter [tilespmem:s21], [sflag:$0x2], $0x4000, $0x38;
	[tilespmem:$0x1C800] =	vst v63  }
0x55: {  	p0 =	sne.s32 s0, s17;
	_ =	swait.ge [sflag:s26], $0x4000  }
.Ltmp1:
0x56: {  	[sflag:s26] =	ssyncset.done $0x0;
	(pc) =	sbr.rel @!p0 .LBB2_12-.Ltmp1, $4  }
0x57: {  	[sflag:s26] =	ssyncadd.s32 $0xFFFFC000  }
0x58: {  	_ =	swait.ge [sflag:s26], $0x4000  }
0x59: {  	[sflag:s26] =	ssyncset.done $0x0  }
0x5a: {  	[sflag:s26] =	ssyncadd.s32 $0xFFFFC000  }
.LBB2_1:
0x5b: {  	s1 =	rddreg [dreg:$0x3]  }
0x5c: {  	[tilespmem:s3], [sflag:$0x3] =	stream.linear.gather [hbm4b:s1+s3], $0x80, $0x38;
	[tilespmem:$0x1C800] =	vst v63  }
0x5d: {  	s29 =	rddreg [dreg:$0x4];
	s8 =	simm.s32 $0x200  }
0x5e: {  	[tilespmem:s8], [sflag:$0x3] =	stream.linear.gather [hbm4b:s29+s3], $0x80, $0x38;
	[tilespmem:$0x1C800] =	vst v63  }
0x5f: {  	s1 =	simm.s32 $0x0;
	s8 =	simm.s32 $0x200  }
.LBB2_2:
0x60: {  	p0 =	sne.s32 s8, $0xFE00;
	[tilespmem:s1+$0x870] =	vst v40  }
0x61: {  	[tilespmem:s1+$0x800] =	vst v40  }
0x62: {  	[tilespmem:s1+$0x810] =	vst v40  }
.Ltmp2:
0x63: {  	[tilespmem:s1+$0x820] =	vst v40;
	(pc) =	sbr.rel @p0 .LBB2_2-.Ltmp2, $4  }
0x64: {  	[tilespmem:s1+$0x830] =	vst v40  }
0x65: {  	[tilespmem:s1+$0x840] =	vst v40  }
0x66: {  	[tilespmem:s1+$0x850] =	vst v40  }
0x67: {  	[tilespmem:s1+$0x860] =	vst v40;
	s1 =	sshra.s32 s8, $0x2;
	s8 =	sadd.s32 $0x200, s8  }
0x68: {  	[tilespmem:s1+$0x870] =	vst v40  }
0x69: {  	[tilespmem:s1+$0x800] =	vst v40  }
0x6a: {  	[tilespmem:s1+$0x810] =	vst v40  }
0x6b: {  	[tilespmem:s1+$0x820] =	vst v40  }
0x6c: {  	[tilespmem:s1+$0x830] =	vst v40  }
0x6d: {  	[tilespmem:s1+$0x840] =	vst v40  }
0x6e: {  	[tilespmem:s1+$0x850] =	vst v40  }
0x6f: {  	[tilespmem:s1+$0x860] =	vst v40  }
0x70: {  	[tilespmem:$0x400] =	vst v25  }
0x71: {  	[tilespmem:$0x410] =	vst v0  }
0x72: {  	[tilespmem:$0x420] =	vst v1  }
0x73: {  	[tilespmem:$0x430] =	vst v2  }
0x74: {  	[tilespmem:$0x440] =	vst v3  }
0x75: {  	[tilespmem:$0x450] =	vst v4  }
0x76: {  	[tilespmem:$0x460] =	vst v5  }
0x77: {  	[tilespmem:$0x470] =	vst v6  }
0x78: {  	[tilespmem:$0x480] =	vst v7  }
0x79: {  	[tilespmem:$0x490] =	vst v8  }
0x7a: {  	[tilespmem:$0x4A0] =	vst v9  }
0x7b: {  	[tilespmem:$0x4B0] =	vst v10  }
0x7c: {  	[tilespmem:$0x4C0] =	vst v11  }
0x7d: {  	[tilespmem:$0x4D0] =	vst v12  }
0x7e: {  	[tilespmem:$0x4E0] =	vst v13  }
0x7f: {  	[tilespmem:$0x4F0] =	vst v14  }
0x80: {  	[tilespmem:$0x500] =	vst v15  }
0x81: {  	[tilespmem:$0x510] =	vst v16  }
0x82: {  	[tilespmem:$0x520] =	vst v17  }
0x83: {  	[tilespmem:$0x530] =	vst v18  }
0x84: {  	[tilespmem:$0x540] =	vst v19  }
0x85: {  	[tilespmem:$0x550] =	vst v20  }
0x86: {  	[tilespmem:$0x560] =	vst v21  }
0x87: {  	[tilespmem:$0x570] =	vst v22  }
0x88: {  	[tilespmem:$0x580] =	vst v23  }
0x89: {  	[tilespmem:$0x590] =	vst v24  }
0x8a: {  	[tilespmem:$0x5A0] =	vst v26  }
0x8b: {  	[tilespmem:$0x5B0] =	vst v27  }
0x8c: {  	[tilespmem:$0x5C0] =	vst v28  }
0x8d: {  	[tilespmem:$0x5D0] =	vst v29  }
0x8e: {  	[tilespmem:$0x5E0] =	vst v30  }
0x8f: {  	[tilespmem:$0x5F0] =	vst v31  }
0x90: {  	[tilespmem:$0x600] =	vst v32  }
0x91: {  	[tilespmem:$0x610] =	vst v33  }
0x92: {  	[tilespmem:$0x620] =	vst v34  }
0x93: {  	[tilespmem:$0x630] =	vst v35  }
0x94: {  	[tilespmem:$0x640] =	vst v36  }
0x95: {  	[tilespmem:$0x650] =	vst v37  }
0x96: {  	[tilespmem:$0x660] =	vst v38  }
0x97: {  	[tilespmem:$0x670] =	vst v39  }
0x98: {  	[spmem:s2] =	stream.indirect.scatter [tilespmem:s21], [sflag:$0x2], $0x80, s20, s19, $0xb8;
	[tilespmem:$0x1C800] =	vst v63  }
0x99: {  	_ = 	snop  }
0x9a: {  	[spmem:s2] =	stream.indirect.scatter [tilespmem:s21], [sflag:$0x2], $0x80, s22, s19, $0xb8;
	[tilespmem:$0x1C800] =	vst v63  }
0x9b: {  	_ = 	snop  }
0x9c: {  	[spmem:s2] =	stream.indirect.scatter [tilespmem:s21], [sflag:$0x2], $0x80, s23, s19, $0xb8;
	[tilespmem:$0x1C800] =	vst v63  }
0x9d: {  	_ = 	snop  }
0x9e: {  	[spmem:s2] =	stream.indirect.scatter [tilespmem:s21], [sflag:$0x2], $0x80, s24, s19, $0xb8;
	[tilespmem:$0x1C800] =	vst v63  }
0x9f: {  	_ = 	snop  }
0xa0: {  	[spmem:s2] =	stream.indirect.scatter [tilespmem:s21], [sflag:$0x2], $0x80, s25, s19, $0xb8;
	[tilespmem:$0x1C800] =	vst v63  }
0xa1: {  	_ =	swait.ge [sflag:s26], $0x4000  }
0xa2: {  	[sflag:s26] =	ssyncset.done $0x0  }
0xa3: {  	[sflag:s26] =	ssyncadd.s32 $0xFFFFC000  }
0xa4: {  	_ =	swait.ge [sflag:s26], $0x4000  }
0xa5: {  	[sflag:s26] =	ssyncset.done $0x0  }
0xa6: {  	[sflag:s26] =	ssyncadd.s32 $0xFFFFC000  }
0xa7: {  	_ =	swait.ge [sflag:s26], $0x4000  }
0xa8: {  	[sflag:s26] =	ssyncset.done $0x0  }
0xa9: {  	[sflag:s26] =	ssyncadd.s32 $0xFFFFC000  }
0xaa: {  	_ =	swait.ge [sflag:s26], $0x4000  }
0xab: {  	[sflag:s26] =	ssyncset.done $0x0  }
0xac: {  	[sflag:s26] =	ssyncadd.s32 $0xFFFFC000  }
0xad: {  	_ =	swait.ge [sflag:s26], $0x4000  }
0xae: {  	[sflag:s26] =	ssyncset.done $0x0  }
0xaf: {  	[sflag:s26] =	ssyncadd.s32 $0xFFFFC000  }
0xb0: {  	[bflag:$0x0] =	sbarrier.arrive $0xFFFF  }
0xb1: {  	_ =	swait.ge [sflag:s28], $0x80  }
0xb2: {  	[sflag:s28] =	ssyncset.done $0x0  }
0xb3: {  	[sflag:s28] =	ssyncadd.s32 $0xFFFFFF80  }
0xb4: {  	_ =	swait.ge [sflag:s28], $0x80  }
0xb5: {  	[sflag:s28] =	ssyncset.done $0x0  }
0xb6: {  	s18 =	simm.s32 $0x0;
	[sflag:s28] =	ssyncadd.s32 $0xFFFFFF80  }
0xb7: {  	[tilespmem:s19], [sflag:$0x3] =	stream.linear.gather [hbm4b:s15+s18], $0x80, $0x38;
	[tilespmem:$0x1C800] =	vst v63  }
.Ltmp3:
0xb8: {  	_ = 	snop;
	(pc) =	sbr.rel .LBB2_4-.Ltmp3, $4  }
0xb9: {  	s29 =	simm.s32 $0x280  }
0xba: {  	[tilespmem:s29], [sflag:$0x3] =	stream.linear.gather [hbm4b:s16+s18], $0x80, $0x38;
	[tilespmem:$0x1C800] =	vst v63  }
0xbb: {  	s1 =	simm.s32 $0x100  }
0xbc: {  	[tilespmem:s21], [sflag:$0x1] =	stream.indirect.gather [hbm4b:s7+s19], $0x80, s18, s19, $0xb8;
	[tilespmem:$0x1C800] =	vst v63  }
.LBB2_7:
0xbd: {  	[tilespmem:s31], [sflag:$0x1] =	stream.indirect.gather [hbm4b:s7+s19], $0x80, s12, s19, $0xb8;
	[tilespmem:$0x1C800] =	vst v63  }
.LBB2_9:
0xbe: {  	s10 =	sadd.s32 $0x156, s10  }
0xbf: {  	s10 =	sshrl.u32 s10, $0x9  }
0xc0: {  	s10 =	sand.u32 $0x7F, s10  }
0xc1: {  	s10 =	smul.u32 $0x3, s10  }
0xc2: {  	s11 =	sand.u32 $0x7C00, s1  }
0xc3: {  	s12 =	sand.u32 $0x380, s1;
	s11 =	sadd.s32 s6, s11;
	s10 =	ssub.s32 s18, s10  }
0xc4: {  	s11 =	sor.u32 s12, s11;
	s10 =	sadd.s32 $0x2, s10  }
0xc5: {  	s11 =	sshrl.u32 s11, $0x3;
	s10 =	sand.u32 $0xFF, s10  }
0xc6: {  	s18 =	sadd.s32 s4, s11;
	s10 =	sshll.u32 s10, $0x7  }
0xc7: {  	[tilespmem:s10], [sflag:$0x3] =	stream.linear.gather [hbm4b:s18+s3], $0x80, $0x38;
	[tilespmem:$0x1C800] =	vst v63  }
0xc8: {  	s11 =	sadd.s32 s5, s11;
	s10 =	sadd.s32 $0x200, s10  }
0xc9: {  	[tilespmem:s10], [sflag:$0x3] =	stream.linear.gather [hbm4b:s11+s3], $0x80, $0x38;
	[tilespmem:$0x1C800] =	vst v63  }
.LBB2_10:
0xca: {  	p0 =	sne.s32 s9, $0x4F  }
.Ltmp4:
0xcb: {  	_ = 	snop;
	(pc) =	sbr.rel @!p0 .LBB2_11-.Ltmp4, $4  }
0xcc: {  	_ = 	snop  }
0xcd: {  	s8 =	sshll.u32 s8, $0x7  }
0xce: {  	s1 =	sadd.s32 $0x80, s1;
	s18 =	smov.u32 s9;
	s8 =	sadd.s32 $0x200, s8  }
0xcf: {  	[spmem:s2] =	stream.indirect.scatter.add.f32 [tilespmem:s29], [sflag:$0x2], $0x80, s8, s19, $0xb8;
	[tilespmem:$0x1C800] =	vst v63  }
.LBB2_4:
0xd0: {  	s10 =	smul.u32 $0xAB, s18;
	_ =	sdelay $0x1  }
0xd1: {  	p0 =	sne.s32 s18, $0x4E;
	s8 =	sshrl.u32 s10, $0x9  }
.Ltmp5:
0xd2: {  	s8 =	sand.u32 $0x7F, s8;
	(pc) =	sbr.rel @!p0 .LBB2_5-.Ltmp5, $4  }
0xd3: {  	s8 =	smul.u32 $0x3, s8  }
0xd4: {  	s9 =	sand.u32 $0x1, s18;
	_ =	swait.ge [sflag:s30], $0x4000  }
0xd5: {  	s11 =	sshll.u32 s9, $0xE;
	[sflag:s30] =	ssyncset.done $0x0;
	s8 =	ssub.s32 s18, s8  }
0xd6: {  	s29 =	sor.u32 $0x800, s11;
	[sflag:s30] =	ssyncadd.s32 $0xFFFFC000;
	s8 =	sand.u32 $0xFF, s8  }
0xd7: {  	s9 =	sadd.s32 $0x1, s18  }
0xd8: {  	s12 =	smul.u32 $0xAB, s9;
	_ =	sdelay $0x1  }
0xd9: {  	s12 =	sshrl.u32 s12, $0x9  }
0xda: {  	s12 =	sand.u32 $0x7F, s12  }
0xdb: {  	_ =	swait.ge [sflag:s28], $0x80;
	p0 =	sne.s32 s18, $0x0;
	s12 =	smul.u32 $0x3, s12  }
.Ltmp6:
0xdc: {  	[sflag:s28] =	ssyncset.done $0x0;
	(pc) =	sbr.rel @!p0 .LBB2_7-.Ltmp6, $4  }
0xdd: {  	[sflag:s28] =	ssyncadd.s32 $0xFFFFFF80  }
0xde: {  	_ =	swait.ge [sflag:s28], $0x80;
	s12 =	ssub.s32 s9, s12  }
0xdf: {  	[sflag:s28] =	ssyncset.done $0x0;
	s12 =	sand.u32 $0xFF, s12  }
0xe0: {  	[sflag:s28] =	ssyncadd.s32 $0xFFFFFF80;
	s12 =	sshll.u32 s12, $0x7  }
0xe1: {  	p0 =	sgt.u32 s18, $0x4C  }
.Ltmp7:
0xe2: {  	_ = 	snop;
	(pc) =	sbr.rel @p0 .LBB2_10-.Ltmp7, $4  }
.Ltmp8:
0xe3: {  	_ =	swait.ge [sflag:s26], $0x4000;
	(pc) =	sbr.rel @!p0 .LBB2_9-.Ltmp8, $4  }
0xe4: {  	[sflag:s26] =	ssyncset.done $0x0  }
0xe5: {  	s11 =	sxor.u32 $0x4800, s11;
	[sflag:s26] =	ssyncadd.s32 $0xFFFFC000  }
0xe6: {  	[tilespmem:s11], [sflag:$0x1] =	stream.indirect.gather [hbm4b:s7+s19], $0x80, s12, s19, $0xb8;
	[tilespmem:$0x1C800] =	vst v63  }
0xe7: {  	_ = 	snop  }
.LBB2_12:
0xe8: {  	_ =	sfence.sel $0x180000  }
0xe9: {  	[bflag:$0x0] =	sbarrier.arrive $0xFFFF  }
0xea: {  	_ =	strace $0x9000004A  }
0xeb: {  	s0 =	stileid.u32;
	[bflag:$0x2] =	sbarrier.arrive $0xFFFF  }
0xec: {  	p0 =	sne.s32 s0, $0x0;
	s0 =	rddreg [dreg:$0x2]  }
0xed: {  	s0 =	sadd.s32 @!p0 $0x100000, s0  }
0xee: {  	[sflag:s0] =	ssyncadd.tile.s32 @!p0 $0x1;
	_ =	shalt  }
.Lfunc_end2:
_tile_overlayer_lowered:
.L_overlay_start_2:
0xef: {  	(tag) =	ssettag $0x2  }
0xf0: {  	s0 =	rddreg [dreg:$0x0];
	s2 =	stileid.u32  }
0xf1: {  	s1 =	rddreg [dreg:$0x1];
	p0 =	sne.s32 s2, $0x0  }
0xf2: {  	s3 =	rddreg [dreg:$0x2];
	[bflag:$0x3] =	sbarrier.arrive $0xFFFF;
	s2 =	simm.s32 @!p0 $0x1C04  }
0xf3: {  	[timem:s3], [sflag:s2] =	dma.local @!p0 [hbm:s0], s1  }
0xf4: {  	s0 =	simm.s32 @!p0 $0x4  }
0xf5: {  	_ =	swait.ge @!p0 [sflag:s0], s1  }
0xf6: {  	s1 =	ssub.s32 @!p0 $0x0, s1;
	[sflag:s0] =	ssyncset.done @!p0 $0x0  }
0xf7: {  	[sflag:s0] =	ssyncadd.s32 @!p0 s1  }
0xf8: {  	[bflag:$0x3] =	sbarrier.arrive $0xFFFF  }
0xf9: {  	_ =	shalt  }

// kernel: kernel.14.cloned.1.call-start
scs
__scs_entry_jumppad:
0x0: {  	(pc) =	sbr.rel $0x88, $3  }
0x1: {  	(tag) =	ssettag $0x0;
	lr =	simm.s32 $0x1  }
0x2: {  	[smem:$0x3F97] =	sst lr;
	_ =	strace $0xD0000000  }
0x3: {  	_ = 	snop  }
0x4: {  	_ = 	snop  }
0x5: {  	_ = 	snop  }
0x6: {  	_ = 	snop  }
0x7: {  	_ = 	snop  }
__scs_overlays_trampoline_lowered:
0x8: {  	[smem:$0x3FA6] =	sst s0  }
0x9: {  	[smem:$0x3FA7] =	sst s1  }
0xa: {  	[smem:$0x3FA8] =	sst s2  }
0xb: {  	[smem:$0x3FA9] =	sst s3  }
0xc: {  	[smem:$0x3FAA] =	sst s4  }
0xd: {  	[smem:$0x3FAB] =	sst s5  }
0xe: {  	[smem:$0x3FAC] =	sst s6  }
0xf: {  	[smem:$0x3FAD] =	sst s7  }
0x10: {  	[smem:$0x3FAE] =	sst s8  }
0x11: {  	[smem:$0x3FAF] =	sst s9;
	s0 =	simm.s32 @!p0 $0x0  }
0x12: {  	s1 =	sld [smem:$0x3F95];
	s0 =	simm.s32 @p0 $0x1  }
0x13: {  	[smem:$0x3FB0] =	sst s0;
	s0 =	simm.s32 @!p1 $0x0  }
0x14: {  	s2 =	sld [smem:$0x3F94];
	s0 =	simm.s32 @p1 $0x1  }
0x15: {  	[smem:$0x3FB1] =	sst s0;
	s0 =	simm.s32 @!p2 $0x0  }
0x16: {  	s3 =	sld [smem:$0x3FDB];
	s0 =	simm.s32 @p2 $0x1  }
0x17: {  	s4 =	simm.s32 $0x1BF5;
	[smem:$0x3FB3] =	sst s0  }
0x18: {  	s0 =	sld [smem:$0x3F96];
	_ =	swait.ge [sflag:s4], $0x0  }
0x19: {  	s7 =	sld [smem:$0x3F97]  }
0x1a: {  	s8 =	sadd.s32 $0xFFFFE003, lr  }
0x1b: {  	s9 =	sadd.s32 $0xFFFFFEF7, lr;
	s5 =	simm.s32 $0xFFFFFFFF;
	p2 =	slt.u32 s8, $0xFFFFF086  }
0x1c: {  	p1 =	slt.u32 s9, $0xF7A;
	s5 =	simm.s32 @!p2 $0x0  }
0x1d: {  	s5 =	simm.s32 @p1 $0x1;
	p0 =	seq.s32 s7, s2  }
0x1e: {  	s7 =	smul.u32 @!p0 $0xF7A, s2;
	p2 =	seq.s32 @!p0 s5, $0x0  }
0x1f: {  	s9 =	smul.u32 $0xF7A, s1;
	s8 =	simm.s32 @!p0 $0x1BF5;
	p2 =	por !p2, p0  }
0x20: {  	[sflag:s8] =	ssyncset.s32 @!p0 $0xFFFFF086;
	s6 =	sadd.s32 @!p0 s3, s7;
	s7 =	simm.s32 @!p0 $0x108  }
0x21: {  	s3 =	sadd.s32 s3, s9;
	s6 =	sadd.s32 @!p0 $0x88, s6;
	s7 =	simm.s32 @p2 $0x1082  }
0x22: {  	[simem:s7], [sflag:s8] =	dma.local @!p0 [hbm:s6], $0xF7A  }
0x23: {  	s9 =	sor.u32 $0xD0000000, s2;
	s6 =	simm.s32 $0x108;
	_ =	swait.ge @!p0 [sflag:s8], $0x0  }
0x24: {  	s3 =	sadd.s32 $0x88, s3;
	s6 =	simm.s32 @!p1 $0x1082;
	[sflag:s4] =	ssyncset.s32 $0xFFFFF086  }
0x25: {  	[simem:s6], [sflag:s4] =	dma.local [hbm:s3], $0xF7A  }
0x26: {  	[smem:$0x3F97] =	sst s1;
	(tag) =	ssettag s2;
	_ =	strace s9  }
0x27: {  	s1 =	sld [smem:$0x3FA7]  }
0x28: {  	s2 =	sld [smem:$0x3FA8]  }
0x29: {  	s4 =	sld [smem:$0x3FAA]  }
0x2a: {  	p0 =	seq.s32 s5, $0x0;
	s5 =	sld [smem:$0x3FAB]  }
0x2b: {  	s6 =	sld [smem:$0x3FAC]  }
0x2c: {  	s7 =	sld [smem:$0x3FAD]  }
0x2d: {  	s3 =	simm.s32 $0x108;
	s8 =	sld [smem:$0x3FAE]  }
0x2e: {  	s3 =	simm.s32 @!p0 $0x1082;
	s9 =	sld [smem:$0x3FAF]  }
0x2f: {  	lr =	sadd.s32 s0, s3;
	s0 =	sld [smem:$0x3FA6]  }
0x30: {  	s3 =	sld [smem:$0x3FA9]  }
0x31: {  	[smem:$0x3FB2] =	sst s10  }
0x32: {  	s10 =	sld [smem:$0x3FB0];
	_ =	sdelay $0x3  }
0x33: {  	p0 =	seq.s32 s10, $0x1;
	s10 =	sld [smem:$0x3FB2];
	_ =	sdelay $0x3  }
0x34: {  	[smem:$0x3FB2] =	sst s10  }
0x35: {  	s10 =	sld [smem:$0x3FB1];
	_ =	sdelay $0x3  }
0x36: {  	p1 =	seq.s32 s10, $0x1;
	s10 =	sld [smem:$0x3FB2];
	_ =	sdelay $0x3  }
0x37: {  	[smem:$0x3FB2] =	sst s10  }
0x38: {  	s10 =	sld [smem:$0x3FB3]  }
0x39: {  	_ = 	snop;
	(pc) =	sbr.ind lr, $3  }
0x3a: {  	_ = 	snop  }
0x3b: {  	_ = 	snop  }
0x3c: {  	p2 =	seq.s32 s10, $0x1;
	s10 =	sld [smem:$0x3FB2]  }
0x3d: {  	_ =	shalt  }
0x3e: {  	_ =	shalt  }
0x3f: {  	_ =	shalt  }
0x40: {  	_ =	shalt  }
0x41: {  	_ =	shalt  }
0x42: {  	_ =	shalt  }
0x43: {  	_ =	shalt  }
0x44: {  	_ =	shalt  }
0x45: {  	_ =	shalt  }
0x46: {  	_ =	shalt  }
0x47: {  	_ =	shalt  }
0x48: {  	_ =	shalt  }
0x49: {  	_ =	shalt  }
0x4a: {  	_ =	shalt  }
0x4b: {  	_ =	shalt  }
0x4c: {  	_ =	shalt  }
0x4d: {  	_ =	shalt  }
0x4e: {  	_ =	shalt  }
0x4f: {  	_ =	shalt  }
0x50: {  	_ =	shalt  }
0x51: {  	_ =	shalt  }
0x52: {  	_ =	shalt  }
0x53: {  	_ =	shalt  }
0x54: {  	_ =	shalt  }
0x55: {  	_ =	shalt  }
0x56: {  	_ =	shalt  }
0x57: {  	_ =	shalt  }
0x58: {  	_ =	shalt  }
0x59: {  	_ =	shalt  }
0x5a: {  	_ =	shalt  }
0x5b: {  	_ =	shalt  }
0x5c: {  	_ =	shalt  }
0x5d: {  	_ =	shalt  }
0x5e: {  	_ =	shalt  }
0x5f: {  	_ =	shalt  }
0x60: {  	_ =	shalt  }
0x61: {  	_ =	shalt  }
0x62: {  	_ =	shalt  }
0x63: {  	_ =	shalt  }
0x64: {  	_ =	shalt  }
0x65: {  	_ =	shalt  }
0x66: {  	_ =	shalt  }
0x67: {  	_ =	shalt  }
0x68: {  	_ =	shalt  }
0x69: {  	_ =	shalt  }
0x6a: {  	_ =	shalt  }
0x6b: {  	_ =	shalt  }
0x6c: {  	_ =	shalt  }
0x6d: {  	_ =	shalt  }
0x6e: {  	_ =	shalt  }
0x6f: {  	_ =	shalt  }
0x70: {  	_ =	shalt  }
0x71: {  	_ =	shalt  }
0x72: {  	_ =	shalt  }
0x73: {  	_ =	shalt  }
0x74: {  	_ =	shalt  }
0x75: {  	_ =	shalt  }
0x76: {  	_ =	shalt  }
0x77: {  	_ =	shalt  }
0x78: {  	_ =	shalt  }
0x79: {  	_ =	shalt  }
0x7a: {  	_ =	shalt  }
0x7b: {  	_ =	shalt  }
0x7c: {  	_ =	shalt  }
0x7d: {  	_ =	shalt  }
0x7e: {  	_ =	shalt  }
0x7f: {  	_ =	shalt  }
0x80: {  	_ =	shalt  }
0x81: {  	_ =	shalt  }
0x82: {  	_ =	shalt  }
0x83: {  	_ =	shalt  }
0x84: {  	_ =	shalt  }
0x85: {  	_ =	shalt  }
0x86: {  	_ =	shalt  }
0x87: {  	_ =	shalt  }
.Lfunc_end0:
.L_simem_size_0:
called_computation.2_lowered:
.L_overlay_start_0:
0x88: {  	s2 =	sld [smem:$0x3FD9]  }
0x89: {  	s3 =	sld [smem:$0x3FFE];
	_ =	sdelay $0x1  }
0x8a: {  	s1 =	srdreg.scid  }
0x8b: {  	s0 =	sand.u32 $0x1, s1  }
0x8c: {  	s16 =	sshll.u32 s0, $0xA;
	s2 =	sadd.s32 s3, s2  }
0x8d: {  	s2 =	sadd.s32 s2, s16  }
0x8e: {  	[smem:$0x3FBE] =	sst s2  }
0x8f: {  	_ = 	snop  }
0x90: {  	(tm) =	ssettm $0x1  }
0x91: {  	s17 =	sld [smem:$0x3FFB];
	_ =	sdelay $0x3  }
0x92: {  	_ =	strace s17  }
0x93: {  	s2 =	sld [smem:$0x3FFC];
	_ =	sdelay $0x3  }
0x94: {  	_ =	strace s2  }
0x95: {  	s2 =	sld [smem:$0x3FFD];
	_ =	sdelay $0x3  }
0x96: {  	_ =	strace s2  }
0x97: {  	_ =	strace $0x8FFFFFFF  }
0x98: {  	s18 =	sld [smem:$0x3FDB];
	_ =	sdelay $0x1  }
0x99: {  	s19 =	simm.s32 $_scs_section_size  }
0x9a: {  	s4 =	simm.s32 $_size__tile_overlayer_lowered;
	s5 =	simm.s32 $_tile_overlayer_lowered  }
0x9b: {  	s22 =	simm.s32 $0x1BFF;
	s21 =	sshll.u32 s5, $0x1;
	s2 =	sadd.s32 s19, s18  }
0x9c: {  	s6 =	simm.s32 $0x0;
	s20 =	sshll.u32 s4, $0x1;
	s4 =	sadd.s32 s21, s2  }
0x9d: {  	[timem:s6], [sflag:s22] =	dma.local [hbm:s4], s20  }
0x9e: {  	_ =	swait.ge [sflag:s22], s20  }
0x9f: {  	s3 =	ssub.s32 $0x0, s20;
	[sflag:s22] =	ssyncset.done $0x0  }
0xa0: {  	[sflag:s22] =	ssyncadd.s32 s3;
	_ =	sdelay $0x1  }
0xa1: {  	s23 =	simm.s32 $0x1B8B  }
0xa2: {  	_ =	swait.ge [sflag:s23], $0x1  }
0xa3: {  	[sflag:s23] =	ssyncset.done $0x0  }
0xa4: {  	s25 =	simm.s32 $0x1B8E;
	s24 =	sld [smem:$0x3FFE];
	[sflag:s23] =	ssyncadd.s32 $0xFFFFFFFF  }
0xa5: {  	s26 =	simm.s32 $execute0_lowered;
	[smem:$0x3FD2] =	sst s25  }
0xa6: {  	s4 =	sshll.u32 s26, $0x1;
	_ =	strace $0x8000004C;
	[dreg:$0x1] =	wrdreg $0xFFFFFFFF  }
0xa7: {  	s28 =	simm.s32 $_size_execute0_lowered;
	s2 =	sadd.s32 s2, s4;
	[dreg:$0x0] =	wrdreg $0x0  }
0xa8: {  	s4 =	sshll.u32 s28, $0x1;
	[dreg:$0x2] =	wrdreg s2  }
0xa9: {  	[dreg:$0x3] =	wrdreg s4  }
0xaa: {  	[dreg:$0x4] =	wrdreg $0xC0  }
0xab: {  	_ =	task [dreg:s6], $0x5FFFF  }
0xac: {  	[dreg:$0x1] =	wrdreg $0xFFFFFFFF  }
0xad: {  	[dreg:$0x0] =	wrdreg $0x60  }
0xae: {  	[dreg:$0x2] =	wrdreg s24  }
0xaf: {  	[dreg:$0x3] =	wrdreg $0x88000  }
0xb0: {  	[dreg:$0x4] =	wrdreg $0x9  }
0xb1: {  	_ =	task.clear_ibuf [dreg:s6], $0x5FFFF;
	_ =	strace $0x9000004C  }
0xb2: {  	s29 =	simm.s32 $0x9;
	_ =	strace $0x8000004E  }
0xb3: {  	_ =	swait.ge [sflag:s29], $0x1  }
0xb4: {  	[sflag:s29] =	ssyncadd.s32 $0xFFFFFFFF  }
0xb5: {  	_ =	strace $0x9000004E  }
0xb6: {  	_ =	sfence  }
0xb7: {  	s30 =	sld [smem:$0x0];
	_ =	sdelay $0x2  }
0xb8: {  	s31 =	sshll.u32 s1, $0xD;
	s1 =	sshrl.u32 s1, $0x2  }
0xb9: {  	s3 =	sand.u32 $0x4000, s31;
	s1 =	sadd.s32 s1, s30  }
0xba: {  	s0 =	sor.u32 s3, s0;
	s1 =	sshll.u32 s1, $0x11  }
0xbb: {  	s0 =	sor.u32 s1, s0  }
0xbc: {  	s0 =	sadd.s32 $0x8F2B, s0  }
0xbd: {  	[sflag:s0] =	ssyncadd.remote.s32 $0x1  }
0xbe: {  	_ =	sfence.sel $0xFFFF  }
0xbf: {  	[dreg:$0x0] =	wrdreg $0xFFFFFFFF;
	(pc) =	sbr.abs _section_cstart, $3  }
0xc0: {  	[dreg:$0x1] =	wrdreg $0xFFFFFFFF  }
0xc1: {  	_ =	task.clear_ibuf [dreg:s6], $0x2FFFF;
	_ =	strace $0x9FFFFFFF  }
0xc2: {  	(tm) =	ssettm $0x7FFFFFFF  }
0xc3: {  	_ =	shalt  }
tec
execute0_lowered:
.L_overlay_start_1:
0x0: {  	(tag) =	ssettag $0x1  }
0x1: {  	s0 =	rddreg [dreg:$0x0]  }
0x2: {  	s2 =	rddreg [dreg:$0x1];
	s3 =	simm.s32 $0x0;
	s1 =	srdreg.scid  }
0x3: {  	s11 =	stileid.u32;
	[smem:$0x7FF] =	sst s3;
	s1 =	sand.u32 $0x1, s1  }
0x4: {  	s4 =	sshll.u32 s11, $0x1;
	s5 =	sadd.s32 $0xCA00, s0;
	s15 =	smul.u32 $0x280, s11  }
0x5: {  	s7 =	sadd.s32 $0x16A00, s0;
	s8 =	sadd.s32 $0x3EA00, s0;
	s11 =	smul.u32 $0x14000, s11  }
0x6: {  	s6 =	sor.u32 s1, s4;
	s19 =	ssub.s32 $0x2, s1;
	s1 =	smul.u32 $0x140000, s1  }
0x7: {  	_ =	strace $0x8000004D;
	s4 =	sadd.s32 $0x2A00, s0;
	s6 =	smul.u32 $0x2800, s6  }
0x8: {  	s9 =	sshrl.u32 s19, $0x1;
	s12 =	sor.u32 $0x20, s15;
	s17 =	sadd.s32 $0x80, s15  }
0x9: {  	s18 =	sadd.s32 $0x100, s15;
	s16 =	sadd.s32 $0x180, s15;
	s23 =	sadd.s32 $0x200, s15  }
0xa: {  	s28 =	sadd.s32 $0x230, s15;
	s30 =	sadd.s32 $0x250, s15;
	s31 =	sadd.s32 $0x260, s15  }
0xb: {  	s0 =	ssub.s32 s19, s9;
	s9 =	sor.u32 $0x10, s15;
	s11 =	sadd.s32 s11, s1  }
0xc: {  	v39 =	vlaneseq.u32;
	s13 =	sshll.u32 s17, $0x7;
	s14 =	sshll.u32 s18, $0x7;
	s19 =	sshll.u32 s16, $0x7  }
0xd: {  	v1 =	vor.u32 s12, v39;
	s12 =	sadd.s32 $0xD0, s15;
	v7 =	vor.u32 s17, v39;
	s17 =	sadd.s32 $0x130, s15;
	v15 =	vor.u32 s18, v39;
	s18 =	sadd.s32 $0x1F0, s15  }
0xe: {  	v35 =	vor.u32 s28, v39;
	v37 =	vor.u32 s30, v39;
	s28 =	simm.s32 $0x3;
	v38 =	vor.u32 s31, v39;
	s30 =	simm.s32 $0x1;
	s31 =	simm.s32 $0x4800  }
0xf: {  	s10 =	sshrl.u32 s6, $0x3;
	[dreg:$0x8] =	wrdreg s0;
	s11 =	sshrl.u32 s11, $0x3  }
0x10: {  	s13 =	sadd.s32 s1, s13;
	s14 =	sadd.s32 s1, s14;
	s19 =	sadd.s32 s1, s19  }
0x11: {  	s0 =	sor.u32 $0x70, s15;
	v0 =	vor.u32 s9, v39;
	s9 =	sadd.s32 $0xC0, s15;
	v12 =	vor.u32 s12, v39;
	s12 =	sadd.s32 $0x1B0, s15  }
0x12: {  	s20 =	sadd.s32 s4, s10;
	s21 =	sadd.s32 s5, s10;
	s22 =	sadd.s32 s8, s11  }
0x13: {  	s24 =	sshrl.u32 s13, $0x3;
	s26 =	sshrl.u32 s14, $0x3;
	s29 =	sshrl.u32 s19, $0x3  }
0x14: {  	s19 =	sor.u32 $0x40, s15;
	v6 =	vor.u32 s0, v39;
	s0 =	sadd.s32 $0x190, s15;
	[dreg:$0x3] =	wrdreg s20  }
0x15: {  	v11 =	vor.u32 s9, v39;
	s9 =	sadd.s32 $0x1A0, s15;
	s11 =	sadd.s32 $0x210, s15;
	[dreg:$0x4] =	wrdreg s21  }
0x16: {  	s20 =	sshll.u32 s23, $0x7;
	[dreg:$0x5] =	wrdreg s22;
	s25 =	sadd.s32 s8, s24  }
0x17: {  	s14 =	sadd.s32 s8, s26;
	s13 =	sadd.s32 s8, s29;
	s26 =	sor.u32 $0x50, s15  }
0x18: {  	s29 =	sor.u32 $0x60, s15;
	s21 =	sadd.s32 $0x90, s15;
	s22 =	sadd.s32 $0xA0, s15  }
0x19: {  	s24 =	sadd.s32 $0xB0, s15;
	v3 =	vor.u32 s19, v39;
	s19 =	sadd.s32 $0x150, s15;
	v24 =	vor.u32 s0, v39;
	s0 =	sadd.s32 $0x270, s15  }
0x1a: {  	v32 =	vor.u32 s23, v39;
	s23 =	simm.s32 $0x500;
	s1 =	sadd.s32 s1, s20;
	[dreg:$0x6] =	wrdreg s25  }
0x1b: {  	v40 =	vimm.f32 $0.0e+00;
	s20 =	sor.u32 $0x30, s15;
	[dreg:$0x7] =	wrdreg s14;
	s25 =	sadd.s32 $0xE0, s15  }
0x1c: {  	v4 =	vor.u32 s26, v39;
	v5 =	vor.u32 s29, v39;
	s26 =	sadd.s32 $0x140, s15;
	v10 =	vor.u32 s24, v39;
	s24 =	sadd.s32 $0x160, s15;
	s29 =	sadd.s32 $0x170, s15  }
0x1d: {  	v8 =	vor.u32 s21, v39;
	v9 =	vor.u32 s22, v39;
	v20 =	vor.u32 s19, v39;
	s19 =	simm.s32 $0x80;
	s21 =	simm.s32 $0x800;
	s22 =	simm.s32 $0x480  }
0x1e: {  	v25 =	vor.u32 s15, v39;
	s1 =	sshrl.u32 s1, $0x3;
	v2 =	vor.u32 s20, v39;
	s20 =	sadd.s32 $0x120, s15;
	v13 =	vor.u32 s25, v39;
	s25 =	sadd.s32 $0x1C0, s15  }
0x1f: {  	v19 =	vor.u32 s26, v39;
	s26 =	sadd.s32 $0x220, s15;
	v21 =	vor.u32 s24, v39;
	v22 =	vor.u32 s29, v39;
	s29 =	sadd.s32 $0x240, s15;
	s24 =	simm.s32 $0x580  }
.Ltmp0:
0x20: {  	v23 =	vor.u32 s16, v39;
	v18 =	vor.u32 s17, v39;
	v31 =	vor.u32 s18, v39;
	s14 =	sadd.s32 s8, s1;
	s8 =	sor.u32 $0x10, s10;
	(pc) =	sbr.rel .LBB2_1-.Ltmp0, $4  }
0x21: {  	v27 =	vor.u32 s12, v39;
	v26 =	vor.u32 s9, v39;
	s1 =	sadd.s32 $0xF0, s15;
	s10 =	sadd.s32 $0x110, s15;
	v28 =	vor.u32 s25, v39;
	s25 =	rddreg [dreg:$0x8]  }
0x22: {  	v17 =	vor.u32 s20, v39;
	s20 =	simm.s32 $0x400;
	v34 =	vor.u32 s26, v39;
	s26 =	simm.s32 $0x2;
	v14 =	vor.u32 s1, v39;
	s1 =	sadd.s32 $0x1D0, s15  }
0x23: {  	v33 =	vor.u32 s11, v39;
	v36 =	vor.u32 s29, v39;
	v16 =	vor.u32 s10, v39;
	s10 =	sadd.s32 $0x1E0, s15;
	s15 =	sadd.s32 s4, s8;
	s16 =	sadd.s32 s5, s8  }
0x24: {  	s17 =	smax.u32 s25, $0x1;
	s25 =	simm.s32 $0x600;
	v29 =	vor.u32 s1, v39;
	v30 =	vor.u32 s10, v39;
	v39 =	vor.u32 s0, v39;
	s0 =	simm.s32 $0x0  }
.LBB2_5:
0x25: {  	s1 =	sshll.u32 s8, $0x7  }
0x26: {  	s1 =	sadd.s32 $0x200, s1  }
0x27: {  	[spmem:s2] =	stream.indirect.scatter.add.f32 [tilespmem:s29], [sflag:$0x2], $0x80, s1, s19, $0xb8;
	[tilespmem:$0x1C800] =	vst v63  }
.LBB2_11:
0x28: {  	_ =	swait.ge [sflag:s26], $0x4000  }
0x29: {  	[sflag:s26] =	ssyncset.done $0x0  }
0x2a: {  	[sflag:s26] =	ssyncadd.s32 $0xFFFFC000  }
0x2b: {  	_ =	swait.ge [sflag:s26], $0x4000  }
0x2c: {  	[sflag:s26] =	ssyncset.done $0x0  }
0x2d: {  	[sflag:s26] =	ssyncadd.s32 $0xFFFFC000  }
0x2e: {  	[bflag:$0x0] =	sbarrier.arrive $0xFFFF  }
0x2f: {  	[tilespmem:s21], [sflag:$0x1] =	stream.indirect.gather [spmem:s2], $0x80, s20, s19, $0xb8;
	[tilespmem:$0x1C800] =	vst v63  }
0x30: {  	_ =	swait.ge [sflag:s30], $0x4000  }
0x31: {  	[sflag:s30] =	ssyncset.done $0x0  }
0x32: {  	[sflag:s30] =	ssyncadd.s32 $0xFFFFC000  }
0x33: {  	[tilespmem:s31], [sflag:$0x1] =	stream.indirect.gather [spmem:s2], $0x80, s22, s19, $0xb8;
	[tilespmem:$0x1C800] =	vst v63  }
0x34: {  	s1 =	rddreg [dreg:$0x5]  }
0x35: {  	[hbm4b:s1+s3] =	stream.linear.scatter [tilespmem:s21], [sflag:$0x2], $0x4000, $0x38;
	[tilespmem:$0x1C800] =	vst v63  }
0x36: {  	_ =	swait.ge [sflag:s30], $0x4000  }
0x37: {  	[sflag:s30] =	ssyncset.done $0x0  }
0x38: {  	[sflag:s30] =	ssyncadd.s32 $0xFFFFC000  }
0x39: {  	_ =	swait.ge [sflag:s26], $0x4000  }
0x3a: {  	[sflag:s26] =	ssyncset.done $0x0  }
0x3b: {  	[sflag:s26] =	ssyncadd.s32 $0xFFFFC000  }
0x3c: {  	[tilespmem:s21], [sflag:$0x1] =	stream.indirect.gather [spmem:s2], $0x80, s23, s19, $0xb8;
	[tilespmem:$0x1C800] =	vst v63  }
0x3d: {  	s18 =	rddreg [dreg:$0x6]  }
0x3e: {  	[hbm4b:s18+s3] =	stream.linear.scatter [tilespmem:s31], [sflag:$0x2], $0x4000, $0x38;
	[tilespmem:$0x1C800] =	vst v63  }
0x3f: {  	_ =	swait.ge [sflag:s30], $0x4000  }
0x40: {  	[sflag:s30] =	ssyncset.done $0x0  }
0x41: {  	[sflag:s30] =	ssyncadd.s32 $0xFFFFC000  }
0x42: {  	_ =	swait.ge [sflag:s26], $0x4000  }
0x43: {  	[sflag:s26] =	ssyncset.done $0x0  }
0x44: {  	[sflag:s26] =	ssyncadd.s32 $0xFFFFC000  }
0x45: {  	[tilespmem:s31], [sflag:$0x1] =	stream.indirect.gather [spmem:s2], $0x80, s24, s19, $0xb8;
	[tilespmem:$0x1C800] =	vst v63  }
0x46: {  	s29 =	rddreg [dreg:$0x7]  }
0x47: {  	[hbm4b:s29+s3] =	stream.linear.scatter [tilespmem:s21], [sflag:$0x2], $0x4000, $0x38;
	[tilespmem:$0x1C800] =	vst v63  }
0x48: {  	_ =	swait.ge [sflag:s30], $0x4000  }
0x49: {  	[sflag:s30] =	ssyncset.done $0x0  }
0x4a: {  	[sflag:s30] =	ssyncadd.s32 $0xFFFFC000  }
0x4b: {  	_ =	swait.ge [sflag:s26], $0x4000  }
0x4c: {  	[sflag:s26] =	ssyncset.done $0x0  }
0x4d: {  	[sflag:s26] =	ssyncadd.s32 $0xFFFFC000  }
0x4e: {  	[tilespmem:s21], [sflag:$0x1] =	stream.indirect.gather [spmem:s2], $0x80, s25, s19, $0xb8;
	[tilespmem:$0x1C800] =	vst v63  }
0x4f: {  	_ = 	snop  }
0x50: {  	[hbm4b:s13+s3] =	stream.linear.scatter [tilespmem:s31], [sflag:$0x2], $0x4000, $0x38;
	[tilespmem:$0x1C800] =	vst v63  }
0x51: {  	_ =	swait.ge [sflag:s30], $0x4000  }
0x52: {  	[sflag:s30] =	ssyncset.done $0x0  }
0x53: {  	s0 =	sadd.s32 $0x1, s0;
	[sflag:s30] =	ssyncadd.s32 $0xFFFFC000  }
0x54: {  	[hbm4b:s14+s3] =	stream.linear.scatter [tilespmem:s21], [sflag:$0x2], $0x4000, $0x38;
	[tilespmem:$0x1C800] =	vst v63  }
0x55: {  	p0 =	sne.s32 s0, s17;
	_ =	swait.ge [sflag:s26], $0x4000  }
.Ltmp1:
0x56: {  	[sflag:s26] =	ssyncset.done $0x0;
	(pc) =	sbr.rel @!p0 .LBB2_12-.Ltmp1, $4  }
0x57: {  	[sflag:s26] =	ssyncadd.s32 $0xFFFFC000  }
0x58: {  	_ =	swait.ge [sflag:s26], $0x4000  }
0x59: {  	[sflag:s26] =	ssyncset.done $0x0  }
0x5a: {  	[sflag:s26] =	ssyncadd.s32 $0xFFFFC000  }
.LBB2_1:
0x5b: {  	s1 =	rddreg [dreg:$0x3]  }
0x5c: {  	[tilespmem:s3], [sflag:$0x3] =	stream.linear.gather [hbm4b:s1+s3], $0x80, $0x38;
	[tilespmem:$0x1C800] =	vst v63  }
0x5d: {  	s29 =	rddreg [dreg:$0x4];
	s8 =	simm.s32 $0x200  }
0x5e: {  	[tilespmem:s8], [sflag:$0x3] =	stream.linear.gather [hbm4b:s29+s3], $0x80, $0x38;
	[tilespmem:$0x1C800] =	vst v63  }
0x5f: {  	s1 =	simm.s32 $0x0;
	s8 =	simm.s32 $0x200  }
.LBB2_2:
0x60: {  	p0 =	sne.s32 s8, $0xFE00;
	[tilespmem:s1+$0x870] =	vst v40  }
0x61: {  	[tilespmem:s1+$0x800] =	vst v40  }
0x62: {  	[tilespmem:s1+$0x810] =	vst v40  }
.Ltmp2:
0x63: {  	[tilespmem:s1+$0x820] =	vst v40;
	(pc) =	sbr.rel @p0 .LBB2_2-.Ltmp2, $4  }
0x64: {  	[tilespmem:s1+$0x830] =	vst v40  }
0x65: {  	[tilespmem:s1+$0x840] =	vst v40  }
0x66: {  	[tilespmem:s1+$0x850] =	vst v40  }
0x67: {  	[tilespmem:s1+$0x860] =	vst v40;
	s1 =	sshra.s32 s8, $0x2;
	s8 =	sadd.s32 $0x200, s8  }
0x68: {  	[tilespmem:s1+$0x870] =	vst v40  }
0x69: {  	[tilespmem:s1+$0x800] =	vst v40  }
0x6a: {  	[tilespmem:s1+$0x810] =	vst v40  }
0x6b: {  	[tilespmem:s1+$0x820] =	vst v40  }
0x6c: {  	[tilespmem:s1+$0x830] =	vst v40  }
0x6d: {  	[tilespmem:s1+$0x840] =	vst v40  }
0x6e: {  	[tilespmem:s1+$0x850] =	vst v40  }
0x6f: {  	[tilespmem:s1+$0x860] =	vst v40  }
0x70: {  	[tilespmem:$0x400] =	vst v25  }
0x71: {  	[tilespmem:$0x410] =	vst v0  }
0x72: {  	[tilespmem:$0x420] =	vst v1  }
0x73: {  	[tilespmem:$0x430] =	vst v2  }
0x74: {  	[tilespmem:$0x440] =	vst v3  }
0x75: {  	[tilespmem:$0x450] =	vst v4  }
0x76: {  	[tilespmem:$0x460] =	vst v5  }
0x77: {  	[tilespmem:$0x470] =	vst v6  }
0x78: {  	[tilespmem:$0x480] =	vst v7  }
0x79: {  	[tilespmem:$0x490] =	vst v8  }
0x7a: {  	[tilespmem:$0x4A0] =	vst v9  }
0x7b: {  	[tilespmem:$0x4B0] =	vst v10  }
0x7c: {  	[tilespmem:$0x4C0] =	vst v11  }
0x7d: {  	[tilespmem:$0x4D0] =	vst v12  }
0x7e: {  	[tilespmem:$0x4E0] =	vst v13  }
0x7f: {  	[tilespmem:$0x4F0] =	vst v14  }
0x80: {  	[tilespmem:$0x500] =	vst v15  }
0x81: {  	[tilespmem:$0x510] =	vst v16  }
0x82: {  	[tilespmem:$0x520] =	vst v17  }
0x83: {  	[tilespmem:$0x530] =	vst v18  }
0x84: {  	[tilespmem:$0x540] =	vst v19  }
0x85: {  	[tilespmem:$0x550] =	vst v20  }
0x86: {  	[tilespmem:$0x560] =	vst v21  }
0x87: {  	[tilespmem:$0x570] =	vst v22  }
0x88: {  	[tilespmem:$0x580] =	vst v23  }
0x89: {  	[tilespmem:$0x590] =	vst v24  }
0x8a: {  	[tilespmem:$0x5A0] =	vst v26  }
0x8b: {  	[tilespmem:$0x5B0] =	vst v27  }
0x8c: {  	[tilespmem:$0x5C0] =	vst v28  }
0x8d: {  	[tilespmem:$0x5D0] =	vst v29  }
0x8e: {  	[tilespmem:$0x5E0] =	vst v30  }
0x8f: {  	[tilespmem:$0x5F0] =	vst v31  }
0x90: {  	[tilespmem:$0x600] =	vst v32  }
0x91: {  	[tilespmem:$0x610] =	vst v33  }
0x92: {  	[tilespmem:$0x620] =	vst v34  }
0x93: {  	[tilespmem:$0x630] =	vst v35  }
0x94: {  	[tilespmem:$0x640] =	vst v36  }
0x95: {  	[tilespmem:$0x650] =	vst v37  }
0x96: {  	[tilespmem:$0x660] =	vst v38  }
0x97: {  	[tilespmem:$0x670] =	vst v39  }
0x98: {  	[spmem:s2] =	stream.indirect.scatter [tilespmem:s21], [sflag:$0x2], $0x80, s20, s19, $0xb8;
	[tilespmem:$0x1C800] =	vst v63  }
0x99: {  	_ = 	snop  }
0x9a: {  	[spmem:s2] =	stream.indirect.scatter [tilespmem:s21], [sflag:$0x2], $0x80, s22, s19, $0xb8;
	[tilespmem:$0x1C800] =	vst v63  }
0x9b: {  	_ = 	snop  }
0x9c: {  	[spmem:s2] =	stream.indirect.scatter [tilespmem:s21], [sflag:$0x2], $0x80, s23, s19, $0xb8;
	[tilespmem:$0x1C800] =	vst v63  }
0x9d: {  	_ = 	snop  }
0x9e: {  	[spmem:s2] =	stream.indirect.scatter [tilespmem:s21], [sflag:$0x2], $0x80, s24, s19, $0xb8;
	[tilespmem:$0x1C800] =	vst v63  }
0x9f: {  	_ = 	snop  }
0xa0: {  	[spmem:s2] =	stream.indirect.scatter [tilespmem:s21], [sflag:$0x2], $0x80, s25, s19, $0xb8;
	[tilespmem:$0x1C800] =	vst v63  }
0xa1: {  	_ =	swait.ge [sflag:s26], $0x4000  }
0xa2: {  	[sflag:s26] =	ssyncset.done $0x0  }
0xa3: {  	[sflag:s26] =	ssyncadd.s32 $0xFFFFC000  }
0xa4: {  	_ =	swait.ge [sflag:s26], $0x4000  }
0xa5: {  	[sflag:s26] =	ssyncset.done $0x0  }
0xa6: {  	[sflag:s26] =	ssyncadd.s32 $0xFFFFC000  }
0xa7: {  	_ =	swait.ge [sflag:s26], $0x4000  }
0xa8: {  	[sflag:s26] =	ssyncset.done $0x0  }
0xa9: {  	[sflag:s26] =	ssyncadd.s32 $0xFFFFC000  }
0xaa: {  	_ =	swait.ge [sflag:s26], $0x4000  }
0xab: {  	[sflag:s26] =	ssyncset.done $0x0  }
0xac: {  	[sflag:s26] =	ssyncadd.s32 $0xFFFFC000  }
0xad: {  	_ =	swait.ge [sflag:s26], $0x4000  }
0xae: {  	[sflag:s26] =	ssyncset.done $0x0  }
0xaf: {  	[sflag:s26] =	ssyncadd.s32 $0xFFFFC000  }
0xb0: {  	[bflag:$0x0] =	sbarrier.arrive $0xFFFF  }
0xb1: {  	_ =	swait.ge [sflag:s28], $0x80  }
0xb2: {  	[sflag:s28] =	ssyncset.done $0x0  }
0xb3: {  	[sflag:s28] =	ssyncadd.s32 $0xFFFFFF80  }
0xb4: {  	_ =	swait.ge [sflag:s28], $0x80  }
0xb5: {  	[sflag:s28] =	ssyncset.done $0x0  }
0xb6: {  	s18 =	simm.s32 $0x0;
	[sflag:s28] =	ssyncadd.s32 $0xFFFFFF80  }
0xb7: {  	[tilespmem:s19], [sflag:$0x3] =	stream.linear.gather [hbm4b:s15+s18], $0x80, $0x38;
	[tilespmem:$0x1C800] =	vst v63  }
.Ltmp3:
0xb8: {  	_ = 	snop;
	(pc) =	sbr.rel .LBB2_4-.Ltmp3, $4  }
0xb9: {  	s29 =	simm.s32 $0x280  }
0xba: {  	[tilespmem:s29], [sflag:$0x3] =	stream.linear.gather [hbm4b:s16+s18], $0x80, $0x38;
	[tilespmem:$0x1C800] =	vst v63  }
0xbb: {  	s1 =	simm.s32 $0x100  }
0xbc: {  	[tilespmem:s21], [sflag:$0x1] =	stream.indirect.gather [hbm4b:s7+s19], $0x80, s18, s19, $0xb8;
	[tilespmem:$0x1C800] =	vst v63  }
.LBB2_7:
0xbd: {  	[tilespmem:s31], [sflag:$0x1] =	stream.indirect.gather [hbm4b:s7+s19], $0x80, s12, s19, $0xb8;
	[tilespmem:$0x1C800] =	vst v63  }
.LBB2_9:
0xbe: {  	s10 =	sadd.s32 $0x156, s10  }
0xbf: {  	s10 =	sshrl.u32 s10, $0x9  }
0xc0: {  	s10 =	sand.u32 $0x7F, s10  }
0xc1: {  	s10 =	smul.u32 $0x3, s10  }
0xc2: {  	s11 =	sand.u32 $0x7C00, s1  }
0xc3: {  	s12 =	sand.u32 $0x380, s1;
	s11 =	sadd.s32 s6, s11;
	s10 =	ssub.s32 s18, s10  }
0xc4: {  	s11 =	sor.u32 s12, s11;
	s10 =	sadd.s32 $0x2, s10  }
0xc5: {  	s11 =	sshrl.u32 s11, $0x3;
	s10 =	sand.u32 $0xFF, s10  }
0xc6: {  	s18 =	sadd.s32 s4, s11;
	s10 =	sshll.u32 s10, $0x7  }
0xc7: {  	[tilespmem:s10], [sflag:$0x3] =	stream.linear.gather [hbm4b:s18+s3], $0x80, $0x38;
	[tilespmem:$0x1C800] =	vst v63  }
0xc8: {  	s11 =	sadd.s32 s5, s11;
	s10 =	sadd.s32 $0x200, s10  }
0xc9: {  	[tilespmem:s10], [sflag:$0x3] =	stream.linear.gather [hbm4b:s11+s3], $0x80, $0x38;
	[tilespmem:$0x1C800] =	vst v63  }
.LBB2_10:
0xca: {  	p0 =	sne.s32 s9, $0x4F  }
.Ltmp4:
0xcb: {  	_ = 	snop;
	(pc) =	sbr.rel @!p0 .LBB2_11-.Ltmp4, $4  }
0xcc: {  	_ = 	snop  }
0xcd: {  	s8 =	sshll.u32 s8, $0x7  }
0xce: {  	s1 =	sadd.s32 $0x80, s1;
	s18 =	smov.u32 s9;
	s8 =	sadd.s32 $0x200, s8  }
0xcf: {  	[spmem:s2] =	stream.indirect.scatter.add.f32 [tilespmem:s29], [sflag:$0x2], $0x80, s8, s19, $0xb8;
	[tilespmem:$0x1C800] =	vst v63  }
.LBB2_4:
0xd0: {  	s10 =	smul.u32 $0xAB, s18;
	_ =	sdelay $0x1  }
0xd1: {  	p0 =	sne.s32 s18, $0x4E;
	s8 =	sshrl.u32 s10, $0x9  }
.Ltmp5:
0xd2: {  	s8 =	sand.u32 $0x7F, s8;
	(pc) =	sbr.rel @!p0 .LBB2_5-.Ltmp5, $4  }
0xd3: {  	s8 =	smul.u32 $0x3, s8  }
0xd4: {  	s9 =	sand.u32 $0x1, s18;
	_ =	swait.ge [sflag:s30], $0x4000  }
0xd5: {  	s11 =	sshll.u32 s9, $0xE;
	[sflag:s30] =	ssyncset.done $0x0;
	s8 =	ssub.s32 s18, s8  }
0xd6: {  	s29 =	sor.u32 $0x800, s11;
	[sflag:s30] =	ssyncadd.s32 $0xFFFFC000;
	s8 =	sand.u32 $0xFF, s8  }
0xd7: {  	s9 =	sadd.s32 $0x1, s18  }
0xd8: {  	s12 =	smul.u32 $0xAB, s9;
	_ =	sdelay $0x1  }
0xd9: {  	s12 =	sshrl.u32 s12, $0x9  }
0xda: {  	s12 =	sand.u32 $0x7F, s12  }
0xdb: {  	_ =	swait.ge [sflag:s28], $0x80;
	p0 =	sne.s32 s18, $0x0;
	s12 =	smul.u32 $0x3, s12  }
.Ltmp6:
0xdc: {  	[sflag:s28] =	ssyncset.done $0x0;
	(pc) =	sbr.rel @!p0 .LBB2_7-.Ltmp6, $4  }
0xdd: {  	[sflag:s28] =	ssyncadd.s32 $0xFFFFFF80  }
0xde: {  	_ =	swait.ge [sflag:s28], $0x80;
	s12 =	ssub.s32 s9, s12  }
0xdf: {  	[sflag:s28] =	ssyncset.done $0x0;
	s12 =	sand.u32 $0xFF, s12  }
0xe0: {  	[sflag:s28] =	ssyncadd.s32 $0xFFFFFF80;
	s12 =	sshll.u32 s12, $0x7  }
0xe1: {  	p0 =	sgt.u32 s18, $0x4C  }
.Ltmp7:
0xe2: {  	_ = 	snop;
	(pc) =	sbr.rel @p0 .LBB2_10-.Ltmp7, $4  }
.Ltmp8:
0xe3: {  	_ =	swait.ge [sflag:s26], $0x4000;
	(pc) =	sbr.rel @!p0 .LBB2_9-.Ltmp8, $4  }
0xe4: {  	[sflag:s26] =	ssyncset.done $0x0  }
0xe5: {  	s11 =	sxor.u32 $0x4800, s11;
	[sflag:s26] =	ssyncadd.s32 $0xFFFFC000  }
0xe6: {  	[tilespmem:s11], [sflag:$0x1] =	stream.indirect.gather [hbm4b:s7+s19], $0x80, s12, s19, $0xb8;
	[tilespmem:$0x1C800] =	vst v63  }
0xe7: {  	_ = 	snop  }
.LBB2_12:
0xe8: {  	_ =	sfence.sel $0x180000  }
0xe9: {  	[bflag:$0x0] =	sbarrier.arrive $0xFFFF  }
0xea: {  	_ =	strace $0x9000004D  }
0xeb: {  	s0 =	stileid.u32;
	[bflag:$0x2] =	sbarrier.arrive $0xFFFF  }
0xec: {  	p0 =	sne.s32 s0, $0x0;
	s0 =	rddreg [dreg:$0x2]  }
0xed: {  	s0 =	sadd.s32 @!p0 $0x100000, s0  }
0xee: {  	[sflag:s0] =	ssyncadd.tile.s32 @!p0 $0x1;
	_ =	shalt  }
.Lfunc_end2:
_tile_overlayer_lowered:
.L_overlay_start_2:
0xef: {  	(tag) =	ssettag $0x2  }
0xf0: {  	s0 =	rddreg [dreg:$0x0];
	s2 =	stileid.u32  }
0xf1: {  	s1 =	rddreg [dreg:$0x1];
	p0 =	sne.s32 s2, $0x0  }
0xf2: {  	s3 =	rddreg [dreg:$0x2];
	[bflag:$0x3] =	sbarrier.arrive $0xFFFF;
	s2 =	simm.s32 @!p0 $0x1C04  }
0xf3: {  	[timem:s3], [sflag:s2] =	dma.local @!p0 [hbm:s0], s1  }
0xf4: {  	s0 =	simm.s32 @!p0 $0x4  }
0xf5: {  	_ =	swait.ge @!p0 [sflag:s0], s1  }
0xf6: {  	s1 =	ssub.s32 @!p0 $0x0, s1;
	[sflag:s0] =	ssyncset.done @!p0 $0x0  }
0xf7: {  	[sflag:s0] =	ssyncadd.s32 @!p0 s1  }
0xf8: {  	[bflag:$0x3] =	sbarrier.arrive $0xFFFF  }
0xf9: {  	_ =	shalt  }

// kernel: kernel.8.cloned.1.call-start
scs
__scs_entry_jumppad:
0x0: {  	(pc) =	sbr.rel $0x88, $3  }
0x1: {  	(tag) =	ssettag $0x0;
	lr =	simm.s32 $0x1  }
0x2: {  	[smem:$0x3F97] =	sst lr;
	_ =	strace $0xD0000000  }
0x3: {  	_ = 	snop  }
0x4: {  	_ = 	snop  }
0x5: {  	_ = 	snop  }
0x6: {  	_ = 	snop  }
0x7: {  	_ = 	snop  }
__scs_overlays_trampoline_lowered:
0x8: {  	[smem:$0x3FA6] =	sst s0  }
0x9: {  	[smem:$0x3FA7] =	sst s1  }
0xa: {  	[smem:$0x3FA8] =	sst s2  }
0xb: {  	[smem:$0x3FA9] =	sst s3  }
0xc: {  	[smem:$0x3FAA] =	sst s4  }
0xd: {  	[smem:$0x3FAB] =	sst s5  }
0xe: {  	[smem:$0x3FAC] =	sst s6  }
0xf: {  	[smem:$0x3FAD] =	sst s7  }
0x10: {  	[smem:$0x3FAE] =	sst s8  }
0x11: {  	[smem:$0x3FAF] =	sst s9;
	s0 =	simm.s32 @!p0 $0x0  }
0x12: {  	s1 =	sld [smem:$0x3F95];
	s0 =	simm.s32 @p0 $0x1  }
0x13: {  	[smem:$0x3FB0] =	sst s0;
	s0 =	simm.s32 @!p1 $0x0  }
0x14: {  	s2 =	sld [smem:$0x3F94];
	s0 =	simm.s32 @p1 $0x1  }
0x15: {  	[smem:$0x3FB1] =	sst s0;
	s0 =	simm.s32 @!p2 $0x0  }
0x16: {  	s3 =	sld [smem:$0x3FDB];
	s0 =	simm.s32 @p2 $0x1  }
0x17: {  	s4 =	simm.s32 $0x1BF5;
	[smem:$0x3FB3] =	sst s0  }
0x18: {  	s0 =	sld [smem:$0x3F96];
	_ =	swait.ge [sflag:s4], $0x0  }
0x19: {  	s7 =	sld [smem:$0x3F97]  }
0x1a: {  	s8 =	sadd.s32 $0xFFFFE003, lr  }
0x1b: {  	s9 =	sadd.s32 $0xFFFFFEF7, lr;
	s5 =	simm.s32 $0xFFFFFFFF;
	p2 =	slt.u32 s8, $0xFFFFF086  }
0x1c: {  	p1 =	slt.u32 s9, $0xF7A;
	s5 =	simm.s32 @!p2 $0x0  }
0x1d: {  	s5 =	simm.s32 @p1 $0x1;
	p0 =	seq.s32 s7, s2  }
0x1e: {  	s7 =	smul.u32 @!p0 $0xF7A, s2;
	p2 =	seq.s32 @!p0 s5, $0x0  }
0x1f: {  	s9 =	smul.u32 $0xF7A, s1;
	s8 =	simm.s32 @!p0 $0x1BF5;
	p2 =	por !p2, p0  }
0x20: {  	[sflag:s8] =	ssyncset.s32 @!p0 $0xFFFFF086;
	s6 =	sadd.s32 @!p0 s3, s7;
	s7 =	simm.s32 @!p0 $0x108  }
0x21: {  	s3 =	sadd.s32 s3, s9;
	s6 =	sadd.s32 @!p0 $0x88, s6;
	s7 =	simm.s32 @p2 $0x1082  }
0x22: {  	[simem:s7], [sflag:s8] =	dma.local @!p0 [hbm:s6], $0xF7A  }
0x23: {  	s9 =	sor.u32 $0xD0000000, s2;
	s6 =	simm.s32 $0x108;
	_ =	swait.ge @!p0 [sflag:s8], $0x0  }
0x24: {  	s3 =	sadd.s32 $0x88, s3;
	s6 =	simm.s32 @!p1 $0x1082;
	[sflag:s4] =	ssyncset.s32 $0xFFFFF086  }
0x25: {  	[simem:s6], [sflag:s4] =	dma.local [hbm:s3], $0xF7A  }
0x26: {  	[smem:$0x3F97] =	sst s1;
	(tag) =	ssettag s2;
	_ =	strace s9  }
0x27: {  	s1 =	sld [smem:$0x3FA7]  }
0x28: {  	s2 =	sld [smem:$0x3FA8]  }
0x29: {  	s4 =	sld [smem:$0x3FAA]  }
0x2a: {  	p0 =	seq.s32 s5, $0x0;
	s5 =	sld [smem:$0x3FAB]  }
0x2b: {  	s6 =	sld [smem:$0x3FAC]  }
0x2c: {  	s7 =	sld [smem:$0x3FAD]  }
0x2d: {  	s3 =	simm.s32 $0x108;
	s8 =	sld [smem:$0x3FAE]  }
0x2e: {  	s3 =	simm.s32 @!p0 $0x1082;
	s9 =	sld [smem:$0x3FAF]  }
0x2f: {  	lr =	sadd.s32 s0, s3;
	s0 =	sld [smem:$0x3FA6]  }
0x30: {  	s3 =	sld [smem:$0x3FA9]  }
0x31: {  	[smem:$0x3FB2] =	sst s10  }
0x32: {  	s10 =	sld [smem:$0x3FB0];
	_ =	sdelay $0x3  }
0x33: {  	p0 =	seq.s32 s10, $0x1;
	s10 =	sld [smem:$0x3FB2];
	_ =	sdelay $0x3  }
0x34: {  	[smem:$0x3FB2] =	sst s10  }
0x35: {  	s10 =	sld [smem:$0x3FB1];
	_ =	sdelay $0x3  }
0x36: {  	p1 =	seq.s32 s10, $0x1;
	s10 =	sld [smem:$0x3FB2];
	_ =	sdelay $0x3  }
0x37: {  	[smem:$0x3FB2] =	sst s10  }
0x38: {  	s10 =	sld [smem:$0x3FB3]  }
0x39: {  	_ = 	snop;
	(pc) =	sbr.ind lr, $3  }
0x3a: {  	_ = 	snop  }
0x3b: {  	_ = 	snop  }
0x3c: {  	p2 =	seq.s32 s10, $0x1;
	s10 =	sld [smem:$0x3FB2]  }
0x3d: {  	_ =	shalt  }
0x3e: {  	_ =	shalt  }
0x3f: {  	_ =	shalt  }
0x40: {  	_ =	shalt  }
0x41: {  	_ =	shalt  }
0x42: {  	_ =	shalt  }
0x43: {  	_ =	shalt  }
0x44: {  	_ =	shalt  }
0x45: {  	_ =	shalt  }
0x46: {  	_ =	shalt  }
0x47: {  	_ =	shalt  }
0x48: {  	_ =	shalt  }
0x49: {  	_ =	shalt  }
0x4a: {  	_ =	shalt  }
0x4b: {  	_ =	shalt  }
0x4c: {  	_ =	shalt  }
0x4d: {  	_ =	shalt  }
0x4e: {  	_ =	shalt  }
0x4f: {  	_ =	shalt  }
0x50: {  	_ =	shalt  }
0x51: {  	_ =	shalt  }
0x52: {  	_ =	shalt  }
0x53: {  	_ =	shalt  }
0x54: {  	_ =	shalt  }
0x55: {  	_ =	shalt  }
0x56: {  	_ =	shalt  }
0x57: {  	_ =	shalt  }
0x58: {  	_ =	shalt  }
0x59: {  	_ =	shalt  }
0x5a: {  	_ =	shalt  }
0x5b: {  	_ =	shalt  }
0x5c: {  	_ =	shalt  }
0x5d: {  	_ =	shalt  }
0x5e: {  	_ =	shalt  }
0x5f: {  	_ =	shalt  }
0x60: {  	_ =	shalt  }
0x61: {  	_ =	shalt  }
0x62: {  	_ =	shalt  }
0x63: {  	_ =	shalt  }
0x64: {  	_ =	shalt  }
0x65: {  	_ =	shalt  }
0x66: {  	_ =	shalt  }
0x67: {  	_ =	shalt  }
0x68: {  	_ =	shalt  }
0x69: {  	_ =	shalt  }
0x6a: {  	_ =	shalt  }
0x6b: {  	_ =	shalt  }
0x6c: {  	_ =	shalt  }
0x6d: {  	_ =	shalt  }
0x6e: {  	_ =	shalt  }
0x6f: {  	_ =	shalt  }
0x70: {  	_ =	shalt  }
0x71: {  	_ =	shalt  }
0x72: {  	_ =	shalt  }
0x73: {  	_ =	shalt  }
0x74: {  	_ =	shalt  }
0x75: {  	_ =	shalt  }
0x76: {  	_ =	shalt  }
0x77: {  	_ =	shalt  }
0x78: {  	_ =	shalt  }
0x79: {  	_ =	shalt  }
0x7a: {  	_ =	shalt  }
0x7b: {  	_ =	shalt  }
0x7c: {  	_ =	shalt  }
0x7d: {  	_ =	shalt  }
0x7e: {  	_ =	shalt  }
0x7f: {  	_ =	shalt  }
0x80: {  	_ =	shalt  }
0x81: {  	_ =	shalt  }
0x82: {  	_ =	shalt  }
0x83: {  	_ =	shalt  }
0x84: {  	_ =	shalt  }
0x85: {  	_ =	shalt  }
0x86: {  	_ =	shalt  }
0x87: {  	_ =	shalt  }
.Lfunc_end0:
.L_simem_size_0:
called_computation_lowered:
.L_overlay_start_0:
0x88: {  	s2 =	sld [smem:$0x3FD9]  }
0x89: {  	s3 =	sld [smem:$0x3FFE];
	_ =	sdelay $0x1  }
0x8a: {  	s1 =	srdreg.scid  }
0x8b: {  	s0 =	sand.u32 $0x1, s1  }
0x8c: {  	s17 =	sshll.u32 s0, $0xA;
	s2 =	sadd.s32 s3, s2  }
0x8d: {  	s2 =	sadd.s32 s2, s17  }
0x8e: {  	[smem:$0x3FBE] =	sst s2  }
0x8f: {  	_ = 	snop  }
0x90: {  	s2 =	sld [smem:$0x3FD0];
	(tm) =	ssettm $0x1  }
0x91: {  	s18 =	sld [smem:$0x3FFB];
	_ =	sdelay $0x3  }
0x92: {  	_ =	strace s18  }
0x93: {  	s3 =	sld [smem:$0x3FFC];
	_ =	sdelay $0x3  }
0x94: {  	_ =	strace s3  }
0x95: {  	s3 =	sld [smem:$0x3FFD];
	_ =	sdelay $0x3  }
0x96: {  	_ =	strace s3  }
0x97: {  	_ =	strace $0x8FFFFFFF  }
0x98: {  	s19 =	sld [smem:$0x3FDB];
	_ =	sdelay $0x1  }
0x99: {  	s4 =	simm.s32 $_scs_section_size  }
0x9a: {  	s5 =	simm.s32 $_size__tile_overlayer_lowered;
	s6 =	simm.s32 $_tile_overlayer_lowered  }
0x9b: {  	s22 =	simm.s32 $0x1BFF;
	s21 =	sshll.u32 s6, $0x1;
	s3 =	sadd.s32 s4, s19  }
0x9c: {  	s7 =	simm.s32 $0x0;
	s20 =	sshll.u32 s5, $0x1;
	s5 =	sadd.s32 s21, s3  }
0x9d: {  	[timem:s7], [sflag:s22] =	dma.local [hbm:s5], s20  }
0x9e: {  	_ =	swait.ge [sflag:s22], s20  }
0x9f: {  	s4 =	ssub.s32 $0x0, s20;
	[sflag:s22] =	ssyncset.done $0x0  }
0xa0: {  	[sflag:s22] =	ssyncadd.s32 s4;
	_ =	sdelay $0x1  }
0xa1: {  	s23 =	simm.s32 $0x1B8B  }
0xa2: {  	_ =	swait.ge [sflag:s23], $0x1  }
0xa3: {  	[sflag:s23] =	ssyncset.done $0x0  }
0xa4: {  	s25 =	simm.s32 $0x1B8E;
	s24 =	sld [smem:$0x3FFE];
	[sflag:s23] =	ssyncadd.s32 $0xFFFFFFFF  }
0xa5: {  	s26 =	simm.s32 $execute0_lowered;
	[smem:$0x3FD2] =	sst s25  }
0xa6: {  	s5 =	sshll.u32 s26, $0x1;
	_ =	strace $0x80000046;
	[dreg:$0x1] =	wrdreg $0xFFFFFFFF  }
0xa7: {  	s28 =	simm.s32 $_size_execute0_lowered;
	s3 =	sadd.s32 s3, s5;
	[dreg:$0x0] =	wrdreg $0x0  }
0xa8: {  	s5 =	sshll.u32 s28, $0x1;
	[dreg:$0x2] =	wrdreg s3  }
0xa9: {  	[dreg:$0x3] =	wrdreg s5  }
0xaa: {  	[dreg:$0x4] =	wrdreg $0xC0  }
0xab: {  	_ =	task [dreg:s7], $0x5FFFF  }
0xac: {  	[dreg:$0x1] =	wrdreg $0xFFFFFFFF  }
0xad: {  	[dreg:$0x0] =	wrdreg $0x60  }
0xae: {  	[dreg:$0x2] =	wrdreg s24  }
0xaf: {  	[dreg:$0x3] =	wrdreg s2  }
0xb0: {  	[dreg:$0x4] =	wrdreg $0x9  }
0xb1: {  	_ =	task.clear_ibuf [dreg:s7], $0x5FFFF;
	_ =	strace $0x90000046  }
0xb2: {  	s29 =	simm.s32 $0x9;
	_ =	strace $0x80000048  }
0xb3: {  	_ =	swait.ge [sflag:s29], $0x1  }
0xb4: {  	[sflag:s29] =	ssyncadd.s32 $0xFFFFFFFF  }
0xb5: {  	_ =	strace $0x90000048  }
0xb6: {  	_ =	sfence  }
0xb7: {  	s30 =	sld [smem:$0x0];
	_ =	sdelay $0x2  }
0xb8: {  	s31 =	sshll.u32 s1, $0xD;
	s1 =	sshrl.u32 s1, $0x2  }
0xb9: {  	s3 =	sand.u32 $0x4000, s31;
	s1 =	sadd.s32 s1, s30  }
0xba: {  	s0 =	sor.u32 s3, s0;
	s1 =	sshll.u32 s1, $0x11  }
0xbb: {  	s0 =	sor.u32 s1, s0  }
0xbc: {  	s0 =	sadd.s32 $0x8F2B, s0  }
0xbd: {  	[sflag:s0] =	ssyncadd.remote.s32 $0x1  }
0xbe: {  	_ =	sfence.sel $0xFFFF  }
0xbf: {  	[dreg:$0x0] =	wrdreg $0xFFFFFFFF;
	(pc) =	sbr.abs _section_cstart, $3  }
0xc0: {  	[dreg:$0x1] =	wrdreg $0xFFFFFFFF  }
0xc1: {  	_ =	task.clear_ibuf [dreg:s7], $0x2FFFF;
	_ =	strace $0x9FFFFFFF  }
0xc2: {  	(tm) =	ssettm $0x7FFFFFFF  }
0xc3: {  	_ =	shalt  }
tec
execute0_lowered:
.L_overlay_start_1:
0x0: {  	(tag) =	ssettag $0x1  }
0x1: {  	s1 =	srdreg.scid  }
0x2: {  	s0 =	stileid.u32;
	s3 =	rddreg [dreg:$0x0]  }
0x3: {  	s5 =	rddreg [dreg:$0x1];
	s2 =	simm.s32 $0x0;
	s9 =	simm.s32 $0x1  }
0x4: {  	s10 =	simm.s32 $0x5000;
	s11 =	simm.s32 $0x7800;
	s12 =	simm.s32 $0x80  }
0x5: {  	s13 =	simm.s32 $0x100;
	s4 =	sand.u32 $0x1, s1;
	s31 =	sshll.u32 s0, $0x1  }
0x6: {  	s14 =	simm.s32 $0x2;
	s15 =	simm.s32 $0x0;
	s6 =	sor.u32 s4, s31  }
0x7: {  	s1 =	rddreg [dreg:$0x2];
	s4 =	ssub.s32 $0x2, s4;
	s7 =	smul.u32 $0x500, s6  }
0x8: {  	[smem:$0x7FF] =	sst s2;
	s6 =	smul.u32 $0xA00, s6;
	s8 =	sshrl.u32 s4, $0x1  }
0x9: {  	_ =	strace $0x80000047;
	s8 =	ssub.s32 s4, s8;
	s7 =	sadd.s32 s7, s3  }
0xa: {  	s3 =	sadd.s32 s5, s6;
	s4 =	sadd.s32 $0x2A00, s7;
	s5 =	sadd.s32 $0xCA00, s7  }
0xb: {  	v0 =	vimm.f32 $0.0e+00;
	v1 =	vimm.f32 $1.000000000e+00;
	s6 =	sadd.s32 $0x10, s3;
	s7 =	smax.u32 s8, $0x1;
	s8 =	simm.s32 $0x2800  }
.LBB2_1:
0xc: {  	[tilespmem:s2], [sflag:$0x1] =	stream.linear.gather [hbm4b:s4+s2], $0x2780, $0x38;
	[tilespmem:$0xA000] =	vst v63  }
0xd: {  	s16 =	simm.s32 $0x40;
	s17 =	simm.s32 $0x0  }
0xe: {  	[tilespmem:s8], [sflag:$0x1] =	stream.linear.gather [hbm4b:s5+s2], $0x2780, $0x38;
	[tilespmem:$0xA000] =	vst v63  }
.LBB2_2:
0xf: {  	p0 =	sne.s32 s16, $0x9FC0;
	[tilespmem:s17+$0x5000] =	vst v0;
	s18 =	smov.u32 s16;
	s16 =	sadd.s32 $0x40, s16  }
.Ltmp0:
0x10: {  	[tilespmem:s17+$0x7800] =	vst v0;
	(pc) =	sbr.rel @p0 .LBB2_2-.Ltmp0, $2  }
0x11: {  	_ =	sdelay $0x2  }
0x12: {  	s17 =	sshra.s32 s18, $0x2  }
0x13: {  	[tilespmem:s17+$0x5000] =	vst v0  }
0x14: {  	[tilespmem:s17+$0x7800] =	vst v0  }
0x15: {  	_ =	swait.ge [sflag:s9], $0x2780  }
0x16: {  	[sflag:s9] =	ssyncset.done $0x0  }
0x17: {  	[sflag:s9] =	ssyncadd.s32 $0xFFFFD880  }
0x18: {  	_ =	swait.ge [sflag:s9], $0x2780  }
0x19: {  	[sflag:s9] =	ssyncset.done $0x0  }
0x1a: {  	s16 =	simm.s32 $0x0;
	[sflag:s9] =	ssyncadd.s32 $0xFFFFD880  }
.LBB2_4:
0x1b: {  	s17 =	sshra.s32 s16, $0x2  }
0x1c: {  	v2 =	vld [tilespmem:s17+$0x0]  }
0x1d: {  	v3 =	vld [tilespmem:s17+$0x2800];
	_ =	sdelay $0x6  }
0x1e: {  	[tilespmem:v2+s10+$0x0] =	vst.idx.add.f32.msk $0xffff, v1  }
0x1f: {  	[tilespmem:v3+s11+$0x0] =	vst.idx.add.f32.msk $0xffff, v1  }
0x20: {  	v2 =	vld [tilespmem:s17+$0x10]  }
0x21: {  	v3 =	vld [tilespmem:s17+$0x2810];
	_ =	sdelay $0x6  }
0x22: {  	[tilespmem:v2+s10+$0x0] =	vst.idx.add.f32.msk $0xffff, v1  }
0x23: {  	[tilespmem:v3+s11+$0x0] =	vst.idx.add.f32.msk $0xffff, v1  }
0x24: {  	v2 =	vld [tilespmem:s17+$0x20]  }
0x25: {  	v3 =	vld [tilespmem:s17+$0x2820];
	_ =	sdelay $0x6  }
0x26: {  	[tilespmem:v2+s10+$0x0] =	vst.idx.add.f32.msk $0xffff, v1  }
0x27: {  	[tilespmem:v3+s11+$0x0] =	vst.idx.add.f32.msk $0xffff, v1  }
0x28: {  	v2 =	vld [tilespmem:s17+$0x30]  }
0x29: {  	v3 =	vld [tilespmem:s17+$0x2830];
	_ =	sdelay $0x6  }
0x2a: {  	[tilespmem:v2+s10+$0x0] =	vst.idx.add.f32.msk $0xffff, v1  }
0x2b: {  	[tilespmem:v3+s11+$0x0] =	vst.idx.add.f32.msk $0xffff, v1  }
0x2c: {  	v2 =	vld [tilespmem:s17+$0x40]  }
0x2d: {  	v3 =	vld [tilespmem:s17+$0x2840];
	_ =	sdelay $0x6  }
0x2e: {  	[tilespmem:v2+s10+$0x0] =	vst.idx.add.f32.msk $0xffff, v1  }
0x2f: {  	[tilespmem:v3+s11+$0x0] =	vst.idx.add.f32.msk $0xffff, v1  }
0x30: {  	v2 =	vld [tilespmem:s17+$0x50]  }
0x31: {  	v3 =	vld [tilespmem:s17+$0x2850];
	_ =	sdelay $0x6  }
0x32: {  	[tilespmem:v2+s10+$0x0] =	vst.idx.add.f32.msk $0xffff, v1  }
0x33: {  	[tilespmem:v3+s11+$0x0] =	vst.idx.add.f32.msk $0xffff, v1  }
0x34: {  	v2 =	vld [tilespmem:s17+$0x60]  }
0x35: {  	v3 =	vld [tilespmem:s17+$0x2860];
	_ =	sdelay $0x6  }
0x36: {  	[tilespmem:v2+s10+$0x0] =	vst.idx.add.f32.msk $0xffff, v1  }
0x37: {  	[tilespmem:v3+s11+$0x0] =	vst.idx.add.f32.msk $0xffff, v1  }
0x38: {  	v2 =	vld [tilespmem:s17+$0x70]  }
0x39: {  	v3 =	vld [tilespmem:s17+$0x2870];
	_ =	sdelay $0x2  }
0x3a: {  	p0 =	sne.s32 s16, $0x9C00  }
.Ltmp1:
0x3b: {  	_ = 	snop;
	(pc) =	sbr.rel @p0 .LBB2_4-.Ltmp1, $3  }
0x3c: {  	_ =	sdelay $0x1  }
0x3d: {  	[tilespmem:v2+s10+$0x0] =	vst.idx.add.f32.msk $0xffff, v1  }
0x3e: {  	s16 =	sadd.s32 $0x200, s16;
	[tilespmem:v3+s11+$0x0] =	vst.idx.add.f32.msk $0xffff, v1  }
0x3f: {  	[hbm4b:s3+s12] =	stream.strided.scatter [tilespmem:s10], [sflag:$0x2], $0x2800, s13, s12, $0x38;
	[tilespmem:$0xA000] =	vst v63  }
0x40: {  	s15 =	sadd.s32 $0x1, s15;
	_ =	swait.ge [sflag:s14], $0x2800  }
0x41: {  	p0 =	sne.s32 s15, s7;
	[sflag:s14] =	ssyncset.done $0x0  }
.Ltmp2:
0x42: {  	[sflag:s14] =	ssyncadd.s32 $0xFFFFD800;
	(pc) =	sbr.rel @p0 .LBB2_1-.Ltmp2, $4  }
0x43: {  	[hbm4b:s6+s12] =	stream.strided.scatter [tilespmem:s11], [sflag:$0x2], $0x2800, s13, s12, $0x38;
	[tilespmem:$0xA000] =	vst v63  }
0x44: {  	_ =	swait.ge [sflag:s14], $0x2800  }
0x45: {  	[sflag:s14] =	ssyncset.done $0x0  }
0x46: {  	[sflag:s14] =	ssyncadd.s32 $0xFFFFD800  }
0x47: {  	_ =	sfence.sel $0x180000  }
0x48: {  	[bflag:$0x0] =	sbarrier.arrive $0xFFFF  }
0x49: {  	p0 =	sne.s32 s0, $0x0;
	_ =	strace $0x90000047  }
0x4a: {  	s0 =	sadd.s32 @!p0 $0x100000, s1;
	[bflag:$0x2] =	sbarrier.arrive $0xFFFF  }
0x4b: {  	[sflag:s0] =	ssyncadd.tile.s32 @!p0 $0x1;
	_ =	shalt  }
.Lfunc_end2:
_tile_overlayer_lowered:
.L_overlay_start_2:
0x4c: {  	(tag) =	ssettag $0x2  }
0x4d: {  	s0 =	rddreg [dreg:$0x0];
	s2 =	stileid.u32  }
0x4e: {  	s1 =	rddreg [dreg:$0x1];
	p0 =	sne.s32 s2, $0x0  }
0x4f: {  	s3 =	rddreg [dreg:$0x2];
	[bflag:$0x3] =	sbarrier.arrive $0xFFFF;
	s2 =	simm.s32 @!p0 $0x1C02  }
0x50: {  	[timem:s3], [sflag:s2] =	dma.local @!p0 [hbm:s0], s1  }
0x51: {  	s0 =	simm.s32 @!p0 $0x2  }
0x52: {  	_ =	swait.ge @!p0 [sflag:s0], s1  }
0x53: {  	s1 =	ssub.s32 @!p0 $0x0, s1;
	[sflag:s0] =	ssyncset.done @!p0 $0x0  }
0x54: {  	[sflag:s0] =	ssyncadd.s32 @!p0 s1  }
0x55: {  	[bflag:$0x3] =	sbarrier.arrive $0xFFFF  }
0x56: {  	_ =	shalt  }

</sc_bundles>
